<compile_context>
chip_gen: v7x
topology: tpu7x:2x2x1
jax: 0.10.2.dev20260603
libtpu: 0.0.44.dev20260713+nightly
codegen_flags: <defaults>
</compile_context>

<pallas_src>
import functools

import numpy as np
import jax
import jax.numpy as jnp
from jax import lax
from jax.experimental import pallas as pl
from jax.experimental.pallas import tpu as pltpu
from jax.experimental.pallas import tpu_sc as plsc

_N = 10000
_E = 320000
_D0 = 128
_D1 = 128
_D2 = 64
_NP = 10240
_EP = 327680
_CH = 128
_EPT = _EP // 16
_RPT = _NP // 16
_CT = _EPT // _CH
_CW = _EP // 32 // _CH
_G = 8

_PERM_CACHE = {}


def _tf2x32(k1, k2, x1, x2):
    def rotl(x, d):
        return ((x << np.uint32(d)) | (x >> np.uint32(32 - d))).astype(np.uint32)

    ks = (np.uint32(k1), np.uint32(k2),
          np.uint32(k1) ^ np.uint32(k2) ^ np.uint32(0x1BD11BDA))
    x = [(x1 + ks[0]).astype(np.uint32), (x2 + ks[1]).astype(np.uint32)]
    rots = ((13, 15, 26, 6), (17, 29, 16, 24)) * 3
    for i in range(5):
        for r in rots[i]:
            x[0] = (x[0] + x[1]).astype(np.uint32)
            x[1] = rotl(x[1], r) ^ x[0]
        x[0] = (x[0] + ks[(i + 1) % 3]).astype(np.uint32)
        x[1] = (x[1] + ks[(i + 2) % 3] + np.uint32(i + 1)).astype(np.uint32)
    return x[0], x[1]


def _perm_np():
    if "p" not in _PERM_CACHE:
        key = np.array([0, 1], np.uint32)
        x = np.arange(_N, dtype=np.int32)
        num_rounds = int(np.ceil(3 * np.log(_N) / np.log(2**32 - 1)))
        for _ in range(num_rounds):
            b1, b2 = _tf2x32(key[0], key[1], np.zeros(2, np.uint32),
                             np.arange(2, dtype=np.uint32))
            keys = np.stack([b1, b2], axis=1)
            key, subkey = keys[0], keys[1]
            s1, s2 = _tf2x32(subkey[0], subkey[1], np.zeros(_N, np.uint32),
                             np.arange(_N, dtype=np.uint32))
            x = x[np.argsort(s1 ^ s2, kind="stable")]
        _PERM_CACHE["p"] = x
    return _PERM_CACHE["p"]



def _sc_pass0_body(dst_hbm, perm_hbm, gene_hbm, zeros_hbm, ones_hbm,
                   hist_hbm, genep_hbm,
                   didx_v, pidx_v, ones_v, rows_v, sem, sem0, sem1, hist_sh):
    c = lax.axis_index("c")
    s = lax.axis_index("s")
    w = c * 16 + s

    pltpu.sync_copy(zeros_hbm.at[pl.ds(s * _RPT, _RPT)],
                    hist_sh.at[pl.ds(s * _RPT, _RPT)])
    for g in range(2):
        pltpu.sync_copy(dst_hbm.at[pl.ds(w * _CW + g * _G, _G)],
                        didx_v.at[g])
    pltpu.sync_copy(ones_hbm, ones_v)

    @pl.when(c == 1)
    def _():
        def body(t, carry):
            base = s * _RPT + t * _CH
            pltpu.sync_copy(perm_hbm.at[pl.ds(base, _CH)], pidx_v)
            pltpu.async_copy(gene_hbm.at[pidx_v], rows_v, sem).wait()
            pltpu.sync_copy(rows_v, genep_hbm.at[pl.ds(base, _CH)])
            return carry

        lax.fori_loop(0, _RPT // _CH, body, 0)

    plsc.subcore_barrier()
    sems = (sem0, sem1)
    ng = _CW // _G

    for b in range(2):
        pltpu.async_copy(ones_v, hist_sh.at[didx_v.at[0, b]], sems[b],
                         add=True)

    def body(gp, carry):
        for gslot in range(2):
            gi = 2 * gp + gslot
            for j in range(_G):
                b = j % 2
                pltpu.make_async_copy(ones_v, hist_sh.at[didx_v.at[gslot, j]],
                                      sems[b]).wait()
                if j < _G - 2:
                    pltpu.async_copy(ones_v,
                                     hist_sh.at[didx_v.at[gslot, j + 2]],
                                     sems[b], add=True)
                else:
                    @pl.when(gi + 1 < ng)
                    def _():
                        pltpu.async_copy(
                            ones_v,
                            hist_sh.at[didx_v.at[(gslot + 1) % 2, j + 2 - _G]],
                            sems[b], add=True)

            @pl.when(gi + 2 < ng)
            def _():
                pltpu.sync_copy(
                    dst_hbm.at[pl.ds(w * _CW + (gi + 2) * _G, _G)],
                    didx_v.at[gslot])
        return carry

    lax.fori_loop(0, ng // 2, body, 0)
    plsc.subcore_barrier()
    pltpu.sync_copy(hist_sh.at[pl.ds(s * _RPT, _RPT)],
                    hist_hbm.at[c, pl.ds(s * _RPT, _RPT)])


def _sc_pass0(dst2d, perm_pad, gene_pad, zeros_tab, ones_tab):
    mesh = plsc.VectorSubcoreMesh(core_axis_name="c", subcore_axis_name="s")
    f = pl.kernel(
        _sc_pass0_body,
        out_type=[
            jax.ShapeDtypeStruct((2, _NP, _D0), jnp.float32),
            jax.ShapeDtypeStruct((_NP, _D0), jnp.float32),
        ],
        mesh=mesh,
        scratch_types=[
            pltpu.VMEM((2, _G, _CH), jnp.int32),
            pltpu.VMEM((_CH,), jnp.int32),
            pltpu.VMEM((_CH, _D0), jnp.float32),
            pltpu.VMEM((_CH, _D0), jnp.float32),
            pltpu.SemaphoreType.DMA,
            pltpu.SemaphoreType.DMA,
            pltpu.SemaphoreType.DMA,
            pltpu.VMEM_SHARED((_NP, _D0), jnp.float32),
        ],
    )
    return f(dst2d, perm_pad, gene_pad, zeros_tab, ones_tab)



def _load_src_group(c, srca_hbm, srcb_hbm, row, sidx_slot):
    @pl.when(c == 0)
    def _():
        pltpu.sync_copy(srca_hbm.at[pl.ds(row, _G)], sidx_slot)

    @pl.when(c == 1)
    def _():
        pltpu.sync_copy(srcb_hbm.at[pl.ds(row, _G)], sidx_slot)


def _sc_agg_body(srca_hbm, srcb_hbm, dst_hbm, table_hbm, out_hbm,
                 sidx_v, didx_v, rows_v, sem0, sem1, acc_sh):
    c = lax.axis_index("c")
    s = lax.axis_index("s")
    tb = s * _CT
    pltpu.sync_copy(table_hbm.at[pl.ds(c * _NP + s * _RPT, _RPT)],
                    acc_sh.at[pl.ds(s * _RPT, _RPT)])
    for g in range(2):
        _load_src_group(c, srca_hbm, srcb_hbm, tb + g * _G, sidx_v.at[g])
        pltpu.sync_copy(dst_hbm.at[pl.ds(tb + g * _G, _G)], didx_v.at[g])
    plsc.subcore_barrier()
    sems = (sem0, sem1)
    ng = _CT // _G

    for b in range(2):
        pltpu.async_copy(table_hbm.at[sidx_v.at[0, b]], rows_v.at[b], sems[b])

    def body(gp, carry):
        for gslot in range(2):
            gi = 2 * gp + gslot
            for j in range(_G):
                b = j % 2
                pltpu.make_async_copy(table_hbm.at[sidx_v.at[gslot, j]],
                                      rows_v.at[b], sems[b]).wait()
                pltpu.sync_copy(rows_v.at[b], acc_sh.at[didx_v.at[gslot, j]],
                                add=True)
                if j < _G - 2:
                    pltpu.async_copy(table_hbm.at[sidx_v.at[gslot, j + 2]],
                                     rows_v.at[b], sems[b])
                else:
                    @pl.when(gi + 1 < ng)
                    def _():
                        pltpu.async_copy(
                            table_hbm.at[sidx_v.at[(gslot + 1) % 2,
                                                   j + 2 - _G]],
                            rows_v.at[b], sems[b])

            @pl.when(gi + 2 < ng)
            def _():
                row = tb + (gi + 2) * _G
                _load_src_group(c, srca_hbm, srcb_hbm, row, sidx_v.at[gslot])
                pltpu.sync_copy(dst_hbm.at[pl.ds(row, _G)], didx_v.at[gslot])
        return carry

    lax.fori_loop(0, ng // 2, body, 0)
    plsc.subcore_barrier()
    pltpu.sync_copy(acc_sh.at[pl.ds(s * _RPT, _RPT)],
                    out_hbm.at[c, pl.ds(s * _RPT, _RPT)])


def _sc_agg(srca2d, srcb2d, dst2d, table):
    mesh = plsc.VectorSubcoreMesh(core_axis_name="c", subcore_axis_name="s")
    f = pl.kernel(
        _sc_agg_body,
        out_type=jax.ShapeDtypeStruct((2, _NP, _D1), jnp.float32),
        mesh=mesh,
        scratch_types=[
            pltpu.VMEM((2, _G, _CH), jnp.int32),
            pltpu.VMEM((2, _G, _CH), jnp.int32),
            pltpu.VMEM((2, _CH, _D1), jnp.float32),
            pltpu.SemaphoreType.DMA,
            pltpu.SemaphoreType.DMA,
            pltpu.VMEM_SHARED((_NP, _D1), jnp.float32),
        ],
    )
    return f(srca2d, srcb2d, dst2d, table)



_BA = 1280


def _tca_body(gene_ref, genep_ref, hist_ref, w1_ref, tab_ref, dis_ref):
    dis = lax.rsqrt(1.0 + hist_ref[0][:, 0:1] + hist_ref[1][:, 0:1])
    w1 = w1_ref[...]
    tab_ref[0] = dis * jnp.dot(gene_ref[...], w1,
                               preferred_element_type=jnp.float32)
    tab_ref[1] = dis * jnp.dot(genep_ref[...], w1,
                               preferred_element_type=jnp.float32)
    dis_ref[...] = dis


def _tc_a(gene_pad, gene_p, hist, w1):
    grid = (_NP // _BA,)
    return pl.pallas_call(
        _tca_body,
        grid=grid,
        in_specs=[
            pl.BlockSpec((_BA, _D0), lambda i: (i, 0)),
            pl.BlockSpec((_BA, _D0), lambda i: (i, 0)),
            pl.BlockSpec((2, _BA, _D0), lambda i: (0, i, 0)),
            pl.BlockSpec((_D0, _D1), lambda i: (0, 0)),
        ],
        out_specs=[
            pl.BlockSpec((2, _BA, _D1), lambda i: (0, i, 0)),
            pl.BlockSpec((_BA, 1), lambda i: (i, 0)),
        ],
        out_shape=[
            jax.ShapeDtypeStruct((2, _NP, _D1), jnp.float32),
            jax.ShapeDtypeStruct((_NP, 1), jnp.float32),
        ],
    )(gene_pad, gene_p, hist, w1)



def _tcb_body(agg_ref, dis_ref, b1_ref, w2_ref, tab_ref):
    dis = dis_ref[...]
    b1 = b1_ref[...]
    w2 = w2_ref[...]
    h0 = jnp.maximum(dis * agg_ref[0] + b1, 0.0)
    h1 = jnp.maximum(dis * agg_ref[1] + b1, 0.0)
    tab_ref[:, 0:_D2] = dis * jnp.dot(h0, w2,
                                      preferred_element_type=jnp.float32)
    tab_ref[:, _D2:2 * _D2] = dis * jnp.dot(h1, w2,
                                            preferred_element_type=jnp.float32)


def _tc_b(agg1, dis, b1, w2):
    grid = (_NP // _BA,)
    return pl.pallas_call(
        _tcb_body,
        grid=grid,
        in_specs=[
            pl.BlockSpec((2, _BA, _D1), lambda i: (0, i, 0)),
            pl.BlockSpec((_BA, 1), lambda i: (i, 0)),
            pl.BlockSpec((1, _D1), lambda i: (0, 0)),
            pl.BlockSpec((_D1, _D2), lambda i: (0, 0)),
        ],
        out_specs=pl.BlockSpec((_BA, 2 * _D2), lambda i: (i, 0)),
        out_shape=jax.ShapeDtypeStruct((_NP, 2 * _D2), jnp.float32),
    )(agg1, dis, b1, w2)



def _sc_agg2_body(src_hbm, dst_hbm, table_hbm, zeros_hbm, out_hbm,
                  sidx_v, didx_v, rows_v, sem0, sem1, acc_sh):
    c = lax.axis_index("c")
    s = lax.axis_index("s")
    w = c * 16 + s

    @pl.when(c == 0)
    def _():
        pltpu.sync_copy(table_hbm.at[pl.ds(s * _RPT, _RPT)],
                        acc_sh.at[pl.ds(s * _RPT, _RPT)])

    @pl.when(c == 1)
    def _():
        pltpu.sync_copy(zeros_hbm.at[pl.ds(s * _RPT, _RPT)],
                        acc_sh.at[pl.ds(s * _RPT, _RPT)])

    tb = w * _CW
    for g in range(2):
        pltpu.sync_copy(src_hbm.at[pl.ds(tb + g * _G, _G)], sidx_v.at[g])
        pltpu.sync_copy(dst_hbm.at[pl.ds(tb + g * _G, _G)], didx_v.at[g])
    plsc.subcore_barrier()
    sems = (sem0, sem1)
    ng = _CW // _G

    for b in range(2):
        pltpu.async_copy(table_hbm.at[sidx_v.at[0, b]], rows_v.at[b], sems[b])

    def body(gp, carry):
        for gslot in range(2):
            gi = 2 * gp + gslot
            for j in range(_G):
                b = j % 2
                pltpu.make_async_copy(table_hbm.at[sidx_v.at[gslot, j]],
                                      rows_v.at[b], sems[b]).wait()
                pltpu.sync_copy(rows_v.at[b], acc_sh.at[didx_v.at[gslot, j]],
                                add=True)
                if j < _G - 2:
                    pltpu.async_copy(table_hbm.at[sidx_v.at[gslot, j + 2]],
                                     rows_v.at[b], sems[b])
                else:
                    @pl.when(gi + 1 < ng)
                    def _():
                        pltpu.async_copy(
                            table_hbm.at[sidx_v.at[(gslot + 1) % 2,
                                                   j + 2 - _G]],
                            rows_v.at[b], sems[b])

            @pl.when(gi + 2 < ng)
            def _():
                row = tb + (gi + 2) * _G
                pltpu.sync_copy(src_hbm.at[pl.ds(row, _G)], sidx_v.at[gslot])
                pltpu.sync_copy(dst_hbm.at[pl.ds(row, _G)], didx_v.at[gslot])
        return carry

    lax.fori_loop(0, ng // 2, body, 0)
    plsc.subcore_barrier()
    pltpu.sync_copy(acc_sh.at[pl.ds(s * _RPT, _RPT)],
                    out_hbm.at[c, pl.ds(s * _RPT, _RPT)])


def _sc_agg2(src2d, dst2d, table, zeros_tab):
    mesh = plsc.VectorSubcoreMesh(core_axis_name="c", subcore_axis_name="s")
    f = pl.kernel(
        _sc_agg2_body,
        out_type=jax.ShapeDtypeStruct((2, _NP, 2 * _D2), jnp.float32),
        mesh=mesh,
        scratch_types=[
            pltpu.VMEM((2, _G, _CH), jnp.int32),
            pltpu.VMEM((2, _G, _CH), jnp.int32),
            pltpu.VMEM((2, _CH, 2 * _D2), jnp.float32),
            pltpu.SemaphoreType.DMA,
            pltpu.SemaphoreType.DMA,
            pltpu.VMEM_SHARED((_NP, 2 * _D2), jnp.float32),
        ],
    )
    return f(src2d, dst2d, table, zeros_tab)



def _tcc_body(agg_ref, dis_ref, b2p_ref, c_ref):
    dis = dis_ref[...]
    b2p = b2p_ref[...]
    c_ref[...] = jnp.maximum(dis * (agg_ref[0] + agg_ref[1]) + b2p, 0.0)


def _tc_c(agg2, dis, b2p):
    grid = (_NP // _BA,)
    return pl.pallas_call(
        _tcc_body,
        grid=grid,
        in_specs=[
            pl.BlockSpec((2, _BA, 2 * _D2), lambda i: (0, i, 0)),
            pl.BlockSpec((_BA, 1), lambda i: (i, 0)),
            pl.BlockSpec((1, 2 * _D2), lambda i: (0, 0)),
        ],
        out_specs=pl.BlockSpec((_BA, 2 * _D2), lambda i: (i, 0)),
        out_shape=jax.ShapeDtypeStruct((_NP, 2 * _D2), jnp.float32),
    )(agg2, dis, b2p)



_BI = 200


def _tcd_body(mask_ref, cj_ref, ci_ref, wd_ref, bd_ref, ret1_ref, ret1c_ref):
    m = mask_ref[...]
    v = jnp.dot(m, cj_ref[...], preferred_element_type=jnp.float32)
    rs = jnp.sum(m, axis=1, keepdims=True)
    g = v / rs
    g1 = g[:, 0:_D2]
    g2 = g[:, _D2:2 * _D2]
    n1 = jnp.maximum(jnp.sqrt(jnp.sum(g1 * g1, axis=1, keepdims=True)), 1e-12)
    n2 = jnp.maximum(jnp.sqrt(jnp.sum(g2 * g2, axis=1, keepdims=True)), 1e-12)
    g1 = jax.nn.sigmoid(g1 / n1)
    g2 = jax.nn.sigmoid(g2 / n2)
    ci = ci_ref[...]
    wd = wd_ref[...]
    p1 = jnp.dot(ci[:, 0:_D2], wd, preferred_element_type=jnp.float32)
    p2 = jnp.dot(ci[:, _D2:2 * _D2], wd, preferred_element_type=jnp.float32)
    bd = bd_ref[0, 0]
    ret1_ref[:, 0:1] = jnp.sum(p1 * g1, axis=1, keepdims=True) + bd
    ret1_ref[:, 1:2] = jnp.sum(p2 * g1, axis=1, keepdims=True) + bd
    ret1c_ref[:, 0:1] = jnp.sum(p2 * g2, axis=1, keepdims=True) + bd
    ret1c_ref[:, 1:2] = jnp.sum(p1 * g2, axis=1, keepdims=True) + bd


def _tc_d(mask, c_nodes, wd0, bd):
    grid = (_N // _BI,)
    bd2 = bd.reshape(1, 1)
    return pl.pallas_call(
        _tcd_body,
        grid=grid,
        in_specs=[
            pl.BlockSpec((_BI, _N), lambda i: (i, 0)),
            pl.BlockSpec((_N, 2 * _D2), lambda i: (0, 0)),
            pl.BlockSpec((_BI, 2 * _D2), lambda i: (i, 0)),
            pl.BlockSpec((_D2, _D2), lambda i: (0, 0)),
            pl.BlockSpec((1, 1), lambda i: (0, 0)),
        ],
        out_specs=[
            pl.BlockSpec((_BI, 2), lambda i: (i, 0)),
            pl.BlockSpec((_BI, 2), lambda i: (i, 0)),
        ],
        out_shape=[
            jax.ShapeDtypeStruct((_N, 2), jnp.float32),
            jax.ShapeDtypeStruct((_N, 2), jnp.float32),
        ],
    )(mask, c_nodes, c_nodes, wd0, bd2)



def kernel(gene_data, spatial_edge_index, mask, W1, b1, W2, b2, Wd, bd):
    perm = jnp.asarray(_perm_np())

    src = spatial_edge_index[0]
    dst = spatial_edge_index[1]
    pad_e = _EP - _E
    src_pad = jnp.concatenate([src, jnp.zeros((pad_e,), jnp.int32)])
    dst_pad = jnp.concatenate([dst, jnp.full((pad_e,), _N, jnp.int32)])
    srca2d = src_pad.reshape(_EP // _CH, _CH)
    srcb2d = srca2d + _NP
    dst2d = dst_pad.reshape(_EP // _CH, _CH)
    perm_pad = jnp.concatenate([perm, jnp.zeros((_NP - _N,), jnp.int32)])
    gene_pad = jnp.zeros((_NP, _D0), jnp.float32).at[:_N].set(gene_data)

    zeros_tab = jnp.zeros((_NP, _D0), jnp.float32)
    ones_tab = jnp.ones((_CH, _D0), jnp.float32)

    hist, gene_p = _sc_pass0(dst2d, perm_pad, gene_pad, zeros_tab, ones_tab)

    tab1, dis = _tc_a(gene_pad, gene_p, hist, W1)
    agg1 = _sc_agg(srca2d, srcb2d, dst2d, tab1.reshape(2 * _NP, _D1))
    tab2 = _tc_b(agg1, dis, b1.reshape(1, _D1), W2)
    agg2 = _sc_agg2(srca2d, dst2d, tab2, zeros_tab)
    b2p = jnp.concatenate([b2, b2]).reshape(1, 2 * _D2)
    c_all = _tc_c(agg2, dis, b2p)

    c_nodes = c_all[:_N]
    ret1, ret1_c = _tc_d(mask, c_nodes, Wd[0], bd)

    x1 = c_nodes[:, 0:_D2]
    return (x1, ret1, ret1_c)

# --- scband reference (transcript-rebuilt; emitter-appended) ---
"""Pipeline reference for scband-graph-encoder-with-contrastive-32401233281584 (READ-ONLY COPY).

The authoritative reference and input builder live on the scoring server;
editing this copy changes nothing except your own understanding.
"""

import jax, jax.numpy as jnp
import numpy as np

N = 10000
E = 320000
D_IN = 128
D_H = 128   # hidden_dim // 2
D_OUT = 64


def _glorot(key, shape, fan_in, fan_out):
    limit = float(np.sqrt(6.0 / (fan_in + fan_out)))
    return jax.random.uniform(key, shape, minval=-limit, maxval=limit, dtype=jnp.float32)


def setup_inputs(seed: int = 0) -> dict:
    key = jax.random.key(seed)
    ks = jax.random.split(key, 8)
    gene_data = jax.random.normal(ks[0], (N, D_IN), dtype=jnp.float32)
    spatial_edge_index = jax.random.randint(ks[1], (2, E), 0, N, dtype=jnp.int32)
    # spatial_graph_neigh: dense binary neighborhood mask (init-time tensor in torch module)
    mask = (jax.random.uniform(ks[2], (N, N), dtype=jnp.float32) < 0.003).astype(jnp.float32)
    mask = mask.at[jnp.arange(N), jnp.arange(N)].set(1.0)
    W1 = _glorot(ks[3], (D_IN, D_H), D_IN, D_H)
    b1 = jnp.zeros((D_H,), dtype=jnp.float32)
    W2 = _glorot(ks[4], (D_H, D_OUT), D_H, D_OUT)
    b2 = jnp.zeros((D_OUT,), dtype=jnp.float32)
    Wd = _glorot(ks[5], (1, D_OUT, D_OUT), D_OUT, D_OUT)
    bd = jnp.zeros((1,), dtype=jnp.float32)
    return {"gene_data": gene_data, "spatial_edge_index": spatial_edge_index, "mask": mask,
            "W1": W1, "b1": b1, "W2": W2, "b2": b2, "Wd": Wd, "bd": bd}


def _gcn(x, src, dst, W, b):
    # PyG GCNConv: linear -> add self loops (already in src/dst) -> sym norm -> scatter-add -> bias
    x = x @ W
    deg = jax.ops.segment_sum(jnp.ones_like(src, dtype=x.dtype), dst, num_segments=N)
    dis = jnp.where(deg > 0, 1.0 / jnp.sqrt(jnp.maximum(deg, 1e-12)), 0.0)
    norm = dis[src] * dis[dst]
    out = jax.ops.segment_sum(x[src] * norm[:, None], dst, num_segments=N)
    return out + b


def _readout(emb, mask):
    vsum = mask @ emb
    row_sum = jnp.sum(mask, axis=1)
    g = vsum / row_sum[:, None]
    n = jnp.maximum(jnp.linalg.norm(g, axis=1, keepdims=True), 1e-12)
    return g / n


def _disc(c, h_pl, h_mi, Wd, bd):
    # nn.Bilinear(d, d, 1): sc[i] = sum_jk h[i,j] Wd[0,j,k] c[i,k] + bd
    sc1 = jnp.sum((h_pl @ Wd[0]) * c, axis=1, keepdims=True) + bd
    sc2 = jnp.sum((h_mi @ Wd[0]) * c, axis=1, keepdims=True) + bd
    return jnp.concatenate([sc1, sc2], axis=1)


def reference(gene_data, spatial_edge_index, mask, W1, b1, W2, b2, Wd, bd):
    loop = jnp.arange(N, dtype=spatial_edge_index.dtype)
    src = jnp.concatenate([spatial_edge_index[0], loop])
    dst = jnp.concatenate([spatial_edge_index[1], loop])
    # permutation of node features for the corrupted (negative) view
    perm = jax.random.permutation(jax.random.key(1), N)
    x1 = gene_data            # dropout is identity in eval mode
    x1_c = gene_data[perm]
    x1 = jax.nn.relu(_gcn(x1, src, dst, W1, b1))
    x1_c = jax.nn.relu(_gcn(x1_c, src, dst, W1, b1))
    x1 = jax.nn.relu(_gcn(x1, src, dst, W2, b2))
    x1_c = jax.nn.relu(_gcn(x1_c, src, dst, W2, b2))
    g1 = jax.nn.sigmoid(_readout(x1, mask))
    g1_c = jax.nn.sigmoid(_readout(x1_c, mask))
    ret1 = _disc(g1, x1, x1_c, Wd, bd)
    ret1_c = _disc(g1_c, x1_c, x1, Wd, bd)
    return (x1, ret1, ret1_c)

if __name__ == "__main__":
    import jax
    _d = setup_inputs()
    print(jax.jit(kernel)(*tuple(_d.values())))

</pallas_src>

<mosaic_0001>
#map = affine_map<(d0, d1) -> (0, 0)>
#map1 = affine_map<(d0, d1) -> (0, 0, 0)>
module attributes {stable_mosaic.version = 14 : i64} {
  func.func @_sc_agg_body(%arg0: i32, %arg1: i32, %arg2: memref<2560x128xi32, #tpu.memory_space<hbm>>, %arg3: memref<2560x128xi32, #tpu.memory_space<hbm>>, %arg4: memref<2560x128xi32, #tpu.memory_space<hbm>>, %arg5: memref<20480x128xf32, #tpu.memory_space<hbm>>, %arg6: memref<2x10240x128xf32, #tpu.memory_space<hbm>>, %arg7: memref<2x8x128xi32, #tpu.memory_space<vmem>>, %arg8: memref<2x8x128xi32, #tpu.memory_space<vmem>>, %arg9: memref<2x128x128xf32, #tpu.memory_space<vmem>>, %arg10: memref<!tpu.dma_semaphore, #tpu.memory_space<semaphore_mem>>, %arg11: memref<!tpu.dma_semaphore, #tpu.memory_space<semaphore_mem>>, %arg12: memref<10240x128xf32, #tpu.memory_space<vmem_shared>>) attributes {dimension_semantics = [#tpu.dimension_semantics<core_parallel>, #tpu.dimension_semantics<subcore_parallel>], iteration_bounds = array<i64: 2, 16>, scalar_prefetch = 0 : i64, scratch_operands = 6 : i64, tpu.core_type = #tpu.core_type<sc_vector_subcore>, window_params = [{transform_indices = #map}, {transform_indices = #map}, {transform_indices = #map}, {transform_indices = #map}, {transform_indices = #map1}]} {
    %mul3A = arith.constant 160 : i32
    %mul3A_0 = arith.muli %arg1, %mul3A : i32
    %mul3A_1 = arith.constant 10240 : i32
    %mul3A_2 = arith.muli %arg0, %mul3A_1 : i32
    %mul3A_3 = arith.constant 640 : i32
    %mul3A_4 = arith.muli %arg1, %mul3A_3 : i32
    %add3A = arith.addi %mul3A_2, %mul3A_4 : i32
    %mul3A_5 = arith.constant 640 : i32
    %mul3A_6 = arith.muli %arg1, %mul3A_5 : i32
    "tpu.region"() ({
      %run_scoped3A_72 = tpu.sem_alloc : memref<!tpu.dma_semaphore, #tpu.memory_space<semaphore_mem>>
      %dma_start3A_73 = arith.constant 0 : i32
      %dma_start3A_74 = tpu.memref_slice %arg12[%mul3A_6, %dma_start3A_73] : memref<10240x128xf32, #tpu.memory_space<vmem_shared>> -> memref<640x128xf32, #tpu.memory_space<vmem_shared>>
      %dma_start3A_75 = arith.constant 0 : i32
      %dma_start3A_76 = tpu.memref_slice %arg5[%add3A, %dma_start3A_75] : memref<20480x128xf32, #tpu.memory_space<hbm>> -> memref<640x128xf32, #tpu.memory_space<hbm>>
      tpu.enqueue_dma source(%dma_start3A_76 : memref<640x128xf32, #tpu.memory_space<hbm>>) target(%dma_start3A_74 : memref<640x128xf32, #tpu.memory_space<vmem_shared>>) target_semaphore(%run_scoped3A_72 : memref<!tpu.dma_semaphore, #tpu.memory_space<semaphore_mem>>)
      %dma_wait3A = arith.constant 0 : i32
      %dma_wait3A_77 = tpu.memref_slice %arg12[%mul3A_6, %dma_wait3A] : memref<10240x128xf32, #tpu.memory_space<vmem_shared>> -> memref<640x128xf32, #tpu.memory_space<vmem_shared>>
      %dma_wait3A_78 = arith.constant 0 : i32
      %dma_wait3A_79 = tpu.memref_slice %arg5[%add3A, %dma_wait3A_78] : memref<20480x128xf32, #tpu.memory_space<hbm>> -> memref<640x128xf32, #tpu.memory_space<hbm>>
      tpu.wait_dma2 semaphore(%run_scoped3A_72 : memref<!tpu.dma_semaphore, #tpu.memory_space<semaphore_mem>>) src(%dma_wait3A_79 : memref<640x128xf32, #tpu.memory_space<hbm>>) dst(%dma_wait3A_77 : memref<640x128xf32, #tpu.memory_space<vmem_shared>>)
      tpu.yield
    }) : () -> ()
    %add3A_7 = arith.constant 0 : i32
    %add3A_8 = arith.addi %mul3A_0, %add3A_7 : i32
    %eq3A = arith.constant 0 : i32
    %eq3A_9 = arith.cmpi eq, %arg0, %eq3A : i32
    %convert_element_type3A = arith.extui %eq3A_9 : i1 to i32
    %cond3A = arith.constant 0 : i32
    %cond3A_10 = arith.constant 0 : i32
    %cond3A_11 = arith.cmpi ne, %convert_element_type3A, %cond3A_10 : i32
    scf.if %cond3A_11 {
      "tpu.region"() ({
        %run_scoped3A_72 = tpu.sem_alloc : memref<!tpu.dma_semaphore, #tpu.memory_space<semaphore_mem>>
        %dma_start3A_73 = arith.constant 0 : i32
        %dma_start3A_74 = arith.constant 0 : i32
        %dma_start3A_75 = tpu.memref_slice %arg7[%cond3A, %dma_start3A_73, %dma_start3A_74] : memref<2x8x128xi32, #tpu.memory_space<vmem>> -> memref<1x8x128xi32, #tpu.memory_space<vmem>>
        %dma_start3A_76 = tpu.memref_squeeze %dma_start3A_75 : memref<1x8x128xi32, #tpu.memory_space<vmem>> -> memref<8x128xi32, #tpu.memory_space<vmem>>
        %dma_start3A_77 = arith.constant 0 : i32
        %dma_start3A_78 = tpu.memref_slice %arg2[%add3A_8, %dma_start3A_77] : memref<2560x128xi32, #tpu.memory_space<hbm>> -> memref<8x128xi32, #tpu.memory_space<hbm>>
        %dma_start3A_79 = arith.constant 0 : i32
        %dma_start3A_80 = arith.constant 0 : i32
        %dma_start3A_81 = tpu.memref_slice %arg7[%cond3A, %dma_start3A_79, %dma_start3A_80] : memref<2x8x128xi32, #tpu.memory_space<vmem>> -> memref<1x8x128xi32, #tpu.memory_space<vmem>>
        %dma_start3A_82 = tpu.memref_squeeze %dma_start3A_81 : memref<1x8x128xi32, #tpu.memory_space<vmem>> -> memref<8x128xi32, #tpu.memory_space<vmem>>
        %dma_start3A_83 = arith.constant 0 : i32
        %dma_start3A_84 = tpu.memref_slice %arg2[%add3A_8, %dma_start3A_83] : memref<2560x128xi32, #tpu.memory_space<hbm>> -> memref<8x128xi32, #tpu.memory_space<hbm>>
        tpu.enqueue_dma source(%dma_start3A_84 : memref<8x128xi32, #tpu.memory_space<hbm>>) target(%dma_start3A_82 : memref<8x128xi32, #tpu.memory_space<vmem>>) target_semaphore(%run_scoped3A_72 : memref<!tpu.dma_semaphore, #tpu.memory_space<semaphore_mem>>)
        %dma_wait3A = arith.constant 0 : i32
        %dma_wait3A_85 = arith.constant 0 : i32
        %dma_wait3A_86 = tpu.memref_slice %arg7[%cond3A, %dma_wait3A, %dma_wait3A_85] : memref<2x8x128xi32, #tpu.memory_space<vmem>> -> memref<1x8x128xi32, #tpu.memory_space<vmem>>
        %dma_wait3A_87 = tpu.memref_squeeze %dma_wait3A_86 : memref<1x8x128xi32, #tpu.memory_space<vmem>> -> memref<8x128xi32, #tpu.memory_space<vmem>>
        %dma_wait3A_88 = arith.constant 0 : i32
        %dma_wait3A_89 = tpu.memref_slice %arg2[%add3A_8, %dma_wait3A_88] : memref<2560x128xi32, #tpu.memory_space<hbm>> -> memref<8x128xi32, #tpu.memory_space<hbm>>
        %dma_wait3A_90 = arith.constant 0 : i32
        %dma_wait3A_91 = arith.constant 0 : i32
        %dma_wait3A_92 = tpu.memref_slice %arg7[%cond3A, %dma_wait3A_90, %dma_wait3A_91] : memref<2x8x128xi32, #tpu.memory_space<vmem>> -> memref<1x8x128xi32, #tpu.memory_space<vmem>>
        %dma_wait3A_93 = tpu.memref_squeeze %dma_wait3A_92 : memref<1x8x128xi32, #tpu.memory_space<vmem>> -> memref<8x128xi32, #tpu.memory_space<vmem>>
        %dma_wait3A_94 = arith.constant 0 : i32
        %dma_wait3A_95 = tpu.memref_slice %arg2[%add3A_8, %dma_wait3A_94] : memref<2560x128xi32, #tpu.memory_space<hbm>> -> memref<8x128xi32, #tpu.memory_space<hbm>>
        tpu.wait_dma2 semaphore(%run_scoped3A_72 : memref<!tpu.dma_semaphore, #tpu.memory_space<semaphore_mem>>) src(%dma_wait3A_95 : memref<8x128xi32, #tpu.memory_space<hbm>>) dst(%dma_wait3A_93 : memref<8x128xi32, #tpu.memory_space<vmem>>)
        tpu.yield
      }) : () -> ()
    } else {
    }
    %eq3A_12 = arith.constant 1 : i32
    %eq3A_13 = arith.cmpi eq, %arg0, %eq3A_12 : i32
    %convert_element_type3A_14 = arith.extui %eq3A_13 : i1 to i32
    %cond3A_15 = arith.constant 0 : i32
    %cond3A_16 = arith.constant 0 : i32
    %cond3A_17 = arith.cmpi ne, %convert_element_type3A_14, %cond3A_16 : i32
    scf.if %cond3A_17 {
      "tpu.region"() ({
        %run_scoped3A_72 = tpu.sem_alloc : memref<!tpu.dma_semaphore, #tpu.memory_space<semaphore_mem>>
        %dma_start3A_73 = arith.constant 0 : i32
        %dma_start3A_74 = arith.constant 0 : i32
        %dma_start3A_75 = tpu.memref_slice %arg7[%cond3A_15, %dma_start3A_73, %dma_start3A_74] : memref<2x8x128xi32, #tpu.memory_space<vmem>> -> memref<1x8x128xi32, #tpu.memory_space<vmem>>
        %dma_start3A_76 = tpu.memref_squeeze %dma_start3A_75 : memref<1x8x128xi32, #tpu.memory_space<vmem>> -> memref<8x128xi32, #tpu.memory_space<vmem>>
        %dma_start3A_77 = arith.constant 0 : i32
        %dma_start3A_78 = tpu.memref_slice %arg3[%add3A_8, %dma_start3A_77] : memref<2560x128xi32, #tpu.memory_space<hbm>> -> memref<8x128xi32, #tpu.memory_space<hbm>>
        %dma_start3A_79 = arith.constant 0 : i32
        %dma_start3A_80 = arith.constant 0 : i32
        %dma_start3A_81 = tpu.memref_slice %arg7[%cond3A_15, %dma_start3A_79, %dma_start3A_80] : memref<2x8x128xi32, #tpu.memory_space<vmem>> -> memref<1x8x128xi32, #tpu.memory_space<vmem>>
        %dma_start3A_82 = tpu.memref_squeeze %dma_start3A_81 : memref<1x8x128xi32, #tpu.memory_space<vmem>> -> memref<8x128xi32, #tpu.memory_space<vmem>>
        %dma_start3A_83 = arith.constant 0 : i32
        %dma_start3A_84 = tpu.memref_slice %arg3[%add3A_8, %dma_start3A_83] : memref<2560x128xi32, #tpu.memory_space<hbm>> -> memref<8x128xi32, #tpu.memory_space<hbm>>
        tpu.enqueue_dma source(%dma_start3A_84 : memref<8x128xi32, #tpu.memory_space<hbm>>) target(%dma_start3A_82 : memref<8x128xi32, #tpu.memory_space<vmem>>) target_semaphore(%run_scoped3A_72 : memref<!tpu.dma_semaphore, #tpu.memory_space<semaphore_mem>>)
        %dma_wait3A = arith.constant 0 : i32
        %dma_wait3A_85 = arith.constant 0 : i32
        %dma_wait3A_86 = tpu.memref_slice %arg7[%cond3A_15, %dma_wait3A, %dma_wait3A_85] : memref<2x8x128xi32, #tpu.memory_space<vmem>> -> memref<1x8x128xi32, #tpu.memory_space<vmem>>
        %dma_wait3A_87 = tpu.memref_squeeze %dma_wait3A_86 : memref<1x8x128xi32, #tpu.memory_space<vmem>> -> memref<8x128xi32, #tpu.memory_space<vmem>>
        %dma_wait3A_88 = arith.constant 0 : i32
        %dma_wait3A_89 = tpu.memref_slice %arg3[%add3A_8, %dma_wait3A_88] : memref<2560x128xi32, #tpu.memory_space<hbm>> -> memref<8x128xi32, #tpu.memory_space<hbm>>
        %dma_wait3A_90 = arith.constant 0 : i32
        %dma_wait3A_91 = arith.constant 0 : i32
        %dma_wait3A_92 = tpu.memref_slice %arg7[%cond3A_15, %dma_wait3A_90, %dma_wait3A_91] : memref<2x8x128xi32, #tpu.memory_space<vmem>> -> memref<1x8x128xi32, #tpu.memory_space<vmem>>
        %dma_wait3A_93 = tpu.memref_squeeze %dma_wait3A_92 : memref<1x8x128xi32, #tpu.memory_space<vmem>> -> memref<8x128xi32, #tpu.memory_space<vmem>>
        %dma_wait3A_94 = arith.constant 0 : i32
        %dma_wait3A_95 = tpu.memref_slice %arg3[%add3A_8, %dma_wait3A_94] : memref<2560x128xi32, #tpu.memory_space<hbm>> -> memref<8x128xi32, #tpu.memory_space<hbm>>
        tpu.wait_dma2 semaphore(%run_scoped3A_72 : memref<!tpu.dma_semaphore, #tpu.memory_space<semaphore_mem>>) src(%dma_wait3A_95 : memref<8x128xi32, #tpu.memory_space<hbm>>) dst(%dma_wait3A_93 : memref<8x128xi32, #tpu.memory_space<vmem>>)
        tpu.yield
      }) : () -> ()
    } else {
    }
    %add3A_18 = arith.constant 0 : i32
    %add3A_19 = arith.addi %mul3A_0, %add3A_18 : i32
    %run_scoped3A = arith.constant 0 : i32
    "tpu.region"() ({
      %run_scoped3A_72 = tpu.sem_alloc : memref<!tpu.dma_semaphore, #tpu.memory_space<semaphore_mem>>
      %dma_start3A_73 = arith.constant 0 : i32
      %dma_start3A_74 = arith.constant 0 : i32
      %dma_start3A_75 = tpu.memref_slice %arg8[%run_scoped3A, %dma_start3A_73, %dma_start3A_74] : memref<2x8x128xi32, #tpu.memory_space<vmem>> -> memref<1x8x128xi32, #tpu.memory_space<vmem>>
      %dma_start3A_76 = tpu.memref_squeeze %dma_start3A_75 : memref<1x8x128xi32, #tpu.memory_space<vmem>> -> memref<8x128xi32, #tpu.memory_space<vmem>>
      %dma_start3A_77 = arith.constant 0 : i32
      %dma_start3A_78 = tpu.memref_slice %arg4[%add3A_19, %dma_start3A_77] : memref<2560x128xi32, #tpu.memory_space<hbm>> -> memref<8x128xi32, #tpu.memory_space<hbm>>
      %dma_start3A_79 = arith.constant 0 : i32
      %dma_start3A_80 = arith.constant 0 : i32
      %dma_start3A_81 = tpu.memref_slice %arg8[%run_scoped3A, %dma_start3A_79, %dma_start3A_80] : memref<2x8x128xi32, #tpu.memory_space<vmem>> -> memref<1x8x128xi32, #tpu.memory_space<vmem>>
      %dma_start3A_82 = tpu.memref_squeeze %dma_start3A_81 : memref<1x8x128xi32, #tpu.memory_space<vmem>> -> memref<8x128xi32, #tpu.memory_space<vmem>>
      %dma_start3A_83 = arith.constant 0 : i32
      %dma_start3A_84 = tpu.memref_slice %arg4[%add3A_19, %dma_start3A_83] : memref<2560x128xi32, #tpu.memory_space<hbm>> -> memref<8x128xi32, #tpu.memory_space<hbm>>
      tpu.enqueue_dma source(%dma_start3A_84 : memref<8x128xi32, #tpu.memory_space<hbm>>) target(%dma_start3A_82 : memref<8x128xi32, #tpu.memory_space<vmem>>) target_semaphore(%run_scoped3A_72 : memref<!tpu.dma_semaphore, #tpu.memory_space<semaphore_mem>>)
      %dma_wait3A = arith.constant 0 : i32
      %dma_wait3A_85 = arith.constant 0 : i32
      %dma_wait3A_86 = tpu.memref_slice %arg8[%run_scoped3A, %dma_wait3A, %dma_wait3A_85] : memref<2x8x128xi32, #tpu.memory_space<vmem>> -> memref<1x8x128xi32, #tpu.memory_space<vmem>>
      %dma_wait3A_87 = tpu.memref_squeeze %dma_wait3A_86 : memref<1x8x128xi32, #tpu.memory_space<vmem>> -> memref<8x128xi32, #tpu.memory_space<vmem>>
      %dma_wait3A_88 = arith.constant 0 : i32
      %dma_wait3A_89 = tpu.memref_slice %arg4[%add3A_19, %dma_wait3A_88] : memref<2560x128xi32, #tpu.memory_space<hbm>> -> memref<8x128xi32, #tpu.memory_space<hbm>>
      %dma_wait3A_90 = arith.constant 0 : i32
      %dma_wait3A_91 = arith.constant 0 : i32
      %dma_wait3A_92 = tpu.memref_slice %arg8[%run_scoped3A, %dma_wait3A_90, %dma_wait3A_91] : memref<2x8x128xi32, #tpu.memory_space<vmem>> -> memref<1x8x128xi32, #tpu.memory_space<vmem>>
      %dma_wait3A_93 = tpu.memref_squeeze %dma_wait3A_92 : memref<1x8x128xi32, #tpu.memory_space<vmem>> -> memref<8x128xi32, #tpu.memory_space<vmem>>
      %dma_wait3A_94 = arith.constant 0 : i32
      %dma_wait3A_95 = tpu.memref_slice %arg4[%add3A_19, %dma_wait3A_94] : memref<2560x128xi32, #tpu.memory_space<hbm>> -> memref<8x128xi32, #tpu.memory_space<hbm>>
      tpu.wait_dma2 semaphore(%run_scoped3A_72 : memref<!tpu.dma_semaphore, #tpu.memory_space<semaphore_mem>>) src(%dma_wait3A_95 : memref<8x128xi32, #tpu.memory_space<hbm>>) dst(%dma_wait3A_93 : memref<8x128xi32, #tpu.memory_space<vmem>>)
      tpu.yield
    }) : () -> ()
    %add3A_20 = arith.constant 8 : i32
    %add3A_21 = arith.addi %mul3A_0, %add3A_20 : i32
    %eq3A_22 = arith.constant 0 : i32
    %eq3A_23 = arith.cmpi eq, %arg0, %eq3A_22 : i32
    %convert_element_type3A_24 = arith.extui %eq3A_23 : i1 to i32
    %cond3A_25 = arith.constant 1 : i32
    %cond3A_26 = arith.constant 0 : i32
    %cond3A_27 = arith.cmpi ne, %convert_element_type3A_24, %cond3A_26 : i32
    scf.if %cond3A_27 {
      "tpu.region"() ({
        %run_scoped3A_72 = tpu.sem_alloc : memref<!tpu.dma_semaphore, #tpu.memory_space<semaphore_mem>>
        %dma_start3A_73 = arith.constant 0 : i32
        %dma_start3A_74 = arith.constant 0 : i32
        %dma_start3A_75 = tpu.memref_slice %arg7[%cond3A_25, %dma_start3A_73, %dma_start3A_74] : memref<2x8x128xi32, #tpu.memory_space<vmem>> -> memref<1x8x128xi32, #tpu.memory_space<vmem>>
        %dma_start3A_76 = tpu.memref_squeeze %dma_start3A_75 : memref<1x8x128xi32, #tpu.memory_space<vmem>> -> memref<8x128xi32, #tpu.memory_space<vmem>>
        %dma_start3A_77 = arith.constant 0 : i32
        %dma_start3A_78 = tpu.memref_slice %arg2[%add3A_21, %dma_start3A_77] : memref<2560x128xi32, #tpu.memory_space<hbm>> -> memref<8x128xi32, #tpu.memory_space<hbm>>
        %dma_start3A_79 = arith.constant 0 : i32
        %dma_start3A_80 = arith.constant 0 : i32
        %dma_start3A_81 = tpu.memref_slice %arg7[%cond3A_25, %dma_start3A_79, %dma_start3A_80] : memref<2x8x128xi32, #tpu.memory_space<vmem>> -> memref<1x8x128xi32, #tpu.memory_space<vmem>>
        %dma_start3A_82 = tpu.memref_squeeze %dma_start3A_81 : memref<1x8x128xi32, #tpu.memory_space<vmem>> -> memref<8x128xi32, #tpu.memory_space<vmem>>
        %dma_start3A_83 = arith.constant 0 : i32
        %dma_start3A_84 = tpu.memref_slice %arg2[%add3A_21, %dma_start3A_83] : memref<2560x128xi32, #tpu.memory_space<hbm>> -> memref<8x128xi32, #tpu.memory_space<hbm>>
        tpu.enqueue_dma source(%dma_start3A_84 : memref<8x128xi32, #tpu.memory_space<hbm>>) target(%dma_start3A_82 : memref<8x128xi32, #tpu.memory_space<vmem>>) target_semaphore(%run_scoped3A_72 : memref<!tpu.dma_semaphore, #tpu.memory_space<semaphore_mem>>)
        %dma_wait3A = arith.constant 0 : i32
        %dma_wait3A_85 = arith.constant 0 : i32
        %dma_wait3A_86 = tpu.memref_slice %arg7[%cond3A_25, %dma_wait3A, %dma_wait3A_85] : memref<2x8x128xi32, #tpu.memory_space<vmem>> -> memref<1x8x128xi32, #tpu.memory_space<vmem>>
        %dma_wait3A_87 = tpu.memref_squeeze %dma_wait3A_86 : memref<1x8x128xi32, #tpu.memory_space<vmem>> -> memref<8x128xi32, #tpu.memory_space<vmem>>
        %dma_wait3A_88 = arith.constant 0 : i32
        %dma_wait3A_89 = tpu.memref_slice %arg2[%add3A_21, %dma_wait3A_88] : memref<2560x128xi32, #tpu.memory_space<hbm>> -> memref<8x128xi32, #tpu.memory_space<hbm>>
        %dma_wait3A_90 = arith.constant 0 : i32
        %dma_wait3A_91 = arith.constant 0 : i32
        %dma_wait3A_92 = tpu.memref_slice %arg7[%cond3A_25, %dma_wait3A_90, %dma_wait3A_91] : memref<2x8x128xi32, #tpu.memory_space<vmem>> -> memref<1x8x128xi32, #tpu.memory_space<vmem>>
        %dma_wait3A_93 = tpu.memref_squeeze %dma_wait3A_92 : memref<1x8x128xi32, #tpu.memory_space<vmem>> -> memref<8x128xi32, #tpu.memory_space<vmem>>
        %dma_wait3A_94 = arith.constant 0 : i32
        %dma_wait3A_95 = tpu.memref_slice %arg2[%add3A_21, %dma_wait3A_94] : memref<2560x128xi32, #tpu.memory_space<hbm>> -> memref<8x128xi32, #tpu.memory_space<hbm>>
        tpu.wait_dma2 semaphore(%run_scoped3A_72 : memref<!tpu.dma_semaphore, #tpu.memory_space<semaphore_mem>>) src(%dma_wait3A_95 : memref<8x128xi32, #tpu.memory_space<hbm>>) dst(%dma_wait3A_93 : memref<8x128xi32, #tpu.memory_space<vmem>>)
        tpu.yield
      }) : () -> ()
    } else {
    }
    %eq3A_28 = arith.constant 1 : i32
    %eq3A_29 = arith.cmpi eq, %arg0, %eq3A_28 : i32
    %convert_element_type3A_30 = arith.extui %eq3A_29 : i1 to i32
    %cond3A_31 = arith.constant 1 : i32
    %cond3A_32 = arith.constant 0 : i32
    %cond3A_33 = arith.cmpi ne, %convert_element_type3A_30, %cond3A_32 : i32
    scf.if %cond3A_33 {
      "tpu.region"() ({
        %run_scoped3A_72 = tpu.sem_alloc : memref<!tpu.dma_semaphore, #tpu.memory_space<semaphore_mem>>
        %dma_start3A_73 = arith.constant 0 : i32
        %dma_start3A_74 = arith.constant 0 : i32
        %dma_start3A_75 = tpu.memref_slice %arg7[%cond3A_31, %dma_start3A_73, %dma_start3A_74] : memref<2x8x128xi32, #tpu.memory_space<vmem>> -> memref<1x8x128xi32, #tpu.memory_space<vmem>>
        %dma_start3A_76 = tpu.memref_squeeze %dma_start3A_75 : memref<1x8x128xi32, #tpu.memory_space<vmem>> -> memref<8x128xi32, #tpu.memory_space<vmem>>
        %dma_start3A_77 = arith.constant 0 : i32
        %dma_start3A_78 = tpu.memref_slice %arg3[%add3A_21, %dma_start3A_77] : memref<2560x128xi32, #tpu.memory_space<hbm>> -> memref<8x128xi32, #tpu.memory_space<hbm>>
        %dma_start3A_79 = arith.constant 0 : i32
        %dma_start3A_80 = arith.constant 0 : i32
        %dma_start3A_81 = tpu.memref_slice %arg7[%cond3A_31, %dma_start3A_79, %dma_start3A_80] : memref<2x8x128xi32, #tpu.memory_space<vmem>> -> memref<1x8x128xi32, #tpu.memory_space<vmem>>
        %dma_start3A_82 = tpu.memref_squeeze %dma_start3A_81 : memref<1x8x128xi32, #tpu.memory_space<vmem>> -> memref<8x128xi32, #tpu.memory_space<vmem>>
        %dma_start3A_83 = arith.constant 0 : i32
        %dma_start3A_84 = tpu.memref_slice %arg3[%add3A_21, %dma_start3A_83] : memref<2560x128xi32, #tpu.memory_space<hbm>> -> memref<8x128xi32, #tpu.memory_space<hbm>>
        tpu.enqueue_dma source(%dma_start3A_84 : memref<8x128xi32, #tpu.memory_space<hbm>>) target(%dma_start3A_82 : memref<8x128xi32, #tpu.memory_space<vmem>>) target_semaphore(%run_scoped3A_72 : memref<!tpu.dma_semaphore, #tpu.memory_space<semaphore_mem>>)
        %dma_wait3A = arith.constant 0 : i32
        %dma_wait3A_85 = arith.constant 0 : i32
        %dma_wait3A_86 = tpu.memref_slice %arg7[%cond3A_31, %dma_wait3A, %dma_wait3A_85] : memref<2x8x128xi32, #tpu.memory_space<vmem>> -> memref<1x8x128xi32, #tpu.memory_space<vmem>>
        %dma_wait3A_87 = tpu.memref_squeeze %dma_wait3A_86 : memref<1x8x128xi32, #tpu.memory_space<vmem>> -> memref<8x128xi32, #tpu.memory_space<vmem>>
        %dma_wait3A_88 = arith.constant 0 : i32
        %dma_wait3A_89 = tpu.memref_slice %arg3[%add3A_21, %dma_wait3A_88] : memref<2560x128xi32, #tpu.memory_space<hbm>> -> memref<8x128xi32, #tpu.memory_space<hbm>>
        %dma_wait3A_90 = arith.constant 0 : i32
        %dma_wait3A_91 = arith.constant 0 : i32
        %dma_wait3A_92 = tpu.memref_slice %arg7[%cond3A_31, %dma_wait3A_90, %dma_wait3A_91] : memref<2x8x128xi32, #tpu.memory_space<vmem>> -> memref<1x8x128xi32, #tpu.memory_space<vmem>>
        %dma_wait3A_93 = tpu.memref_squeeze %dma_wait3A_92 : memref<1x8x128xi32, #tpu.memory_space<vmem>> -> memref<8x128xi32, #tpu.memory_space<vmem>>
        %dma_wait3A_94 = arith.constant 0 : i32
        %dma_wait3A_95 = tpu.memref_slice %arg3[%add3A_21, %dma_wait3A_94] : memref<2560x128xi32, #tpu.memory_space<hbm>> -> memref<8x128xi32, #tpu.memory_space<hbm>>
        tpu.wait_dma2 semaphore(%run_scoped3A_72 : memref<!tpu.dma_semaphore, #tpu.memory_space<semaphore_mem>>) src(%dma_wait3A_95 : memref<8x128xi32, #tpu.memory_space<hbm>>) dst(%dma_wait3A_93 : memref<8x128xi32, #tpu.memory_space<vmem>>)
        tpu.yield
      }) : () -> ()
    } else {
    }
    %add3A_34 = arith.constant 8 : i32
    %add3A_35 = arith.addi %mul3A_0, %add3A_34 : i32
    %run_scoped3A_36 = arith.constant 1 : i32
    "tpu.region"() ({
      %run_scoped3A_72 = tpu.sem_alloc : memref<!tpu.dma_semaphore, #tpu.memory_space<semaphore_mem>>
      %dma_start3A_73 = arith.constant 0 : i32
      %dma_start3A_74 = arith.constant 0 : i32
      %dma_start3A_75 = tpu.memref_slice %arg8[%run_scoped3A_36, %dma_start3A_73, %dma_start3A_74] : memref<2x8x128xi32, #tpu.memory_space<vmem>> -> memref<1x8x128xi32, #tpu.memory_space<vmem>>
      %dma_start3A_76 = tpu.memref_squeeze %dma_start3A_75 : memref<1x8x128xi32, #tpu.memory_space<vmem>> -> memref<8x128xi32, #tpu.memory_space<vmem>>
      %dma_start3A_77 = arith.constant 0 : i32
      %dma_start3A_78 = tpu.memref_slice %arg4[%add3A_35, %dma_start3A_77] : memref<2560x128xi32, #tpu.memory_space<hbm>> -> memref<8x128xi32, #tpu.memory_space<hbm>>
      %dma_start3A_79 = arith.constant 0 : i32
      %dma_start3A_80 = arith.constant 0 : i32
      %dma_start3A_81 = tpu.memref_slice %arg8[%run_scoped3A_36, %dma_start3A_79, %dma_start3A_80] : memref<2x8x128xi32, #tpu.memory_space<vmem>> -> memref<1x8x128xi32, #tpu.memory_space<vmem>>
      %dma_start3A_82 = tpu.memref_squeeze %dma_start3A_81 : memref<1x8x128xi32, #tpu.memory_space<vmem>> -> memref<8x128xi32, #tpu.memory_space<vmem>>
      %dma_start3A_83 = arith.constant 0 : i32
      %dma_start3A_84 = tpu.memref_slice %arg4[%add3A_35, %dma_start3A_83] : memref<2560x128xi32, #tpu.memory_space<hbm>> -> memref<8x128xi32, #tpu.memory_space<hbm>>
      tpu.enqueue_dma source(%dma_start3A_84 : memref<8x128xi32, #tpu.memory_space<hbm>>) target(%dma_start3A_82 : memref<8x128xi32, #tpu.memory_space<vmem>>) target_semaphore(%run_scoped3A_72 : memref<!tpu.dma_semaphore, #tpu.memory_space<semaphore_mem>>)
      %dma_wait3A = arith.constant 0 : i32
      %dma_wait3A_85 = arith.constant 0 : i32
      %dma_wait3A_86 = tpu.memref_slice %arg8[%run_scoped3A_36, %dma_wait3A, %dma_wait3A_85] : memref<2x8x128xi32, #tpu.memory_space<vmem>> -> memref<1x8x128xi32, #tpu.memory_space<vmem>>
      %dma_wait3A_87 = tpu.memref_squeeze %dma_wait3A_86 : memref<1x8x128xi32, #tpu.memory_space<vmem>> -> memref<8x128xi32, #tpu.memory_space<vmem>>
      %dma_wait3A_88 = arith.constant 0 : i32
      %dma_wait3A_89 = tpu.memref_slice %arg4[%add3A_35, %dma_wait3A_88] : memref<2560x128xi32, #tpu.memory_space<hbm>> -> memref<8x128xi32, #tpu.memory_space<hbm>>
      %dma_wait3A_90 = arith.constant 0 : i32
      %dma_wait3A_91 = arith.constant 0 : i32
      %dma_wait3A_92 = tpu.memref_slice %arg8[%run_scoped3A_36, %dma_wait3A_90, %dma_wait3A_91] : memref<2x8x128xi32, #tpu.memory_space<vmem>> -> memref<1x8x128xi32, #tpu.memory_space<vmem>>
      %dma_wait3A_93 = tpu.memref_squeeze %dma_wait3A_92 : memref<1x8x128xi32, #tpu.memory_space<vmem>> -> memref<8x128xi32, #tpu.memory_space<vmem>>
      %dma_wait3A_94 = arith.constant 0 : i32
      %dma_wait3A_95 = tpu.memref_slice %arg4[%add3A_35, %dma_wait3A_94] : memref<2560x128xi32, #tpu.memory_space<hbm>> -> memref<8x128xi32, #tpu.memory_space<hbm>>
      tpu.wait_dma2 semaphore(%run_scoped3A_72 : memref<!tpu.dma_semaphore, #tpu.memory_space<semaphore_mem>>) src(%dma_wait3A_95 : memref<8x128xi32, #tpu.memory_space<hbm>>) dst(%dma_wait3A_93 : memref<8x128xi32, #tpu.memory_space<vmem>>)
      tpu.yield
    }) : () -> ()
    %barrier3A = arith.constant 0 : index
    tpu.barrier barrier_id(%barrier3A)
    %dma_start3A = arith.constant 0 : i32
    %dma_start3A_37 = arith.constant 0 : i32
    %dma_start3A_38 = arith.constant 0 : i32
    %dma_start3A_39 = arith.constant 0 : i32
    %dma_start3A_40 = arith.constant 0 : i32
    %dma_start3A_41 = tpu.memref_slice %arg9[%dma_start3A_38, %dma_start3A_39, %dma_start3A_40] : memref<2x128x128xf32, #tpu.memory_space<vmem>> -> memref<1x128x128xf32, #tpu.memory_space<vmem>>
    %dma_start3A_42 = tpu.memref_squeeze %dma_start3A_41 : memref<1x128x128xf32, #tpu.memory_space<vmem>> -> memref<128x128xf32, #tpu.memory_space<vmem>>
    %dma_start3A_43 = arith.constant 0 : i32
    %dma_start3A_44 = tpu.memref_slice %arg7[%dma_start3A, %dma_start3A_37, %dma_start3A_43] : memref<2x8x128xi32, #tpu.memory_space<vmem>> -> memref<1x1x128xi32, #tpu.memory_space<vmem>>
    %dma_start3A_45 = tpu.memref_squeeze %dma_start3A_44 : memref<1x1x128xi32, #tpu.memory_space<vmem>> -> memref<128xi32, #tpu.memory_space<vmem>>
    %dma_start3A_46 = arith.constant 0 : i32
    %dma_start3A_47 = arith.constant 0 : i32
    %dma_start3A_48 = tpu.memref_slice %arg5[%dma_start3A_46, %dma_start3A_47] : memref<20480x128xf32, #tpu.memory_space<hbm>> -> memref<20480x128xf32, #tpu.memory_space<hbm>>
    tpu.enqueue_indirect_dma source(%dma_start3A_48 : memref<20480x128xf32, #tpu.memory_space<hbm>>) target(%dma_start3A_42 : memref<128x128xf32, #tpu.memory_space<vmem>>) offsets(%dma_start3A_45 : memref<128xi32, #tpu.memory_space<vmem>>) semaphore(%arg10 : memref<!tpu.dma_semaphore, #tpu.memory_space<semaphore_mem>>)
    %dma_start3A_49 = arith.constant 0 : i32
    %dma_start3A_50 = arith.constant 1 : i32
    %dma_start3A_51 = arith.constant 1 : i32
    %dma_start3A_52 = arith.constant 0 : i32
    %dma_start3A_53 = arith.constant 0 : i32
    %dma_start3A_54 = tpu.memref_slice %arg9[%dma_start3A_51, %dma_start3A_52, %dma_start3A_53] : memref<2x128x128xf32, #tpu.memory_space<vmem>> -> memref<1x128x128xf32, #tpu.memory_space<vmem>>
    %dma_start3A_55 = tpu.memref_squeeze %dma_start3A_54 : memref<1x128x128xf32, #tpu.memory_space<vmem>> -> memref<128x128xf32, #tpu.memory_space<vmem>>
    %dma_start3A_56 = arith.constant 0 : i32
    %dma_start3A_57 = tpu.memref_slice %arg7[%dma_start3A_49, %dma_start3A_50, %dma_start3A_56] : memref<2x8x128xi32, #tpu.memory_space<vmem>> -> memref<1x1x128xi32, #tpu.memory_space<vmem>>
    %dma_start3A_58 = tpu.memref_squeeze %dma_start3A_57 : memref<1x1x128xi32, #tpu.memory_space<vmem>> -> memref<128xi32, #tpu.memory_space<vmem>>
    %dma_start3A_59 = arith.constant 0 : i32
    %dma_start3A_60 = arith.constant 0 : i32
    %dma_start3A_61 = tpu.memref_slice %arg5[%dma_start3A_59, %dma_start3A_60] : memref<20480x128xf32, #tpu.memory_space<hbm>> -> memref<20480x128xf32, #tpu.memory_space<hbm>>
    tpu.enqueue_indirect_dma source(%dma_start3A_61 : memref<20480x128xf32, #tpu.memory_space<hbm>>) target(%dma_start3A_55 : memref<128x128xf32, #tpu.memory_space<vmem>>) offsets(%dma_start3A_58 : memref<128xi32, #tpu.memory_space<vmem>>) semaphore(%arg11 : memref<!tpu.dma_semaphore, #tpu.memory_space<semaphore_mem>>)
    %scan3A = arith.constant 0 : i32
    %scan3A_62 = arith.constant 0 : i32
    %scan3A_63 = arith.constant 10 : i32
    %scan3A_64 = arith.addi %scan3A_62, %scan3A_63 : i32
    %scan3A_65 = arith.constant 1 : i32
    scf.for %scan3A_72 = %scan3A_62 to %scan3A_64 step %scan3A_65  : i32 {
      %mul3A_73 = arith.constant 2 : i32
      %mul3A_74 = arith.muli %mul3A_73, %scan3A_72 : i32
      %add3A_75 = arith.constant 0 : i32
      %add3A_76 = arith.addi %mul3A_74, %add3A_75 : i32
      %dma_wait3A = arith.constant 0 : i32
      %dma_wait3A_77 = arith.constant 0 : i32
      %dma_wait3A_78 = arith.constant 0 : i32
      %dma_wait3A_79 = arith.constant 0 : i32
      %dma_wait3A_80 = arith.constant 0 : i32
      %dma_wait3A_81 = tpu.memref_slice %arg9[%dma_wait3A_78, %dma_wait3A_79, %dma_wait3A_80] : memref<2x128x128xf32, #tpu.memory_space<vmem>> -> memref<1x128x128xf32, #tpu.memory_space<vmem>>
      %dma_wait3A_82 = tpu.memref_squeeze %dma_wait3A_81 : memref<1x128x128xf32, #tpu.memory_space<vmem>> -> memref<128x128xf32, #tpu.memory_space<vmem>>
      %dma_wait3A_83 = arith.constant 0 : i32
      %dma_wait3A_84 = tpu.memref_slice %arg7[%dma_wait3A, %dma_wait3A_77, %dma_wait3A_83] : memref<2x8x128xi32, #tpu.memory_space<vmem>> -> memref<1x1x128xi32, #tpu.memory_space<vmem>>
      %dma_wait3A_85 = tpu.memref_squeeze %dma_wait3A_84 : memref<1x1x128xi32, #tpu.memory_space<vmem>> -> memref<128xi32, #tpu.memory_space<vmem>>
      %dma_wait3A_86 = arith.constant 0 : i32
      %dma_wait3A_87 = arith.constant 0 : i32
      %dma_wait3A_88 = tpu.memref_slice %arg5[%dma_wait3A_86, %dma_wait3A_87] : memref<20480x128xf32, #tpu.memory_space<hbm>> -> memref<20480x128xf32, #tpu.memory_space<hbm>>
      tpu.wait_indirect_dma semaphore(%arg10 : memref<!tpu.dma_semaphore, #tpu.memory_space<semaphore_mem>>) src(%dma_wait3A_88 : memref<20480x128xf32, #tpu.memory_space<hbm>>) dst(%dma_wait3A_82 : memref<128x128xf32, #tpu.memory_space<vmem>>)
      %run_scoped3A_89 = arith.constant 0 : i32
      %run_scoped3A_90 = arith.constant 0 : i32
      %run_scoped3A_91 = arith.constant 0 : i32
      "tpu.region"() ({
        %run_scoped3A_533 = tpu.sem_alloc : memref<!tpu.dma_semaphore, #tpu.memory_space<semaphore_mem>>
        %dma_start3A_534 = arith.constant 0 : i32
        %dma_start3A_535 = arith.constant 0 : i32
        %dma_start3A_536 = tpu.memref_slice %arg9[%run_scoped3A_89, %dma_start3A_534, %dma_start3A_535] : memref<2x128x128xf32, #tpu.memory_space<vmem>> -> memref<1x128x128xf32, #tpu.memory_space<vmem>>
        %dma_start3A_537 = tpu.memref_squeeze %dma_start3A_536 : memref<1x128x128xf32, #tpu.memory_space<vmem>> -> memref<128x128xf32, #tpu.memory_space<vmem>>
        %dma_start3A_538 = arith.constant 0 : i32
        %dma_start3A_539 = tpu.memref_slice %arg8[%run_scoped3A_90, %run_scoped3A_91, %dma_start3A_538] : memref<2x8x128xi32, #tpu.memory_space<vmem>> -> memref<1x1x128xi32, #tpu.memory_space<vmem>>
        %dma_start3A_540 = tpu.memref_squeeze %dma_start3A_539 : memref<1x1x128xi32, #tpu.memory_space<vmem>> -> memref<128xi32, #tpu.memory_space<vmem>>
        %dma_start3A_541 = arith.constant 0 : i32
        %dma_start3A_542 = arith.constant 0 : i32
        %dma_start3A_543 = tpu.memref_slice %arg12[%dma_start3A_541, %dma_start3A_542] : memref<10240x128xf32, #tpu.memory_space<vmem_shared>> -> memref<10240x128xf32, #tpu.memory_space<vmem_shared>>
        tpu.enqueue_indirect_dma source(%dma_start3A_537 : memref<128x128xf32, #tpu.memory_space<vmem>>) target(%dma_start3A_543 : memref<10240x128xf32, #tpu.memory_space<vmem_shared>>) offsets(%dma_start3A_540 : memref<128xi32, #tpu.memory_space<vmem>>) semaphore(%run_scoped3A_533 : memref<!tpu.dma_semaphore, #tpu.memory_space<semaphore_mem>>) {add = true}
        %dma_wait3A_544 = arith.constant 0 : i32
        %dma_wait3A_545 = arith.constant 0 : i32
        %dma_wait3A_546 = tpu.memref_slice %arg9[%run_scoped3A_89, %dma_wait3A_544, %dma_wait3A_545] : memref<2x128x128xf32, #tpu.memory_space<vmem>> -> memref<1x128x128xf32, #tpu.memory_space<vmem>>
        %dma_wait3A_547 = tpu.memref_squeeze %dma_wait3A_546 : memref<1x128x128xf32, #tpu.memory_space<vmem>> -> memref<128x128xf32, #tpu.memory_space<vmem>>
        %dma_wait3A_548 = arith.constant 0 : i32
        %dma_wait3A_549 = tpu.memref_slice %arg8[%run_scoped3A_90, %run_scoped3A_91, %dma_wait3A_548] : memref<2x8x128xi32, #tpu.memory_space<vmem>> -> memref<1x1x128xi32, #tpu.memory_space<vmem>>
        %dma_wait3A_550 = tpu.memref_squeeze %dma_wait3A_549 : memref<1x1x128xi32, #tpu.memory_space<vmem>> -> memref<128xi32, #tpu.memory_space<vmem>>
        %dma_wait3A_551 = arith.constant 0 : i32
        %dma_wait3A_552 = arith.constant 0 : i32
        %dma_wait3A_553 = tpu.memref_slice %arg12[%dma_wait3A_551, %dma_wait3A_552] : memref<10240x128xf32, #tpu.memory_space<vmem_shared>> -> memref<10240x128xf32, #tpu.memory_space<vmem_shared>>
        tpu.wait_indirect_dma semaphore(%run_scoped3A_533 : memref<!tpu.dma_semaphore, #tpu.memory_space<semaphore_mem>>) src(%dma_wait3A_547 : memref<128x128xf32, #tpu.memory_space<vmem>>) dst(%dma_wait3A_553 : memref<10240x128xf32, #tpu.memory_space<vmem_shared>>)
        tpu.yield
      }) : () -> ()
      %dma_start3A_92 = arith.constant 0 : i32
      %dma_start3A_93 = arith.constant 2 : i32
      %dma_start3A_94 = arith.constant 0 : i32
      %dma_start3A_95 = arith.constant 0 : i32
      %dma_start3A_96 = arith.constant 0 : i32
      %dma_start3A_97 = tpu.memref_slice %arg9[%dma_start3A_94, %dma_start3A_95, %dma_start3A_96] : memref<2x128x128xf32, #tpu.memory_space<vmem>> -> memref<1x128x128xf32, #tpu.memory_space<vmem>>
      %dma_start3A_98 = tpu.memref_squeeze %dma_start3A_97 : memref<1x128x128xf32, #tpu.memory_space<vmem>> -> memref<128x128xf32, #tpu.memory_space<vmem>>
      %dma_start3A_99 = arith.constant 0 : i32
      %dma_start3A_100 = tpu.memref_slice %arg7[%dma_start3A_92, %dma_start3A_93, %dma_start3A_99] : memref<2x8x128xi32, #tpu.memory_space<vmem>> -> memref<1x1x128xi32, #tpu.memory_space<vmem>>
      %dma_start3A_101 = tpu.memref_squeeze %dma_start3A_100 : memref<1x1x128xi32, #tpu.memory_space<vmem>> -> memref<128xi32, #tpu.memory_space<vmem>>
      %dma_start3A_102 = arith.constant 0 : i32
      %dma_start3A_103 = arith.constant 0 : i32
      %dma_start3A_104 = tpu.memref_slice %arg5[%dma_start3A_102, %dma_start3A_103] : memref<20480x128xf32, #tpu.memory_space<hbm>> -> memref<20480x128xf32, #tpu.memory_space<hbm>>
      tpu.enqueue_indirect_dma source(%dma_start3A_104 : memref<20480x128xf32, #tpu.memory_space<hbm>>) target(%dma_start3A_98 : memref<128x128xf32, #tpu.memory_space<vmem>>) offsets(%dma_start3A_101 : memref<128xi32, #tpu.memory_space<vmem>>) semaphore(%arg10 : memref<!tpu.dma_semaphore, #tpu.memory_space<semaphore_mem>>)
      %dma_wait3A_105 = arith.constant 0 : i32
      %dma_wait3A_106 = arith.constant 1 : i32
      %dma_wait3A_107 = arith.constant 1 : i32
      %dma_wait3A_108 = arith.constant 0 : i32
      %dma_wait3A_109 = arith.constant 0 : i32
      %dma_wait3A_110 = tpu.memref_slice %arg9[%dma_wait3A_107, %dma_wait3A_108, %dma_wait3A_109] : memref<2x128x128xf32, #tpu.memory_space<vmem>> -> memref<1x128x128xf32, #tpu.memory_space<vmem>>
      %dma_wait3A_111 = tpu.memref_squeeze %dma_wait3A_110 : memref<1x128x128xf32, #tpu.memory_space<vmem>> -> memref<128x128xf32, #tpu.memory_space<vmem>>
      %dma_wait3A_112 = arith.constant 0 : i32
      %dma_wait3A_113 = tpu.memref_slice %arg7[%dma_wait3A_105, %dma_wait3A_106, %dma_wait3A_112] : memref<2x8x128xi32, #tpu.memory_space<vmem>> -> memref<1x1x128xi32, #tpu.memory_space<vmem>>
      %dma_wait3A_114 = tpu.memref_squeeze %dma_wait3A_113 : memref<1x1x128xi32, #tpu.memory_space<vmem>> -> memref<128xi32, #tpu.memory_space<vmem>>
      %dma_wait3A_115 = arith.constant 0 : i32
      %dma_wait3A_116 = arith.constant 0 : i32
      %dma_wait3A_117 = tpu.memref_slice %arg5[%dma_wait3A_115, %dma_wait3A_116] : memref<20480x128xf32, #tpu.memory_space<hbm>> -> memref<20480x128xf32, #tpu.memory_space<hbm>>
      tpu.wait_indirect_dma semaphore(%arg11 : memref<!tpu.dma_semaphore, #tpu.memory_space<semaphore_mem>>) src(%dma_wait3A_117 : memref<20480x128xf32, #tpu.memory_space<hbm>>) dst(%dma_wait3A_111 : memref<128x128xf32, #tpu.memory_space<vmem>>)
      %run_scoped3A_118 = arith.constant 1 : i32
      %run_scoped3A_119 = arith.constant 0 : i32
      %run_scoped3A_120 = arith.constant 1 : i32
      "tpu.region"() ({
        %run_scoped3A_533 = tpu.sem_alloc : memref<!tpu.dma_semaphore, #tpu.memory_space<semaphore_mem>>
        %dma_start3A_534 = arith.constant 0 : i32
        %dma_start3A_535 = arith.constant 0 : i32
        %dma_start3A_536 = tpu.memref_slice %arg9[%run_scoped3A_118, %dma_start3A_534, %dma_start3A_535] : memref<2x128x128xf32, #tpu.memory_space<vmem>> -> memref<1x128x128xf32, #tpu.memory_space<vmem>>
        %dma_start3A_537 = tpu.memref_squeeze %dma_start3A_536 : memref<1x128x128xf32, #tpu.memory_space<vmem>> -> memref<128x128xf32, #tpu.memory_space<vmem>>
        %dma_start3A_538 = arith.constant 0 : i32
        %dma_start3A_539 = tpu.memref_slice %arg8[%run_scoped3A_119, %run_scoped3A_120, %dma_start3A_538] : memref<2x8x128xi32, #tpu.memory_space<vmem>> -> memref<1x1x128xi32, #tpu.memory_space<vmem>>
        %dma_start3A_540 = tpu.memref_squeeze %dma_start3A_539 : memref<1x1x128xi32, #tpu.memory_space<vmem>> -> memref<128xi32, #tpu.memory_space<vmem>>
        %dma_start3A_541 = arith.constant 0 : i32
        %dma_start3A_542 = arith.constant 0 : i32
        %dma_start3A_543 = tpu.memref_slice %arg12[%dma_start3A_541, %dma_start3A_542] : memref<10240x128xf32, #tpu.memory_space<vmem_shared>> -> memref<10240x128xf32, #tpu.memory_space<vmem_shared>>
        tpu.enqueue_indirect_dma source(%dma_start3A_537 : memref<128x128xf32, #tpu.memory_space<vmem>>) target(%dma_start3A_543 : memref<10240x128xf32, #tpu.memory_space<vmem_shared>>) offsets(%dma_start3A_540 : memref<128xi32, #tpu.memory_space<vmem>>) semaphore(%run_scoped3A_533 : memref<!tpu.dma_semaphore, #tpu.memory_space<semaphore_mem>>) {add = true}
        %dma_wait3A_544 = arith.constant 0 : i32
        %dma_wait3A_545 = arith.constant 0 : i32
        %dma_wait3A_546 = tpu.memref_slice %arg9[%run_scoped3A_118, %dma_wait3A_544, %dma_wait3A_545] : memref<2x128x128xf32, #tpu.memory_space<vmem>> -> memref<1x128x128xf32, #tpu.memory_space<vmem>>
        %dma_wait3A_547 = tpu.memref_squeeze %dma_wait3A_546 : memref<1x128x128xf32, #tpu.memory_space<vmem>> -> memref<128x128xf32, #tpu.memory_space<vmem>>
        %dma_wait3A_548 = arith.constant 0 : i32
        %dma_wait3A_549 = tpu.memref_slice %arg8[%run_scoped3A_119, %run_scoped3A_120, %dma_wait3A_548] : memref<2x8x128xi32, #tpu.memory_space<vmem>> -> memref<1x1x128xi32, #tpu.memory_space<vmem>>
        %dma_wait3A_550 = tpu.memref_squeeze %dma_wait3A_549 : memref<1x1x128xi32, #tpu.memory_space<vmem>> -> memref<128xi32, #tpu.memory_space<vmem>>
        %dma_wait3A_551 = arith.constant 0 : i32
        %dma_wait3A_552 = arith.constant 0 : i32
        %dma_wait3A_553 = tpu.memref_slice %arg12[%dma_wait3A_551, %dma_wait3A_552] : memref<10240x128xf32, #tpu.memory_space<vmem_shared>> -> memref<10240x128xf32, #tpu.memory_space<vmem_shared>>
        tpu.wait_indirect_dma semaphore(%run_scoped3A_533 : memref<!tpu.dma_semaphore, #tpu.memory_space<semaphore_mem>>) src(%dma_wait3A_547 : memref<128x128xf32, #tpu.memory_space<vmem>>) dst(%dma_wait3A_553 : memref<10240x128xf32, #tpu.memory_space<vmem_shared>>)
        tpu.yield
      }) : () -> ()
      %dma_start3A_121 = arith.constant 0 : i32
      %dma_start3A_122 = arith.constant 3 : i32
      %dma_start3A_123 = arith.constant 1 : i32
      %dma_start3A_124 = arith.constant 0 : i32
      %dma_start3A_125 = arith.constant 0 : i32
      %dma_start3A_126 = tpu.memref_slice %arg9[%dma_start3A_123, %dma_start3A_124, %dma_start3A_125] : memref<2x128x128xf32, #tpu.memory_space<vmem>> -> memref<1x128x128xf32, #tpu.memory_space<vmem>>
      %dma_start3A_127 = tpu.memref_squeeze %dma_start3A_126 : memref<1x128x128xf32, #tpu.memory_space<vmem>> -> memref<128x128xf32, #tpu.memory_space<vmem>>
      %dma_start3A_128 = arith.constant 0 : i32
      %dma_start3A_129 = tpu.memref_slice %arg7[%dma_start3A_121, %dma_start3A_122, %dma_start3A_128] : memref<2x8x128xi32, #tpu.memory_space<vmem>> -> memref<1x1x128xi32, #tpu.memory_space<vmem>>
      %dma_start3A_130 = tpu.memref_squeeze %dma_start3A_129 : memref<1x1x128xi32, #tpu.memory_space<vmem>> -> memref<128xi32, #tpu.memory_space<vmem>>
      %dma_start3A_131 = arith.constant 0 : i32
      %dma_start3A_132 = arith.constant 0 : i32
      %dma_start3A_133 = tpu.memref_slice %arg5[%dma_start3A_131, %dma_start3A_132] : memref<20480x128xf32, #tpu.memory_space<hbm>> -> memref<20480x128xf32, #tpu.memory_space<hbm>>
      tpu.enqueue_indirect_dma source(%dma_start3A_133 : memref<20480x128xf32, #tpu.memory_space<hbm>>) target(%dma_start3A_127 : memref<128x128xf32, #tpu.memory_space<vmem>>) offsets(%dma_start3A_130 : memref<128xi32, #tpu.memory_space<vmem>>) semaphore(%arg11 : memref<!tpu.dma_semaphore, #tpu.memory_space<semaphore_mem>>)
      %dma_wait3A_134 = arith.constant 0 : i32
      %dma_wait3A_135 = arith.constant 2 : i32
      %dma_wait3A_136 = arith.constant 0 : i32
      %dma_wait3A_137 = arith.constant 0 : i32
      %dma_wait3A_138 = arith.constant 0 : i32
      %dma_wait3A_139 = tpu.memref_slice %arg9[%dma_wait3A_136, %dma_wait3A_137, %dma_wait3A_138] : memref<2x128x128xf32, #tpu.memory_space<vmem>> -> memref<1x128x128xf32, #tpu.memory_space<vmem>>
      %dma_wait3A_140 = tpu.memref_squeeze %dma_wait3A_139 : memref<1x128x128xf32, #tpu.memory_space<vmem>> -> memref<128x128xf32, #tpu.memory_space<vmem>>
      %dma_wait3A_141 = arith.constant 0 : i32
      %dma_wait3A_142 = tpu.memref_slice %arg7[%dma_wait3A_134, %dma_wait3A_135, %dma_wait3A_141] : memref<2x8x128xi32, #tpu.memory_space<vmem>> -> memref<1x1x128xi32, #tpu.memory_space<vmem>>
      %dma_wait3A_143 = tpu.memref_squeeze %dma_wait3A_142 : memref<1x1x128xi32, #tpu.memory_space<vmem>> -> memref<128xi32, #tpu.memory_space<vmem>>
      %dma_wait3A_144 = arith.constant 0 : i32
      %dma_wait3A_145 = arith.constant 0 : i32
      %dma_wait3A_146 = tpu.memref_slice %arg5[%dma_wait3A_144, %dma_wait3A_145] : memref<20480x128xf32, #tpu.memory_space<hbm>> -> memref<20480x128xf32, #tpu.memory_space<hbm>>
      tpu.wait_indirect_dma semaphore(%arg10 : memref<!tpu.dma_semaphore, #tpu.memory_space<semaphore_mem>>) src(%dma_wait3A_146 : memref<20480x128xf32, #tpu.memory_space<hbm>>) dst(%dma_wait3A_140 : memref<128x128xf32, #tpu.memory_space<vmem>>)
      %run_scoped3A_147 = arith.constant 0 : i32
      %run_scoped3A_148 = arith.constant 0 : i32
      %run_scoped3A_149 = arith.constant 2 : i32
      "tpu.region"() ({
        %run_scoped3A_533 = tpu.sem_alloc : memref<!tpu.dma_semaphore, #tpu.memory_space<semaphore_mem>>
        %dma_start3A_534 = arith.constant 0 : i32
        %dma_start3A_535 = arith.constant 0 : i32
        %dma_start3A_536 = tpu.memref_slice %arg9[%run_scoped3A_147, %dma_start3A_534, %dma_start3A_535] : memref<2x128x128xf32, #tpu.memory_space<vmem>> -> memref<1x128x128xf32, #tpu.memory_space<vmem>>
        %dma_start3A_537 = tpu.memref_squeeze %dma_start3A_536 : memref<1x128x128xf32, #tpu.memory_space<vmem>> -> memref<128x128xf32, #tpu.memory_space<vmem>>
        %dma_start3A_538 = arith.constant 0 : i32
        %dma_start3A_539 = tpu.memref_slice %arg8[%run_scoped3A_148, %run_scoped3A_149, %dma_start3A_538] : memref<2x8x128xi32, #tpu.memory_space<vmem>> -> memref<1x1x128xi32, #tpu.memory_space<vmem>>
        %dma_start3A_540 = tpu.memref_squeeze %dma_start3A_539 : memref<1x1x128xi32, #tpu.memory_space<vmem>> -> memref<128xi32, #tpu.memory_space<vmem>>
        %dma_start3A_541 = arith.constant 0 : i32
        %dma_start3A_542 = arith.constant 0 : i32
        %dma_start3A_543 = tpu.memref_slice %arg12[%dma_start3A_541, %dma_start3A_542] : memref<10240x128xf32, #tpu.memory_space<vmem_shared>> -> memref<10240x128xf32, #tpu.memory_space<vmem_shared>>
        tpu.enqueue_indirect_dma source(%dma_start3A_537 : memref<128x128xf32, #tpu.memory_space<vmem>>) target(%dma_start3A_543 : memref<10240x128xf32, #tpu.memory_space<vmem_shared>>) offsets(%dma_start3A_540 : memref<128xi32, #tpu.memory_space<vmem>>) semaphore(%run_scoped3A_533 : memref<!tpu.dma_semaphore, #tpu.memory_space<semaphore_mem>>) {add = true}
        %dma_wait3A_544 = arith.constant 0 : i32
        %dma_wait3A_545 = arith.constant 0 : i32
        %dma_wait3A_546 = tpu.memref_slice %arg9[%run_scoped3A_147, %dma_wait3A_544, %dma_wait3A_545] : memref<2x128x128xf32, #tpu.memory_space<vmem>> -> memref<1x128x128xf32, #tpu.memory_space<vmem>>
        %dma_wait3A_547 = tpu.memref_squeeze %dma_wait3A_546 : memref<1x128x128xf32, #tpu.memory_space<vmem>> -> memref<128x128xf32, #tpu.memory_space<vmem>>
        %dma_wait3A_548 = arith.constant 0 : i32
        %dma_wait3A_549 = tpu.memref_slice %arg8[%run_scoped3A_148, %run_scoped3A_149, %dma_wait3A_548] : memref<2x8x128xi32, #tpu.memory_space<vmem>> -> memref<1x1x128xi32, #tpu.memory_space<vmem>>
        %dma_wait3A_550 = tpu.memref_squeeze %dma_wait3A_549 : memref<1x1x128xi32, #tpu.memory_space<vmem>> -> memref<128xi32, #tpu.memory_space<vmem>>
        %dma_wait3A_551 = arith.constant 0 : i32
        %dma_wait3A_552 = arith.constant 0 : i32
        %dma_wait3A_553 = tpu.memref_slice %arg12[%dma_wait3A_551, %dma_wait3A_552] : memref<10240x128xf32, #tpu.memory_space<vmem_shared>> -> memref<10240x128xf32, #tpu.memory_space<vmem_shared>>
        tpu.wait_indirect_dma semaphore(%run_scoped3A_533 : memref<!tpu.dma_semaphore, #tpu.memory_space<semaphore_mem>>) src(%dma_wait3A_547 : memref<128x128xf32, #tpu.memory_space<vmem>>) dst(%dma_wait3A_553 : memref<10240x128xf32, #tpu.memory_space<vmem_shared>>)
        tpu.yield
      }) : () -> ()
      %dma_start3A_150 = arith.constant 0 : i32
      %dma_start3A_151 = arith.constant 4 : i32
      %dma_start3A_152 = arith.constant 0 : i32
      %dma_start3A_153 = arith.constant 0 : i32
      %dma_start3A_154 = arith.constant 0 : i32
      %dma_start3A_155 = tpu.memref_slice %arg9[%dma_start3A_152, %dma_start3A_153, %dma_start3A_154] : memref<2x128x128xf32, #tpu.memory_space<vmem>> -> memref<1x128x128xf32, #tpu.memory_space<vmem>>
      %dma_start3A_156 = tpu.memref_squeeze %dma_start3A_155 : memref<1x128x128xf32, #tpu.memory_space<vmem>> -> memref<128x128xf32, #tpu.memory_space<vmem>>
      %dma_start3A_157 = arith.constant 0 : i32
      %dma_start3A_158 = tpu.memref_slice %arg7[%dma_start3A_150, %dma_start3A_151, %dma_start3A_157] : memref<2x8x128xi32, #tpu.memory_space<vmem>> -> memref<1x1x128xi32, #tpu.memory_space<vmem>>
      %dma_start3A_159 = tpu.memref_squeeze %dma_start3A_158 : memref<1x1x128xi32, #tpu.memory_space<vmem>> -> memref<128xi32, #tpu.memory_space<vmem>>
      %dma_start3A_160 = arith.constant 0 : i32
      %dma_start3A_161 = arith.constant 0 : i32
      %dma_start3A_162 = tpu.memref_slice %arg5[%dma_start3A_160, %dma_start3A_161] : memref<20480x128xf32, #tpu.memory_space<hbm>> -> memref<20480x128xf32, #tpu.memory_space<hbm>>
      tpu.enqueue_indirect_dma source(%dma_start3A_162 : memref<20480x128xf32, #tpu.memory_space<hbm>>) target(%dma_start3A_156 : memref<128x128xf32, #tpu.memory_space<vmem>>) offsets(%dma_start3A_159 : memref<128xi32, #tpu.memory_space<vmem>>) semaphore(%arg10 : memref<!tpu.dma_semaphore, #tpu.memory_space<semaphore_mem>>)
      %dma_wait3A_163 = arith.constant 0 : i32
      %dma_wait3A_164 = arith.constant 3 : i32
      %dma_wait3A_165 = arith.constant 1 : i32
      %dma_wait3A_166 = arith.constant 0 : i32
      %dma_wait3A_167 = arith.constant 0 : i32
      %dma_wait3A_168 = tpu.memref_slice %arg9[%dma_wait3A_165, %dma_wait3A_166, %dma_wait3A_167] : memref<2x128x128xf32, #tpu.memory_space<vmem>> -> memref<1x128x128xf32, #tpu.memory_space<vmem>>
      %dma_wait3A_169 = tpu.memref_squeeze %dma_wait3A_168 : memref<1x128x128xf32, #tpu.memory_space<vmem>> -> memref<128x128xf32, #tpu.memory_space<vmem>>
      %dma_wait3A_170 = arith.constant 0 : i32
      %dma_wait3A_171 = tpu.memref_slice %arg7[%dma_wait3A_163, %dma_wait3A_164, %dma_wait3A_170] : memref<2x8x128xi32, #tpu.memory_space<vmem>> -> memref<1x1x128xi32, #tpu.memory_space<vmem>>
      %dma_wait3A_172 = tpu.memref_squeeze %dma_wait3A_171 : memref<1x1x128xi32, #tpu.memory_space<vmem>> -> memref<128xi32, #tpu.memory_space<vmem>>
      %dma_wait3A_173 = arith.constant 0 : i32
      %dma_wait3A_174 = arith.constant 0 : i32
      %dma_wait3A_175 = tpu.memref_slice %arg5[%dma_wait3A_173, %dma_wait3A_174] : memref<20480x128xf32, #tpu.memory_space<hbm>> -> memref<20480x128xf32, #tpu.memory_space<hbm>>
      tpu.wait_indirect_dma semaphore(%arg11 : memref<!tpu.dma_semaphore, #tpu.memory_space<semaphore_mem>>) src(%dma_wait3A_175 : memref<20480x128xf32, #tpu.memory_space<hbm>>) dst(%dma_wait3A_169 : memref<128x128xf32, #tpu.memory_space<vmem>>)
      %run_scoped3A_176 = arith.constant 1 : i32
      %run_scoped3A_177 = arith.constant 0 : i32
      %run_scoped3A_178 = arith.constant 3 : i32
      "tpu.region"() ({
        %run_scoped3A_533 = tpu.sem_alloc : memref<!tpu.dma_semaphore, #tpu.memory_space<semaphore_mem>>
        %dma_start3A_534 = arith.constant 0 : i32
        %dma_start3A_535 = arith.constant 0 : i32
        %dma_start3A_536 = tpu.memref_slice %arg9[%run_scoped3A_176, %dma_start3A_534, %dma_start3A_535] : memref<2x128x128xf32, #tpu.memory_space<vmem>> -> memref<1x128x128xf32, #tpu.memory_space<vmem>>
        %dma_start3A_537 = tpu.memref_squeeze %dma_start3A_536 : memref<1x128x128xf32, #tpu.memory_space<vmem>> -> memref<128x128xf32, #tpu.memory_space<vmem>>
        %dma_start3A_538 = arith.constant 0 : i32
        %dma_start3A_539 = tpu.memref_slice %arg8[%run_scoped3A_177, %run_scoped3A_178, %dma_start3A_538] : memref<2x8x128xi32, #tpu.memory_space<vmem>> -> memref<1x1x128xi32, #tpu.memory_space<vmem>>
        %dma_start3A_540 = tpu.memref_squeeze %dma_start3A_539 : memref<1x1x128xi32, #tpu.memory_space<vmem>> -> memref<128xi32, #tpu.memory_space<vmem>>
        %dma_start3A_541 = arith.constant 0 : i32
        %dma_start3A_542 = arith.constant 0 : i32
        %dma_start3A_543 = tpu.memref_slice %arg12[%dma_start3A_541, %dma_start3A_542] : memref<10240x128xf32, #tpu.memory_space<vmem_shared>> -> memref<10240x128xf32, #tpu.memory_space<vmem_shared>>
        tpu.enqueue_indirect_dma source(%dma_start3A_537 : memref<128x128xf32, #tpu.memory_space<vmem>>) target(%dma_start3A_543 : memref<10240x128xf32, #tpu.memory_space<vmem_shared>>) offsets(%dma_start3A_540 : memref<128xi32, #tpu.memory_space<vmem>>) semaphore(%run_scoped3A_533 : memref<!tpu.dma_semaphore, #tpu.memory_space<semaphore_mem>>) {add = true}
        %dma_wait3A_544 = arith.constant 0 : i32
        %dma_wait3A_545 = arith.constant 0 : i32
        %dma_wait3A_546 = tpu.memref_slice %arg9[%run_scoped3A_176, %dma_wait3A_544, %dma_wait3A_545] : memref<2x128x128xf32, #tpu.memory_space<vmem>> -> memref<1x128x128xf32, #tpu.memory_space<vmem>>
        %dma_wait3A_547 = tpu.memref_squeeze %dma_wait3A_546 : memref<1x128x128xf32, #tpu.memory_space<vmem>> -> memref<128x128xf32, #tpu.memory_space<vmem>>
        %dma_wait3A_548 = arith.constant 0 : i32
        %dma_wait3A_549 = tpu.memref_slice %arg8[%run_scoped3A_177, %run_scoped3A_178, %dma_wait3A_548] : memref<2x8x128xi32, #tpu.memory_space<vmem>> -> memref<1x1x128xi32, #tpu.memory_space<vmem>>
        %dma_wait3A_550 = tpu.memref_squeeze %dma_wait3A_549 : memref<1x1x128xi32, #tpu.memory_space<vmem>> -> memref<128xi32, #tpu.memory_space<vmem>>
        %dma_wait3A_551 = arith.constant 0 : i32
        %dma_wait3A_552 = arith.constant 0 : i32
        %dma_wait3A_553 = tpu.memref_slice %arg12[%dma_wait3A_551, %dma_wait3A_552] : memref<10240x128xf32, #tpu.memory_space<vmem_shared>> -> memref<10240x128xf32, #tpu.memory_space<vmem_shared>>
        tpu.wait_indirect_dma semaphore(%run_scoped3A_533 : memref<!tpu.dma_semaphore, #tpu.memory_space<semaphore_mem>>) src(%dma_wait3A_547 : memref<128x128xf32, #tpu.memory_space<vmem>>) dst(%dma_wait3A_553 : memref<10240x128xf32, #tpu.memory_space<vmem_shared>>)
        tpu.yield
      }) : () -> ()
      %dma_start3A_179 = arith.constant 0 : i32
      %dma_start3A_180 = arith.constant 5 : i32
      %dma_start3A_181 = arith.constant 1 : i32
      %dma_start3A_182 = arith.constant 0 : i32
      %dma_start3A_183 = arith.constant 0 : i32
      %dma_start3A_184 = tpu.memref_slice %arg9[%dma_start3A_181, %dma_start3A_182, %dma_start3A_183] : memref<2x128x128xf32, #tpu.memory_space<vmem>> -> memref<1x128x128xf32, #tpu.memory_space<vmem>>
      %dma_start3A_185 = tpu.memref_squeeze %dma_start3A_184 : memref<1x128x128xf32, #tpu.memory_space<vmem>> -> memref<128x128xf32, #tpu.memory_space<vmem>>
      %dma_start3A_186 = arith.constant 0 : i32
      %dma_start3A_187 = tpu.memref_slice %arg7[%dma_start3A_179, %dma_start3A_180, %dma_start3A_186] : memref<2x8x128xi32, #tpu.memory_space<vmem>> -> memref<1x1x128xi32, #tpu.memory_space<vmem>>
      %dma_start3A_188 = tpu.memref_squeeze %dma_start3A_187 : memref<1x1x128xi32, #tpu.memory_space<vmem>> -> memref<128xi32, #tpu.memory_space<vmem>>
      %dma_start3A_189 = arith.constant 0 : i32
      %dma_start3A_190 = arith.constant 0 : i32
      %dma_start3A_191 = tpu.memref_slice %arg5[%dma_start3A_189, %dma_start3A_190] : memref<20480x128xf32, #tpu.memory_space<hbm>> -> memref<20480x128xf32, #tpu.memory_space<hbm>>
      tpu.enqueue_indirect_dma source(%dma_start3A_191 : memref<20480x128xf32, #tpu.memory_space<hbm>>) target(%dma_start3A_185 : memref<128x128xf32, #tpu.memory_space<vmem>>) offsets(%dma_start3A_188 : memref<128xi32, #tpu.memory_space<vmem>>) semaphore(%arg11 : memref<!tpu.dma_semaphore, #tpu.memory_space<semaphore_mem>>)
      %dma_wait3A_192 = arith.constant 0 : i32
      %dma_wait3A_193 = arith.constant 4 : i32
      %dma_wait3A_194 = arith.constant 0 : i32
      %dma_wait3A_195 = arith.constant 0 : i32
      %dma_wait3A_196 = arith.constant 0 : i32
      %dma_wait3A_197 = tpu.memref_slice %arg9[%dma_wait3A_194, %dma_wait3A_195, %dma_wait3A_196] : memref<2x128x128xf32, #tpu.memory_space<vmem>> -> memref<1x128x128xf32, #tpu.memory_space<vmem>>
      %dma_wait3A_198 = tpu.memref_squeeze %dma_wait3A_197 : memref<1x128x128xf32, #tpu.memory_space<vmem>> -> memref<128x128xf32, #tpu.memory_space<vmem>>
      %dma_wait3A_199 = arith.constant 0 : i32
      %dma_wait3A_200 = tpu.memref_slice %arg7[%dma_wait3A_192, %dma_wait3A_193, %dma_wait3A_199] : memref<2x8x128xi32, #tpu.memory_space<vmem>> -> memref<1x1x128xi32, #tpu.memory_space<vmem>>
      %dma_wait3A_201 = tpu.memref_squeeze %dma_wait3A_200 : memref<1x1x128xi32, #tpu.memory_space<vmem>> -> memref<128xi32, #tpu.memory_space<vmem>>
      %dma_wait3A_202 = arith.constant 0 : i32
      %dma_wait3A_203 = arith.constant 0 : i32
      %dma_wait3A_204 = tpu.memref_slice %arg5[%dma_wait3A_202, %dma_wait3A_203] : memref<20480x128xf32, #tpu.memory_space<hbm>> -> memref<20480x128xf32, #tpu.memory_space<hbm>>
      tpu.wait_indirect_dma semaphore(%arg10 : memref<!tpu.dma_semaphore, #tpu.memory_space<semaphore_mem>>) src(%dma_wait3A_204 : memref<20480x128xf32, #tpu.memory_space<hbm>>) dst(%dma_wait3A_198 : memref<128x128xf32, #tpu.memory_space<vmem>>)
      %run_scoped3A_205 = arith.constant 0 : i32
      %run_scoped3A_206 = arith.constant 0 : i32
      %run_scoped3A_207 = arith.constant 4 : i32
      "tpu.region"() ({
        %run_scoped3A_533 = tpu.sem_alloc : memref<!tpu.dma_semaphore, #tpu.memory_space<semaphore_mem>>
        %dma_start3A_534 = arith.constant 0 : i32
        %dma_start3A_535 = arith.constant 0 : i32
        %dma_start3A_536 = tpu.memref_slice %arg9[%run_scoped3A_205, %dma_start3A_534, %dma_start3A_535] : memref<2x128x128xf32, #tpu.memory_space<vmem>> -> memref<1x128x128xf32, #tpu.memory_space<vmem>>
        %dma_start3A_537 = tpu.memref_squeeze %dma_start3A_536 : memref<1x128x128xf32, #tpu.memory_space<vmem>> -> memref<128x128xf32, #tpu.memory_space<vmem>>
        %dma_start3A_538 = arith.constant 0 : i32
        %dma_start3A_539 = tpu.memref_slice %arg8[%run_scoped3A_206, %run_scoped3A_207, %dma_start3A_538] : memref<2x8x128xi32, #tpu.memory_space<vmem>> -> memref<1x1x128xi32, #tpu.memory_space<vmem>>
        %dma_start3A_540 = tpu.memref_squeeze %dma_start3A_539 : memref<1x1x128xi32, #tpu.memory_space<vmem>> -> memref<128xi32, #tpu.memory_space<vmem>>
        %dma_start3A_541 = arith.constant 0 : i32
        %dma_start3A_542 = arith.constant 0 : i32
        %dma_start3A_543 = tpu.memref_slice %arg12[%dma_start3A_541, %dma_start3A_542] : memref<10240x128xf32, #tpu.memory_space<vmem_shared>> -> memref<10240x128xf32, #tpu.memory_space<vmem_shared>>
        tpu.enqueue_indirect_dma source(%dma_start3A_537 : memref<128x128xf32, #tpu.memory_space<vmem>>) target(%dma_start3A_543 : memref<10240x128xf32, #tpu.memory_space<vmem_shared>>) offsets(%dma_start3A_540 : memref<128xi32, #tpu.memory_space<vmem>>) semaphore(%run_scoped3A_533 : memref<!tpu.dma_semaphore, #tpu.memory_space<semaphore_mem>>) {add = true}
        %dma_wait3A_544 = arith.constant 0 : i32
        %dma_wait3A_545 = arith.constant 0 : i32
        %dma_wait3A_546 = tpu.memref_slice %arg9[%run_scoped3A_205, %dma_wait3A_544, %dma_wait3A_545] : memref<2x128x128xf32, #tpu.memory_space<vmem>> -> memref<1x128x128xf32, #tpu.memory_space<vmem>>
        %dma_wait3A_547 = tpu.memref_squeeze %dma_wait3A_546 : memref<1x128x128xf32, #tpu.memory_space<vmem>> -> memref<128x128xf32, #tpu.memory_space<vmem>>
        %dma_wait3A_548 = arith.constant 0 : i32
        %dma_wait3A_549 = tpu.memref_slice %arg8[%run_scoped3A_206, %run_scoped3A_207, %dma_wait3A_548] : memref<2x8x128xi32, #tpu.memory_space<vmem>> -> memref<1x1x128xi32, #tpu.memory_space<vmem>>
        %dma_wait3A_550 = tpu.memref_squeeze %dma_wait3A_549 : memref<1x1x128xi32, #tpu.memory_space<vmem>> -> memref<128xi32, #tpu.memory_space<vmem>>
        %dma_wait3A_551 = arith.constant 0 : i32
        %dma_wait3A_552 = arith.constant 0 : i32
        %dma_wait3A_553 = tpu.memref_slice %arg12[%dma_wait3A_551, %dma_wait3A_552] : memref<10240x128xf32, #tpu.memory_space<vmem_shared>> -> memref<10240x128xf32, #tpu.memory_space<vmem_shared>>
        tpu.wait_indirect_dma semaphore(%run_scoped3A_533 : memref<!tpu.dma_semaphore, #tpu.memory_space<semaphore_mem>>) src(%dma_wait3A_547 : memref<128x128xf32, #tpu.memory_space<vmem>>) dst(%dma_wait3A_553 : memref<10240x128xf32, #tpu.memory_space<vmem_shared>>)
        tpu.yield
      }) : () -> ()
      %dma_start3A_208 = arith.constant 0 : i32
      %dma_start3A_209 = arith.constant 6 : i32
      %dma_start3A_210 = arith.constant 0 : i32
      %dma_start3A_211 = arith.constant 0 : i32
      %dma_start3A_212 = arith.constant 0 : i32
      %dma_start3A_213 = tpu.memref_slice %arg9[%dma_start3A_210, %dma_start3A_211, %dma_start3A_212] : memref<2x128x128xf32, #tpu.memory_space<vmem>> -> memref<1x128x128xf32, #tpu.memory_space<vmem>>
      %dma_start3A_214 = tpu.memref_squeeze %dma_start3A_213 : memref<1x128x128xf32, #tpu.memory_space<vmem>> -> memref<128x128xf32, #tpu.memory_space<vmem>>
      %dma_start3A_215 = arith.constant 0 : i32
      %dma_start3A_216 = tpu.memref_slice %arg7[%dma_start3A_208, %dma_start3A_209, %dma_start3A_215] : memref<2x8x128xi32, #tpu.memory_space<vmem>> -> memref<1x1x128xi32, #tpu.memory_space<vmem>>
      %dma_start3A_217 = tpu.memref_squeeze %dma_start3A_216 : memref<1x1x128xi32, #tpu.memory_space<vmem>> -> memref<128xi32, #tpu.memory_space<vmem>>
      %dma_start3A_218 = arith.constant 0 : i32
      %dma_start3A_219 = arith.constant 0 : i32
      %dma_start3A_220 = tpu.memref_slice %arg5[%dma_start3A_218, %dma_start3A_219] : memref<20480x128xf32, #tpu.memory_space<hbm>> -> memref<20480x128xf32, #tpu.memory_space<hbm>>
      tpu.enqueue_indirect_dma source(%dma_start3A_220 : memref<20480x128xf32, #tpu.memory_space<hbm>>) target(%dma_start3A_214 : memref<128x128xf32, #tpu.memory_space<vmem>>) offsets(%dma_start3A_217 : memref<128xi32, #tpu.memory_space<vmem>>) semaphore(%arg10 : memref<!tpu.dma_semaphore, #tpu.memory_space<semaphore_mem>>)
      %dma_wait3A_221 = arith.constant 0 : i32
      %dma_wait3A_222 = arith.constant 5 : i32
      %dma_wait3A_223 = arith.constant 1 : i32
      %dma_wait3A_224 = arith.constant 0 : i32
      %dma_wait3A_225 = arith.constant 0 : i32
      %dma_wait3A_226 = tpu.memref_slice %arg9[%dma_wait3A_223, %dma_wait3A_224, %dma_wait3A_225] : memref<2x128x128xf32, #tpu.memory_space<vmem>> -> memref<1x128x128xf32, #tpu.memory_space<vmem>>
      %dma_wait3A_227 = tpu.memref_squeeze %dma_wait3A_226 : memref<1x128x128xf32, #tpu.memory_space<vmem>> -> memref<128x128xf32, #tpu.memory_space<vmem>>
      %dma_wait3A_228 = arith.constant 0 : i32
      %dma_wait3A_229 = tpu.memref_slice %arg7[%dma_wait3A_221, %dma_wait3A_222, %dma_wait3A_228] : memref<2x8x128xi32, #tpu.memory_space<vmem>> -> memref<1x1x128xi32, #tpu.memory_space<vmem>>
      %dma_wait3A_230 = tpu.memref_squeeze %dma_wait3A_229 : memref<1x1x128xi32, #tpu.memory_space<vmem>> -> memref<128xi32, #tpu.memory_space<vmem>>
      %dma_wait3A_231 = arith.constant 0 : i32
      %dma_wait3A_232 = arith.constant 0 : i32
      %dma_wait3A_233 = tpu.memref_slice %arg5[%dma_wait3A_231, %dma_wait3A_232] : memref<20480x128xf32, #tpu.memory_space<hbm>> -> memref<20480x128xf32, #tpu.memory_space<hbm>>
      tpu.wait_indirect_dma semaphore(%arg11 : memref<!tpu.dma_semaphore, #tpu.memory_space<semaphore_mem>>) src(%dma_wait3A_233 : memref<20480x128xf32, #tpu.memory_space<hbm>>) dst(%dma_wait3A_227 : memref<128x128xf32, #tpu.memory_space<vmem>>)
      %run_scoped3A_234 = arith.constant 1 : i32
      %run_scoped3A_235 = arith.constant 0 : i32
      %run_scoped3A_236 = arith.constant 5 : i32
      "tpu.region"() ({
        %run_scoped3A_533 = tpu.sem_alloc : memref<!tpu.dma_semaphore, #tpu.memory_space<semaphore_mem>>
        %dma_start3A_534 = arith.constant 0 : i32
        %dma_start3A_535 = arith.constant 0 : i32
        %dma_start3A_536 = tpu.memref_slice %arg9[%run_scoped3A_234, %dma_start3A_534, %dma_start3A_535] : memref<2x128x128xf32, #tpu.memory_space<vmem>> -> memref<1x128x128xf32, #tpu.memory_space<vmem>>
        %dma_start3A_537 = tpu.memref_squeeze %dma_start3A_536 : memref<1x128x128xf32, #tpu.memory_space<vmem>> -> memref<128x128xf32, #tpu.memory_space<vmem>>
        %dma_start3A_538 = arith.constant 0 : i32
        %dma_start3A_539 = tpu.memref_slice %arg8[%run_scoped3A_235, %run_scoped3A_236, %dma_start3A_538] : memref<2x8x128xi32, #tpu.memory_space<vmem>> -> memref<1x1x128xi32, #tpu.memory_space<vmem>>
        %dma_start3A_540 = tpu.memref_squeeze %dma_start3A_539 : memref<1x1x128xi32, #tpu.memory_space<vmem>> -> memref<128xi32, #tpu.memory_space<vmem>>
        %dma_start3A_541 = arith.constant 0 : i32
        %dma_start3A_542 = arith.constant 0 : i32
        %dma_start3A_543 = tpu.memref_slice %arg12[%dma_start3A_541, %dma_start3A_542] : memref<10240x128xf32, #tpu.memory_space<vmem_shared>> -> memref<10240x128xf32, #tpu.memory_space<vmem_shared>>
        tpu.enqueue_indirect_dma source(%dma_start3A_537 : memref<128x128xf32, #tpu.memory_space<vmem>>) target(%dma_start3A_543 : memref<10240x128xf32, #tpu.memory_space<vmem_shared>>) offsets(%dma_start3A_540 : memref<128xi32, #tpu.memory_space<vmem>>) semaphore(%run_scoped3A_533 : memref<!tpu.dma_semaphore, #tpu.memory_space<semaphore_mem>>) {add = true}
        %dma_wait3A_544 = arith.constant 0 : i32
        %dma_wait3A_545 = arith.constant 0 : i32
        %dma_wait3A_546 = tpu.memref_slice %arg9[%run_scoped3A_234, %dma_wait3A_544, %dma_wait3A_545] : memref<2x128x128xf32, #tpu.memory_space<vmem>> -> memref<1x128x128xf32, #tpu.memory_space<vmem>>
        %dma_wait3A_547 = tpu.memref_squeeze %dma_wait3A_546 : memref<1x128x128xf32, #tpu.memory_space<vmem>> -> memref<128x128xf32, #tpu.memory_space<vmem>>
        %dma_wait3A_548 = arith.constant 0 : i32
        %dma_wait3A_549 = tpu.memref_slice %arg8[%run_scoped3A_235, %run_scoped3A_236, %dma_wait3A_548] : memref<2x8x128xi32, #tpu.memory_space<vmem>> -> memref<1x1x128xi32, #tpu.memory_space<vmem>>
        %dma_wait3A_550 = tpu.memref_squeeze %dma_wait3A_549 : memref<1x1x128xi32, #tpu.memory_space<vmem>> -> memref<128xi32, #tpu.memory_space<vmem>>
        %dma_wait3A_551 = arith.constant 0 : i32
        %dma_wait3A_552 = arith.constant 0 : i32
        %dma_wait3A_553 = tpu.memref_slice %arg12[%dma_wait3A_551, %dma_wait3A_552] : memref<10240x128xf32, #tpu.memory_space<vmem_shared>> -> memref<10240x128xf32, #tpu.memory_space<vmem_shared>>
        tpu.wait_indirect_dma semaphore(%run_scoped3A_533 : memref<!tpu.dma_semaphore, #tpu.memory_space<semaphore_mem>>) src(%dma_wait3A_547 : memref<128x128xf32, #tpu.memory_space<vmem>>) dst(%dma_wait3A_553 : memref<10240x128xf32, #tpu.memory_space<vmem_shared>>)
        tpu.yield
      }) : () -> ()
      %dma_start3A_237 = arith.constant 0 : i32
      %dma_start3A_238 = arith.constant 7 : i32
      %dma_start3A_239 = arith.constant 1 : i32
      %dma_start3A_240 = arith.constant 0 : i32
      %dma_start3A_241 = arith.constant 0 : i32
      %dma_start3A_242 = tpu.memref_slice %arg9[%dma_start3A_239, %dma_start3A_240, %dma_start3A_241] : memref<2x128x128xf32, #tpu.memory_space<vmem>> -> memref<1x128x128xf32, #tpu.memory_space<vmem>>
      %dma_start3A_243 = tpu.memref_squeeze %dma_start3A_242 : memref<1x128x128xf32, #tpu.memory_space<vmem>> -> memref<128x128xf32, #tpu.memory_space<vmem>>
      %dma_start3A_244 = arith.constant 0 : i32
      %dma_start3A_245 = tpu.memref_slice %arg7[%dma_start3A_237, %dma_start3A_238, %dma_start3A_244] : memref<2x8x128xi32, #tpu.memory_space<vmem>> -> memref<1x1x128xi32, #tpu.memory_space<vmem>>
      %dma_start3A_246 = tpu.memref_squeeze %dma_start3A_245 : memref<1x1x128xi32, #tpu.memory_space<vmem>> -> memref<128xi32, #tpu.memory_space<vmem>>
      %dma_start3A_247 = arith.constant 0 : i32
      %dma_start3A_248 = arith.constant 0 : i32
      %dma_start3A_249 = tpu.memref_slice %arg5[%dma_start3A_247, %dma_start3A_248] : memref<20480x128xf32, #tpu.memory_space<hbm>> -> memref<20480x128xf32, #tpu.memory_space<hbm>>
      tpu.enqueue_indirect_dma source(%dma_start3A_249 : memref<20480x128xf32, #tpu.memory_space<hbm>>) target(%dma_start3A_243 : memref<128x128xf32, #tpu.memory_space<vmem>>) offsets(%dma_start3A_246 : memref<128xi32, #tpu.memory_space<vmem>>) semaphore(%arg11 : memref<!tpu.dma_semaphore, #tpu.memory_space<semaphore_mem>>)
      %dma_wait3A_250 = arith.constant 0 : i32
      %dma_wait3A_251 = arith.constant 6 : i32
      %dma_wait3A_252 = arith.constant 0 : i32
      %dma_wait3A_253 = arith.constant 0 : i32
      %dma_wait3A_254 = arith.constant 0 : i32
      %dma_wait3A_255 = tpu.memref_slice %arg9[%dma_wait3A_252, %dma_wait3A_253, %dma_wait3A_254] : memref<2x128x128xf32, #tpu.memory_space<vmem>> -> memref<1x128x128xf32, #tpu.memory_space<vmem>>
      %dma_wait3A_256 = tpu.memref_squeeze %dma_wait3A_255 : memref<1x128x128xf32, #tpu.memory_space<vmem>> -> memref<128x128xf32, #tpu.memory_space<vmem>>
      %dma_wait3A_257 = arith.constant 0 : i32
      %dma_wait3A_258 = tpu.memref_slice %arg7[%dma_wait3A_250, %dma_wait3A_251, %dma_wait3A_257] : memref<2x8x128xi32, #tpu.memory_space<vmem>> -> memref<1x1x128xi32, #tpu.memory_space<vmem>>
      %dma_wait3A_259 = tpu.memref_squeeze %dma_wait3A_258 : memref<1x1x128xi32, #tpu.memory_space<vmem>> -> memref<128xi32, #tpu.memory_space<vmem>>
      %dma_wait3A_260 = arith.constant 0 : i32
      %dma_wait3A_261 = arith.constant 0 : i32
      %dma_wait3A_262 = tpu.memref_slice %arg5[%dma_wait3A_260, %dma_wait3A_261] : memref<20480x128xf32, #tpu.memory_space<hbm>> -> memref<20480x128xf32, #tpu.memory_space<hbm>>
      tpu.wait_indirect_dma semaphore(%arg10 : memref<!tpu.dma_semaphore, #tpu.memory_space<semaphore_mem>>) src(%dma_wait3A_262 : memref<20480x128xf32, #tpu.memory_space<hbm>>) dst(%dma_wait3A_256 : memref<128x128xf32, #tpu.memory_space<vmem>>)
      %run_scoped3A_263 = arith.constant 0 : i32
      %run_scoped3A_264 = arith.constant 0 : i32
      %run_scoped3A_265 = arith.constant 6 : i32
      "tpu.region"() ({
        %run_scoped3A_533 = tpu.sem_alloc : memref<!tpu.dma_semaphore, #tpu.memory_space<semaphore_mem>>
        %dma_start3A_534 = arith.constant 0 : i32
        %dma_start3A_535 = arith.constant 0 : i32
        %dma_start3A_536 = tpu.memref_slice %arg9[%run_scoped3A_263, %dma_start3A_534, %dma_start3A_535] : memref<2x128x128xf32, #tpu.memory_space<vmem>> -> memref<1x128x128xf32, #tpu.memory_space<vmem>>
        %dma_start3A_537 = tpu.memref_squeeze %dma_start3A_536 : memref<1x128x128xf32, #tpu.memory_space<vmem>> -> memref<128x128xf32, #tpu.memory_space<vmem>>
        %dma_start3A_538 = arith.constant 0 : i32
        %dma_start3A_539 = tpu.memref_slice %arg8[%run_scoped3A_264, %run_scoped3A_265, %dma_start3A_538] : memref<2x8x128xi32, #tpu.memory_space<vmem>> -> memref<1x1x128xi32, #tpu.memory_space<vmem>>
        %dma_start3A_540 = tpu.memref_squeeze %dma_start3A_539 : memref<1x1x128xi32, #tpu.memory_space<vmem>> -> memref<128xi32, #tpu.memory_space<vmem>>
        %dma_start3A_541 = arith.constant 0 : i32
        %dma_start3A_542 = arith.constant 0 : i32
        %dma_start3A_543 = tpu.memref_slice %arg12[%dma_start3A_541, %dma_start3A_542] : memref<10240x128xf32, #tpu.memory_space<vmem_shared>> -> memref<10240x128xf32, #tpu.memory_space<vmem_shared>>
        tpu.enqueue_indirect_dma source(%dma_start3A_537 : memref<128x128xf32, #tpu.memory_space<vmem>>) target(%dma_start3A_543 : memref<10240x128xf32, #tpu.memory_space<vmem_shared>>) offsets(%dma_start3A_540 : memref<128xi32, #tpu.memory_space<vmem>>) semaphore(%run_scoped3A_533 : memref<!tpu.dma_semaphore, #tpu.memory_space<semaphore_mem>>) {add = true}
        %dma_wait3A_544 = arith.constant 0 : i32
        %dma_wait3A_545 = arith.constant 0 : i32
        %dma_wait3A_546 = tpu.memref_slice %arg9[%run_scoped3A_263, %dma_wait3A_544, %dma_wait3A_545] : memref<2x128x128xf32, #tpu.memory_space<vmem>> -> memref<1x128x128xf32, #tpu.memory_space<vmem>>
        %dma_wait3A_547 = tpu.memref_squeeze %dma_wait3A_546 : memref<1x128x128xf32, #tpu.memory_space<vmem>> -> memref<128x128xf32, #tpu.memory_space<vmem>>
        %dma_wait3A_548 = arith.constant 0 : i32
        %dma_wait3A_549 = tpu.memref_slice %arg8[%run_scoped3A_264, %run_scoped3A_265, %dma_wait3A_548] : memref<2x8x128xi32, #tpu.memory_space<vmem>> -> memref<1x1x128xi32, #tpu.memory_space<vmem>>
        %dma_wait3A_550 = tpu.memref_squeeze %dma_wait3A_549 : memref<1x1x128xi32, #tpu.memory_space<vmem>> -> memref<128xi32, #tpu.memory_space<vmem>>
        %dma_wait3A_551 = arith.constant 0 : i32
        %dma_wait3A_552 = arith.constant 0 : i32
        %dma_wait3A_553 = tpu.memref_slice %arg12[%dma_wait3A_551, %dma_wait3A_552] : memref<10240x128xf32, #tpu.memory_space<vmem_shared>> -> memref<10240x128xf32, #tpu.memory_space<vmem_shared>>
        tpu.wait_indirect_dma semaphore(%run_scoped3A_533 : memref<!tpu.dma_semaphore, #tpu.memory_space<semaphore_mem>>) src(%dma_wait3A_547 : memref<128x128xf32, #tpu.memory_space<vmem>>) dst(%dma_wait3A_553 : memref<10240x128xf32, #tpu.memory_space<vmem_shared>>)
        tpu.yield
      }) : () -> ()
      %add3A_266 = arith.constant 1 : i32
      %add3A_267 = arith.addi %add3A_76, %add3A_266 : i32
      %lt3A = arith.constant 20 : i32
      %lt3A_268 = arith.cmpi slt, %add3A_267, %lt3A : i32
      %convert_element_type3A_269 = arith.extui %lt3A_268 : i1 to i32
      %cond3A_270 = arith.constant 0 : i32
      %cond3A_271 = arith.cmpi ne, %convert_element_type3A_269, %cond3A_270 : i32
      scf.if %cond3A_271 {
        %dma_start3A_533 = arith.constant 1 : i32
        %dma_start3A_534 = arith.constant 0 : i32
        %dma_start3A_535 = arith.constant 0 : i32
        %dma_start3A_536 = arith.constant 0 : i32
        %dma_start3A_537 = arith.constant 0 : i32
        %dma_start3A_538 = tpu.memref_slice %arg9[%dma_start3A_535, %dma_start3A_536, %dma_start3A_537] : memref<2x128x128xf32, #tpu.memory_space<vmem>> -> memref<1x128x128xf32, #tpu.memory_space<vmem>>
        %dma_start3A_539 = tpu.memref_squeeze %dma_start3A_538 : memref<1x128x128xf32, #tpu.memory_space<vmem>> -> memref<128x128xf32, #tpu.memory_space<vmem>>
        %dma_start3A_540 = arith.constant 0 : i32
        %dma_start3A_541 = tpu.memref_slice %arg7[%dma_start3A_533, %dma_start3A_534, %dma_start3A_540] : memref<2x8x128xi32, #tpu.memory_space<vmem>> -> memref<1x1x128xi32, #tpu.memory_space<vmem>>
        %dma_start3A_542 = tpu.memref_squeeze %dma_start3A_541 : memref<1x1x128xi32, #tpu.memory_space<vmem>> -> memref<128xi32, #tpu.memory_space<vmem>>
        %dma_start3A_543 = arith.constant 0 : i32
        %dma_start3A_544 = arith.constant 0 : i32
        %dma_start3A_545 = tpu.memref_slice %arg5[%dma_start3A_543, %dma_start3A_544] : memref<20480x128xf32, #tpu.memory_space<hbm>> -> memref<20480x128xf32, #tpu.memory_space<hbm>>
        tpu.enqueue_indirect_dma source(%dma_start3A_545 : memref<20480x128xf32, #tpu.memory_space<hbm>>) target(%dma_start3A_539 : memref<128x128xf32, #tpu.memory_space<vmem>>) offsets(%dma_start3A_542 : memref<128xi32, #tpu.memory_space<vmem>>) semaphore(%arg10 : memref<!tpu.dma_semaphore, #tpu.memory_space<semaphore_mem>>)
      } else {
      }
      %dma_wait3A_272 = arith.constant 0 : i32
      %dma_wait3A_273 = arith.constant 7 : i32
      %dma_wait3A_274 = arith.constant 1 : i32
      %dma_wait3A_275 = arith.constant 0 : i32
      %dma_wait3A_276 = arith.constant 0 : i32
      %dma_wait3A_277 = tpu.memref_slice %arg9[%dma_wait3A_274, %dma_wait3A_275, %dma_wait3A_276] : memref<2x128x128xf32, #tpu.memory_space<vmem>> -> memref<1x128x128xf32, #tpu.memory_space<vmem>>
      %dma_wait3A_278 = tpu.memref_squeeze %dma_wait3A_277 : memref<1x128x128xf32, #tpu.memory_space<vmem>> -> memref<128x128xf32, #tpu.memory_space<vmem>>
      %dma_wait3A_279 = arith.constant 0 : i32
      %dma_wait3A_280 = tpu.memref_slice %arg7[%dma_wait3A_272, %dma_wait3A_273, %dma_wait3A_279] : memref<2x8x128xi32, #tpu.memory_space<vmem>> -> memref<1x1x128xi32, #tpu.memory_space<vmem>>
      %dma_wait3A_281 = tpu.memref_squeeze %dma_wait3A_280 : memref<1x1x128xi32, #tpu.memory_space<vmem>> -> memref<128xi32, #tpu.memory_space<vmem>>
      %dma_wait3A_282 = arith.constant 0 : i32
      %dma_wait3A_283 = arith.constant 0 : i32
      %dma_wait3A_284 = tpu.memref_slice %arg5[%dma_wait3A_282, %dma_wait3A_283] : memref<20480x128xf32, #tpu.memory_space<hbm>> -> memref<20480x128xf32, #tpu.memory_space<hbm>>
      tpu.wait_indirect_dma semaphore(%arg11 : memref<!tpu.dma_semaphore, #tpu.memory_space<semaphore_mem>>) src(%dma_wait3A_284 : memref<20480x128xf32, #tpu.memory_space<hbm>>) dst(%dma_wait3A_278 : memref<128x128xf32, #tpu.memory_space<vmem>>)
      %run_scoped3A_285 = arith.constant 1 : i32
      %run_scoped3A_286 = arith.constant 0 : i32
      %run_scoped3A_287 = arith.constant 7 : i32
      "tpu.region"() ({
        %run_scoped3A_533 = tpu.sem_alloc : memref<!tpu.dma_semaphore, #tpu.memory_space<semaphore_mem>>
        %dma_start3A_534 = arith.constant 0 : i32
        %dma_start3A_535 = arith.constant 0 : i32
        %dma_start3A_536 = tpu.memref_slice %arg9[%run_scoped3A_285, %dma_start3A_534, %dma_start3A_535] : memref<2x128x128xf32, #tpu.memory_space<vmem>> -> memref<1x128x128xf32, #tpu.memory_space<vmem>>
        %dma_start3A_537 = tpu.memref_squeeze %dma_start3A_536 : memref<1x128x128xf32, #tpu.memory_space<vmem>> -> memref<128x128xf32, #tpu.memory_space<vmem>>
        %dma_start3A_538 = arith.constant 0 : i32
        %dma_start3A_539 = tpu.memref_slice %arg8[%run_scoped3A_286, %run_scoped3A_287, %dma_start3A_538] : memref<2x8x128xi32, #tpu.memory_space<vmem>> -> memref<1x1x128xi32, #tpu.memory_space<vmem>>
        %dma_start3A_540 = tpu.memref_squeeze %dma_start3A_539 : memref<1x1x128xi32, #tpu.memory_space<vmem>> -> memref<128xi32, #tpu.memory_space<vmem>>
        %dma_start3A_541 = arith.constant 0 : i32
        %dma_start3A_542 = arith.constant 0 : i32
        %dma_start3A_543 = tpu.memref_slice %arg12[%dma_start3A_541, %dma_start3A_542] : memref<10240x128xf32, #tpu.memory_space<vmem_shared>> -> memref<10240x128xf32, #tpu.memory_space<vmem_shared>>
        tpu.enqueue_indirect_dma source(%dma_start3A_537 : memref<128x128xf32, #tpu.memory_space<vmem>>) target(%dma_start3A_543 : memref<10240x128xf32, #tpu.memory_space<vmem_shared>>) offsets(%dma_start3A_540 : memref<128xi32, #tpu.memory_space<vmem>>) semaphore(%run_scoped3A_533 : memref<!tpu.dma_semaphore, #tpu.memory_space<semaphore_mem>>) {add = true}
        %dma_wait3A_544 = arith.constant 0 : i32
        %dma_wait3A_545 = arith.constant 0 : i32
        %dma_wait3A_546 = tpu.memref_slice %arg9[%run_scoped3A_285, %dma_wait3A_544, %dma_wait3A_545] : memref<2x128x128xf32, #tpu.memory_space<vmem>> -> memref<1x128x128xf32, #tpu.memory_space<vmem>>
        %dma_wait3A_547 = tpu.memref_squeeze %dma_wait3A_546 : memref<1x128x128xf32, #tpu.memory_space<vmem>> -> memref<128x128xf32, #tpu.memory_space<vmem>>
        %dma_wait3A_548 = arith.constant 0 : i32
        %dma_wait3A_549 = tpu.memref_slice %arg8[%run_scoped3A_286, %run_scoped3A_287, %dma_wait3A_548] : memref<2x8x128xi32, #tpu.memory_space<vmem>> -> memref<1x1x128xi32, #tpu.memory_space<vmem>>
        %dma_wait3A_550 = tpu.memref_squeeze %dma_wait3A_549 : memref<1x1x128xi32, #tpu.memory_space<vmem>> -> memref<128xi32, #tpu.memory_space<vmem>>
        %dma_wait3A_551 = arith.constant 0 : i32
        %dma_wait3A_552 = arith.constant 0 : i32
        %dma_wait3A_553 = tpu.memref_slice %arg12[%dma_wait3A_551, %dma_wait3A_552] : memref<10240x128xf32, #tpu.memory_space<vmem_shared>> -> memref<10240x128xf32, #tpu.memory_space<vmem_shared>>
        tpu.wait_indirect_dma semaphore(%run_scoped3A_533 : memref<!tpu.dma_semaphore, #tpu.memory_space<semaphore_mem>>) src(%dma_wait3A_547 : memref<128x128xf32, #tpu.memory_space<vmem>>) dst(%dma_wait3A_553 : memref<10240x128xf32, #tpu.memory_space<vmem_shared>>)
        tpu.yield
      }) : () -> ()
      %add3A_288 = arith.constant 1 : i32
      %add3A_289 = arith.addi %add3A_76, %add3A_288 : i32
      %lt3A_290 = arith.constant 20 : i32
      %lt3A_291 = arith.cmpi slt, %add3A_289, %lt3A_290 : i32
      %convert_element_type3A_292 = arith.extui %lt3A_291 : i1 to i32
      %cond3A_293 = arith.constant 0 : i32
      %cond3A_294 = arith.cmpi ne, %convert_element_type3A_292, %cond3A_293 : i32
      scf.if %cond3A_294 {
        %dma_start3A_533 = arith.constant 1 : i32
        %dma_start3A_534 = arith.constant 1 : i32
        %dma_start3A_535 = arith.constant 1 : i32
        %dma_start3A_536 = arith.constant 0 : i32
        %dma_start3A_537 = arith.constant 0 : i32
        %dma_start3A_538 = tpu.memref_slice %arg9[%dma_start3A_535, %dma_start3A_536, %dma_start3A_537] : memref<2x128x128xf32, #tpu.memory_space<vmem>> -> memref<1x128x128xf32, #tpu.memory_space<vmem>>
        %dma_start3A_539 = tpu.memref_squeeze %dma_start3A_538 : memref<1x128x128xf32, #tpu.memory_space<vmem>> -> memref<128x128xf32, #tpu.memory_space<vmem>>
        %dma_start3A_540 = arith.constant 0 : i32
        %dma_start3A_541 = tpu.memref_slice %arg7[%dma_start3A_533, %dma_start3A_534, %dma_start3A_540] : memref<2x8x128xi32, #tpu.memory_space<vmem>> -> memref<1x1x128xi32, #tpu.memory_space<vmem>>
        %dma_start3A_542 = tpu.memref_squeeze %dma_start3A_541 : memref<1x1x128xi32, #tpu.memory_space<vmem>> -> memref<128xi32, #tpu.memory_space<vmem>>
        %dma_start3A_543 = arith.constant 0 : i32
        %dma_start3A_544 = arith.constant 0 : i32
        %dma_start3A_545 = tpu.memref_slice %arg5[%dma_start3A_543, %dma_start3A_544] : memref<20480x128xf32, #tpu.memory_space<hbm>> -> memref<20480x128xf32, #tpu.memory_space<hbm>>
        tpu.enqueue_indirect_dma source(%dma_start3A_545 : memref<20480x128xf32, #tpu.memory_space<hbm>>) target(%dma_start3A_539 : memref<128x128xf32, #tpu.memory_space<vmem>>) offsets(%dma_start3A_542 : memref<128xi32, #tpu.memory_space<vmem>>) semaphore(%arg11 : memref<!tpu.dma_semaphore, #tpu.memory_space<semaphore_mem>>)
      } else {
      }
      %add3A_295 = arith.constant 2 : i32
      %add3A_296 = arith.addi %add3A_76, %add3A_295 : i32
      %lt3A_297 = arith.constant 20 : i32
      %lt3A_298 = arith.cmpi slt, %add3A_296, %lt3A_297 : i32
      %convert_element_type3A_299 = arith.extui %lt3A_298 : i1 to i32
      %cond3A_300 = arith.constant 0 : i32
      %cond3A_301 = arith.cmpi ne, %convert_element_type3A_299, %cond3A_300 : i32
      scf.if %cond3A_301 {
        %add3A_533 = arith.constant 2 : i32
        %add3A_534 = arith.addi %add3A_76, %add3A_533 : i32
        %mul3A_535 = arith.constant 8 : i32
        %mul3A_536 = arith.muli %add3A_534, %mul3A_535 : i32
        %add3A_537 = arith.addi %mul3A_0, %mul3A_536 : i32
        %eq3A_538 = arith.constant 0 : i32
        %eq3A_539 = arith.cmpi eq, %arg0, %eq3A_538 : i32
        %convert_element_type3A_540 = arith.extui %eq3A_539 : i1 to i32
        %cond3A_541 = arith.constant 0 : i32
        %cond3A_542 = arith.constant 0 : i32
        %cond3A_543 = arith.cmpi ne, %convert_element_type3A_540, %cond3A_542 : i32
        scf.if %cond3A_543 {
          "tpu.region"() ({
            %run_scoped3A_551 = tpu.sem_alloc : memref<!tpu.dma_semaphore, #tpu.memory_space<semaphore_mem>>
            %dma_start3A_552 = arith.constant 0 : i32
            %dma_start3A_553 = arith.constant 0 : i32
            %dma_start3A_554 = tpu.memref_slice %arg7[%cond3A_541, %dma_start3A_552, %dma_start3A_553] : memref<2x8x128xi32, #tpu.memory_space<vmem>> -> memref<1x8x128xi32, #tpu.memory_space<vmem>>
            %dma_start3A_555 = tpu.memref_squeeze %dma_start3A_554 : memref<1x8x128xi32, #tpu.memory_space<vmem>> -> memref<8x128xi32, #tpu.memory_space<vmem>>
            %dma_start3A_556 = arith.constant 0 : i32
            %dma_start3A_557 = tpu.memref_slice %arg2[%add3A_537, %dma_start3A_556] : memref<2560x128xi32, #tpu.memory_space<hbm>> -> memref<8x128xi32, #tpu.memory_space<hbm>>
            %dma_start3A_558 = arith.constant 0 : i32
            %dma_start3A_559 = arith.constant 0 : i32
            %dma_start3A_560 = tpu.memref_slice %arg7[%cond3A_541, %dma_start3A_558, %dma_start3A_559] : memref<2x8x128xi32, #tpu.memory_space<vmem>> -> memref<1x8x128xi32, #tpu.memory_space<vmem>>
            %dma_start3A_561 = tpu.memref_squeeze %dma_start3A_560 : memref<1x8x128xi32, #tpu.memory_space<vmem>> -> memref<8x128xi32, #tpu.memory_space<vmem>>
            %dma_start3A_562 = arith.constant 0 : i32
            %dma_start3A_563 = tpu.memref_slice %arg2[%add3A_537, %dma_start3A_562] : memref<2560x128xi32, #tpu.memory_space<hbm>> -> memref<8x128xi32, #tpu.memory_space<hbm>>
            tpu.enqueue_dma source(%dma_start3A_563 : memref<8x128xi32, #tpu.memory_space<hbm>>) target(%dma_start3A_561 : memref<8x128xi32, #tpu.memory_space<vmem>>) target_semaphore(%run_scoped3A_551 : memref<!tpu.dma_semaphore, #tpu.memory_space<semaphore_mem>>)
            %dma_wait3A_564 = arith.constant 0 : i32
            %dma_wait3A_565 = arith.constant 0 : i32
            %dma_wait3A_566 = tpu.memref_slice %arg7[%cond3A_541, %dma_wait3A_564, %dma_wait3A_565] : memref<2x8x128xi32, #tpu.memory_space<vmem>> -> memref<1x8x128xi32, #tpu.memory_space<vmem>>
            %dma_wait3A_567 = tpu.memref_squeeze %dma_wait3A_566 : memref<1x8x128xi32, #tpu.memory_space<vmem>> -> memref<8x128xi32, #tpu.memory_space<vmem>>
            %dma_wait3A_568 = arith.constant 0 : i32
            %dma_wait3A_569 = tpu.memref_slice %arg2[%add3A_537, %dma_wait3A_568] : memref<2560x128xi32, #tpu.memory_space<hbm>> -> memref<8x128xi32, #tpu.memory_space<hbm>>
            %dma_wait3A_570 = arith.constant 0 : i32
            %dma_wait3A_571 = arith.constant 0 : i32
            %dma_wait3A_572 = tpu.memref_slice %arg7[%cond3A_541, %dma_wait3A_570, %dma_wait3A_571] : memref<2x8x128xi32, #tpu.memory_space<vmem>> -> memref<1x8x128xi32, #tpu.memory_space<vmem>>
            %dma_wait3A_573 = tpu.memref_squeeze %dma_wait3A_572 : memref<1x8x128xi32, #tpu.memory_space<vmem>> -> memref<8x128xi32, #tpu.memory_space<vmem>>
            %dma_wait3A_574 = arith.constant 0 : i32
            %dma_wait3A_575 = tpu.memref_slice %arg2[%add3A_537, %dma_wait3A_574] : memref<2560x128xi32, #tpu.memory_space<hbm>> -> memref<8x128xi32, #tpu.memory_space<hbm>>
            tpu.wait_dma2 semaphore(%run_scoped3A_551 : memref<!tpu.dma_semaphore, #tpu.memory_space<semaphore_mem>>) src(%dma_wait3A_575 : memref<8x128xi32, #tpu.memory_space<hbm>>) dst(%dma_wait3A_573 : memref<8x128xi32, #tpu.memory_space<vmem>>)
            tpu.yield
          }) : () -> ()
        } else {
        }
        %eq3A_544 = arith.constant 1 : i32
        %eq3A_545 = arith.cmpi eq, %arg0, %eq3A_544 : i32
        %convert_element_type3A_546 = arith.extui %eq3A_545 : i1 to i32
        %cond3A_547 = arith.constant 0 : i32
        %cond3A_548 = arith.constant 0 : i32
        %cond3A_549 = arith.cmpi ne, %convert_element_type3A_546, %cond3A_548 : i32
        scf.if %cond3A_549 {
          "tpu.region"() ({
            %run_scoped3A_551 = tpu.sem_alloc : memref<!tpu.dma_semaphore, #tpu.memory_space<semaphore_mem>>
            %dma_start3A_552 = arith.constant 0 : i32
            %dma_start3A_553 = arith.constant 0 : i32
            %dma_start3A_554 = tpu.memref_slice %arg7[%cond3A_547, %dma_start3A_552, %dma_start3A_553] : memref<2x8x128xi32, #tpu.memory_space<vmem>> -> memref<1x8x128xi32, #tpu.memory_space<vmem>>
            %dma_start3A_555 = tpu.memref_squeeze %dma_start3A_554 : memref<1x8x128xi32, #tpu.memory_space<vmem>> -> memref<8x128xi32, #tpu.memory_space<vmem>>
            %dma_start3A_556 = arith.constant 0 : i32
            %dma_start3A_557 = tpu.memref_slice %arg3[%add3A_537, %dma_start3A_556] : memref<2560x128xi32, #tpu.memory_space<hbm>> -> memref<8x128xi32, #tpu.memory_space<hbm>>
            %dma_start3A_558 = arith.constant 0 : i32
            %dma_start3A_559 = arith.constant 0 : i32
            %dma_start3A_560 = tpu.memref_slice %arg7[%cond3A_547, %dma_start3A_558, %dma_start3A_559] : memref<2x8x128xi32, #tpu.memory_space<vmem>> -> memref<1x8x128xi32, #tpu.memory_space<vmem>>
            %dma_start3A_561 = tpu.memref_squeeze %dma_start3A_560 : memref<1x8x128xi32, #tpu.memory_space<vmem>> -> memref<8x128xi32, #tpu.memory_space<vmem>>
            %dma_start3A_562 = arith.constant 0 : i32
            %dma_start3A_563 = tpu.memref_slice %arg3[%add3A_537, %dma_start3A_562] : memref<2560x128xi32, #tpu.memory_space<hbm>> -> memref<8x128xi32, #tpu.memory_space<hbm>>
            tpu.enqueue_dma source(%dma_start3A_563 : memref<8x128xi32, #tpu.memory_space<hbm>>) target(%dma_start3A_561 : memref<8x128xi32, #tpu.memory_space<vmem>>) target_semaphore(%run_scoped3A_551 : memref<!tpu.dma_semaphore, #tpu.memory_space<semaphore_mem>>)
            %dma_wait3A_564 = arith.constant 0 : i32
            %dma_wait3A_565 = arith.constant 0 : i32
            %dma_wait3A_566 = tpu.memref_slice %arg7[%cond3A_547, %dma_wait3A_564, %dma_wait3A_565] : memref<2x8x128xi32, #tpu.memory_space<vmem>> -> memref<1x8x128xi32, #tpu.memory_space<vmem>>
            %dma_wait3A_567 = tpu.memref_squeeze %dma_wait3A_566 : memref<1x8x128xi32, #tpu.memory_space<vmem>> -> memref<8x128xi32, #tpu.memory_space<vmem>>
            %dma_wait3A_568 = arith.constant 0 : i32
            %dma_wait3A_569 = tpu.memref_slice %arg3[%add3A_537, %dma_wait3A_568] : memref<2560x128xi32, #tpu.memory_space<hbm>> -> memref<8x128xi32, #tpu.memory_space<hbm>>
            %dma_wait3A_570 = arith.constant 0 : i32
            %dma_wait3A_571 = arith.constant 0 : i32
            %dma_wait3A_572 = tpu.memref_slice %arg7[%cond3A_547, %dma_wait3A_570, %dma_wait3A_571] : memref<2x8x128xi32, #tpu.memory_space<vmem>> -> memref<1x8x128xi32, #tpu.memory_space<vmem>>
            %dma_wait3A_573 = tpu.memref_squeeze %dma_wait3A_572 : memref<1x8x128xi32, #tpu.memory_space<vmem>> -> memref<8x128xi32, #tpu.memory_space<vmem>>
            %dma_wait3A_574 = arith.constant 0 : i32
            %dma_wait3A_575 = tpu.memref_slice %arg3[%add3A_537, %dma_wait3A_574] : memref<2560x128xi32, #tpu.memory_space<hbm>> -> memref<8x128xi32, #tpu.memory_space<hbm>>
            tpu.wait_dma2 semaphore(%run_scoped3A_551 : memref<!tpu.dma_semaphore, #tpu.memory_space<semaphore_mem>>) src(%dma_wait3A_575 : memref<8x128xi32, #tpu.memory_space<hbm>>) dst(%dma_wait3A_573 : memref<8x128xi32, #tpu.memory_space<vmem>>)
            tpu.yield
          }) : () -> ()
        } else {
        }
        %run_scoped3A_550 = arith.constant 0 : i32
        "tpu.region"() ({
          %run_scoped3A_551 = tpu.sem_alloc : memref<!tpu.dma_semaphore, #tpu.memory_space<semaphore_mem>>
          %dma_start3A_552 = arith.constant 0 : i32
          %dma_start3A_553 = arith.constant 0 : i32
          %dma_start3A_554 = tpu.memref_slice %arg8[%run_scoped3A_550, %dma_start3A_552, %dma_start3A_553] : memref<2x8x128xi32, #tpu.memory_space<vmem>> -> memref<1x8x128xi32, #tpu.memory_space<vmem>>
          %dma_start3A_555 = tpu.memref_squeeze %dma_start3A_554 : memref<1x8x128xi32, #tpu.memory_space<vmem>> -> memref<8x128xi32, #tpu.memory_space<vmem>>
          %dma_start3A_556 = arith.constant 0 : i32
          %dma_start3A_557 = tpu.memref_slice %arg4[%add3A_537, %dma_start3A_556] : memref<2560x128xi32, #tpu.memory_space<hbm>> -> memref<8x128xi32, #tpu.memory_space<hbm>>
          %dma_start3A_558 = arith.constant 0 : i32
          %dma_start3A_559 = arith.constant 0 : i32
          %dma_start3A_560 = tpu.memref_slice %arg8[%run_scoped3A_550, %dma_start3A_558, %dma_start3A_559] : memref<2x8x128xi32, #tpu.memory_space<vmem>> -> memref<1x8x128xi32, #tpu.memory_space<vmem>>
          %dma_start3A_561 = tpu.memref_squeeze %dma_start3A_560 : memref<1x8x128xi32, #tpu.memory_space<vmem>> -> memref<8x128xi32, #tpu.memory_space<vmem>>
          %dma_start3A_562 = arith.constant 0 : i32
          %dma_start3A_563 = tpu.memref_slice %arg4[%add3A_537, %dma_start3A_562] : memref<2560x128xi32, #tpu.memory_space<hbm>> -> memref<8x128xi32, #tpu.memory_space<hbm>>
          tpu.enqueue_dma source(%dma_start3A_563 : memref<8x128xi32, #tpu.memory_space<hbm>>) target(%dma_start3A_561 : memref<8x128xi32, #tpu.memory_space<vmem>>) target_semaphore(%run_scoped3A_551 : memref<!tpu.dma_semaphore, #tpu.memory_space<semaphore_mem>>)
          %dma_wait3A_564 = arith.constant 0 : i32
          %dma_wait3A_565 = arith.constant 0 : i32
          %dma_wait3A_566 = tpu.memref_slice %arg8[%run_scoped3A_550, %dma_wait3A_564, %dma_wait3A_565] : memref<2x8x128xi32, #tpu.memory_space<vmem>> -> memref<1x8x128xi32, #tpu.memory_space<vmem>>
          %dma_wait3A_567 = tpu.memref_squeeze %dma_wait3A_566 : memref<1x8x128xi32, #tpu.memory_space<vmem>> -> memref<8x128xi32, #tpu.memory_space<vmem>>
          %dma_wait3A_568 = arith.constant 0 : i32
          %dma_wait3A_569 = tpu.memref_slice %arg4[%add3A_537, %dma_wait3A_568] : memref<2560x128xi32, #tpu.memory_space<hbm>> -> memref<8x128xi32, #tpu.memory_space<hbm>>
          %dma_wait3A_570 = arith.constant 0 : i32
          %dma_wait3A_571 = arith.constant 0 : i32
          %dma_wait3A_572 = tpu.memref_slice %arg8[%run_scoped3A_550, %dma_wait3A_570, %dma_wait3A_571] : memref<2x8x128xi32, #tpu.memory_space<vmem>> -> memref<1x8x128xi32, #tpu.memory_space<vmem>>
          %dma_wait3A_573 = tpu.memref_squeeze %dma_wait3A_572 : memref<1x8x128xi32, #tpu.memory_space<vmem>> -> memref<8x128xi32, #tpu.memory_space<vmem>>
          %dma_wait3A_574 = arith.constant 0 : i32
          %dma_wait3A_575 = tpu.memref_slice %arg4[%add3A_537, %dma_wait3A_574] : memref<2560x128xi32, #tpu.memory_space<hbm>> -> memref<8x128xi32, #tpu.memory_space<hbm>>
          tpu.wait_dma2 semaphore(%run_scoped3A_551 : memref<!tpu.dma_semaphore, #tpu.memory_space<semaphore_mem>>) src(%dma_wait3A_575 : memref<8x128xi32, #tpu.memory_space<hbm>>) dst(%dma_wait3A_573 : memref<8x128xi32, #tpu.memory_space<vmem>>)
          tpu.yield
        }) : () -> ()
      } else {
      }
      %mul3A_302 = arith.constant 2 : i32
      %mul3A_303 = arith.muli %mul3A_302, %scan3A_72 : i32
      %add3A_304 = arith.constant 1 : i32
      %add3A_305 = arith.addi %mul3A_303, %add3A_304 : i32
      %dma_wait3A_306 = arith.constant 1 : i32
      %dma_wait3A_307 = arith.constant 0 : i32
      %dma_wait3A_308 = arith.constant 0 : i32
      %dma_wait3A_309 = arith.constant 0 : i32
      %dma_wait3A_310 = arith.constant 0 : i32
      %dma_wait3A_311 = tpu.memref_slice %arg9[%dma_wait3A_308, %dma_wait3A_309, %dma_wait3A_310] : memref<2x128x128xf32, #tpu.memory_space<vmem>> -> memref<1x128x128xf32, #tpu.memory_space<vmem>>
      %dma_wait3A_312 = tpu.memref_squeeze %dma_wait3A_311 : memref<1x128x128xf32, #tpu.memory_space<vmem>> -> memref<128x128xf32, #tpu.memory_space<vmem>>
      %dma_wait3A_313 = arith.constant 0 : i32
      %dma_wait3A_314 = tpu.memref_slice %arg7[%dma_wait3A_306, %dma_wait3A_307, %dma_wait3A_313] : memref<2x8x128xi32, #tpu.memory_space<vmem>> -> memref<1x1x128xi32, #tpu.memory_space<vmem>>
      %dma_wait3A_315 = tpu.memref_squeeze %dma_wait3A_314 : memref<1x1x128xi32, #tpu.memory_space<vmem>> -> memref<128xi32, #tpu.memory_space<vmem>>
      %dma_wait3A_316 = arith.constant 0 : i32
      %dma_wait3A_317 = arith.constant 0 : i32
      %dma_wait3A_318 = tpu.memref_slice %arg5[%dma_wait3A_316, %dma_wait3A_317] : memref<20480x128xf32, #tpu.memory_space<hbm>> -> memref<20480x128xf32, #tpu.memory_space<hbm>>
      tpu.wait_indirect_dma semaphore(%arg10 : memref<!tpu.dma_semaphore, #tpu.memory_space<semaphore_mem>>) src(%dma_wait3A_318 : memref<20480x128xf32, #tpu.memory_space<hbm>>) dst(%dma_wait3A_312 : memref<128x128xf32, #tpu.memory_space<vmem>>)
      %run_scoped3A_319 = arith.constant 0 : i32
      %run_scoped3A_320 = arith.constant 1 : i32
      %run_scoped3A_321 = arith.constant 0 : i32
      "tpu.region"() ({
        %run_scoped3A_533 = tpu.sem_alloc : memref<!tpu.dma_semaphore, #tpu.memory_space<semaphore_mem>>
        %dma_start3A_534 = arith.constant 0 : i32
        %dma_start3A_535 = arith.constant 0 : i32
        %dma_start3A_536 = tpu.memref_slice %arg9[%run_scoped3A_319, %dma_start3A_534, %dma_start3A_535] : memref<2x128x128xf32, #tpu.memory_space<vmem>> -> memref<1x128x128xf32, #tpu.memory_space<vmem>>
        %dma_start3A_537 = tpu.memref_squeeze %dma_start3A_536 : memref<1x128x128xf32, #tpu.memory_space<vmem>> -> memref<128x128xf32, #tpu.memory_space<vmem>>
        %dma_start3A_538 = arith.constant 0 : i32
        %dma_start3A_539 = tpu.memref_slice %arg8[%run_scoped3A_320, %run_scoped3A_321, %dma_start3A_538] : memref<2x8x128xi32, #tpu.memory_space<vmem>> -> memref<1x1x128xi32, #tpu.memory_space<vmem>>
        %dma_start3A_540 = tpu.memref_squeeze %dma_start3A_539 : memref<1x1x128xi32, #tpu.memory_space<vmem>> -> memref<128xi32, #tpu.memory_space<vmem>>
        %dma_start3A_541 = arith.constant 0 : i32
        %dma_start3A_542 = arith.constant 0 : i32
        %dma_start3A_543 = tpu.memref_slice %arg12[%dma_start3A_541, %dma_start3A_542] : memref<10240x128xf32, #tpu.memory_space<vmem_shared>> -> memref<10240x128xf32, #tpu.memory_space<vmem_shared>>
        tpu.enqueue_indirect_dma source(%dma_start3A_537 : memref<128x128xf32, #tpu.memory_space<vmem>>) target(%dma_start3A_543 : memref<10240x128xf32, #tpu.memory_space<vmem_shared>>) offsets(%dma_start3A_540 : memref<128xi32, #tpu.memory_space<vmem>>) semaphore(%run_scoped3A_533 : memref<!tpu.dma_semaphore, #tpu.memory_space<semaphore_mem>>) {add = true}
        %dma_wait3A_544 = arith.constant 0 : i32
        %dma_wait3A_545 = arith.constant 0 : i32
        %dma_wait3A_546 = tpu.memref_slice %arg9[%run_scoped3A_319, %dma_wait3A_544, %dma_wait3A_545] : memref<2x128x128xf32, #tpu.memory_space<vmem>> -> memref<1x128x128xf32, #tpu.memory_space<vmem>>
        %dma_wait3A_547 = tpu.memref_squeeze %dma_wait3A_546 : memref<1x128x128xf32, #tpu.memory_space<vmem>> -> memref<128x128xf32, #tpu.memory_space<vmem>>
        %dma_wait3A_548 = arith.constant 0 : i32
        %dma_wait3A_549 = tpu.memref_slice %arg8[%run_scoped3A_320, %run_scoped3A_321, %dma_wait3A_548] : memref<2x8x128xi32, #tpu.memory_space<vmem>> -> memref<1x1x128xi32, #tpu.memory_space<vmem>>
        %dma_wait3A_550 = tpu.memref_squeeze %dma_wait3A_549 : memref<1x1x128xi32, #tpu.memory_space<vmem>> -> memref<128xi32, #tpu.memory_space<vmem>>
        %dma_wait3A_551 = arith.constant 0 : i32
        %dma_wait3A_552 = arith.constant 0 : i32
        %dma_wait3A_553 = tpu.memref_slice %arg12[%dma_wait3A_551, %dma_wait3A_552] : memref<10240x128xf32, #tpu.memory_space<vmem_shared>> -> memref<10240x128xf32, #tpu.memory_space<vmem_shared>>
        tpu.wait_indirect_dma semaphore(%run_scoped3A_533 : memref<!tpu.dma_semaphore, #tpu.memory_space<semaphore_mem>>) src(%dma_wait3A_547 : memref<128x128xf32, #tpu.memory_space<vmem>>) dst(%dma_wait3A_553 : memref<10240x128xf32, #tpu.memory_space<vmem_shared>>)
        tpu.yield
      }) : () -> ()
      %dma_start3A_322 = arith.constant 1 : i32
      %dma_start3A_323 = arith.constant 2 : i32
      %dma_start3A_324 = arith.constant 0 : i32
      %dma_start3A_325 = arith.constant 0 : i32
      %dma_start3A_326 = arith.constant 0 : i32
      %dma_start3A_327 = tpu.memref_slice %arg9[%dma_start3A_324, %dma_start3A_325, %dma_start3A_326] : memref<2x128x128xf32, #tpu.memory_space<vmem>> -> memref<1x128x128xf32, #tpu.memory_space<vmem>>
      %dma_start3A_328 = tpu.memref_squeeze %dma_start3A_327 : memref<1x128x128xf32, #tpu.memory_space<vmem>> -> memref<128x128xf32, #tpu.memory_space<vmem>>
      %dma_start3A_329 = arith.constant 0 : i32
      %dma_start3A_330 = tpu.memref_slice %arg7[%dma_start3A_322, %dma_start3A_323, %dma_start3A_329] : memref<2x8x128xi32, #tpu.memory_space<vmem>> -> memref<1x1x128xi32, #tpu.memory_space<vmem>>
      %dma_start3A_331 = tpu.memref_squeeze %dma_start3A_330 : memref<1x1x128xi32, #tpu.memory_space<vmem>> -> memref<128xi32, #tpu.memory_space<vmem>>
      %dma_start3A_332 = arith.constant 0 : i32
      %dma_start3A_333 = arith.constant 0 : i32
      %dma_start3A_334 = tpu.memref_slice %arg5[%dma_start3A_332, %dma_start3A_333] : memref<20480x128xf32, #tpu.memory_space<hbm>> -> memref<20480x128xf32, #tpu.memory_space<hbm>>
      tpu.enqueue_indirect_dma source(%dma_start3A_334 : memref<20480x128xf32, #tpu.memory_space<hbm>>) target(%dma_start3A_328 : memref<128x128xf32, #tpu.memory_space<vmem>>) offsets(%dma_start3A_331 : memref<128xi32, #tpu.memory_space<vmem>>) semaphore(%arg10 : memref<!tpu.dma_semaphore, #tpu.memory_space<semaphore_mem>>)
      %dma_wait3A_335 = arith.constant 1 : i32
      %dma_wait3A_336 = arith.constant 1 : i32
      %dma_wait3A_337 = arith.constant 1 : i32
      %dma_wait3A_338 = arith.constant 0 : i32
      %dma_wait3A_339 = arith.constant 0 : i32
      %dma_wait3A_340 = tpu.memref_slice %arg9[%dma_wait3A_337, %dma_wait3A_338, %dma_wait3A_339] : memref<2x128x128xf32, #tpu.memory_space<vmem>> -> memref<1x128x128xf32, #tpu.memory_space<vmem>>
      %dma_wait3A_341 = tpu.memref_squeeze %dma_wait3A_340 : memref<1x128x128xf32, #tpu.memory_space<vmem>> -> memref<128x128xf32, #tpu.memory_space<vmem>>
      %dma_wait3A_342 = arith.constant 0 : i32
      %dma_wait3A_343 = tpu.memref_slice %arg7[%dma_wait3A_335, %dma_wait3A_336, %dma_wait3A_342] : memref<2x8x128xi32, #tpu.memory_space<vmem>> -> memref<1x1x128xi32, #tpu.memory_space<vmem>>
      %dma_wait3A_344 = tpu.memref_squeeze %dma_wait3A_343 : memref<1x1x128xi32, #tpu.memory_space<vmem>> -> memref<128xi32, #tpu.memory_space<vmem>>
      %dma_wait3A_345 = arith.constant 0 : i32
      %dma_wait3A_346 = arith.constant 0 : i32
      %dma_wait3A_347 = tpu.memref_slice %arg5[%dma_wait3A_345, %dma_wait3A_346] : memref<20480x128xf32, #tpu.memory_space<hbm>> -> memref<20480x128xf32, #tpu.memory_space<hbm>>
      tpu.wait_indirect_dma semaphore(%arg11 : memref<!tpu.dma_semaphore, #tpu.memory_space<semaphore_mem>>) src(%dma_wait3A_347 : memref<20480x128xf32, #tpu.memory_space<hbm>>) dst(%dma_wait3A_341 : memref<128x128xf32, #tpu.memory_space<vmem>>)
      %run_scoped3A_348 = arith.constant 1 : i32
      %run_scoped3A_349 = arith.constant 1 : i32
      %run_scoped3A_350 = arith.constant 1 : i32
      "tpu.region"() ({
        %run_scoped3A_533 = tpu.sem_alloc : memref<!tpu.dma_semaphore, #tpu.memory_space<semaphore_mem>>
        %dma_start3A_534 = arith.constant 0 : i32
        %dma_start3A_535 = arith.constant 0 : i32
        %dma_start3A_536 = tpu.memref_slice %arg9[%run_scoped3A_348, %dma_start3A_534, %dma_start3A_535] : memref<2x128x128xf32, #tpu.memory_space<vmem>> -> memref<1x128x128xf32, #tpu.memory_space<vmem>>
        %dma_start3A_537 = tpu.memref_squeeze %dma_start3A_536 : memref<1x128x128xf32, #tpu.memory_space<vmem>> -> memref<128x128xf32, #tpu.memory_space<vmem>>
        %dma_start3A_538 = arith.constant 0 : i32
        %dma_start3A_539 = tpu.memref_slice %arg8[%run_scoped3A_349, %run_scoped3A_350, %dma_start3A_538] : memref<2x8x128xi32, #tpu.memory_space<vmem>> -> memref<1x1x128xi32, #tpu.memory_space<vmem>>
        %dma_start3A_540 = tpu.memref_squeeze %dma_start3A_539 : memref<1x1x128xi32, #tpu.memory_space<vmem>> -> memref<128xi32, #tpu.memory_space<vmem>>
        %dma_start3A_541 = arith.constant 0 : i32
        %dma_start3A_542 = arith.constant 0 : i32
        %dma_start3A_543 = tpu.memref_slice %arg12[%dma_start3A_541, %dma_start3A_542] : memref<10240x128xf32, #tpu.memory_space<vmem_shared>> -> memref<10240x128xf32, #tpu.memory_space<vmem_shared>>
        tpu.enqueue_indirect_dma source(%dma_start3A_537 : memref<128x128xf32, #tpu.memory_space<vmem>>) target(%dma_start3A_543 : memref<10240x128xf32, #tpu.memory_space<vmem_shared>>) offsets(%dma_start3A_540 : memref<128xi32, #tpu.memory_space<vmem>>) semaphore(%run_scoped3A_533 : memref<!tpu.dma_semaphore, #tpu.memory_space<semaphore_mem>>) {add = true}
        %dma_wait3A_544 = arith.constant 0 : i32
        %dma_wait3A_545 = arith.constant 0 : i32
        %dma_wait3A_546 = tpu.memref_slice %arg9[%run_scoped3A_348, %dma_wait3A_544, %dma_wait3A_545] : memref<2x128x128xf32, #tpu.memory_space<vmem>> -> memref<1x128x128xf32, #tpu.memory_space<vmem>>
        %dma_wait3A_547 = tpu.memref_squeeze %dma_wait3A_546 : memref<1x128x128xf32, #tpu.memory_space<vmem>> -> memref<128x128xf32, #tpu.memory_space<vmem>>
        %dma_wait3A_548 = arith.constant 0 : i32
        %dma_wait3A_549 = tpu.memref_slice %arg8[%run_scoped3A_349, %run_scoped3A_350, %dma_wait3A_548] : memref<2x8x128xi32, #tpu.memory_space<vmem>> -> memref<1x1x128xi32, #tpu.memory_space<vmem>>
        %dma_wait3A_550 = tpu.memref_squeeze %dma_wait3A_549 : memref<1x1x128xi32, #tpu.memory_space<vmem>> -> memref<128xi32, #tpu.memory_space<vmem>>
        %dma_wait3A_551 = arith.constant 0 : i32
        %dma_wait3A_552 = arith.constant 0 : i32
        %dma_wait3A_553 = tpu.memref_slice %arg12[%dma_wait3A_551, %dma_wait3A_552] : memref<10240x128xf32, #tpu.memory_space<vmem_shared>> -> memref<10240x128xf32, #tpu.memory_space<vmem_shared>>
        tpu.wait_indirect_dma semaphore(%run_scoped3A_533 : memref<!tpu.dma_semaphore, #tpu.memory_space<semaphore_mem>>) src(%dma_wait3A_547 : memref<128x128xf32, #tpu.memory_space<vmem>>) dst(%dma_wait3A_553 : memref<10240x128xf32, #tpu.memory_space<vmem_shared>>)
        tpu.yield
      }) : () -> ()
      %dma_start3A_351 = arith.constant 1 : i32
      %dma_start3A_352 = arith.constant 3 : i32
      %dma_start3A_353 = arith.constant 1 : i32
      %dma_start3A_354 = arith.constant 0 : i32
      %dma_start3A_355 = arith.constant 0 : i32
      %dma_start3A_356 = tpu.memref_slice %arg9[%dma_start3A_353, %dma_start3A_354, %dma_start3A_355] : memref<2x128x128xf32, #tpu.memory_space<vmem>> -> memref<1x128x128xf32, #tpu.memory_space<vmem>>
      %dma_start3A_357 = tpu.memref_squeeze %dma_start3A_356 : memref<1x128x128xf32, #tpu.memory_space<vmem>> -> memref<128x128xf32, #tpu.memory_space<vmem>>
      %dma_start3A_358 = arith.constant 0 : i32
      %dma_start3A_359 = tpu.memref_slice %arg7[%dma_start3A_351, %dma_start3A_352, %dma_start3A_358] : memref<2x8x128xi32, #tpu.memory_space<vmem>> -> memref<1x1x128xi32, #tpu.memory_space<vmem>>
      %dma_start3A_360 = tpu.memref_squeeze %dma_start3A_359 : memref<1x1x128xi32, #tpu.memory_space<vmem>> -> memref<128xi32, #tpu.memory_space<vmem>>
      %dma_start3A_361 = arith.constant 0 : i32
      %dma_start3A_362 = arith.constant 0 : i32
      %dma_start3A_363 = tpu.memref_slice %arg5[%dma_start3A_361, %dma_start3A_362] : memref<20480x128xf32, #tpu.memory_space<hbm>> -> memref<20480x128xf32, #tpu.memory_space<hbm>>
      tpu.enqueue_indirect_dma source(%dma_start3A_363 : memref<20480x128xf32, #tpu.memory_space<hbm>>) target(%dma_start3A_357 : memref<128x128xf32, #tpu.memory_space<vmem>>) offsets(%dma_start3A_360 : memref<128xi32, #tpu.memory_space<vmem>>) semaphore(%arg11 : memref<!tpu.dma_semaphore, #tpu.memory_space<semaphore_mem>>)
      %dma_wait3A_364 = arith.constant 1 : i32
      %dma_wait3A_365 = arith.constant 2 : i32
      %dma_wait3A_366 = arith.constant 0 : i32
      %dma_wait3A_367 = arith.constant 0 : i32
      %dma_wait3A_368 = arith.constant 0 : i32
      %dma_wait3A_369 = tpu.memref_slice %arg9[%dma_wait3A_366, %dma_wait3A_367, %dma_wait3A_368] : memref<2x128x128xf32, #tpu.memory_space<vmem>> -> memref<1x128x128xf32, #tpu.memory_space<vmem>>
      %dma_wait3A_370 = tpu.memref_squeeze %dma_wait3A_369 : memref<1x128x128xf32, #tpu.memory_space<vmem>> -> memref<128x128xf32, #tpu.memory_space<vmem>>
      %dma_wait3A_371 = arith.constant 0 : i32
      %dma_wait3A_372 = tpu.memref_slice %arg7[%dma_wait3A_364, %dma_wait3A_365, %dma_wait3A_371] : memref<2x8x128xi32, #tpu.memory_space<vmem>> -> memref<1x1x128xi32, #tpu.memory_space<vmem>>
      %dma_wait3A_373 = tpu.memref_squeeze %dma_wait3A_372 : memref<1x1x128xi32, #tpu.memory_space<vmem>> -> memref<128xi32, #tpu.memory_space<vmem>>
      %dma_wait3A_374 = arith.constant 0 : i32
      %dma_wait3A_375 = arith.constant 0 : i32
      %dma_wait3A_376 = tpu.memref_slice %arg5[%dma_wait3A_374, %dma_wait3A_375] : memref<20480x128xf32, #tpu.memory_space<hbm>> -> memref<20480x128xf32, #tpu.memory_space<hbm>>
      tpu.wait_indirect_dma semaphore(%arg10 : memref<!tpu.dma_semaphore, #tpu.memory_space<semaphore_mem>>) src(%dma_wait3A_376 : memref<20480x128xf32, #tpu.memory_space<hbm>>) dst(%dma_wait3A_370 : memref<128x128xf32, #tpu.memory_space<vmem>>)
      %run_scoped3A_377 = arith.constant 0 : i32
      %run_scoped3A_378 = arith.constant 1 : i32
      %run_scoped3A_379 = arith.constant 2 : i32
      "tpu.region"() ({
        %run_scoped3A_533 = tpu.sem_alloc : memref<!tpu.dma_semaphore, #tpu.memory_space<semaphore_mem>>
        %dma_start3A_534 = arith.constant 0 : i32
        %dma_start3A_535 = arith.constant 0 : i32
        %dma_start3A_536 = tpu.memref_slice %arg9[%run_scoped3A_377, %dma_start3A_534, %dma_start3A_535] : memref<2x128x128xf32, #tpu.memory_space<vmem>> -> memref<1x128x128xf32, #tpu.memory_space<vmem>>
        %dma_start3A_537 = tpu.memref_squeeze %dma_start3A_536 : memref<1x128x128xf32, #tpu.memory_space<vmem>> -> memref<128x128xf32, #tpu.memory_space<vmem>>
        %dma_start3A_538 = arith.constant 0 : i32
        %dma_start3A_539 = tpu.memref_slice %arg8[%run_scoped3A_378, %run_scoped3A_379, %dma_start3A_538] : memref<2x8x128xi32, #tpu.memory_space<vmem>> -> memref<1x1x128xi32, #tpu.memory_space<vmem>>
        %dma_start3A_540 = tpu.memref_squeeze %dma_start3A_539 : memref<1x1x128xi32, #tpu.memory_space<vmem>> -> memref<128xi32, #tpu.memory_space<vmem>>
        %dma_start3A_541 = arith.constant 0 : i32
        %dma_start3A_542 = arith.constant 0 : i32
        %dma_start3A_543 = tpu.memref_slice %arg12[%dma_start3A_541, %dma_start3A_542] : memref<10240x128xf32, #tpu.memory_space<vmem_shared>> -> memref<10240x128xf32, #tpu.memory_space<vmem_shared>>
        tpu.enqueue_indirect_dma source(%dma_start3A_537 : memref<128x128xf32, #tpu.memory_space<vmem>>) target(%dma_start3A_543 : memref<10240x128xf32, #tpu.memory_space<vmem_shared>>) offsets(%dma_start3A_540 : memref<128xi32, #tpu.memory_space<vmem>>) semaphore(%run_scoped3A_533 : memref<!tpu.dma_semaphore, #tpu.memory_space<semaphore_mem>>) {add = true}
        %dma_wait3A_544 = arith.constant 0 : i32
        %dma_wait3A_545 = arith.constant 0 : i32
        %dma_wait3A_546 = tpu.memref_slice %arg9[%run_scoped3A_377, %dma_wait3A_544, %dma_wait3A_545] : memref<2x128x128xf32, #tpu.memory_space<vmem>> -> memref<1x128x128xf32, #tpu.memory_space<vmem>>
        %dma_wait3A_547 = tpu.memref_squeeze %dma_wait3A_546 : memref<1x128x128xf32, #tpu.memory_space<vmem>> -> memref<128x128xf32, #tpu.memory_space<vmem>>
        %dma_wait3A_548 = arith.constant 0 : i32
        %dma_wait3A_549 = tpu.memref_slice %arg8[%run_scoped3A_378, %run_scoped3A_379, %dma_wait3A_548] : memref<2x8x128xi32, #tpu.memory_space<vmem>> -> memref<1x1x128xi32, #tpu.memory_space<vmem>>
        %dma_wait3A_550 = tpu.memref_squeeze %dma_wait3A_549 : memref<1x1x128xi32, #tpu.memory_space<vmem>> -> memref<128xi32, #tpu.memory_space<vmem>>
        %dma_wait3A_551 = arith.constant 0 : i32
        %dma_wait3A_552 = arith.constant 0 : i32
        %dma_wait3A_553 = tpu.memref_slice %arg12[%dma_wait3A_551, %dma_wait3A_552] : memref<10240x128xf32, #tpu.memory_space<vmem_shared>> -> memref<10240x128xf32, #tpu.memory_space<vmem_shared>>
        tpu.wait_indirect_dma semaphore(%run_scoped3A_533 : memref<!tpu.dma_semaphore, #tpu.memory_space<semaphore_mem>>) src(%dma_wait3A_547 : memref<128x128xf32, #tpu.memory_space<vmem>>) dst(%dma_wait3A_553 : memref<10240x128xf32, #tpu.memory_space<vmem_shared>>)
        tpu.yield
      }) : () -> ()
      %dma_start3A_380 = arith.constant 1 : i32
      %dma_start3A_381 = arith.constant 4 : i32
      %dma_start3A_382 = arith.constant 0 : i32
      %dma_start3A_383 = arith.constant 0 : i32
      %dma_start3A_384 = arith.constant 0 : i32
      %dma_start3A_385 = tpu.memref_slice %arg9[%dma_start3A_382, %dma_start3A_383, %dma_start3A_384] : memref<2x128x128xf32, #tpu.memory_space<vmem>> -> memref<1x128x128xf32, #tpu.memory_space<vmem>>
      %dma_start3A_386 = tpu.memref_squeeze %dma_start3A_385 : memref<1x128x128xf32, #tpu.memory_space<vmem>> -> memref<128x128xf32, #tpu.memory_space<vmem>>
      %dma_start3A_387 = arith.constant 0 : i32
      %dma_start3A_388 = tpu.memref_slice %arg7[%dma_start3A_380, %dma_start3A_381, %dma_start3A_387] : memref<2x8x128xi32, #tpu.memory_space<vmem>> -> memref<1x1x128xi32, #tpu.memory_space<vmem>>
      %dma_start3A_389 = tpu.memref_squeeze %dma_start3A_388 : memref<1x1x128xi32, #tpu.memory_space<vmem>> -> memref<128xi32, #tpu.memory_space<vmem>>
      %dma_start3A_390 = arith.constant 0 : i32
      %dma_start3A_391 = arith.constant 0 : i32
      %dma_start3A_392 = tpu.memref_slice %arg5[%dma_start3A_390, %dma_start3A_391] : memref<20480x128xf32, #tpu.memory_space<hbm>> -> memref<20480x128xf32, #tpu.memory_space<hbm>>
      tpu.enqueue_indirect_dma source(%dma_start3A_392 : memref<20480x128xf32, #tpu.memory_space<hbm>>) target(%dma_start3A_386 : memref<128x128xf32, #tpu.memory_space<vmem>>) offsets(%dma_start3A_389 : memref<128xi32, #tpu.memory_space<vmem>>) semaphore(%arg10 : memref<!tpu.dma_semaphore, #tpu.memory_space<semaphore_mem>>)
      %dma_wait3A_393 = arith.constant 1 : i32
      %dma_wait3A_394 = arith.constant 3 : i32
      %dma_wait3A_395 = arith.constant 1 : i32
      %dma_wait3A_396 = arith.constant 0 : i32
      %dma_wait3A_397 = arith.constant 0 : i32
      %dma_wait3A_398 = tpu.memref_slice %arg9[%dma_wait3A_395, %dma_wait3A_396, %dma_wait3A_397] : memref<2x128x128xf32, #tpu.memory_space<vmem>> -> memref<1x128x128xf32, #tpu.memory_space<vmem>>
      %dma_wait3A_399 = tpu.memref_squeeze %dma_wait3A_398 : memref<1x128x128xf32, #tpu.memory_space<vmem>> -> memref<128x128xf32, #tpu.memory_space<vmem>>
      %dma_wait3A_400 = arith.constant 0 : i32
      %dma_wait3A_401 = tpu.memref_slice %arg7[%dma_wait3A_393, %dma_wait3A_394, %dma_wait3A_400] : memref<2x8x128xi32, #tpu.memory_space<vmem>> -> memref<1x1x128xi32, #tpu.memory_space<vmem>>
      %dma_wait3A_402 = tpu.memref_squeeze %dma_wait3A_401 : memref<1x1x128xi32, #tpu.memory_space<vmem>> -> memref<128xi32, #tpu.memory_space<vmem>>
      %dma_wait3A_403 = arith.constant 0 : i32
      %dma_wait3A_404 = arith.constant 0 : i32
      %dma_wait3A_405 = tpu.memref_slice %arg5[%dma_wait3A_403, %dma_wait3A_404] : memref<20480x128xf32, #tpu.memory_space<hbm>> -> memref<20480x128xf32, #tpu.memory_space<hbm>>
      tpu.wait_indirect_dma semaphore(%arg11 : memref<!tpu.dma_semaphore, #tpu.memory_space<semaphore_mem>>) src(%dma_wait3A_405 : memref<20480x128xf32, #tpu.memory_space<hbm>>) dst(%dma_wait3A_399 : memref<128x128xf32, #tpu.memory_space<vmem>>)
      %run_scoped3A_406 = arith.constant 1 : i32
      %run_scoped3A_407 = arith.constant 1 : i32
      %run_scoped3A_408 = arith.constant 3 : i32
      "tpu.region"() ({
        %run_scoped3A_533 = tpu.sem_alloc : memref<!tpu.dma_semaphore, #tpu.memory_space<semaphore_mem>>
        %dma_start3A_534 = arith.constant 0 : i32
        %dma_start3A_535 = arith.constant 0 : i32
        %dma_start3A_536 = tpu.memref_slice %arg9[%run_scoped3A_406, %dma_start3A_534, %dma_start3A_535] : memref<2x128x128xf32, #tpu.memory_space<vmem>> -> memref<1x128x128xf32, #tpu.memory_space<vmem>>
        %dma_start3A_537 = tpu.memref_squeeze %dma_start3A_536 : memref<1x128x128xf32, #tpu.memory_space<vmem>> -> memref<128x128xf32, #tpu.memory_space<vmem>>
        %dma_start3A_538 = arith.constant 0 : i32
        %dma_start3A_539 = tpu.memref_slice %arg8[%run_scoped3A_407, %run_scoped3A_408, %dma_start3A_538] : memref<2x8x128xi32, #tpu.memory_space<vmem>> -> memref<1x1x128xi32, #tpu.memory_space<vmem>>
        %dma_start3A_540 = tpu.memref_squeeze %dma_start3A_539 : memref<1x1x128xi32, #tpu.memory_space<vmem>> -> memref<128xi32, #tpu.memory_space<vmem>>
        %dma_start3A_541 = arith.constant 0 : i32
        %dma_start3A_542 = arith.constant 0 : i32
        %dma_start3A_543 = tpu.memref_slice %arg12[%dma_start3A_541, %dma_start3A_542] : memref<10240x128xf32, #tpu.memory_space<vmem_shared>> -> memref<10240x128xf32, #tpu.memory_space<vmem_shared>>
        tpu.enqueue_indirect_dma source(%dma_start3A_537 : memref<128x128xf32, #tpu.memory_space<vmem>>) target(%dma_start3A_543 : memref<10240x128xf32, #tpu.memory_space<vmem_shared>>) offsets(%dma_start3A_540 : memref<128xi32, #tpu.memory_space<vmem>>) semaphore(%run_scoped3A_533 : memref<!tpu.dma_semaphore, #tpu.memory_space<semaphore_mem>>) {add = true}
        %dma_wait3A_544 = arith.constant 0 : i32
        %dma_wait3A_545 = arith.constant 0 : i32
        %dma_wait3A_546 = tpu.memref_slice %arg9[%run_scoped3A_406, %dma_wait3A_544, %dma_wait3A_545] : memref<2x128x128xf32, #tpu.memory_space<vmem>> -> memref<1x128x128xf32, #tpu.memory_space<vmem>>
        %dma_wait3A_547 = tpu.memref_squeeze %dma_wait3A_546 : memref<1x128x128xf32, #tpu.memory_space<vmem>> -> memref<128x128xf32, #tpu.memory_space<vmem>>
        %dma_wait3A_548 = arith.constant 0 : i32
        %dma_wait3A_549 = tpu.memref_slice %arg8[%run_scoped3A_407, %run_scoped3A_408, %dma_wait3A_548] : memref<2x8x128xi32, #tpu.memory_space<vmem>> -> memref<1x1x128xi32, #tpu.memory_space<vmem>>
        %dma_wait3A_550 = tpu.memref_squeeze %dma_wait3A_549 : memref<1x1x128xi32, #tpu.memory_space<vmem>> -> memref<128xi32, #tpu.memory_space<vmem>>
        %dma_wait3A_551 = arith.constant 0 : i32
        %dma_wait3A_552 = arith.constant 0 : i32
        %dma_wait3A_553 = tpu.memref_slice %arg12[%dma_wait3A_551, %dma_wait3A_552] : memref<10240x128xf32, #tpu.memory_space<vmem_shared>> -> memref<10240x128xf32, #tpu.memory_space<vmem_shared>>
        tpu.wait_indirect_dma semaphore(%run_scoped3A_533 : memref<!tpu.dma_semaphore, #tpu.memory_space<semaphore_mem>>) src(%dma_wait3A_547 : memref<128x128xf32, #tpu.memory_space<vmem>>) dst(%dma_wait3A_553 : memref<10240x128xf32, #tpu.memory_space<vmem_shared>>)
        tpu.yield
      }) : () -> ()
      %dma_start3A_409 = arith.constant 1 : i32
      %dma_start3A_410 = arith.constant 5 : i32
      %dma_start3A_411 = arith.constant 1 : i32
      %dma_start3A_412 = arith.constant 0 : i32
      %dma_start3A_413 = arith.constant 0 : i32
      %dma_start3A_414 = tpu.memref_slice %arg9[%dma_start3A_411, %dma_start3A_412, %dma_start3A_413] : memref<2x128x128xf32, #tpu.memory_space<vmem>> -> memref<1x128x128xf32, #tpu.memory_space<vmem>>
      %dma_start3A_415 = tpu.memref_squeeze %dma_start3A_414 : memref<1x128x128xf32, #tpu.memory_space<vmem>> -> memref<128x128xf32, #tpu.memory_space<vmem>>
      %dma_start3A_416 = arith.constant 0 : i32
      %dma_start3A_417 = tpu.memref_slice %arg7[%dma_start3A_409, %dma_start3A_410, %dma_start3A_416] : memref<2x8x128xi32, #tpu.memory_space<vmem>> -> memref<1x1x128xi32, #tpu.memory_space<vmem>>
      %dma_start3A_418 = tpu.memref_squeeze %dma_start3A_417 : memref<1x1x128xi32, #tpu.memory_space<vmem>> -> memref<128xi32, #tpu.memory_space<vmem>>
      %dma_start3A_419 = arith.constant 0 : i32
      %dma_start3A_420 = arith.constant 0 : i32
      %dma_start3A_421 = tpu.memref_slice %arg5[%dma_start3A_419, %dma_start3A_420] : memref<20480x128xf32, #tpu.memory_space<hbm>> -> memref<20480x128xf32, #tpu.memory_space<hbm>>
      tpu.enqueue_indirect_dma source(%dma_start3A_421 : memref<20480x128xf32, #tpu.memory_space<hbm>>) target(%dma_start3A_415 : memref<128x128xf32, #tpu.memory_space<vmem>>) offsets(%dma_start3A_418 : memref<128xi32, #tpu.memory_space<vmem>>) semaphore(%arg11 : memref<!tpu.dma_semaphore, #tpu.memory_space<semaphore_mem>>)
      %dma_wait3A_422 = arith.constant 1 : i32
      %dma_wait3A_423 = arith.constant 4 : i32
      %dma_wait3A_424 = arith.constant 0 : i32
      %dma_wait3A_425 = arith.constant 0 : i32
      %dma_wait3A_426 = arith.constant 0 : i32
      %dma_wait3A_427 = tpu.memref_slice %arg9[%dma_wait3A_424, %dma_wait3A_425, %dma_wait3A_426] : memref<2x128x128xf32, #tpu.memory_space<vmem>> -> memref<1x128x128xf32, #tpu.memory_space<vmem>>
      %dma_wait3A_428 = tpu.memref_squeeze %dma_wait3A_427 : memref<1x128x128xf32, #tpu.memory_space<vmem>> -> memref<128x128xf32, #tpu.memory_space<vmem>>
      %dma_wait3A_429 = arith.constant 0 : i32
      %dma_wait3A_430 = tpu.memref_slice %arg7[%dma_wait3A_422, %dma_wait3A_423, %dma_wait3A_429] : memref<2x8x128xi32, #tpu.memory_space<vmem>> -> memref<1x1x128xi32, #tpu.memory_space<vmem>>
      %dma_wait3A_431 = tpu.memref_squeeze %dma_wait3A_430 : memref<1x1x128xi32, #tpu.memory_space<vmem>> -> memref<128xi32, #tpu.memory_space<vmem>>
      %dma_wait3A_432 = arith.constant 0 : i32
      %dma_wait3A_433 = arith.constant 0 : i32
      %dma_wait3A_434 = tpu.memref_slice %arg5[%dma_wait3A_432, %dma_wait3A_433] : memref<20480x128xf32, #tpu.memory_space<hbm>> -> memref<20480x128xf32, #tpu.memory_space<hbm>>
      tpu.wait_indirect_dma semaphore(%arg10 : memref<!tpu.dma_semaphore, #tpu.memory_space<semaphore_mem>>) src(%dma_wait3A_434 : memref<20480x128xf32, #tpu.memory_space<hbm>>) dst(%dma_wait3A_428 : memref<128x128xf32, #tpu.memory_space<vmem>>)
      %run_scoped3A_435 = arith.constant 0 : i32
      %run_scoped3A_436 = arith.constant 1 : i32
      %run_scoped3A_437 = arith.constant 4 : i32
      "tpu.region"() ({
        %run_scoped3A_533 = tpu.sem_alloc : memref<!tpu.dma_semaphore, #tpu.memory_space<semaphore_mem>>
        %dma_start3A_534 = arith.constant 0 : i32
        %dma_start3A_535 = arith.constant 0 : i32
        %dma_start3A_536 = tpu.memref_slice %arg9[%run_scoped3A_435, %dma_start3A_534, %dma_start3A_535] : memref<2x128x128xf32, #tpu.memory_space<vmem>> -> memref<1x128x128xf32, #tpu.memory_space<vmem>>
        %dma_start3A_537 = tpu.memref_squeeze %dma_start3A_536 : memref<1x128x128xf32, #tpu.memory_space<vmem>> -> memref<128x128xf32, #tpu.memory_space<vmem>>
        %dma_start3A_538 = arith.constant 0 : i32
        %dma_start3A_539 = tpu.memref_slice %arg8[%run_scoped3A_436, %run_scoped3A_437, %dma_start3A_538] : memref<2x8x128xi32, #tpu.memory_space<vmem>> -> memref<1x1x128xi32, #tpu.memory_space<vmem>>
        %dma_start3A_540 = tpu.memref_squeeze %dma_start3A_539 : memref<1x1x128xi32, #tpu.memory_space<vmem>> -> memref<128xi32, #tpu.memory_space<vmem>>
        %dma_start3A_541 = arith.constant 0 : i32
        %dma_start3A_542 = arith.constant 0 : i32
        %dma_start3A_543 = tpu.memref_slice %arg12[%dma_start3A_541, %dma_start3A_542] : memref<10240x128xf32, #tpu.memory_space<vmem_shared>> -> memref<10240x128xf32, #tpu.memory_space<vmem_shared>>
        tpu.enqueue_indirect_dma source(%dma_start3A_537 : memref<128x128xf32, #tpu.memory_space<vmem>>) target(%dma_start3A_543 : memref<10240x128xf32, #tpu.memory_space<vmem_shared>>) offsets(%dma_start3A_540 : memref<128xi32, #tpu.memory_space<vmem>>) semaphore(%run_scoped3A_533 : memref<!tpu.dma_semaphore, #tpu.memory_space<semaphore_mem>>) {add = true}
        %dma_wait3A_544 = arith.constant 0 : i32
        %dma_wait3A_545 = arith.constant 0 : i32
        %dma_wait3A_546 = tpu.memref_slice %arg9[%run_scoped3A_435, %dma_wait3A_544, %dma_wait3A_545] : memref<2x128x128xf32, #tpu.memory_space<vmem>> -> memref<1x128x128xf32, #tpu.memory_space<vmem>>
        %dma_wait3A_547 = tpu.memref_squeeze %dma_wait3A_546 : memref<1x128x128xf32, #tpu.memory_space<vmem>> -> memref<128x128xf32, #tpu.memory_space<vmem>>
        %dma_wait3A_548 = arith.constant 0 : i32
        %dma_wait3A_549 = tpu.memref_slice %arg8[%run_scoped3A_436, %run_scoped3A_437, %dma_wait3A_548] : memref<2x8x128xi32, #tpu.memory_space<vmem>> -> memref<1x1x128xi32, #tpu.memory_space<vmem>>
        %dma_wait3A_550 = tpu.memref_squeeze %dma_wait3A_549 : memref<1x1x128xi32, #tpu.memory_space<vmem>> -> memref<128xi32, #tpu.memory_space<vmem>>
        %dma_wait3A_551 = arith.constant 0 : i32
        %dma_wait3A_552 = arith.constant 0 : i32
        %dma_wait3A_553 = tpu.memref_slice %arg12[%dma_wait3A_551, %dma_wait3A_552] : memref<10240x128xf32, #tpu.memory_space<vmem_shared>> -> memref<10240x128xf32, #tpu.memory_space<vmem_shared>>
        tpu.wait_indirect_dma semaphore(%run_scoped3A_533 : memref<!tpu.dma_semaphore, #tpu.memory_space<semaphore_mem>>) src(%dma_wait3A_547 : memref<128x128xf32, #tpu.memory_space<vmem>>) dst(%dma_wait3A_553 : memref<10240x128xf32, #tpu.memory_space<vmem_shared>>)
        tpu.yield
      }) : () -> ()
      %dma_start3A_438 = arith.constant 1 : i32
      %dma_start3A_439 = arith.constant 6 : i32
      %dma_start3A_440 = arith.constant 0 : i32
      %dma_start3A_441 = arith.constant 0 : i32
      %dma_start3A_442 = arith.constant 0 : i32
      %dma_start3A_443 = tpu.memref_slice %arg9[%dma_start3A_440, %dma_start3A_441, %dma_start3A_442] : memref<2x128x128xf32, #tpu.memory_space<vmem>> -> memref<1x128x128xf32, #tpu.memory_space<vmem>>
      %dma_start3A_444 = tpu.memref_squeeze %dma_start3A_443 : memref<1x128x128xf32, #tpu.memory_space<vmem>> -> memref<128x128xf32, #tpu.memory_space<vmem>>
      %dma_start3A_445 = arith.constant 0 : i32
      %dma_start3A_446 = tpu.memref_slice %arg7[%dma_start3A_438, %dma_start3A_439, %dma_start3A_445] : memref<2x8x128xi32, #tpu.memory_space<vmem>> -> memref<1x1x128xi32, #tpu.memory_space<vmem>>
      %dma_start3A_447 = tpu.memref_squeeze %dma_start3A_446 : memref<1x1x128xi32, #tpu.memory_space<vmem>> -> memref<128xi32, #tpu.memory_space<vmem>>
      %dma_start3A_448 = arith.constant 0 : i32
      %dma_start3A_449 = arith.constant 0 : i32
      %dma_start3A_450 = tpu.memref_slice %arg5[%dma_start3A_448, %dma_start3A_449] : memref<20480x128xf32, #tpu.memory_space<hbm>> -> memref<20480x128xf32, #tpu.memory_space<hbm>>
      tpu.enqueue_indirect_dma source(%dma_start3A_450 : memref<20480x128xf32, #tpu.memory_space<hbm>>) target(%dma_start3A_444 : memref<128x128xf32, #tpu.memory_space<vmem>>) offsets(%dma_start3A_447 : memref<128xi32, #tpu.memory_space<vmem>>) semaphore(%arg10 : memref<!tpu.dma_semaphore, #tpu.memory_space<semaphore_mem>>)
      %dma_wait3A_451 = arith.constant 1 : i32
      %dma_wait3A_452 = arith.constant 5 : i32
      %dma_wait3A_453 = arith.constant 1 : i32
      %dma_wait3A_454 = arith.constant 0 : i32
      %dma_wait3A_455 = arith.constant 0 : i32
      %dma_wait3A_456 = tpu.memref_slice %arg9[%dma_wait3A_453, %dma_wait3A_454, %dma_wait3A_455] : memref<2x128x128xf32, #tpu.memory_space<vmem>> -> memref<1x128x128xf32, #tpu.memory_space<vmem>>
      %dma_wait3A_457 = tpu.memref_squeeze %dma_wait3A_456 : memref<1x128x128xf32, #tpu.memory_space<vmem>> -> memref<128x128xf32, #tpu.memory_space<vmem>>
      %dma_wait3A_458 = arith.constant 0 : i32
      %dma_wait3A_459 = tpu.memref_slice %arg7[%dma_wait3A_451, %dma_wait3A_452, %dma_wait3A_458] : memref<2x8x128xi32, #tpu.memory_space<vmem>> -> memref<1x1x128xi32, #tpu.memory_space<vmem>>
      %dma_wait3A_460 = tpu.memref_squeeze %dma_wait3A_459 : memref<1x1x128xi32, #tpu.memory_space<vmem>> -> memref<128xi32, #tpu.memory_space<vmem>>
      %dma_wait3A_461 = arith.constant 0 : i32
      %dma_wait3A_462 = arith.constant 0 : i32
      %dma_wait3A_463 = tpu.memref_slice %arg5[%dma_wait3A_461, %dma_wait3A_462] : memref<20480x128xf32, #tpu.memory_space<hbm>> -> memref<20480x128xf32, #tpu.memory_space<hbm>>
      tpu.wait_indirect_dma semaphore(%arg11 : memref<!tpu.dma_semaphore, #tpu.memory_space<semaphore_mem>>) src(%dma_wait3A_463 : memref<20480x128xf32, #tpu.memory_space<hbm>>) dst(%dma_wait3A_457 : memref<128x128xf32, #tpu.memory_space<vmem>>)
      %run_scoped3A_464 = arith.constant 1 : i32
      %run_scoped3A_465 = arith.constant 1 : i32
      %run_scoped3A_466 = arith.constant 5 : i32
      "tpu.region"() ({
        %run_scoped3A_533 = tpu.sem_alloc : memref<!tpu.dma_semaphore, #tpu.memory_space<semaphore_mem>>
        %dma_start3A_534 = arith.constant 0 : i32
        %dma_start3A_535 = arith.constant 0 : i32
        %dma_start3A_536 = tpu.memref_slice %arg9[%run_scoped3A_464, %dma_start3A_534, %dma_start3A_535] : memref<2x128x128xf32, #tpu.memory_space<vmem>> -> memref<1x128x128xf32, #tpu.memory_space<vmem>>
        %dma_start3A_537 = tpu.memref_squeeze %dma_start3A_536 : memref<1x128x128xf32, #tpu.memory_space<vmem>> -> memref<128x128xf32, #tpu.memory_space<vmem>>
        %dma_start3A_538 = arith.constant 0 : i32
        %dma_start3A_539 = tpu.memref_slice %arg8[%run_scoped3A_465, %run_scoped3A_466, %dma_start3A_538] : memref<2x8x128xi32, #tpu.memory_space<vmem>> -> memref<1x1x128xi32, #tpu.memory_space<vmem>>
        %dma_start3A_540 = tpu.memref_squeeze %dma_start3A_539 : memref<1x1x128xi32, #tpu.memory_space<vmem>> -> memref<128xi32, #tpu.memory_space<vmem>>
        %dma_start3A_541 = arith.constant 0 : i32
        %dma_start3A_542 = arith.constant 0 : i32
        %dma_start3A_543 = tpu.memref_slice %arg12[%dma_start3A_541, %dma_start3A_542] : memref<10240x128xf32, #tpu.memory_space<vmem_shared>> -> memref<10240x128xf32, #tpu.memory_space<vmem_shared>>
        tpu.enqueue_indirect_dma source(%dma_start3A_537 : memref<128x128xf32, #tpu.memory_space<vmem>>) target(%dma_start3A_543 : memref<10240x128xf32, #tpu.memory_space<vmem_shared>>) offsets(%dma_start3A_540 : memref<128xi32, #tpu.memory_space<vmem>>) semaphore(%run_scoped3A_533 : memref<!tpu.dma_semaphore, #tpu.memory_space<semaphore_mem>>) {add = true}
        %dma_wait3A_544 = arith.constant 0 : i32
        %dma_wait3A_545 = arith.constant 0 : i32
        %dma_wait3A_546 = tpu.memref_slice %arg9[%run_scoped3A_464, %dma_wait3A_544, %dma_wait3A_545] : memref<2x128x128xf32, #tpu.memory_space<vmem>> -> memref<1x128x128xf32, #tpu.memory_space<vmem>>
        %dma_wait3A_547 = tpu.memref_squeeze %dma_wait3A_546 : memref<1x128x128xf32, #tpu.memory_space<vmem>> -> memref<128x128xf32, #tpu.memory_space<vmem>>
        %dma_wait3A_548 = arith.constant 0 : i32
        %dma_wait3A_549 = tpu.memref_slice %arg8[%run_scoped3A_465, %run_scoped3A_466, %dma_wait3A_548] : memref<2x8x128xi32, #tpu.memory_space<vmem>> -> memref<1x1x128xi32, #tpu.memory_space<vmem>>
        %dma_wait3A_550 = tpu.memref_squeeze %dma_wait3A_549 : memref<1x1x128xi32, #tpu.memory_space<vmem>> -> memref<128xi32, #tpu.memory_space<vmem>>
        %dma_wait3A_551 = arith.constant 0 : i32
        %dma_wait3A_552 = arith.constant 0 : i32
        %dma_wait3A_553 = tpu.memref_slice %arg12[%dma_wait3A_551, %dma_wait3A_552] : memref<10240x128xf32, #tpu.memory_space<vmem_shared>> -> memref<10240x128xf32, #tpu.memory_space<vmem_shared>>
        tpu.wait_indirect_dma semaphore(%run_scoped3A_533 : memref<!tpu.dma_semaphore, #tpu.memory_space<semaphore_mem>>) src(%dma_wait3A_547 : memref<128x128xf32, #tpu.memory_space<vmem>>) dst(%dma_wait3A_553 : memref<10240x128xf32, #tpu.memory_space<vmem_shared>>)
        tpu.yield
      }) : () -> ()
      %dma_start3A_467 = arith.constant 1 : i32
      %dma_start3A_468 = arith.constant 7 : i32
      %dma_start3A_469 = arith.constant 1 : i32
      %dma_start3A_470 = arith.constant 0 : i32
      %dma_start3A_471 = arith.constant 0 : i32
      %dma_start3A_472 = tpu.memref_slice %arg9[%dma_start3A_469, %dma_start3A_470, %dma_start3A_471] : memref<2x128x128xf32, #tpu.memory_space<vmem>> -> memref<1x128x128xf32, #tpu.memory_space<vmem>>
      %dma_start3A_473 = tpu.memref_squeeze %dma_start3A_472 : memref<1x128x128xf32, #tpu.memory_space<vmem>> -> memref<128x128xf32, #tpu.memory_space<vmem>>
      %dma_start3A_474 = arith.constant 0 : i32
      %dma_start3A_475 = tpu.memref_slice %arg7[%dma_start3A_467, %dma_start3A_468, %dma_start3A_474] : memref<2x8x128xi32, #tpu.memory_space<vmem>> -> memref<1x1x128xi32, #tpu.memory_space<vmem>>
      %dma_start3A_476 = tpu.memref_squeeze %dma_start3A_475 : memref<1x1x128xi32, #tpu.memory_space<vmem>> -> memref<128xi32, #tpu.memory_space<vmem>>
      %dma_start3A_477 = arith.constant 0 : i32
      %dma_start3A_478 = arith.constant 0 : i32
      %dma_start3A_479 = tpu.memref_slice %arg5[%dma_start3A_477, %dma_start3A_478] : memref<20480x128xf32, #tpu.memory_space<hbm>> -> memref<20480x128xf32, #tpu.memory_space<hbm>>
      tpu.enqueue_indirect_dma source(%dma_start3A_479 : memref<20480x128xf32, #tpu.memory_space<hbm>>) target(%dma_start3A_473 : memref<128x128xf32, #tpu.memory_space<vmem>>) offsets(%dma_start3A_476 : memref<128xi32, #tpu.memory_space<vmem>>) semaphore(%arg11 : memref<!tpu.dma_semaphore, #tpu.memory_space<semaphore_mem>>)
      %dma_wait3A_480 = arith.constant 1 : i32
      %dma_wait3A_481 = arith.constant 6 : i32
      %dma_wait3A_482 = arith.constant 0 : i32
      %dma_wait3A_483 = arith.constant 0 : i32
      %dma_wait3A_484 = arith.constant 0 : i32
      %dma_wait3A_485 = tpu.memref_slice %arg9[%dma_wait3A_482, %dma_wait3A_483, %dma_wait3A_484] : memref<2x128x128xf32, #tpu.memory_space<vmem>> -> memref<1x128x128xf32, #tpu.memory_space<vmem>>
      %dma_wait3A_486 = tpu.memref_squeeze %dma_wait3A_485 : memref<1x128x128xf32, #tpu.memory_space<vmem>> -> memref<128x128xf32, #tpu.memory_space<vmem>>
      %dma_wait3A_487 = arith.constant 0 : i32
      %dma_wait3A_488 = tpu.memref_slice %arg7[%dma_wait3A_480, %dma_wait3A_481, %dma_wait3A_487] : memref<2x8x128xi32, #tpu.memory_space<vmem>> -> memref<1x1x128xi32, #tpu.memory_space<vmem>>
      %dma_wait3A_489 = tpu.memref_squeeze %dma_wait3A_488 : memref<1x1x128xi32, #tpu.memory_space<vmem>> -> memref<128xi32, #tpu.memory_space<vmem>>
      %dma_wait3A_490 = arith.constant 0 : i32
      %dma_wait3A_491 = arith.constant 0 : i32
      %dma_wait3A_492 = tpu.memref_slice %arg5[%dma_wait3A_490, %dma_wait3A_491] : memref<20480x128xf32, #tpu.memory_space<hbm>> -> memref<20480x128xf32, #tpu.memory_space<hbm>>
      tpu.wait_indirect_dma semaphore(%arg10 : memref<!tpu.dma_semaphore, #tpu.memory_space<semaphore_mem>>) src(%dma_wait3A_492 : memref<20480x128xf32, #tpu.memory_space<hbm>>) dst(%dma_wait3A_486 : memref<128x128xf32, #tpu.memory_space<vmem>>)
      %run_scoped3A_493 = arith.constant 0 : i32
      %run_scoped3A_494 = arith.constant 1 : i32
      %run_scoped3A_495 = arith.constant 6 : i32
      "tpu.region"() ({
        %run_scoped3A_533 = tpu.sem_alloc : memref<!tpu.dma_semaphore, #tpu.memory_space<semaphore_mem>>
        %dma_start3A_534 = arith.constant 0 : i32
        %dma_start3A_535 = arith.constant 0 : i32
        %dma_start3A_536 = tpu.memref_slice %arg9[%run_scoped3A_493, %dma_start3A_534, %dma_start3A_535] : memref<2x128x128xf32, #tpu.memory_space<vmem>> -> memref<1x128x128xf32, #tpu.memory_space<vmem>>
        %dma_start3A_537 = tpu.memref_squeeze %dma_start3A_536 : memref<1x128x128xf32, #tpu.memory_space<vmem>> -> memref<128x128xf32, #tpu.memory_space<vmem>>
        %dma_start3A_538 = arith.constant 0 : i32
        %dma_start3A_539 = tpu.memref_slice %arg8[%run_scoped3A_494, %run_scoped3A_495, %dma_start3A_538] : memref<2x8x128xi32, #tpu.memory_space<vmem>> -> memref<1x1x128xi32, #tpu.memory_space<vmem>>
        %dma_start3A_540 = tpu.memref_squeeze %dma_start3A_539 : memref<1x1x128xi32, #tpu.memory_space<vmem>> -> memref<128xi32, #tpu.memory_space<vmem>>
        %dma_start3A_541 = arith.constant 0 : i32
        %dma_start3A_542 = arith.constant 0 : i32
        %dma_start3A_543 = tpu.memref_slice %arg12[%dma_start3A_541, %dma_start3A_542] : memref<10240x128xf32, #tpu.memory_space<vmem_shared>> -> memref<10240x128xf32, #tpu.memory_space<vmem_shared>>
        tpu.enqueue_indirect_dma source(%dma_start3A_537 : memref<128x128xf32, #tpu.memory_space<vmem>>) target(%dma_start3A_543 : memref<10240x128xf32, #tpu.memory_space<vmem_shared>>) offsets(%dma_start3A_540 : memref<128xi32, #tpu.memory_space<vmem>>) semaphore(%run_scoped3A_533 : memref<!tpu.dma_semaphore, #tpu.memory_space<semaphore_mem>>) {add = true}
        %dma_wait3A_544 = arith.constant 0 : i32
        %dma_wait3A_545 = arith.constant 0 : i32
        %dma_wait3A_546 = tpu.memref_slice %arg9[%run_scoped3A_493, %dma_wait3A_544, %dma_wait3A_545] : memref<2x128x128xf32, #tpu.memory_space<vmem>> -> memref<1x128x128xf32, #tpu.memory_space<vmem>>
        %dma_wait3A_547 = tpu.memref_squeeze %dma_wait3A_546 : memref<1x128x128xf32, #tpu.memory_space<vmem>> -> memref<128x128xf32, #tpu.memory_space<vmem>>
        %dma_wait3A_548 = arith.constant 0 : i32
        %dma_wait3A_549 = tpu.memref_slice %arg8[%run_scoped3A_494, %run_scoped3A_495, %dma_wait3A_548] : memref<2x8x128xi32, #tpu.memory_space<vmem>> -> memref<1x1x128xi32, #tpu.memory_space<vmem>>
        %dma_wait3A_550 = tpu.memref_squeeze %dma_wait3A_549 : memref<1x1x128xi32, #tpu.memory_space<vmem>> -> memref<128xi32, #tpu.memory_space<vmem>>
        %dma_wait3A_551 = arith.constant 0 : i32
        %dma_wait3A_552 = arith.constant 0 : i32
        %dma_wait3A_553 = tpu.memref_slice %arg12[%dma_wait3A_551, %dma_wait3A_552] : memref<10240x128xf32, #tpu.memory_space<vmem_shared>> -> memref<10240x128xf32, #tpu.memory_space<vmem_shared>>
        tpu.wait_indirect_dma semaphore(%run_scoped3A_533 : memref<!tpu.dma_semaphore, #tpu.memory_space<semaphore_mem>>) src(%dma_wait3A_547 : memref<128x128xf32, #tpu.memory_space<vmem>>) dst(%dma_wait3A_553 : memref<10240x128xf32, #tpu.memory_space<vmem_shared>>)
        tpu.yield
      }) : () -> ()
      %add3A_496 = arith.constant 1 : i32
      %add3A_497 = arith.addi %add3A_305, %add3A_496 : i32
      %lt3A_498 = arith.constant 20 : i32
      %lt3A_499 = arith.cmpi slt, %add3A_497, %lt3A_498 : i32
      %convert_element_type3A_500 = arith.extui %lt3A_499 : i1 to i32
      %cond3A_501 = arith.constant 0 : i32
      %cond3A_502 = arith.cmpi ne, %convert_element_type3A_500, %cond3A_501 : i32
      scf.if %cond3A_502 {
        %dma_start3A_533 = arith.constant 0 : i32
        %dma_start3A_534 = arith.constant 0 : i32
        %dma_start3A_535 = arith.constant 0 : i32
        %dma_start3A_536 = arith.constant 0 : i32
        %dma_start3A_537 = arith.constant 0 : i32
        %dma_start3A_538 = tpu.memref_slice %arg9[%dma_start3A_535, %dma_start3A_536, %dma_start3A_537] : memref<2x128x128xf32, #tpu.memory_space<vmem>> -> memref<1x128x128xf32, #tpu.memory_space<vmem>>
        %dma_start3A_539 = tpu.memref_squeeze %dma_start3A_538 : memref<1x128x128xf32, #tpu.memory_space<vmem>> -> memref<128x128xf32, #tpu.memory_space<vmem>>
        %dma_start3A_540 = arith.constant 0 : i32
        %dma_start3A_541 = tpu.memref_slice %arg7[%dma_start3A_533, %dma_start3A_534, %dma_start3A_540] : memref<2x8x128xi32, #tpu.memory_space<vmem>> -> memref<1x1x128xi32, #tpu.memory_space<vmem>>
        %dma_start3A_542 = tpu.memref_squeeze %dma_start3A_541 : memref<1x1x128xi32, #tpu.memory_space<vmem>> -> memref<128xi32, #tpu.memory_space<vmem>>
        %dma_start3A_543 = arith.constant 0 : i32
        %dma_start3A_544 = arith.constant 0 : i32
        %dma_start3A_545 = tpu.memref_slice %arg5[%dma_start3A_543, %dma_start3A_544] : memref<20480x128xf32, #tpu.memory_space<hbm>> -> memref<20480x128xf32, #tpu.memory_space<hbm>>
        tpu.enqueue_indirect_dma source(%dma_start3A_545 : memref<20480x128xf32, #tpu.memory_space<hbm>>) target(%dma_start3A_539 : memref<128x128xf32, #tpu.memory_space<vmem>>) offsets(%dma_start3A_542 : memref<128xi32, #tpu.memory_space<vmem>>) semaphore(%arg10 : memref<!tpu.dma_semaphore, #tpu.memory_space<semaphore_mem>>)
      } else {
      }
      %dma_wait3A_503 = arith.constant 1 : i32
      %dma_wait3A_504 = arith.constant 7 : i32
      %dma_wait3A_505 = arith.constant 1 : i32
      %dma_wait3A_506 = arith.constant 0 : i32
      %dma_wait3A_507 = arith.constant 0 : i32
      %dma_wait3A_508 = tpu.memref_slice %arg9[%dma_wait3A_505, %dma_wait3A_506, %dma_wait3A_507] : memref<2x128x128xf32, #tpu.memory_space<vmem>> -> memref<1x128x128xf32, #tpu.memory_space<vmem>>
      %dma_wait3A_509 = tpu.memref_squeeze %dma_wait3A_508 : memref<1x128x128xf32, #tpu.memory_space<vmem>> -> memref<128x128xf32, #tpu.memory_space<vmem>>
      %dma_wait3A_510 = arith.constant 0 : i32
      %dma_wait3A_511 = tpu.memref_slice %arg7[%dma_wait3A_503, %dma_wait3A_504, %dma_wait3A_510] : memref<2x8x128xi32, #tpu.memory_space<vmem>> -> memref<1x1x128xi32, #tpu.memory_space<vmem>>
      %dma_wait3A_512 = tpu.memref_squeeze %dma_wait3A_511 : memref<1x1x128xi32, #tpu.memory_space<vmem>> -> memref<128xi32, #tpu.memory_space<vmem>>
      %dma_wait3A_513 = arith.constant 0 : i32
      %dma_wait3A_514 = arith.constant 0 : i32
      %dma_wait3A_515 = tpu.memref_slice %arg5[%dma_wait3A_513, %dma_wait3A_514] : memref<20480x128xf32, #tpu.memory_space<hbm>> -> memref<20480x128xf32, #tpu.memory_space<hbm>>
      tpu.wait_indirect_dma semaphore(%arg11 : memref<!tpu.dma_semaphore, #tpu.memory_space<semaphore_mem>>) src(%dma_wait3A_515 : memref<20480x128xf32, #tpu.memory_space<hbm>>) dst(%dma_wait3A_509 : memref<128x128xf32, #tpu.memory_space<vmem>>)
      %run_scoped3A_516 = arith.constant 1 : i32
      %run_scoped3A_517 = arith.constant 1 : i32
      %run_scoped3A_518 = arith.constant 7 : i32
      "tpu.region"() ({
        %run_scoped3A_533 = tpu.sem_alloc : memref<!tpu.dma_semaphore, #tpu.memory_space<semaphore_mem>>
        %dma_start3A_534 = arith.constant 0 : i32
        %dma_start3A_535 = arith.constant 0 : i32
        %dma_start3A_536 = tpu.memref_slice %arg9[%run_scoped3A_516, %dma_start3A_534, %dma_start3A_535] : memref<2x128x128xf32, #tpu.memory_space<vmem>> -> memref<1x128x128xf32, #tpu.memory_space<vmem>>
        %dma_start3A_537 = tpu.memref_squeeze %dma_start3A_536 : memref<1x128x128xf32, #tpu.memory_space<vmem>> -> memref<128x128xf32, #tpu.memory_space<vmem>>
        %dma_start3A_538 = arith.constant 0 : i32
        %dma_start3A_539 = tpu.memref_slice %arg8[%run_scoped3A_517, %run_scoped3A_518, %dma_start3A_538] : memref<2x8x128xi32, #tpu.memory_space<vmem>> -> memref<1x1x128xi32, #tpu.memory_space<vmem>>
        %dma_start3A_540 = tpu.memref_squeeze %dma_start3A_539 : memref<1x1x128xi32, #tpu.memory_space<vmem>> -> memref<128xi32, #tpu.memory_space<vmem>>
        %dma_start3A_541 = arith.constant 0 : i32
        %dma_start3A_542 = arith.constant 0 : i32
        %dma_start3A_543 = tpu.memref_slice %arg12[%dma_start3A_541, %dma_start3A_542] : memref<10240x128xf32, #tpu.memory_space<vmem_shared>> -> memref<10240x128xf32, #tpu.memory_space<vmem_shared>>
        tpu.enqueue_indirect_dma source(%dma_start3A_537 : memref<128x128xf32, #tpu.memory_space<vmem>>) target(%dma_start3A_543 : memref<10240x128xf32, #tpu.memory_space<vmem_shared>>) offsets(%dma_start3A_540 : memref<128xi32, #tpu.memory_space<vmem>>) semaphore(%run_scoped3A_533 : memref<!tpu.dma_semaphore, #tpu.memory_space<semaphore_mem>>) {add = true}
        %dma_wait3A_544 = arith.constant 0 : i32
        %dma_wait3A_545 = arith.constant 0 : i32
        %dma_wait3A_546 = tpu.memref_slice %arg9[%run_scoped3A_516, %dma_wait3A_544, %dma_wait3A_545] : memref<2x128x128xf32, #tpu.memory_space<vmem>> -> memref<1x128x128xf32, #tpu.memory_space<vmem>>
        %dma_wait3A_547 = tpu.memref_squeeze %dma_wait3A_546 : memref<1x128x128xf32, #tpu.memory_space<vmem>> -> memref<128x128xf32, #tpu.memory_space<vmem>>
        %dma_wait3A_548 = arith.constant 0 : i32
        %dma_wait3A_549 = tpu.memref_slice %arg8[%run_scoped3A_517, %run_scoped3A_518, %dma_wait3A_548] : memref<2x8x128xi32, #tpu.memory_space<vmem>> -> memref<1x1x128xi32, #tpu.memory_space<vmem>>
        %dma_wait3A_550 = tpu.memref_squeeze %dma_wait3A_549 : memref<1x1x128xi32, #tpu.memory_space<vmem>> -> memref<128xi32, #tpu.memory_space<vmem>>
        %dma_wait3A_551 = arith.constant 0 : i32
        %dma_wait3A_552 = arith.constant 0 : i32
        %dma_wait3A_553 = tpu.memref_slice %arg12[%dma_wait3A_551, %dma_wait3A_552] : memref<10240x128xf32, #tpu.memory_space<vmem_shared>> -> memref<10240x128xf32, #tpu.memory_space<vmem_shared>>
        tpu.wait_indirect_dma semaphore(%run_scoped3A_533 : memref<!tpu.dma_semaphore, #tpu.memory_space<semaphore_mem>>) src(%dma_wait3A_547 : memref<128x128xf32, #tpu.memory_space<vmem>>) dst(%dma_wait3A_553 : memref<10240x128xf32, #tpu.memory_space<vmem_shared>>)
        tpu.yield
      }) : () -> ()
      %add3A_519 = arith.constant 1 : i32
      %add3A_520 = arith.addi %add3A_305, %add3A_519 : i32
      %lt3A_521 = arith.constant 20 : i32
      %lt3A_522 = arith.cmpi slt, %add3A_520, %lt3A_521 : i32
      %convert_element_type3A_523 = arith.extui %lt3A_522 : i1 to i32
      %cond3A_524 = arith.constant 0 : i32
      %cond3A_525 = arith.cmpi ne, %convert_element_type3A_523, %cond3A_524 : i32
      scf.if %cond3A_525 {
        %dma_start3A_533 = arith.constant 0 : i32
        %dma_start3A_534 = arith.constant 1 : i32
        %dma_start3A_535 = arith.constant 1 : i32
        %dma_start3A_536 = arith.constant 0 : i32
        %dma_start3A_537 = arith.constant 0 : i32
        %dma_start3A_538 = tpu.memref_slice %arg9[%dma_start3A_535, %dma_start3A_536, %dma_start3A_537] : memref<2x128x128xf32, #tpu.memory_space<vmem>> -> memref<1x128x128xf32, #tpu.memory_space<vmem>>
        %dma_start3A_539 = tpu.memref_squeeze %dma_start3A_538 : memref<1x128x128xf32, #tpu.memory_space<vmem>> -> memref<128x128xf32, #tpu.memory_space<vmem>>
        %dma_start3A_540 = arith.constant 0 : i32
        %dma_start3A_541 = tpu.memref_slice %arg7[%dma_start3A_533, %dma_start3A_534, %dma_start3A_540] : memref<2x8x128xi32, #tpu.memory_space<vmem>> -> memref<1x1x128xi32, #tpu.memory_space<vmem>>
        %dma_start3A_542 = tpu.memref_squeeze %dma_start3A_541 : memref<1x1x128xi32, #tpu.memory_space<vmem>> -> memref<128xi32, #tpu.memory_space<vmem>>
        %dma_start3A_543 = arith.constant 0 : i32
        %dma_start3A_544 = arith.constant 0 : i32
        %dma_start3A_545 = tpu.memref_slice %arg5[%dma_start3A_543, %dma_start3A_544] : memref<20480x128xf32, #tpu.memory_space<hbm>> -> memref<20480x128xf32, #tpu.memory_space<hbm>>
        tpu.enqueue_indirect_dma source(%dma_start3A_545 : memref<20480x128xf32, #tpu.memory_space<hbm>>) target(%dma_start3A_539 : memref<128x128xf32, #tpu.memory_space<vmem>>) offsets(%dma_start3A_542 : memref<128xi32, #tpu.memory_space<vmem>>) semaphore(%arg11 : memref<!tpu.dma_semaphore, #tpu.memory_space<semaphore_mem>>)
      } else {
      }
      %add3A_526 = arith.constant 2 : i32
      %add3A_527 = arith.addi %add3A_305, %add3A_526 : i32
      %lt3A_528 = arith.constant 20 : i32
      %lt3A_529 = arith.cmpi slt, %add3A_527, %lt3A_528 : i32
      %convert_element_type3A_530 = arith.extui %lt3A_529 : i1 to i32
      %cond3A_531 = arith.constant 0 : i32
      %cond3A_532 = arith.cmpi ne, %convert_element_type3A_530, %cond3A_531 : i32
      scf.if %cond3A_532 {
        %add3A_533 = arith.constant 2 : i32
        %add3A_534 = arith.addi %add3A_305, %add3A_533 : i32
        %mul3A_535 = arith.constant 8 : i32
        %mul3A_536 = arith.muli %add3A_534, %mul3A_535 : i32
        %add3A_537 = arith.addi %mul3A_0, %mul3A_536 : i32
        %eq3A_538 = arith.constant 0 : i32
        %eq3A_539 = arith.cmpi eq, %arg0, %eq3A_538 : i32
        %convert_element_type3A_540 = arith.extui %eq3A_539 : i1 to i32
        %cond3A_541 = arith.constant 1 : i32
        %cond3A_542 = arith.constant 0 : i32
        %cond3A_543 = arith.cmpi ne, %convert_element_type3A_540, %cond3A_542 : i32
        scf.if %cond3A_543 {
          "tpu.region"() ({
            %run_scoped3A_551 = tpu.sem_alloc : memref<!tpu.dma_semaphore, #tpu.memory_space<semaphore_mem>>
            %dma_start3A_552 = arith.constant 0 : i32
            %dma_start3A_553 = arith.constant 0 : i32
            %dma_start3A_554 = tpu.memref_slice %arg7[%cond3A_541, %dma_start3A_552, %dma_start3A_553] : memref<2x8x128xi32, #tpu.memory_space<vmem>> -> memref<1x8x128xi32, #tpu.memory_space<vmem>>
            %dma_start3A_555 = tpu.memref_squeeze %dma_start3A_554 : memref<1x8x128xi32, #tpu.memory_space<vmem>> -> memref<8x128xi32, #tpu.memory_space<vmem>>
            %dma_start3A_556 = arith.constant 0 : i32
            %dma_start3A_557 = tpu.memref_slice %arg2[%add3A_537, %dma_start3A_556] : memref<2560x128xi32, #tpu.memory_space<hbm>> -> memref<8x128xi32, #tpu.memory_space<hbm>>
            %dma_start3A_558 = arith.constant 0 : i32
            %dma_start3A_559 = arith.constant 0 : i32
            %dma_start3A_560 = tpu.memref_slice %arg7[%cond3A_541, %dma_start3A_558, %dma_start3A_559] : memref<2x8x128xi32, #tpu.memory_space<vmem>> -> memref<1x8x128xi32, #tpu.memory_space<vmem>>
            %dma_start3A_561 = tpu.memref_squeeze %dma_start3A_560 : memref<1x8x128xi32, #tpu.memory_space<vmem>> -> memref<8x128xi32, #tpu.memory_space<vmem>>
            %dma_start3A_562 = arith.constant 0 : i32
            %dma_start3A_563 = tpu.memref_slice %arg2[%add3A_537, %dma_start3A_562] : memref<2560x128xi32, #tpu.memory_space<hbm>> -> memref<8x128xi32, #tpu.memory_space<hbm>>
            tpu.enqueue_dma source(%dma_start3A_563 : memref<8x128xi32, #tpu.memory_space<hbm>>) target(%dma_start3A_561 : memref<8x128xi32, #tpu.memory_space<vmem>>) target_semaphore(%run_scoped3A_551 : memref<!tpu.dma_semaphore, #tpu.memory_space<semaphore_mem>>)
            %dma_wait3A_564 = arith.constant 0 : i32
            %dma_wait3A_565 = arith.constant 0 : i32
            %dma_wait3A_566 = tpu.memref_slice %arg7[%cond3A_541, %dma_wait3A_564, %dma_wait3A_565] : memref<2x8x128xi32, #tpu.memory_space<vmem>> -> memref<1x8x128xi32, #tpu.memory_space<vmem>>
            %dma_wait3A_567 = tpu.memref_squeeze %dma_wait3A_566 : memref<1x8x128xi32, #tpu.memory_space<vmem>> -> memref<8x128xi32, #tpu.memory_space<vmem>>
            %dma_wait3A_568 = arith.constant 0 : i32
            %dma_wait3A_569 = tpu.memref_slice %arg2[%add3A_537, %dma_wait3A_568] : memref<2560x128xi32, #tpu.memory_space<hbm>> -> memref<8x128xi32, #tpu.memory_space<hbm>>
            %dma_wait3A_570 = arith.constant 0 : i32
            %dma_wait3A_571 = arith.constant 0 : i32
            %dma_wait3A_572 = tpu.memref_slice %arg7[%cond3A_541, %dma_wait3A_570, %dma_wait3A_571] : memref<2x8x128xi32, #tpu.memory_space<vmem>> -> memref<1x8x128xi32, #tpu.memory_space<vmem>>
            %dma_wait3A_573 = tpu.memref_squeeze %dma_wait3A_572 : memref<1x8x128xi32, #tpu.memory_space<vmem>> -> memref<8x128xi32, #tpu.memory_space<vmem>>
            %dma_wait3A_574 = arith.constant 0 : i32
            %dma_wait3A_575 = tpu.memref_slice %arg2[%add3A_537, %dma_wait3A_574] : memref<2560x128xi32, #tpu.memory_space<hbm>> -> memref<8x128xi32, #tpu.memory_space<hbm>>
            tpu.wait_dma2 semaphore(%run_scoped3A_551 : memref<!tpu.dma_semaphore, #tpu.memory_space<semaphore_mem>>) src(%dma_wait3A_575 : memref<8x128xi32, #tpu.memory_space<hbm>>) dst(%dma_wait3A_573 : memref<8x128xi32, #tpu.memory_space<vmem>>)
            tpu.yield
          }) : () -> ()
        } else {
        }
        %eq3A_544 = arith.constant 1 : i32
        %eq3A_545 = arith.cmpi eq, %arg0, %eq3A_544 : i32
        %convert_element_type3A_546 = arith.extui %eq3A_545 : i1 to i32
        %cond3A_547 = arith.constant 1 : i32
        %cond3A_548 = arith.constant 0 : i32
        %cond3A_549 = arith.cmpi ne, %convert_element_type3A_546, %cond3A_548 : i32
        scf.if %cond3A_549 {
          "tpu.region"() ({
            %run_scoped3A_551 = tpu.sem_alloc : memref<!tpu.dma_semaphore, #tpu.memory_space<semaphore_mem>>
            %dma_start3A_552 = arith.constant 0 : i32
            %dma_start3A_553 = arith.constant 0 : i32
            %dma_start3A_554 = tpu.memref_slice %arg7[%cond3A_547, %dma_start3A_552, %dma_start3A_553] : memref<2x8x128xi32, #tpu.memory_space<vmem>> -> memref<1x8x128xi32, #tpu.memory_space<vmem>>
            %dma_start3A_555 = tpu.memref_squeeze %dma_start3A_554 : memref<1x8x128xi32, #tpu.memory_space<vmem>> -> memref<8x128xi32, #tpu.memory_space<vmem>>
            %dma_start3A_556 = arith.constant 0 : i32
            %dma_start3A_557 = tpu.memref_slice %arg3[%add3A_537, %dma_start3A_556] : memref<2560x128xi32, #tpu.memory_space<hbm>> -> memref<8x128xi32, #tpu.memory_space<hbm>>
            %dma_start3A_558 = arith.constant 0 : i32
            %dma_start3A_559 = arith.constant 0 : i32
            %dma_start3A_560 = tpu.memref_slice %arg7[%cond3A_547, %dma_start3A_558, %dma_start3A_559] : memref<2x8x128xi32, #tpu.memory_space<vmem>> -> memref<1x8x128xi32, #tpu.memory_space<vmem>>
            %dma_start3A_561 = tpu.memref_squeeze %dma_start3A_560 : memref<1x8x128xi32, #tpu.memory_space<vmem>> -> memref<8x128xi32, #tpu.memory_space<vmem>>
            %dma_start3A_562 = arith.constant 0 : i32
            %dma_start3A_563 = tpu.memref_slice %arg3[%add3A_537, %dma_start3A_562] : memref<2560x128xi32, #tpu.memory_space<hbm>> -> memref<8x128xi32, #tpu.memory_space<hbm>>
            tpu.enqueue_dma source(%dma_start3A_563 : memref<8x128xi32, #tpu.memory_space<hbm>>) target(%dma_start3A_561 : memref<8x128xi32, #tpu.memory_space<vmem>>) target_semaphore(%run_scoped3A_551 : memref<!tpu.dma_semaphore, #tpu.memory_space<semaphore_mem>>)
            %dma_wait3A_564 = arith.constant 0 : i32
            %dma_wait3A_565 = arith.constant 0 : i32
            %dma_wait3A_566 = tpu.memref_slice %arg7[%cond3A_547, %dma_wait3A_564, %dma_wait3A_565] : memref<2x8x128xi32, #tpu.memory_space<vmem>> -> memref<1x8x128xi32, #tpu.memory_space<vmem>>
            %dma_wait3A_567 = tpu.memref_squeeze %dma_wait3A_566 : memref<1x8x128xi32, #tpu.memory_space<vmem>> -> memref<8x128xi32, #tpu.memory_space<vmem>>
            %dma_wait3A_568 = arith.constant 0 : i32
            %dma_wait3A_569 = tpu.memref_slice %arg3[%add3A_537, %dma_wait3A_568] : memref<2560x128xi32, #tpu.memory_space<hbm>> -> memref<8x128xi32, #tpu.memory_space<hbm>>
            %dma_wait3A_570 = arith.constant 0 : i32
            %dma_wait3A_571 = arith.constant 0 : i32
            %dma_wait3A_572 = tpu.memref_slice %arg7[%cond3A_547, %dma_wait3A_570, %dma_wait3A_571] : memref<2x8x128xi32, #tpu.memory_space<vmem>> -> memref<1x8x128xi32, #tpu.memory_space<vmem>>
            %dma_wait3A_573 = tpu.memref_squeeze %dma_wait3A_572 : memref<1x8x128xi32, #tpu.memory_space<vmem>> -> memref<8x128xi32, #tpu.memory_space<vmem>>
            %dma_wait3A_574 = arith.constant 0 : i32
            %dma_wait3A_575 = tpu.memref_slice %arg3[%add3A_537, %dma_wait3A_574] : memref<2560x128xi32, #tpu.memory_space<hbm>> -> memref<8x128xi32, #tpu.memory_space<hbm>>
            tpu.wait_dma2 semaphore(%run_scoped3A_551 : memref<!tpu.dma_semaphore, #tpu.memory_space<semaphore_mem>>) src(%dma_wait3A_575 : memref<8x128xi32, #tpu.memory_space<hbm>>) dst(%dma_wait3A_573 : memref<8x128xi32, #tpu.memory_space<vmem>>)
            tpu.yield
          }) : () -> ()
        } else {
        }
        %run_scoped3A_550 = arith.constant 1 : i32
        "tpu.region"() ({
          %run_scoped3A_551 = tpu.sem_alloc : memref<!tpu.dma_semaphore, #tpu.memory_space<semaphore_mem>>
          %dma_start3A_552 = arith.constant 0 : i32
          %dma_start3A_553 = arith.constant 0 : i32
          %dma_start3A_554 = tpu.memref_slice %arg8[%run_scoped3A_550, %dma_start3A_552, %dma_start3A_553] : memref<2x8x128xi32, #tpu.memory_space<vmem>> -> memref<1x8x128xi32, #tpu.memory_space<vmem>>
          %dma_start3A_555 = tpu.memref_squeeze %dma_start3A_554 : memref<1x8x128xi32, #tpu.memory_space<vmem>> -> memref<8x128xi32, #tpu.memory_space<vmem>>
          %dma_start3A_556 = arith.constant 0 : i32
          %dma_start3A_557 = tpu.memref_slice %arg4[%add3A_537, %dma_start3A_556] : memref<2560x128xi32, #tpu.memory_space<hbm>> -> memref<8x128xi32, #tpu.memory_space<hbm>>
          %dma_start3A_558 = arith.constant 0 : i32
          %dma_start3A_559 = arith.constant 0 : i32
          %dma_start3A_560 = tpu.memref_slice %arg8[%run_scoped3A_550, %dma_start3A_558, %dma_start3A_559] : memref<2x8x128xi32, #tpu.memory_space<vmem>> -> memref<1x8x128xi32, #tpu.memory_space<vmem>>
          %dma_start3A_561 = tpu.memref_squeeze %dma_start3A_560 : memref<1x8x128xi32, #tpu.memory_space<vmem>> -> memref<8x128xi32, #tpu.memory_space<vmem>>
          %dma_start3A_562 = arith.constant 0 : i32
          %dma_start3A_563 = tpu.memref_slice %arg4[%add3A_537, %dma_start3A_562] : memref<2560x128xi32, #tpu.memory_space<hbm>> -> memref<8x128xi32, #tpu.memory_space<hbm>>
          tpu.enqueue_dma source(%dma_start3A_563 : memref<8x128xi32, #tpu.memory_space<hbm>>) target(%dma_start3A_561 : memref<8x128xi32, #tpu.memory_space<vmem>>) target_semaphore(%run_scoped3A_551 : memref<!tpu.dma_semaphore, #tpu.memory_space<semaphore_mem>>)
          %dma_wait3A_564 = arith.constant 0 : i32
          %dma_wait3A_565 = arith.constant 0 : i32
          %dma_wait3A_566 = tpu.memref_slice %arg8[%run_scoped3A_550, %dma_wait3A_564, %dma_wait3A_565] : memref<2x8x128xi32, #tpu.memory_space<vmem>> -> memref<1x8x128xi32, #tpu.memory_space<vmem>>
          %dma_wait3A_567 = tpu.memref_squeeze %dma_wait3A_566 : memref<1x8x128xi32, #tpu.memory_space<vmem>> -> memref<8x128xi32, #tpu.memory_space<vmem>>
          %dma_wait3A_568 = arith.constant 0 : i32
          %dma_wait3A_569 = tpu.memref_slice %arg4[%add3A_537, %dma_wait3A_568] : memref<2560x128xi32, #tpu.memory_space<hbm>> -> memref<8x128xi32, #tpu.memory_space<hbm>>
          %dma_wait3A_570 = arith.constant 0 : i32
          %dma_wait3A_571 = arith.constant 0 : i32
          %dma_wait3A_572 = tpu.memref_slice %arg8[%run_scoped3A_550, %dma_wait3A_570, %dma_wait3A_571] : memref<2x8x128xi32, #tpu.memory_space<vmem>> -> memref<1x8x128xi32, #tpu.memory_space<vmem>>
          %dma_wait3A_573 = tpu.memref_squeeze %dma_wait3A_572 : memref<1x8x128xi32, #tpu.memory_space<vmem>> -> memref<8x128xi32, #tpu.memory_space<vmem>>
          %dma_wait3A_574 = arith.constant 0 : i32
          %dma_wait3A_575 = tpu.memref_slice %arg4[%add3A_537, %dma_wait3A_574] : memref<2560x128xi32, #tpu.memory_space<hbm>> -> memref<8x128xi32, #tpu.memory_space<hbm>>
          tpu.wait_dma2 semaphore(%run_scoped3A_551 : memref<!tpu.dma_semaphore, #tpu.memory_space<semaphore_mem>>) src(%dma_wait3A_575 : memref<8x128xi32, #tpu.memory_space<hbm>>) dst(%dma_wait3A_573 : memref<8x128xi32, #tpu.memory_space<vmem>>)
          tpu.yield
        }) : () -> ()
      } else {
      }
    }
    %scan3A_66 = arith.constant 10 : i32
    %barrier3A_67 = arith.constant 0 : index
    tpu.barrier barrier_id(%barrier3A_67)
    %mul3A_68 = arith.constant 640 : i32
    %mul3A_69 = arith.muli %arg1, %mul3A_68 : i32
    %mul3A_70 = arith.constant 640 : i32
    %mul3A_71 = arith.muli %arg1, %mul3A_70 : i32
    "tpu.region"() ({
      %run_scoped3A_72 = tpu.sem_alloc : memref<!tpu.dma_semaphore, #tpu.memory_space<semaphore_mem>>
      %dma_start3A_73 = arith.constant 0 : i32
      %dma_start3A_74 = tpu.memref_slice %arg6[%arg0, %mul3A_71, %dma_start3A_73] : memref<2x10240x128xf32, #tpu.memory_space<hbm>> -> memref<1x640x128xf32, #tpu.memory_space<hbm>>
      %dma_start3A_75 = tpu.memref_squeeze %dma_start3A_74 : memref<1x640x128xf32, #tpu.memory_space<hbm>> -> memref<640x128xf32, #tpu.memory_space<hbm>>
      %dma_start3A_76 = arith.constant 0 : i32
      %dma_start3A_77 = tpu.memref_slice %arg12[%mul3A_69, %dma_start3A_76] : memref<10240x128xf32, #tpu.memory_space<vmem_shared>> -> memref<640x128xf32, #tpu.memory_space<vmem_shared>>
      tpu.enqueue_dma source(%dma_start3A_77 : memref<640x128xf32, #tpu.memory_space<vmem_shared>>) target(%dma_start3A_75 : memref<640x128xf32, #tpu.memory_space<hbm>>) target_semaphore(%run_scoped3A_72 : memref<!tpu.dma_semaphore, #tpu.memory_space<semaphore_mem>>)
      %dma_wait3A = arith.constant 0 : i32
      %dma_wait3A_78 = tpu.memref_slice %arg6[%arg0, %mul3A_71, %dma_wait3A] : memref<2x10240x128xf32, #tpu.memory_space<hbm>> -> memref<1x640x128xf32, #tpu.memory_space<hbm>>
      %dma_wait3A_79 = tpu.memref_squeeze %dma_wait3A_78 : memref<1x640x128xf32, #tpu.memory_space<hbm>> -> memref<640x128xf32, #tpu.memory_space<hbm>>
      %dma_wait3A_80 = arith.constant 0 : i32
      %dma_wait3A_81 = tpu.memref_slice %arg12[%mul3A_69, %dma_wait3A_80] : memref<10240x128xf32, #tpu.memory_space<vmem_shared>> -> memref<640x128xf32, #tpu.memory_space<vmem_shared>>
      tpu.wait_dma2 semaphore(%run_scoped3A_72 : memref<!tpu.dma_semaphore, #tpu.memory_space<semaphore_mem>>) src(%dma_wait3A_81 : memref<640x128xf32, #tpu.memory_space<vmem_shared>>) dst(%dma_wait3A_79 : memref<640x128xf32, #tpu.memory_space<hbm>>)
      tpu.yield
    }) : () -> ()
    return
  }
}

#map = affine_map<(d0, d1) -> (0, 0)>
#map1 = affine_map<(d0, d1) -> (0, 0, 0)>
module attributes {stable_mosaic.version = 14 : i64} {
  func.func @_sc_agg2_body(%arg0: i32, %arg1: i32, %arg2: memref<2560x128xi32, #tpu.memory_space<hbm>>, %arg3: memref<2560x128xi32, #tpu.memory_space<hbm>>, %arg4: memref<10240x128xf32, #tpu.memory_space<hbm>>, %arg5: memref<10240x128xf32, #tpu.memory_space<hbm>>, %arg6: memref<2x10240x128xf32, #tpu.memory_space<hbm>>, %arg7: memref<2x8x128xi32, #tpu.memory_space<vmem>>, %arg8: memref<2x8x128xi32, #tpu.memory_space<vmem>>, %arg9: memref<2x128x128xf32, #tpu.memory_space<vmem>>, %arg10: memref<!tpu.dma_semaphore, #tpu.memory_space<semaphore_mem>>, %arg11: memref<!tpu.dma_semaphore, #tpu.memory_space<semaphore_mem>>, %arg12: memref<10240x128xf32, #tpu.memory_space<vmem_shared>>) attributes {dimension_semantics = [#tpu.dimension_semantics<core_parallel>, #tpu.dimension_semantics<subcore_parallel>], iteration_bounds = array<i64: 2, 16>, scalar_prefetch = 0 : i64, scratch_operands = 6 : i64, tpu.core_type = #tpu.core_type<sc_vector_subcore>, window_params = [{transform_indices = #map}, {transform_indices = #map}, {transform_indices = #map}, {transform_indices = #map}, {transform_indices = #map1}]} {
    %mul3A = arith.constant 16 : i32
    %mul3A_0 = arith.muli %arg0, %mul3A : i32
    %add3A = arith.addi %mul3A_0, %arg1 : i32
    %eq3A = arith.constant 0 : i32
    %eq3A_1 = arith.cmpi eq, %arg0, %eq3A : i32
    %convert_element_type3A = arith.extui %eq3A_1 : i1 to i32
    %cond3A = arith.constant 0 : i32
    %cond3A_2 = arith.cmpi ne, %convert_element_type3A, %cond3A : i32
    scf.if %cond3A_2 {
      %mul3A_56 = arith.constant 640 : i32
      %mul3A_57 = arith.muli %arg1, %mul3A_56 : i32
      %mul3A_58 = arith.constant 640 : i32
      %mul3A_59 = arith.muli %arg1, %mul3A_58 : i32
      "tpu.region"() ({
        %run_scoped3A_60 = tpu.sem_alloc : memref<!tpu.dma_semaphore, #tpu.memory_space<semaphore_mem>>
        %dma_start3A_61 = arith.constant 0 : i32
        %dma_start3A_62 = tpu.memref_slice %arg12[%mul3A_59, %dma_start3A_61] : memref<10240x128xf32, #tpu.memory_space<vmem_shared>> -> memref<640x128xf32, #tpu.memory_space<vmem_shared>>
        %dma_start3A_63 = arith.constant 0 : i32
        %dma_start3A_64 = tpu.memref_slice %arg4[%mul3A_57, %dma_start3A_63] : memref<10240x128xf32, #tpu.memory_space<hbm>> -> memref<640x128xf32, #tpu.memory_space<hbm>>
        tpu.enqueue_dma source(%dma_start3A_64 : memref<640x128xf32, #tpu.memory_space<hbm>>) target(%dma_start3A_62 : memref<640x128xf32, #tpu.memory_space<vmem_shared>>) target_semaphore(%run_scoped3A_60 : memref<!tpu.dma_semaphore, #tpu.memory_space<semaphore_mem>>)
        %dma_wait3A = arith.constant 0 : i32
        %dma_wait3A_65 = tpu.memref_slice %arg12[%mul3A_59, %dma_wait3A] : memref<10240x128xf32, #tpu.memory_space<vmem_shared>> -> memref<640x128xf32, #tpu.memory_space<vmem_shared>>
        %dma_wait3A_66 = arith.constant 0 : i32
        %dma_wait3A_67 = tpu.memref_slice %arg4[%mul3A_57, %dma_wait3A_66] : memref<10240x128xf32, #tpu.memory_space<hbm>> -> memref<640x128xf32, #tpu.memory_space<hbm>>
        tpu.wait_dma2 semaphore(%run_scoped3A_60 : memref<!tpu.dma_semaphore, #tpu.memory_space<semaphore_mem>>) src(%dma_wait3A_67 : memref<640x128xf32, #tpu.memory_space<hbm>>) dst(%dma_wait3A_65 : memref<640x128xf32, #tpu.memory_space<vmem_shared>>)
        tpu.yield
      }) : () -> ()
    } else {
    }
    %eq3A_3 = arith.constant 1 : i32
    %eq3A_4 = arith.cmpi eq, %arg0, %eq3A_3 : i32
    %convert_element_type3A_5 = arith.extui %eq3A_4 : i1 to i32
    %cond3A_6 = arith.constant 0 : i32
    %cond3A_7 = arith.cmpi ne, %convert_element_type3A_5, %cond3A_6 : i32
    scf.if %cond3A_7 {
      %mul3A_56 = arith.constant 640 : i32
      %mul3A_57 = arith.muli %arg1, %mul3A_56 : i32
      %mul3A_58 = arith.constant 640 : i32
      %mul3A_59 = arith.muli %arg1, %mul3A_58 : i32
      "tpu.region"() ({
        %run_scoped3A_60 = tpu.sem_alloc : memref<!tpu.dma_semaphore, #tpu.memory_space<semaphore_mem>>
        %dma_start3A_61 = arith.constant 0 : i32
        %dma_start3A_62 = tpu.memref_slice %arg12[%mul3A_59, %dma_start3A_61] : memref<10240x128xf32, #tpu.memory_space<vmem_shared>> -> memref<640x128xf32, #tpu.memory_space<vmem_shared>>
        %dma_start3A_63 = arith.constant 0 : i32
        %dma_start3A_64 = tpu.memref_slice %arg5[%mul3A_57, %dma_start3A_63] : memref<10240x128xf32, #tpu.memory_space<hbm>> -> memref<640x128xf32, #tpu.memory_space<hbm>>
        tpu.enqueue_dma source(%dma_start3A_64 : memref<640x128xf32, #tpu.memory_space<hbm>>) target(%dma_start3A_62 : memref<640x128xf32, #tpu.memory_space<vmem_shared>>) target_semaphore(%run_scoped3A_60 : memref<!tpu.dma_semaphore, #tpu.memory_space<semaphore_mem>>)
        %dma_wait3A = arith.constant 0 : i32
        %dma_wait3A_65 = tpu.memref_slice %arg12[%mul3A_59, %dma_wait3A] : memref<10240x128xf32, #tpu.memory_space<vmem_shared>> -> memref<640x128xf32, #tpu.memory_space<vmem_shared>>
        %dma_wait3A_66 = arith.constant 0 : i32
        %dma_wait3A_67 = tpu.memref_slice %arg5[%mul3A_57, %dma_wait3A_66] : memref<10240x128xf32, #tpu.memory_space<hbm>> -> memref<640x128xf32, #tpu.memory_space<hbm>>
        tpu.wait_dma2 semaphore(%run_scoped3A_60 : memref<!tpu.dma_semaphore, #tpu.memory_space<semaphore_mem>>) src(%dma_wait3A_67 : memref<640x128xf32, #tpu.memory_space<hbm>>) dst(%dma_wait3A_65 : memref<640x128xf32, #tpu.memory_space<vmem_shared>>)
        tpu.yield
      }) : () -> ()
    } else {
    }
    %mul3A_8 = arith.constant 80 : i32
    %mul3A_9 = arith.muli %add3A, %mul3A_8 : i32
    %add3A_10 = arith.constant 0 : i32
    %add3A_11 = arith.addi %mul3A_9, %add3A_10 : i32
    %run_scoped3A = arith.constant 0 : i32
    "tpu.region"() ({
      %run_scoped3A_56 = tpu.sem_alloc : memref<!tpu.dma_semaphore, #tpu.memory_space<semaphore_mem>>
      %dma_start3A_57 = arith.constant 0 : i32
      %dma_start3A_58 = arith.constant 0 : i32
      %dma_start3A_59 = tpu.memref_slice %arg7[%run_scoped3A, %dma_start3A_57, %dma_start3A_58] : memref<2x8x128xi32, #tpu.memory_space<vmem>> -> memref<1x8x128xi32, #tpu.memory_space<vmem>>
      %dma_start3A_60 = tpu.memref_squeeze %dma_start3A_59 : memref<1x8x128xi32, #tpu.memory_space<vmem>> -> memref<8x128xi32, #tpu.memory_space<vmem>>
      %dma_start3A_61 = arith.constant 0 : i32
      %dma_start3A_62 = tpu.memref_slice %arg2[%add3A_11, %dma_start3A_61] : memref<2560x128xi32, #tpu.memory_space<hbm>> -> memref<8x128xi32, #tpu.memory_space<hbm>>
      %dma_start3A_63 = arith.constant 0 : i32
      %dma_start3A_64 = arith.constant 0 : i32
      %dma_start3A_65 = tpu.memref_slice %arg7[%run_scoped3A, %dma_start3A_63, %dma_start3A_64] : memref<2x8x128xi32, #tpu.memory_space<vmem>> -> memref<1x8x128xi32, #tpu.memory_space<vmem>>
      %dma_start3A_66 = tpu.memref_squeeze %dma_start3A_65 : memref<1x8x128xi32, #tpu.memory_space<vmem>> -> memref<8x128xi32, #tpu.memory_space<vmem>>
      %dma_start3A_67 = arith.constant 0 : i32
      %dma_start3A_68 = tpu.memref_slice %arg2[%add3A_11, %dma_start3A_67] : memref<2560x128xi32, #tpu.memory_space<hbm>> -> memref<8x128xi32, #tpu.memory_space<hbm>>
      tpu.enqueue_dma source(%dma_start3A_68 : memref<8x128xi32, #tpu.memory_space<hbm>>) target(%dma_start3A_66 : memref<8x128xi32, #tpu.memory_space<vmem>>) target_semaphore(%run_scoped3A_56 : memref<!tpu.dma_semaphore, #tpu.memory_space<semaphore_mem>>)
      %dma_wait3A = arith.constant 0 : i32
      %dma_wait3A_69 = arith.constant 0 : i32
      %dma_wait3A_70 = tpu.memref_slice %arg7[%run_scoped3A, %dma_wait3A, %dma_wait3A_69] : memref<2x8x128xi32, #tpu.memory_space<vmem>> -> memref<1x8x128xi32, #tpu.memory_space<vmem>>
      %dma_wait3A_71 = tpu.memref_squeeze %dma_wait3A_70 : memref<1x8x128xi32, #tpu.memory_space<vmem>> -> memref<8x128xi32, #tpu.memory_space<vmem>>
      %dma_wait3A_72 = arith.constant 0 : i32
      %dma_wait3A_73 = tpu.memref_slice %arg2[%add3A_11, %dma_wait3A_72] : memref<2560x128xi32, #tpu.memory_space<hbm>> -> memref<8x128xi32, #tpu.memory_space<hbm>>
      %dma_wait3A_74 = arith.constant 0 : i32
      %dma_wait3A_75 = arith.constant 0 : i32
      %dma_wait3A_76 = tpu.memref_slice %arg7[%run_scoped3A, %dma_wait3A_74, %dma_wait3A_75] : memref<2x8x128xi32, #tpu.memory_space<vmem>> -> memref<1x8x128xi32, #tpu.memory_space<vmem>>
      %dma_wait3A_77 = tpu.memref_squeeze %dma_wait3A_76 : memref<1x8x128xi32, #tpu.memory_space<vmem>> -> memref<8x128xi32, #tpu.memory_space<vmem>>
      %dma_wait3A_78 = arith.constant 0 : i32
      %dma_wait3A_79 = tpu.memref_slice %arg2[%add3A_11, %dma_wait3A_78] : memref<2560x128xi32, #tpu.memory_space<hbm>> -> memref<8x128xi32, #tpu.memory_space<hbm>>
      tpu.wait_dma2 semaphore(%run_scoped3A_56 : memref<!tpu.dma_semaphore, #tpu.memory_space<semaphore_mem>>) src(%dma_wait3A_79 : memref<8x128xi32, #tpu.memory_space<hbm>>) dst(%dma_wait3A_77 : memref<8x128xi32, #tpu.memory_space<vmem>>)
      tpu.yield
    }) : () -> ()
    %add3A_12 = arith.constant 0 : i32
    %add3A_13 = arith.addi %mul3A_9, %add3A_12 : i32
    %run_scoped3A_14 = arith.constant 0 : i32
    "tpu.region"() ({
      %run_scoped3A_56 = tpu.sem_alloc : memref<!tpu.dma_semaphore, #tpu.memory_space<semaphore_mem>>
      %dma_start3A_57 = arith.constant 0 : i32
      %dma_start3A_58 = arith.constant 0 : i32
      %dma_start3A_59 = tpu.memref_slice %arg8[%run_scoped3A_14, %dma_start3A_57, %dma_start3A_58] : memref<2x8x128xi32, #tpu.memory_space<vmem>> -> memref<1x8x128xi32, #tpu.memory_space<vmem>>
      %dma_start3A_60 = tpu.memref_squeeze %dma_start3A_59 : memref<1x8x128xi32, #tpu.memory_space<vmem>> -> memref<8x128xi32, #tpu.memory_space<vmem>>
      %dma_start3A_61 = arith.constant 0 : i32
      %dma_start3A_62 = tpu.memref_slice %arg3[%add3A_13, %dma_start3A_61] : memref<2560x128xi32, #tpu.memory_space<hbm>> -> memref<8x128xi32, #tpu.memory_space<hbm>>
      %dma_start3A_63 = arith.constant 0 : i32
      %dma_start3A_64 = arith.constant 0 : i32
      %dma_start3A_65 = tpu.memref_slice %arg8[%run_scoped3A_14, %dma_start3A_63, %dma_start3A_64] : memref<2x8x128xi32, #tpu.memory_space<vmem>> -> memref<1x8x128xi32, #tpu.memory_space<vmem>>
      %dma_start3A_66 = tpu.memref_squeeze %dma_start3A_65 : memref<1x8x128xi32, #tpu.memory_space<vmem>> -> memref<8x128xi32, #tpu.memory_space<vmem>>
      %dma_start3A_67 = arith.constant 0 : i32
      %dma_start3A_68 = tpu.memref_slice %arg3[%add3A_13, %dma_start3A_67] : memref<2560x128xi32, #tpu.memory_space<hbm>> -> memref<8x128xi32, #tpu.memory_space<hbm>>
      tpu.enqueue_dma source(%dma_start3A_68 : memref<8x128xi32, #tpu.memory_space<hbm>>) target(%dma_start3A_66 : memref<8x128xi32, #tpu.memory_space<vmem>>) target_semaphore(%run_scoped3A_56 : memref<!tpu.dma_semaphore, #tpu.memory_space<semaphore_mem>>)
      %dma_wait3A = arith.constant 0 : i32
      %dma_wait3A_69 = arith.constant 0 : i32
      %dma_wait3A_70 = tpu.memref_slice %arg8[%run_scoped3A_14, %dma_wait3A, %dma_wait3A_69] : memref<2x8x128xi32, #tpu.memory_space<vmem>> -> memref<1x8x128xi32, #tpu.memory_space<vmem>>
      %dma_wait3A_71 = tpu.memref_squeeze %dma_wait3A_70 : memref<1x8x128xi32, #tpu.memory_space<vmem>> -> memref<8x128xi32, #tpu.memory_space<vmem>>
      %dma_wait3A_72 = arith.constant 0 : i32
      %dma_wait3A_73 = tpu.memref_slice %arg3[%add3A_13, %dma_wait3A_72] : memref<2560x128xi32, #tpu.memory_space<hbm>> -> memref<8x128xi32, #tpu.memory_space<hbm>>
      %dma_wait3A_74 = arith.constant 0 : i32
      %dma_wait3A_75 = arith.constant 0 : i32
      %dma_wait3A_76 = tpu.memref_slice %arg8[%run_scoped3A_14, %dma_wait3A_74, %dma_wait3A_75] : memref<2x8x128xi32, #tpu.memory_space<vmem>> -> memref<1x8x128xi32, #tpu.memory_space<vmem>>
      %dma_wait3A_77 = tpu.memref_squeeze %dma_wait3A_76 : memref<1x8x128xi32, #tpu.memory_space<vmem>> -> memref<8x128xi32, #tpu.memory_space<vmem>>
      %dma_wait3A_78 = arith.constant 0 : i32
      %dma_wait3A_79 = tpu.memref_slice %arg3[%add3A_13, %dma_wait3A_78] : memref<2560x128xi32, #tpu.memory_space<hbm>> -> memref<8x128xi32, #tpu.memory_space<hbm>>
      tpu.wait_dma2 semaphore(%run_scoped3A_56 : memref<!tpu.dma_semaphore, #tpu.memory_space<semaphore_mem>>) src(%dma_wait3A_79 : memref<8x128xi32, #tpu.memory_space<hbm>>) dst(%dma_wait3A_77 : memref<8x128xi32, #tpu.memory_space<vmem>>)
      tpu.yield
    }) : () -> ()
    %add3A_15 = arith.constant 8 : i32
    %add3A_16 = arith.addi %mul3A_9, %add3A_15 : i32
    %run_scoped3A_17 = arith.constant 1 : i32
    "tpu.region"() ({
      %run_scoped3A_56 = tpu.sem_alloc : memref<!tpu.dma_semaphore, #tpu.memory_space<semaphore_mem>>
      %dma_start3A_57 = arith.constant 0 : i32
      %dma_start3A_58 = arith.constant 0 : i32
      %dma_start3A_59 = tpu.memref_slice %arg7[%run_scoped3A_17, %dma_start3A_57, %dma_start3A_58] : memref<2x8x128xi32, #tpu.memory_space<vmem>> -> memref<1x8x128xi32, #tpu.memory_space<vmem>>
      %dma_start3A_60 = tpu.memref_squeeze %dma_start3A_59 : memref<1x8x128xi32, #tpu.memory_space<vmem>> -> memref<8x128xi32, #tpu.memory_space<vmem>>
      %dma_start3A_61 = arith.constant 0 : i32
      %dma_start3A_62 = tpu.memref_slice %arg2[%add3A_16, %dma_start3A_61] : memref<2560x128xi32, #tpu.memory_space<hbm>> -> memref<8x128xi32, #tpu.memory_space<hbm>>
      %dma_start3A_63 = arith.constant 0 : i32
      %dma_start3A_64 = arith.constant 0 : i32
      %dma_start3A_65 = tpu.memref_slice %arg7[%run_scoped3A_17, %dma_start3A_63, %dma_start3A_64] : memref<2x8x128xi32, #tpu.memory_space<vmem>> -> memref<1x8x128xi32, #tpu.memory_space<vmem>>
      %dma_start3A_66 = tpu.memref_squeeze %dma_start3A_65 : memref<1x8x128xi32, #tpu.memory_space<vmem>> -> memref<8x128xi32, #tpu.memory_space<vmem>>
      %dma_start3A_67 = arith.constant 0 : i32
      %dma_start3A_68 = tpu.memref_slice %arg2[%add3A_16, %dma_start3A_67] : memref<2560x128xi32, #tpu.memory_space<hbm>> -> memref<8x128xi32, #tpu.memory_space<hbm>>
      tpu.enqueue_dma source(%dma_start3A_68 : memref<8x128xi32, #tpu.memory_space<hbm>>) target(%dma_start3A_66 : memref<8x128xi32, #tpu.memory_space<vmem>>) target_semaphore(%run_scoped3A_56 : memref<!tpu.dma_semaphore, #tpu.memory_space<semaphore_mem>>)
      %dma_wait3A = arith.constant 0 : i32
      %dma_wait3A_69 = arith.constant 0 : i32
      %dma_wait3A_70 = tpu.memref_slice %arg7[%run_scoped3A_17, %dma_wait3A, %dma_wait3A_69] : memref<2x8x128xi32, #tpu.memory_space<vmem>> -> memref<1x8x128xi32, #tpu.memory_space<vmem>>
      %dma_wait3A_71 = tpu.memref_squeeze %dma_wait3A_70 : memref<1x8x128xi32, #tpu.memory_space<vmem>> -> memref<8x128xi32, #tpu.memory_space<vmem>>
      %dma_wait3A_72 = arith.constant 0 : i32
      %dma_wait3A_73 = tpu.memref_slice %arg2[%add3A_16, %dma_wait3A_72] : memref<2560x128xi32, #tpu.memory_space<hbm>> -> memref<8x128xi32, #tpu.memory_space<hbm>>
      %dma_wait3A_74 = arith.constant 0 : i32
      %dma_wait3A_75 = arith.constant 0 : i32
      %dma_wait3A_76 = tpu.memref_slice %arg7[%run_scoped3A_17, %dma_wait3A_74, %dma_wait3A_75] : memref<2x8x128xi32, #tpu.memory_space<vmem>> -> memref<1x8x128xi32, #tpu.memory_space<vmem>>
      %dma_wait3A_77 = tpu.memref_squeeze %dma_wait3A_76 : memref<1x8x128xi32, #tpu.memory_space<vmem>> -> memref<8x128xi32, #tpu.memory_space<vmem>>
      %dma_wait3A_78 = arith.constant 0 : i32
      %dma_wait3A_79 = tpu.memref_slice %arg2[%add3A_16, %dma_wait3A_78] : memref<2560x128xi32, #tpu.memory_space<hbm>> -> memref<8x128xi32, #tpu.memory_space<hbm>>
      tpu.wait_dma2 semaphore(%run_scoped3A_56 : memref<!tpu.dma_semaphore, #tpu.memory_space<semaphore_mem>>) src(%dma_wait3A_79 : memref<8x128xi32, #tpu.memory_space<hbm>>) dst(%dma_wait3A_77 : memref<8x128xi32, #tpu.memory_space<vmem>>)
      tpu.yield
    }) : () -> ()
    %add3A_18 = arith.constant 8 : i32
    %add3A_19 = arith.addi %mul3A_9, %add3A_18 : i32
    %run_scoped3A_20 = arith.constant 1 : i32
    "tpu.region"() ({
      %run_scoped3A_56 = tpu.sem_alloc : memref<!tpu.dma_semaphore, #tpu.memory_space<semaphore_mem>>
      %dma_start3A_57 = arith.constant 0 : i32
      %dma_start3A_58 = arith.constant 0 : i32
      %dma_start3A_59 = tpu.memref_slice %arg8[%run_scoped3A_20, %dma_start3A_57, %dma_start3A_58] : memref<2x8x128xi32, #tpu.memory_space<vmem>> -> memref<1x8x128xi32, #tpu.memory_space<vmem>>
      %dma_start3A_60 = tpu.memref_squeeze %dma_start3A_59 : memref<1x8x128xi32, #tpu.memory_space<vmem>> -> memref<8x128xi32, #tpu.memory_space<vmem>>
      %dma_start3A_61 = arith.constant 0 : i32
      %dma_start3A_62 = tpu.memref_slice %arg3[%add3A_19, %dma_start3A_61] : memref<2560x128xi32, #tpu.memory_space<hbm>> -> memref<8x128xi32, #tpu.memory_space<hbm>>
      %dma_start3A_63 = arith.constant 0 : i32
      %dma_start3A_64 = arith.constant 0 : i32
      %dma_start3A_65 = tpu.memref_slice %arg8[%run_scoped3A_20, %dma_start3A_63, %dma_start3A_64] : memref<2x8x128xi32, #tpu.memory_space<vmem>> -> memref<1x8x128xi32, #tpu.memory_space<vmem>>
      %dma_start3A_66 = tpu.memref_squeeze %dma_start3A_65 : memref<1x8x128xi32, #tpu.memory_space<vmem>> -> memref<8x128xi32, #tpu.memory_space<vmem>>
      %dma_start3A_67 = arith.constant 0 : i32
      %dma_start3A_68 = tpu.memref_slice %arg3[%add3A_19, %dma_start3A_67] : memref<2560x128xi32, #tpu.memory_space<hbm>> -> memref<8x128xi32, #tpu.memory_space<hbm>>
      tpu.enqueue_dma source(%dma_start3A_68 : memref<8x128xi32, #tpu.memory_space<hbm>>) target(%dma_start3A_66 : memref<8x128xi32, #tpu.memory_space<vmem>>) target_semaphore(%run_scoped3A_56 : memref<!tpu.dma_semaphore, #tpu.memory_space<semaphore_mem>>)
      %dma_wait3A = arith.constant 0 : i32
      %dma_wait3A_69 = arith.constant 0 : i32
      %dma_wait3A_70 = tpu.memref_slice %arg8[%run_scoped3A_20, %dma_wait3A, %dma_wait3A_69] : memref<2x8x128xi32, #tpu.memory_space<vmem>> -> memref<1x8x128xi32, #tpu.memory_space<vmem>>
      %dma_wait3A_71 = tpu.memref_squeeze %dma_wait3A_70 : memref<1x8x128xi32, #tpu.memory_space<vmem>> -> memref<8x128xi32, #tpu.memory_space<vmem>>
      %dma_wait3A_72 = arith.constant 0 : i32
      %dma_wait3A_73 = tpu.memref_slice %arg3[%add3A_19, %dma_wait3A_72] : memref<2560x128xi32, #tpu.memory_space<hbm>> -> memref<8x128xi32, #tpu.memory_space<hbm>>
      %dma_wait3A_74 = arith.constant 0 : i32
      %dma_wait3A_75 = arith.constant 0 : i32
      %dma_wait3A_76 = tpu.memref_slice %arg8[%run_scoped3A_20, %dma_wait3A_74, %dma_wait3A_75] : memref<2x8x128xi32, #tpu.memory_space<vmem>> -> memref<1x8x128xi32, #tpu.memory_space<vmem>>
      %dma_wait3A_77 = tpu.memref_squeeze %dma_wait3A_76 : memref<1x8x128xi32, #tpu.memory_space<vmem>> -> memref<8x128xi32, #tpu.memory_space<vmem>>
      %dma_wait3A_78 = arith.constant 0 : i32
      %dma_wait3A_79 = tpu.memref_slice %arg3[%add3A_19, %dma_wait3A_78] : memref<2560x128xi32, #tpu.memory_space<hbm>> -> memref<8x128xi32, #tpu.memory_space<hbm>>
      tpu.wait_dma2 semaphore(%run_scoped3A_56 : memref<!tpu.dma_semaphore, #tpu.memory_space<semaphore_mem>>) src(%dma_wait3A_79 : memref<8x128xi32, #tpu.memory_space<hbm>>) dst(%dma_wait3A_77 : memref<8x128xi32, #tpu.memory_space<vmem>>)
      tpu.yield
    }) : () -> ()
    %barrier3A = arith.constant 0 : index
    tpu.barrier barrier_id(%barrier3A)
    %dma_start3A = arith.constant 0 : i32
    %dma_start3A_21 = arith.constant 0 : i32
    %dma_start3A_22 = arith.constant 0 : i32
    %dma_start3A_23 = arith.constant 0 : i32
    %dma_start3A_24 = arith.constant 0 : i32
    %dma_start3A_25 = tpu.memref_slice %arg9[%dma_start3A_22, %dma_start3A_23, %dma_start3A_24] : memref<2x128x128xf32, #tpu.memory_space<vmem>> -> memref<1x128x128xf32, #tpu.memory_space<vmem>>
    %dma_start3A_26 = tpu.memref_squeeze %dma_start3A_25 : memref<1x128x128xf32, #tpu.memory_space<vmem>> -> memref<128x128xf32, #tpu.memory_space<vmem>>
    %dma_start3A_27 = arith.constant 0 : i32
    %dma_start3A_28 = tpu.memref_slice %arg7[%dma_start3A, %dma_start3A_21, %dma_start3A_27] : memref<2x8x128xi32, #tpu.memory_space<vmem>> -> memref<1x1x128xi32, #tpu.memory_space<vmem>>
    %dma_start3A_29 = tpu.memref_squeeze %dma_start3A_28 : memref<1x1x128xi32, #tpu.memory_space<vmem>> -> memref<128xi32, #tpu.memory_space<vmem>>
    %dma_start3A_30 = arith.constant 0 : i32
    %dma_start3A_31 = arith.constant 0 : i32
    %dma_start3A_32 = tpu.memref_slice %arg4[%dma_start3A_30, %dma_start3A_31] : memref<10240x128xf32, #tpu.memory_space<hbm>> -> memref<10240x128xf32, #tpu.memory_space<hbm>>
    tpu.enqueue_indirect_dma source(%dma_start3A_32 : memref<10240x128xf32, #tpu.memory_space<hbm>>) target(%dma_start3A_26 : memref<128x128xf32, #tpu.memory_space<vmem>>) offsets(%dma_start3A_29 : memref<128xi32, #tpu.memory_space<vmem>>) semaphore(%arg10 : memref<!tpu.dma_semaphore, #tpu.memory_space<semaphore_mem>>)
    %dma_start3A_33 = arith.constant 0 : i32
    %dma_start3A_34 = arith.constant 1 : i32
    %dma_start3A_35 = arith.constant 1 : i32
    %dma_start3A_36 = arith.constant 0 : i32
    %dma_start3A_37 = arith.constant 0 : i32
    %dma_start3A_38 = tpu.memref_slice %arg9[%dma_start3A_35, %dma_start3A_36, %dma_start3A_37] : memref<2x128x128xf32, #tpu.memory_space<vmem>> -> memref<1x128x128xf32, #tpu.memory_space<vmem>>
    %dma_start3A_39 = tpu.memref_squeeze %dma_start3A_38 : memref<1x128x128xf32, #tpu.memory_space<vmem>> -> memref<128x128xf32, #tpu.memory_space<vmem>>
    %dma_start3A_40 = arith.constant 0 : i32
    %dma_start3A_41 = tpu.memref_slice %arg7[%dma_start3A_33, %dma_start3A_34, %dma_start3A_40] : memref<2x8x128xi32, #tpu.memory_space<vmem>> -> memref<1x1x128xi32, #tpu.memory_space<vmem>>
    %dma_start3A_42 = tpu.memref_squeeze %dma_start3A_41 : memref<1x1x128xi32, #tpu.memory_space<vmem>> -> memref<128xi32, #tpu.memory_space<vmem>>
    %dma_start3A_43 = arith.constant 0 : i32
    %dma_start3A_44 = arith.constant 0 : i32
    %dma_start3A_45 = tpu.memref_slice %arg4[%dma_start3A_43, %dma_start3A_44] : memref<10240x128xf32, #tpu.memory_space<hbm>> -> memref<10240x128xf32, #tpu.memory_space<hbm>>
    tpu.enqueue_indirect_dma source(%dma_start3A_45 : memref<10240x128xf32, #tpu.memory_space<hbm>>) target(%dma_start3A_39 : memref<128x128xf32, #tpu.memory_space<vmem>>) offsets(%dma_start3A_42 : memref<128xi32, #tpu.memory_space<vmem>>) semaphore(%arg11 : memref<!tpu.dma_semaphore, #tpu.memory_space<semaphore_mem>>)
    %scan3A = arith.constant 0 : i32
    %scan3A_46 = arith.constant 0 : i32
    %scan3A_47 = arith.constant 5 : i32
    %scan3A_48 = arith.addi %scan3A_46, %scan3A_47 : i32
    %scan3A_49 = arith.constant 1 : i32
    scf.for %scan3A_56 = %scan3A_46 to %scan3A_48 step %scan3A_49  : i32 {
      %mul3A_57 = arith.constant 2 : i32
      %mul3A_58 = arith.muli %mul3A_57, %scan3A_56 : i32
      %add3A_59 = arith.constant 0 : i32
      %add3A_60 = arith.addi %mul3A_58, %add3A_59 : i32
      %dma_wait3A = arith.constant 0 : i32
      %dma_wait3A_61 = arith.constant 0 : i32
      %dma_wait3A_62 = arith.constant 0 : i32
      %dma_wait3A_63 = arith.constant 0 : i32
      %dma_wait3A_64 = arith.constant 0 : i32
      %dma_wait3A_65 = tpu.memref_slice %arg9[%dma_wait3A_62, %dma_wait3A_63, %dma_wait3A_64] : memref<2x128x128xf32, #tpu.memory_space<vmem>> -> memref<1x128x128xf32, #tpu.memory_space<vmem>>
      %dma_wait3A_66 = tpu.memref_squeeze %dma_wait3A_65 : memref<1x128x128xf32, #tpu.memory_space<vmem>> -> memref<128x128xf32, #tpu.memory_space<vmem>>
      %dma_wait3A_67 = arith.constant 0 : i32
      %dma_wait3A_68 = tpu.memref_slice %arg7[%dma_wait3A, %dma_wait3A_61, %dma_wait3A_67] : memref<2x8x128xi32, #tpu.memory_space<vmem>> -> memref<1x1x128xi32, #tpu.memory_space<vmem>>
      %dma_wait3A_69 = tpu.memref_squeeze %dma_wait3A_68 : memref<1x1x128xi32, #tpu.memory_space<vmem>> -> memref<128xi32, #tpu.memory_space<vmem>>
      %dma_wait3A_70 = arith.constant 0 : i32
      %dma_wait3A_71 = arith.constant 0 : i32
      %dma_wait3A_72 = tpu.memref_slice %arg4[%dma_wait3A_70, %dma_wait3A_71] : memref<10240x128xf32, #tpu.memory_space<hbm>> -> memref<10240x128xf32, #tpu.memory_space<hbm>>
      tpu.wait_indirect_dma semaphore(%arg10 : memref<!tpu.dma_semaphore, #tpu.memory_space<semaphore_mem>>) src(%dma_wait3A_72 : memref<10240x128xf32, #tpu.memory_space<hbm>>) dst(%dma_wait3A_66 : memref<128x128xf32, #tpu.memory_space<vmem>>)
      %run_scoped3A_73 = arith.constant 0 : i32
      %run_scoped3A_74 = arith.constant 0 : i32
      %run_scoped3A_75 = arith.constant 0 : i32
      "tpu.region"() ({
        %run_scoped3A_517 = tpu.sem_alloc : memref<!tpu.dma_semaphore, #tpu.memory_space<semaphore_mem>>
        %dma_start3A_518 = arith.constant 0 : i32
        %dma_start3A_519 = arith.constant 0 : i32
        %dma_start3A_520 = tpu.memref_slice %arg9[%run_scoped3A_73, %dma_start3A_518, %dma_start3A_519] : memref<2x128x128xf32, #tpu.memory_space<vmem>> -> memref<1x128x128xf32, #tpu.memory_space<vmem>>
        %dma_start3A_521 = tpu.memref_squeeze %dma_start3A_520 : memref<1x128x128xf32, #tpu.memory_space<vmem>> -> memref<128x128xf32, #tpu.memory_space<vmem>>
        %dma_start3A_522 = arith.constant 0 : i32
        %dma_start3A_523 = tpu.memref_slice %arg8[%run_scoped3A_74, %run_scoped3A_75, %dma_start3A_522] : memref<2x8x128xi32, #tpu.memory_space<vmem>> -> memref<1x1x128xi32, #tpu.memory_space<vmem>>
        %dma_start3A_524 = tpu.memref_squeeze %dma_start3A_523 : memref<1x1x128xi32, #tpu.memory_space<vmem>> -> memref<128xi32, #tpu.memory_space<vmem>>
        %dma_start3A_525 = arith.constant 0 : i32
        %dma_start3A_526 = arith.constant 0 : i32
        %dma_start3A_527 = tpu.memref_slice %arg12[%dma_start3A_525, %dma_start3A_526] : memref<10240x128xf32, #tpu.memory_space<vmem_shared>> -> memref<10240x128xf32, #tpu.memory_space<vmem_shared>>
        tpu.enqueue_indirect_dma source(%dma_start3A_521 : memref<128x128xf32, #tpu.memory_space<vmem>>) target(%dma_start3A_527 : memref<10240x128xf32, #tpu.memory_space<vmem_shared>>) offsets(%dma_start3A_524 : memref<128xi32, #tpu.memory_space<vmem>>) semaphore(%run_scoped3A_517 : memref<!tpu.dma_semaphore, #tpu.memory_space<semaphore_mem>>) {add = true}
        %dma_wait3A_528 = arith.constant 0 : i32
        %dma_wait3A_529 = arith.constant 0 : i32
        %dma_wait3A_530 = tpu.memref_slice %arg9[%run_scoped3A_73, %dma_wait3A_528, %dma_wait3A_529] : memref<2x128x128xf32, #tpu.memory_space<vmem>> -> memref<1x128x128xf32, #tpu.memory_space<vmem>>
        %dma_wait3A_531 = tpu.memref_squeeze %dma_wait3A_530 : memref<1x128x128xf32, #tpu.memory_space<vmem>> -> memref<128x128xf32, #tpu.memory_space<vmem>>
        %dma_wait3A_532 = arith.constant 0 : i32
        %dma_wait3A_533 = tpu.memref_slice %arg8[%run_scoped3A_74, %run_scoped3A_75, %dma_wait3A_532] : memref<2x8x128xi32, #tpu.memory_space<vmem>> -> memref<1x1x128xi32, #tpu.memory_space<vmem>>
        %dma_wait3A_534 = tpu.memref_squeeze %dma_wait3A_533 : memref<1x1x128xi32, #tpu.memory_space<vmem>> -> memref<128xi32, #tpu.memory_space<vmem>>
        %dma_wait3A_535 = arith.constant 0 : i32
        %dma_wait3A_536 = arith.constant 0 : i32
        %dma_wait3A_537 = tpu.memref_slice %arg12[%dma_wait3A_535, %dma_wait3A_536] : memref<10240x128xf32, #tpu.memory_space<vmem_shared>> -> memref<10240x128xf32, #tpu.memory_space<vmem_shared>>
        tpu.wait_indirect_dma semaphore(%run_scoped3A_517 : memref<!tpu.dma_semaphore, #tpu.memory_space<semaphore_mem>>) src(%dma_wait3A_531 : memref<128x128xf32, #tpu.memory_space<vmem>>) dst(%dma_wait3A_537 : memref<10240x128xf32, #tpu.memory_space<vmem_shared>>)
        tpu.yield
      }) : () -> ()
      %dma_start3A_76 = arith.constant 0 : i32
      %dma_start3A_77 = arith.constant 2 : i32
      %dma_start3A_78 = arith.constant 0 : i32
      %dma_start3A_79 = arith.constant 0 : i32
      %dma_start3A_80 = arith.constant 0 : i32
      %dma_start3A_81 = tpu.memref_slice %arg9[%dma_start3A_78, %dma_start3A_79, %dma_start3A_80] : memref<2x128x128xf32, #tpu.memory_space<vmem>> -> memref<1x128x128xf32, #tpu.memory_space<vmem>>
      %dma_start3A_82 = tpu.memref_squeeze %dma_start3A_81 : memref<1x128x128xf32, #tpu.memory_space<vmem>> -> memref<128x128xf32, #tpu.memory_space<vmem>>
      %dma_start3A_83 = arith.constant 0 : i32
      %dma_start3A_84 = tpu.memref_slice %arg7[%dma_start3A_76, %dma_start3A_77, %dma_start3A_83] : memref<2x8x128xi32, #tpu.memory_space<vmem>> -> memref<1x1x128xi32, #tpu.memory_space<vmem>>
      %dma_start3A_85 = tpu.memref_squeeze %dma_start3A_84 : memref<1x1x128xi32, #tpu.memory_space<vmem>> -> memref<128xi32, #tpu.memory_space<vmem>>
      %dma_start3A_86 = arith.constant 0 : i32
      %dma_start3A_87 = arith.constant 0 : i32
      %dma_start3A_88 = tpu.memref_slice %arg4[%dma_start3A_86, %dma_start3A_87] : memref<10240x128xf32, #tpu.memory_space<hbm>> -> memref<10240x128xf32, #tpu.memory_space<hbm>>
      tpu.enqueue_indirect_dma source(%dma_start3A_88 : memref<10240x128xf32, #tpu.memory_space<hbm>>) target(%dma_start3A_82 : memref<128x128xf32, #tpu.memory_space<vmem>>) offsets(%dma_start3A_85 : memref<128xi32, #tpu.memory_space<vmem>>) semaphore(%arg10 : memref<!tpu.dma_semaphore, #tpu.memory_space<semaphore_mem>>)
      %dma_wait3A_89 = arith.constant 0 : i32
      %dma_wait3A_90 = arith.constant 1 : i32
      %dma_wait3A_91 = arith.constant 1 : i32
      %dma_wait3A_92 = arith.constant 0 : i32
      %dma_wait3A_93 = arith.constant 0 : i32
      %dma_wait3A_94 = tpu.memref_slice %arg9[%dma_wait3A_91, %dma_wait3A_92, %dma_wait3A_93] : memref<2x128x128xf32, #tpu.memory_space<vmem>> -> memref<1x128x128xf32, #tpu.memory_space<vmem>>
      %dma_wait3A_95 = tpu.memref_squeeze %dma_wait3A_94 : memref<1x128x128xf32, #tpu.memory_space<vmem>> -> memref<128x128xf32, #tpu.memory_space<vmem>>
      %dma_wait3A_96 = arith.constant 0 : i32
      %dma_wait3A_97 = tpu.memref_slice %arg7[%dma_wait3A_89, %dma_wait3A_90, %dma_wait3A_96] : memref<2x8x128xi32, #tpu.memory_space<vmem>> -> memref<1x1x128xi32, #tpu.memory_space<vmem>>
      %dma_wait3A_98 = tpu.memref_squeeze %dma_wait3A_97 : memref<1x1x128xi32, #tpu.memory_space<vmem>> -> memref<128xi32, #tpu.memory_space<vmem>>
      %dma_wait3A_99 = arith.constant 0 : i32
      %dma_wait3A_100 = arith.constant 0 : i32
      %dma_wait3A_101 = tpu.memref_slice %arg4[%dma_wait3A_99, %dma_wait3A_100] : memref<10240x128xf32, #tpu.memory_space<hbm>> -> memref<10240x128xf32, #tpu.memory_space<hbm>>
      tpu.wait_indirect_dma semaphore(%arg11 : memref<!tpu.dma_semaphore, #tpu.memory_space<semaphore_mem>>) src(%dma_wait3A_101 : memref<10240x128xf32, #tpu.memory_space<hbm>>) dst(%dma_wait3A_95 : memref<128x128xf32, #tpu.memory_space<vmem>>)
      %run_scoped3A_102 = arith.constant 1 : i32
      %run_scoped3A_103 = arith.constant 0 : i32
      %run_scoped3A_104 = arith.constant 1 : i32
      "tpu.region"() ({
        %run_scoped3A_517 = tpu.sem_alloc : memref<!tpu.dma_semaphore, #tpu.memory_space<semaphore_mem>>
        %dma_start3A_518 = arith.constant 0 : i32
        %dma_start3A_519 = arith.constant 0 : i32
        %dma_start3A_520 = tpu.memref_slice %arg9[%run_scoped3A_102, %dma_start3A_518, %dma_start3A_519] : memref<2x128x128xf32, #tpu.memory_space<vmem>> -> memref<1x128x128xf32, #tpu.memory_space<vmem>>
        %dma_start3A_521 = tpu.memref_squeeze %dma_start3A_520 : memref<1x128x128xf32, #tpu.memory_space<vmem>> -> memref<128x128xf32, #tpu.memory_space<vmem>>
        %dma_start3A_522 = arith.constant 0 : i32
        %dma_start3A_523 = tpu.memref_slice %arg8[%run_scoped3A_103, %run_scoped3A_104, %dma_start3A_522] : memref<2x8x128xi32, #tpu.memory_space<vmem>> -> memref<1x1x128xi32, #tpu.memory_space<vmem>>
        %dma_start3A_524 = tpu.memref_squeeze %dma_start3A_523 : memref<1x1x128xi32, #tpu.memory_space<vmem>> -> memref<128xi32, #tpu.memory_space<vmem>>
        %dma_start3A_525 = arith.constant 0 : i32
        %dma_start3A_526 = arith.constant 0 : i32
        %dma_start3A_527 = tpu.memref_slice %arg12[%dma_start3A_525, %dma_start3A_526] : memref<10240x128xf32, #tpu.memory_space<vmem_shared>> -> memref<10240x128xf32, #tpu.memory_space<vmem_shared>>
        tpu.enqueue_indirect_dma source(%dma_start3A_521 : memref<128x128xf32, #tpu.memory_space<vmem>>) target(%dma_start3A_527 : memref<10240x128xf32, #tpu.memory_space<vmem_shared>>) offsets(%dma_start3A_524 : memref<128xi32, #tpu.memory_space<vmem>>) semaphore(%run_scoped3A_517 : memref<!tpu.dma_semaphore, #tpu.memory_space<semaphore_mem>>) {add = true}
        %dma_wait3A_528 = arith.constant 0 : i32
        %dma_wait3A_529 = arith.constant 0 : i32
        %dma_wait3A_530 = tpu.memref_slice %arg9[%run_scoped3A_102, %dma_wait3A_528, %dma_wait3A_529] : memref<2x128x128xf32, #tpu.memory_space<vmem>> -> memref<1x128x128xf32, #tpu.memory_space<vmem>>
        %dma_wait3A_531 = tpu.memref_squeeze %dma_wait3A_530 : memref<1x128x128xf32, #tpu.memory_space<vmem>> -> memref<128x128xf32, #tpu.memory_space<vmem>>
        %dma_wait3A_532 = arith.constant 0 : i32
        %dma_wait3A_533 = tpu.memref_slice %arg8[%run_scoped3A_103, %run_scoped3A_104, %dma_wait3A_532] : memref<2x8x128xi32, #tpu.memory_space<vmem>> -> memref<1x1x128xi32, #tpu.memory_space<vmem>>
        %dma_wait3A_534 = tpu.memref_squeeze %dma_wait3A_533 : memref<1x1x128xi32, #tpu.memory_space<vmem>> -> memref<128xi32, #tpu.memory_space<vmem>>
        %dma_wait3A_535 = arith.constant 0 : i32
        %dma_wait3A_536 = arith.constant 0 : i32
        %dma_wait3A_537 = tpu.memref_slice %arg12[%dma_wait3A_535, %dma_wait3A_536] : memref<10240x128xf32, #tpu.memory_space<vmem_shared>> -> memref<10240x128xf32, #tpu.memory_space<vmem_shared>>
        tpu.wait_indirect_dma semaphore(%run_scoped3A_517 : memref<!tpu.dma_semaphore, #tpu.memory_space<semaphore_mem>>) src(%dma_wait3A_531 : memref<128x128xf32, #tpu.memory_space<vmem>>) dst(%dma_wait3A_537 : memref<10240x128xf32, #tpu.memory_space<vmem_shared>>)
        tpu.yield
      }) : () -> ()
      %dma_start3A_105 = arith.constant 0 : i32
      %dma_start3A_106 = arith.constant 3 : i32
      %dma_start3A_107 = arith.constant 1 : i32
      %dma_start3A_108 = arith.constant 0 : i32
      %dma_start3A_109 = arith.constant 0 : i32
      %dma_start3A_110 = tpu.memref_slice %arg9[%dma_start3A_107, %dma_start3A_108, %dma_start3A_109] : memref<2x128x128xf32, #tpu.memory_space<vmem>> -> memref<1x128x128xf32, #tpu.memory_space<vmem>>
      %dma_start3A_111 = tpu.memref_squeeze %dma_start3A_110 : memref<1x128x128xf32, #tpu.memory_space<vmem>> -> memref<128x128xf32, #tpu.memory_space<vmem>>
      %dma_start3A_112 = arith.constant 0 : i32
      %dma_start3A_113 = tpu.memref_slice %arg7[%dma_start3A_105, %dma_start3A_106, %dma_start3A_112] : memref<2x8x128xi32, #tpu.memory_space<vmem>> -> memref<1x1x128xi32, #tpu.memory_space<vmem>>
      %dma_start3A_114 = tpu.memref_squeeze %dma_start3A_113 : memref<1x1x128xi32, #tpu.memory_space<vmem>> -> memref<128xi32, #tpu.memory_space<vmem>>
      %dma_start3A_115 = arith.constant 0 : i32
      %dma_start3A_116 = arith.constant 0 : i32
      %dma_start3A_117 = tpu.memref_slice %arg4[%dma_start3A_115, %dma_start3A_116] : memref<10240x128xf32, #tpu.memory_space<hbm>> -> memref<10240x128xf32, #tpu.memory_space<hbm>>
      tpu.enqueue_indirect_dma source(%dma_start3A_117 : memref<10240x128xf32, #tpu.memory_space<hbm>>) target(%dma_start3A_111 : memref<128x128xf32, #tpu.memory_space<vmem>>) offsets(%dma_start3A_114 : memref<128xi32, #tpu.memory_space<vmem>>) semaphore(%arg11 : memref<!tpu.dma_semaphore, #tpu.memory_space<semaphore_mem>>)
      %dma_wait3A_118 = arith.constant 0 : i32
      %dma_wait3A_119 = arith.constant 2 : i32
      %dma_wait3A_120 = arith.constant 0 : i32
      %dma_wait3A_121 = arith.constant 0 : i32
      %dma_wait3A_122 = arith.constant 0 : i32
      %dma_wait3A_123 = tpu.memref_slice %arg9[%dma_wait3A_120, %dma_wait3A_121, %dma_wait3A_122] : memref<2x128x128xf32, #tpu.memory_space<vmem>> -> memref<1x128x128xf32, #tpu.memory_space<vmem>>
      %dma_wait3A_124 = tpu.memref_squeeze %dma_wait3A_123 : memref<1x128x128xf32, #tpu.memory_space<vmem>> -> memref<128x128xf32, #tpu.memory_space<vmem>>
      %dma_wait3A_125 = arith.constant 0 : i32
      %dma_wait3A_126 = tpu.memref_slice %arg7[%dma_wait3A_118, %dma_wait3A_119, %dma_wait3A_125] : memref<2x8x128xi32, #tpu.memory_space<vmem>> -> memref<1x1x128xi32, #tpu.memory_space<vmem>>
      %dma_wait3A_127 = tpu.memref_squeeze %dma_wait3A_126 : memref<1x1x128xi32, #tpu.memory_space<vmem>> -> memref<128xi32, #tpu.memory_space<vmem>>
      %dma_wait3A_128 = arith.constant 0 : i32
      %dma_wait3A_129 = arith.constant 0 : i32
      %dma_wait3A_130 = tpu.memref_slice %arg4[%dma_wait3A_128, %dma_wait3A_129] : memref<10240x128xf32, #tpu.memory_space<hbm>> -> memref<10240x128xf32, #tpu.memory_space<hbm>>
      tpu.wait_indirect_dma semaphore(%arg10 : memref<!tpu.dma_semaphore, #tpu.memory_space<semaphore_mem>>) src(%dma_wait3A_130 : memref<10240x128xf32, #tpu.memory_space<hbm>>) dst(%dma_wait3A_124 : memref<128x128xf32, #tpu.memory_space<vmem>>)
      %run_scoped3A_131 = arith.constant 0 : i32
      %run_scoped3A_132 = arith.constant 0 : i32
      %run_scoped3A_133 = arith.constant 2 : i32
      "tpu.region"() ({
        %run_scoped3A_517 = tpu.sem_alloc : memref<!tpu.dma_semaphore, #tpu.memory_space<semaphore_mem>>
        %dma_start3A_518 = arith.constant 0 : i32
        %dma_start3A_519 = arith.constant 0 : i32
        %dma_start3A_520 = tpu.memref_slice %arg9[%run_scoped3A_131, %dma_start3A_518, %dma_start3A_519] : memref<2x128x128xf32, #tpu.memory_space<vmem>> -> memref<1x128x128xf32, #tpu.memory_space<vmem>>
        %dma_start3A_521 = tpu.memref_squeeze %dma_start3A_520 : memref<1x128x128xf32, #tpu.memory_space<vmem>> -> memref<128x128xf32, #tpu.memory_space<vmem>>
        %dma_start3A_522 = arith.constant 0 : i32
        %dma_start3A_523 = tpu.memref_slice %arg8[%run_scoped3A_132, %run_scoped3A_133, %dma_start3A_522] : memref<2x8x128xi32, #tpu.memory_space<vmem>> -> memref<1x1x128xi32, #tpu.memory_space<vmem>>
        %dma_start3A_524 = tpu.memref_squeeze %dma_start3A_523 : memref<1x1x128xi32, #tpu.memory_space<vmem>> -> memref<128xi32, #tpu.memory_space<vmem>>
        %dma_start3A_525 = arith.constant 0 : i32
        %dma_start3A_526 = arith.constant 0 : i32
        %dma_start3A_527 = tpu.memref_slice %arg12[%dma_start3A_525, %dma_start3A_526] : memref<10240x128xf32, #tpu.memory_space<vmem_shared>> -> memref<10240x128xf32, #tpu.memory_space<vmem_shared>>
        tpu.enqueue_indirect_dma source(%dma_start3A_521 : memref<128x128xf32, #tpu.memory_space<vmem>>) target(%dma_start3A_527 : memref<10240x128xf32, #tpu.memory_space<vmem_shared>>) offsets(%dma_start3A_524 : memref<128xi32, #tpu.memory_space<vmem>>) semaphore(%run_scoped3A_517 : memref<!tpu.dma_semaphore, #tpu.memory_space<semaphore_mem>>) {add = true}
        %dma_wait3A_528 = arith.constant 0 : i32
        %dma_wait3A_529 = arith.constant 0 : i32
        %dma_wait3A_530 = tpu.memref_slice %arg9[%run_scoped3A_131, %dma_wait3A_528, %dma_wait3A_529] : memref<2x128x128xf32, #tpu.memory_space<vmem>> -> memref<1x128x128xf32, #tpu.memory_space<vmem>>
        %dma_wait3A_531 = tpu.memref_squeeze %dma_wait3A_530 : memref<1x128x128xf32, #tpu.memory_space<vmem>> -> memref<128x128xf32, #tpu.memory_space<vmem>>
        %dma_wait3A_532 = arith.constant 0 : i32
        %dma_wait3A_533 = tpu.memref_slice %arg8[%run_scoped3A_132, %run_scoped3A_133, %dma_wait3A_532] : memref<2x8x128xi32, #tpu.memory_space<vmem>> -> memref<1x1x128xi32, #tpu.memory_space<vmem>>
        %dma_wait3A_534 = tpu.memref_squeeze %dma_wait3A_533 : memref<1x1x128xi32, #tpu.memory_space<vmem>> -> memref<128xi32, #tpu.memory_space<vmem>>
        %dma_wait3A_535 = arith.constant 0 : i32
        %dma_wait3A_536 = arith.constant 0 : i32
        %dma_wait3A_537 = tpu.memref_slice %arg12[%dma_wait3A_535, %dma_wait3A_536] : memref<10240x128xf32, #tpu.memory_space<vmem_shared>> -> memref<10240x128xf32, #tpu.memory_space<vmem_shared>>
        tpu.wait_indirect_dma semaphore(%run_scoped3A_517 : memref<!tpu.dma_semaphore, #tpu.memory_space<semaphore_mem>>) src(%dma_wait3A_531 : memref<128x128xf32, #tpu.memory_space<vmem>>) dst(%dma_wait3A_537 : memref<10240x128xf32, #tpu.memory_space<vmem_shared>>)
        tpu.yield
      }) : () -> ()
      %dma_start3A_134 = arith.constant 0 : i32
      %dma_start3A_135 = arith.constant 4 : i32
      %dma_start3A_136 = arith.constant 0 : i32
      %dma_start3A_137 = arith.constant 0 : i32
      %dma_start3A_138 = arith.constant 0 : i32
      %dma_start3A_139 = tpu.memref_slice %arg9[%dma_start3A_136, %dma_start3A_137, %dma_start3A_138] : memref<2x128x128xf32, #tpu.memory_space<vmem>> -> memref<1x128x128xf32, #tpu.memory_space<vmem>>
      %dma_start3A_140 = tpu.memref_squeeze %dma_start3A_139 : memref<1x128x128xf32, #tpu.memory_space<vmem>> -> memref<128x128xf32, #tpu.memory_space<vmem>>
      %dma_start3A_141 = arith.constant 0 : i32
      %dma_start3A_142 = tpu.memref_slice %arg7[%dma_start3A_134, %dma_start3A_135, %dma_start3A_141] : memref<2x8x128xi32, #tpu.memory_space<vmem>> -> memref<1x1x128xi32, #tpu.memory_space<vmem>>
      %dma_start3A_143 = tpu.memref_squeeze %dma_start3A_142 : memref<1x1x128xi32, #tpu.memory_space<vmem>> -> memref<128xi32, #tpu.memory_space<vmem>>
      %dma_start3A_144 = arith.constant 0 : i32
      %dma_start3A_145 = arith.constant 0 : i32
      %dma_start3A_146 = tpu.memref_slice %arg4[%dma_start3A_144, %dma_start3A_145] : memref<10240x128xf32, #tpu.memory_space<hbm>> -> memref<10240x128xf32, #tpu.memory_space<hbm>>
      tpu.enqueue_indirect_dma source(%dma_start3A_146 : memref<10240x128xf32, #tpu.memory_space<hbm>>) target(%dma_start3A_140 : memref<128x128xf32, #tpu.memory_space<vmem>>) offsets(%dma_start3A_143 : memref<128xi32, #tpu.memory_space<vmem>>) semaphore(%arg10 : memref<!tpu.dma_semaphore, #tpu.memory_space<semaphore_mem>>)
      %dma_wait3A_147 = arith.constant 0 : i32
      %dma_wait3A_148 = arith.constant 3 : i32
      %dma_wait3A_149 = arith.constant 1 : i32
      %dma_wait3A_150 = arith.constant 0 : i32
      %dma_wait3A_151 = arith.constant 0 : i32
      %dma_wait3A_152 = tpu.memref_slice %arg9[%dma_wait3A_149, %dma_wait3A_150, %dma_wait3A_151] : memref<2x128x128xf32, #tpu.memory_space<vmem>> -> memref<1x128x128xf32, #tpu.memory_space<vmem>>
      %dma_wait3A_153 = tpu.memref_squeeze %dma_wait3A_152 : memref<1x128x128xf32, #tpu.memory_space<vmem>> -> memref<128x128xf32, #tpu.memory_space<vmem>>
      %dma_wait3A_154 = arith.constant 0 : i32
      %dma_wait3A_155 = tpu.memref_slice %arg7[%dma_wait3A_147, %dma_wait3A_148, %dma_wait3A_154] : memref<2x8x128xi32, #tpu.memory_space<vmem>> -> memref<1x1x128xi32, #tpu.memory_space<vmem>>
      %dma_wait3A_156 = tpu.memref_squeeze %dma_wait3A_155 : memref<1x1x128xi32, #tpu.memory_space<vmem>> -> memref<128xi32, #tpu.memory_space<vmem>>
      %dma_wait3A_157 = arith.constant 0 : i32
      %dma_wait3A_158 = arith.constant 0 : i32
      %dma_wait3A_159 = tpu.memref_slice %arg4[%dma_wait3A_157, %dma_wait3A_158] : memref<10240x128xf32, #tpu.memory_space<hbm>> -> memref<10240x128xf32, #tpu.memory_space<hbm>>
      tpu.wait_indirect_dma semaphore(%arg11 : memref<!tpu.dma_semaphore, #tpu.memory_space<semaphore_mem>>) src(%dma_wait3A_159 : memref<10240x128xf32, #tpu.memory_space<hbm>>) dst(%dma_wait3A_153 : memref<128x128xf32, #tpu.memory_space<vmem>>)
      %run_scoped3A_160 = arith.constant 1 : i32
      %run_scoped3A_161 = arith.constant 0 : i32
      %run_scoped3A_162 = arith.constant 3 : i32
      "tpu.region"() ({
        %run_scoped3A_517 = tpu.sem_alloc : memref<!tpu.dma_semaphore, #tpu.memory_space<semaphore_mem>>
        %dma_start3A_518 = arith.constant 0 : i32
        %dma_start3A_519 = arith.constant 0 : i32
        %dma_start3A_520 = tpu.memref_slice %arg9[%run_scoped3A_160, %dma_start3A_518, %dma_start3A_519] : memref<2x128x128xf32, #tpu.memory_space<vmem>> -> memref<1x128x128xf32, #tpu.memory_space<vmem>>
        %dma_start3A_521 = tpu.memref_squeeze %dma_start3A_520 : memref<1x128x128xf32, #tpu.memory_space<vmem>> -> memref<128x128xf32, #tpu.memory_space<vmem>>
        %dma_start3A_522 = arith.constant 0 : i32
        %dma_start3A_523 = tpu.memref_slice %arg8[%run_scoped3A_161, %run_scoped3A_162, %dma_start3A_522] : memref<2x8x128xi32, #tpu.memory_space<vmem>> -> memref<1x1x128xi32, #tpu.memory_space<vmem>>
        %dma_start3A_524 = tpu.memref_squeeze %dma_start3A_523 : memref<1x1x128xi32, #tpu.memory_space<vmem>> -> memref<128xi32, #tpu.memory_space<vmem>>
        %dma_start3A_525 = arith.constant 0 : i32
        %dma_start3A_526 = arith.constant 0 : i32
        %dma_start3A_527 = tpu.memref_slice %arg12[%dma_start3A_525, %dma_start3A_526] : memref<10240x128xf32, #tpu.memory_space<vmem_shared>> -> memref<10240x128xf32, #tpu.memory_space<vmem_shared>>
        tpu.enqueue_indirect_dma source(%dma_start3A_521 : memref<128x128xf32, #tpu.memory_space<vmem>>) target(%dma_start3A_527 : memref<10240x128xf32, #tpu.memory_space<vmem_shared>>) offsets(%dma_start3A_524 : memref<128xi32, #tpu.memory_space<vmem>>) semaphore(%run_scoped3A_517 : memref<!tpu.dma_semaphore, #tpu.memory_space<semaphore_mem>>) {add = true}
        %dma_wait3A_528 = arith.constant 0 : i32
        %dma_wait3A_529 = arith.constant 0 : i32
        %dma_wait3A_530 = tpu.memref_slice %arg9[%run_scoped3A_160, %dma_wait3A_528, %dma_wait3A_529] : memref<2x128x128xf32, #tpu.memory_space<vmem>> -> memref<1x128x128xf32, #tpu.memory_space<vmem>>
        %dma_wait3A_531 = tpu.memref_squeeze %dma_wait3A_530 : memref<1x128x128xf32, #tpu.memory_space<vmem>> -> memref<128x128xf32, #tpu.memory_space<vmem>>
        %dma_wait3A_532 = arith.constant 0 : i32
        %dma_wait3A_533 = tpu.memref_slice %arg8[%run_scoped3A_161, %run_scoped3A_162, %dma_wait3A_532] : memref<2x8x128xi32, #tpu.memory_space<vmem>> -> memref<1x1x128xi32, #tpu.memory_space<vmem>>
        %dma_wait3A_534 = tpu.memref_squeeze %dma_wait3A_533 : memref<1x1x128xi32, #tpu.memory_space<vmem>> -> memref<128xi32, #tpu.memory_space<vmem>>
        %dma_wait3A_535 = arith.constant 0 : i32
        %dma_wait3A_536 = arith.constant 0 : i32
        %dma_wait3A_537 = tpu.memref_slice %arg12[%dma_wait3A_535, %dma_wait3A_536] : memref<10240x128xf32, #tpu.memory_space<vmem_shared>> -> memref<10240x128xf32, #tpu.memory_space<vmem_shared>>
        tpu.wait_indirect_dma semaphore(%run_scoped3A_517 : memref<!tpu.dma_semaphore, #tpu.memory_space<semaphore_mem>>) src(%dma_wait3A_531 : memref<128x128xf32, #tpu.memory_space<vmem>>) dst(%dma_wait3A_537 : memref<10240x128xf32, #tpu.memory_space<vmem_shared>>)
        tpu.yield
      }) : () -> ()
      %dma_start3A_163 = arith.constant 0 : i32
      %dma_start3A_164 = arith.constant 5 : i32
      %dma_start3A_165 = arith.constant 1 : i32
      %dma_start3A_166 = arith.constant 0 : i32
      %dma_start3A_167 = arith.constant 0 : i32
      %dma_start3A_168 = tpu.memref_slice %arg9[%dma_start3A_165, %dma_start3A_166, %dma_start3A_167] : memref<2x128x128xf32, #tpu.memory_space<vmem>> -> memref<1x128x128xf32, #tpu.memory_space<vmem>>
      %dma_start3A_169 = tpu.memref_squeeze %dma_start3A_168 : memref<1x128x128xf32, #tpu.memory_space<vmem>> -> memref<128x128xf32, #tpu.memory_space<vmem>>
      %dma_start3A_170 = arith.constant 0 : i32
      %dma_start3A_171 = tpu.memref_slice %arg7[%dma_start3A_163, %dma_start3A_164, %dma_start3A_170] : memref<2x8x128xi32, #tpu.memory_space<vmem>> -> memref<1x1x128xi32, #tpu.memory_space<vmem>>
      %dma_start3A_172 = tpu.memref_squeeze %dma_start3A_171 : memref<1x1x128xi32, #tpu.memory_space<vmem>> -> memref<128xi32, #tpu.memory_space<vmem>>
      %dma_start3A_173 = arith.constant 0 : i32
      %dma_start3A_174 = arith.constant 0 : i32
      %dma_start3A_175 = tpu.memref_slice %arg4[%dma_start3A_173, %dma_start3A_174] : memref<10240x128xf32, #tpu.memory_space<hbm>> -> memref<10240x128xf32, #tpu.memory_space<hbm>>
      tpu.enqueue_indirect_dma source(%dma_start3A_175 : memref<10240x128xf32, #tpu.memory_space<hbm>>) target(%dma_start3A_169 : memref<128x128xf32, #tpu.memory_space<vmem>>) offsets(%dma_start3A_172 : memref<128xi32, #tpu.memory_space<vmem>>) semaphore(%arg11 : memref<!tpu.dma_semaphore, #tpu.memory_space<semaphore_mem>>)
      %dma_wait3A_176 = arith.constant 0 : i32
      %dma_wait3A_177 = arith.constant 4 : i32
      %dma_wait3A_178 = arith.constant 0 : i32
      %dma_wait3A_179 = arith.constant 0 : i32
      %dma_wait3A_180 = arith.constant 0 : i32
      %dma_wait3A_181 = tpu.memref_slice %arg9[%dma_wait3A_178, %dma_wait3A_179, %dma_wait3A_180] : memref<2x128x128xf32, #tpu.memory_space<vmem>> -> memref<1x128x128xf32, #tpu.memory_space<vmem>>
      %dma_wait3A_182 = tpu.memref_squeeze %dma_wait3A_181 : memref<1x128x128xf32, #tpu.memory_space<vmem>> -> memref<128x128xf32, #tpu.memory_space<vmem>>
      %dma_wait3A_183 = arith.constant 0 : i32
      %dma_wait3A_184 = tpu.memref_slice %arg7[%dma_wait3A_176, %dma_wait3A_177, %dma_wait3A_183] : memref<2x8x128xi32, #tpu.memory_space<vmem>> -> memref<1x1x128xi32, #tpu.memory_space<vmem>>
      %dma_wait3A_185 = tpu.memref_squeeze %dma_wait3A_184 : memref<1x1x128xi32, #tpu.memory_space<vmem>> -> memref<128xi32, #tpu.memory_space<vmem>>
      %dma_wait3A_186 = arith.constant 0 : i32
      %dma_wait3A_187 = arith.constant 0 : i32
      %dma_wait3A_188 = tpu.memref_slice %arg4[%dma_wait3A_186, %dma_wait3A_187] : memref<10240x128xf32, #tpu.memory_space<hbm>> -> memref<10240x128xf32, #tpu.memory_space<hbm>>
      tpu.wait_indirect_dma semaphore(%arg10 : memref<!tpu.dma_semaphore, #tpu.memory_space<semaphore_mem>>) src(%dma_wait3A_188 : memref<10240x128xf32, #tpu.memory_space<hbm>>) dst(%dma_wait3A_182 : memref<128x128xf32, #tpu.memory_space<vmem>>)
      %run_scoped3A_189 = arith.constant 0 : i32
      %run_scoped3A_190 = arith.constant 0 : i32
      %run_scoped3A_191 = arith.constant 4 : i32
      "tpu.region"() ({
        %run_scoped3A_517 = tpu.sem_alloc : memref<!tpu.dma_semaphore, #tpu.memory_space<semaphore_mem>>
        %dma_start3A_518 = arith.constant 0 : i32
        %dma_start3A_519 = arith.constant 0 : i32
        %dma_start3A_520 = tpu.memref_slice %arg9[%run_scoped3A_189, %dma_start3A_518, %dma_start3A_519] : memref<2x128x128xf32, #tpu.memory_space<vmem>> -> memref<1x128x128xf32, #tpu.memory_space<vmem>>
        %dma_start3A_521 = tpu.memref_squeeze %dma_start3A_520 : memref<1x128x128xf32, #tpu.memory_space<vmem>> -> memref<128x128xf32, #tpu.memory_space<vmem>>
        %dma_start3A_522 = arith.constant 0 : i32
        %dma_start3A_523 = tpu.memref_slice %arg8[%run_scoped3A_190, %run_scoped3A_191, %dma_start3A_522] : memref<2x8x128xi32, #tpu.memory_space<vmem>> -> memref<1x1x128xi32, #tpu.memory_space<vmem>>
        %dma_start3A_524 = tpu.memref_squeeze %dma_start3A_523 : memref<1x1x128xi32, #tpu.memory_space<vmem>> -> memref<128xi32, #tpu.memory_space<vmem>>
        %dma_start3A_525 = arith.constant 0 : i32
        %dma_start3A_526 = arith.constant 0 : i32
        %dma_start3A_527 = tpu.memref_slice %arg12[%dma_start3A_525, %dma_start3A_526] : memref<10240x128xf32, #tpu.memory_space<vmem_shared>> -> memref<10240x128xf32, #tpu.memory_space<vmem_shared>>
        tpu.enqueue_indirect_dma source(%dma_start3A_521 : memref<128x128xf32, #tpu.memory_space<vmem>>) target(%dma_start3A_527 : memref<10240x128xf32, #tpu.memory_space<vmem_shared>>) offsets(%dma_start3A_524 : memref<128xi32, #tpu.memory_space<vmem>>) semaphore(%run_scoped3A_517 : memref<!tpu.dma_semaphore, #tpu.memory_space<semaphore_mem>>) {add = true}
        %dma_wait3A_528 = arith.constant 0 : i32
        %dma_wait3A_529 = arith.constant 0 : i32
        %dma_wait3A_530 = tpu.memref_slice %arg9[%run_scoped3A_189, %dma_wait3A_528, %dma_wait3A_529] : memref<2x128x128xf32, #tpu.memory_space<vmem>> -> memref<1x128x128xf32, #tpu.memory_space<vmem>>
        %dma_wait3A_531 = tpu.memref_squeeze %dma_wait3A_530 : memref<1x128x128xf32, #tpu.memory_space<vmem>> -> memref<128x128xf32, #tpu.memory_space<vmem>>
        %dma_wait3A_532 = arith.constant 0 : i32
        %dma_wait3A_533 = tpu.memref_slice %arg8[%run_scoped3A_190, %run_scoped3A_191, %dma_wait3A_532] : memref<2x8x128xi32, #tpu.memory_space<vmem>> -> memref<1x1x128xi32, #tpu.memory_space<vmem>>
        %dma_wait3A_534 = tpu.memref_squeeze %dma_wait3A_533 : memref<1x1x128xi32, #tpu.memory_space<vmem>> -> memref<128xi32, #tpu.memory_space<vmem>>
        %dma_wait3A_535 = arith.constant 0 : i32
        %dma_wait3A_536 = arith.constant 0 : i32
        %dma_wait3A_537 = tpu.memref_slice %arg12[%dma_wait3A_535, %dma_wait3A_536] : memref<10240x128xf32, #tpu.memory_space<vmem_shared>> -> memref<10240x128xf32, #tpu.memory_space<vmem_shared>>
        tpu.wait_indirect_dma semaphore(%run_scoped3A_517 : memref<!tpu.dma_semaphore, #tpu.memory_space<semaphore_mem>>) src(%dma_wait3A_531 : memref<128x128xf32, #tpu.memory_space<vmem>>) dst(%dma_wait3A_537 : memref<10240x128xf32, #tpu.memory_space<vmem_shared>>)
        tpu.yield
      }) : () -> ()
      %dma_start3A_192 = arith.constant 0 : i32
      %dma_start3A_193 = arith.constant 6 : i32
      %dma_start3A_194 = arith.constant 0 : i32
      %dma_start3A_195 = arith.constant 0 : i32
      %dma_start3A_196 = arith.constant 0 : i32
      %dma_start3A_197 = tpu.memref_slice %arg9[%dma_start3A_194, %dma_start3A_195, %dma_start3A_196] : memref<2x128x128xf32, #tpu.memory_space<vmem>> -> memref<1x128x128xf32, #tpu.memory_space<vmem>>
      %dma_start3A_198 = tpu.memref_squeeze %dma_start3A_197 : memref<1x128x128xf32, #tpu.memory_space<vmem>> -> memref<128x128xf32, #tpu.memory_space<vmem>>
      %dma_start3A_199 = arith.constant 0 : i32
      %dma_start3A_200 = tpu.memref_slice %arg7[%dma_start3A_192, %dma_start3A_193, %dma_start3A_199] : memref<2x8x128xi32, #tpu.memory_space<vmem>> -> memref<1x1x128xi32, #tpu.memory_space<vmem>>
      %dma_start3A_201 = tpu.memref_squeeze %dma_start3A_200 : memref<1x1x128xi32, #tpu.memory_space<vmem>> -> memref<128xi32, #tpu.memory_space<vmem>>
      %dma_start3A_202 = arith.constant 0 : i32
      %dma_start3A_203 = arith.constant 0 : i32
      %dma_start3A_204 = tpu.memref_slice %arg4[%dma_start3A_202, %dma_start3A_203] : memref<10240x128xf32, #tpu.memory_space<hbm>> -> memref<10240x128xf32, #tpu.memory_space<hbm>>
      tpu.enqueue_indirect_dma source(%dma_start3A_204 : memref<10240x128xf32, #tpu.memory_space<hbm>>) target(%dma_start3A_198 : memref<128x128xf32, #tpu.memory_space<vmem>>) offsets(%dma_start3A_201 : memref<128xi32, #tpu.memory_space<vmem>>) semaphore(%arg10 : memref<!tpu.dma_semaphore, #tpu.memory_space<semaphore_mem>>)
      %dma_wait3A_205 = arith.constant 0 : i32
      %dma_wait3A_206 = arith.constant 5 : i32
      %dma_wait3A_207 = arith.constant 1 : i32
      %dma_wait3A_208 = arith.constant 0 : i32
      %dma_wait3A_209 = arith.constant 0 : i32
      %dma_wait3A_210 = tpu.memref_slice %arg9[%dma_wait3A_207, %dma_wait3A_208, %dma_wait3A_209] : memref<2x128x128xf32, #tpu.memory_space<vmem>> -> memref<1x128x128xf32, #tpu.memory_space<vmem>>
      %dma_wait3A_211 = tpu.memref_squeeze %dma_wait3A_210 : memref<1x128x128xf32, #tpu.memory_space<vmem>> -> memref<128x128xf32, #tpu.memory_space<vmem>>
      %dma_wait3A_212 = arith.constant 0 : i32
      %dma_wait3A_213 = tpu.memref_slice %arg7[%dma_wait3A_205, %dma_wait3A_206, %dma_wait3A_212] : memref<2x8x128xi32, #tpu.memory_space<vmem>> -> memref<1x1x128xi32, #tpu.memory_space<vmem>>
      %dma_wait3A_214 = tpu.memref_squeeze %dma_wait3A_213 : memref<1x1x128xi32, #tpu.memory_space<vmem>> -> memref<128xi32, #tpu.memory_space<vmem>>
      %dma_wait3A_215 = arith.constant 0 : i32
      %dma_wait3A_216 = arith.constant 0 : i32
      %dma_wait3A_217 = tpu.memref_slice %arg4[%dma_wait3A_215, %dma_wait3A_216] : memref<10240x128xf32, #tpu.memory_space<hbm>> -> memref<10240x128xf32, #tpu.memory_space<hbm>>
      tpu.wait_indirect_dma semaphore(%arg11 : memref<!tpu.dma_semaphore, #tpu.memory_space<semaphore_mem>>) src(%dma_wait3A_217 : memref<10240x128xf32, #tpu.memory_space<hbm>>) dst(%dma_wait3A_211 : memref<128x128xf32, #tpu.memory_space<vmem>>)
      %run_scoped3A_218 = arith.constant 1 : i32
      %run_scoped3A_219 = arith.constant 0 : i32
      %run_scoped3A_220 = arith.constant 5 : i32
      "tpu.region"() ({
        %run_scoped3A_517 = tpu.sem_alloc : memref<!tpu.dma_semaphore, #tpu.memory_space<semaphore_mem>>
        %dma_start3A_518 = arith.constant 0 : i32
        %dma_start3A_519 = arith.constant 0 : i32
        %dma_start3A_520 = tpu.memref_slice %arg9[%run_scoped3A_218, %dma_start3A_518, %dma_start3A_519] : memref<2x128x128xf32, #tpu.memory_space<vmem>> -> memref<1x128x128xf32, #tpu.memory_space<vmem>>
        %dma_start3A_521 = tpu.memref_squeeze %dma_start3A_520 : memref<1x128x128xf32, #tpu.memory_space<vmem>> -> memref<128x128xf32, #tpu.memory_space<vmem>>
        %dma_start3A_522 = arith.constant 0 : i32
        %dma_start3A_523 = tpu.memref_slice %arg8[%run_scoped3A_219, %run_scoped3A_220, %dma_start3A_522] : memref<2x8x128xi32, #tpu.memory_space<vmem>> -> memref<1x1x128xi32, #tpu.memory_space<vmem>>
        %dma_start3A_524 = tpu.memref_squeeze %dma_start3A_523 : memref<1x1x128xi32, #tpu.memory_space<vmem>> -> memref<128xi32, #tpu.memory_space<vmem>>
        %dma_start3A_525 = arith.constant 0 : i32
        %dma_start3A_526 = arith.constant 0 : i32
        %dma_start3A_527 = tpu.memref_slice %arg12[%dma_start3A_525, %dma_start3A_526] : memref<10240x128xf32, #tpu.memory_space<vmem_shared>> -> memref<10240x128xf32, #tpu.memory_space<vmem_shared>>
        tpu.enqueue_indirect_dma source(%dma_start3A_521 : memref<128x128xf32, #tpu.memory_space<vmem>>) target(%dma_start3A_527 : memref<10240x128xf32, #tpu.memory_space<vmem_shared>>) offsets(%dma_start3A_524 : memref<128xi32, #tpu.memory_space<vmem>>) semaphore(%run_scoped3A_517 : memref<!tpu.dma_semaphore, #tpu.memory_space<semaphore_mem>>) {add = true}
        %dma_wait3A_528 = arith.constant 0 : i32
        %dma_wait3A_529 = arith.constant 0 : i32
        %dma_wait3A_530 = tpu.memref_slice %arg9[%run_scoped3A_218, %dma_wait3A_528, %dma_wait3A_529] : memref<2x128x128xf32, #tpu.memory_space<vmem>> -> memref<1x128x128xf32, #tpu.memory_space<vmem>>
        %dma_wait3A_531 = tpu.memref_squeeze %dma_wait3A_530 : memref<1x128x128xf32, #tpu.memory_space<vmem>> -> memref<128x128xf32, #tpu.memory_space<vmem>>
        %dma_wait3A_532 = arith.constant 0 : i32
        %dma_wait3A_533 = tpu.memref_slice %arg8[%run_scoped3A_219, %run_scoped3A_220, %dma_wait3A_532] : memref<2x8x128xi32, #tpu.memory_space<vmem>> -> memref<1x1x128xi32, #tpu.memory_space<vmem>>
        %dma_wait3A_534 = tpu.memref_squeeze %dma_wait3A_533 : memref<1x1x128xi32, #tpu.memory_space<vmem>> -> memref<128xi32, #tpu.memory_space<vmem>>
        %dma_wait3A_535 = arith.constant 0 : i32
        %dma_wait3A_536 = arith.constant 0 : i32
        %dma_wait3A_537 = tpu.memref_slice %arg12[%dma_wait3A_535, %dma_wait3A_536] : memref<10240x128xf32, #tpu.memory_space<vmem_shared>> -> memref<10240x128xf32, #tpu.memory_space<vmem_shared>>
        tpu.wait_indirect_dma semaphore(%run_scoped3A_517 : memref<!tpu.dma_semaphore, #tpu.memory_space<semaphore_mem>>) src(%dma_wait3A_531 : memref<128x128xf32, #tpu.memory_space<vmem>>) dst(%dma_wait3A_537 : memref<10240x128xf32, #tpu.memory_space<vmem_shared>>)
        tpu.yield
      }) : () -> ()
      %dma_start3A_221 = arith.constant 0 : i32
      %dma_start3A_222 = arith.constant 7 : i32
      %dma_start3A_223 = arith.constant 1 : i32
      %dma_start3A_224 = arith.constant 0 : i32
      %dma_start3A_225 = arith.constant 0 : i32
      %dma_start3A_226 = tpu.memref_slice %arg9[%dma_start3A_223, %dma_start3A_224, %dma_start3A_225] : memref<2x128x128xf32, #tpu.memory_space<vmem>> -> memref<1x128x128xf32, #tpu.memory_space<vmem>>
      %dma_start3A_227 = tpu.memref_squeeze %dma_start3A_226 : memref<1x128x128xf32, #tpu.memory_space<vmem>> -> memref<128x128xf32, #tpu.memory_space<vmem>>
      %dma_start3A_228 = arith.constant 0 : i32
      %dma_start3A_229 = tpu.memref_slice %arg7[%dma_start3A_221, %dma_start3A_222, %dma_start3A_228] : memref<2x8x128xi32, #tpu.memory_space<vmem>> -> memref<1x1x128xi32, #tpu.memory_space<vmem>>
      %dma_start3A_230 = tpu.memref_squeeze %dma_start3A_229 : memref<1x1x128xi32, #tpu.memory_space<vmem>> -> memref<128xi32, #tpu.memory_space<vmem>>
      %dma_start3A_231 = arith.constant 0 : i32
      %dma_start3A_232 = arith.constant 0 : i32
      %dma_start3A_233 = tpu.memref_slice %arg4[%dma_start3A_231, %dma_start3A_232] : memref<10240x128xf32, #tpu.memory_space<hbm>> -> memref<10240x128xf32, #tpu.memory_space<hbm>>
      tpu.enqueue_indirect_dma source(%dma_start3A_233 : memref<10240x128xf32, #tpu.memory_space<hbm>>) target(%dma_start3A_227 : memref<128x128xf32, #tpu.memory_space<vmem>>) offsets(%dma_start3A_230 : memref<128xi32, #tpu.memory_space<vmem>>) semaphore(%arg11 : memref<!tpu.dma_semaphore, #tpu.memory_space<semaphore_mem>>)
      %dma_wait3A_234 = arith.constant 0 : i32
      %dma_wait3A_235 = arith.constant 6 : i32
      %dma_wait3A_236 = arith.constant 0 : i32
      %dma_wait3A_237 = arith.constant 0 : i32
      %dma_wait3A_238 = arith.constant 0 : i32
      %dma_wait3A_239 = tpu.memref_slice %arg9[%dma_wait3A_236, %dma_wait3A_237, %dma_wait3A_238] : memref<2x128x128xf32, #tpu.memory_space<vmem>> -> memref<1x128x128xf32, #tpu.memory_space<vmem>>
      %dma_wait3A_240 = tpu.memref_squeeze %dma_wait3A_239 : memref<1x128x128xf32, #tpu.memory_space<vmem>> -> memref<128x128xf32, #tpu.memory_space<vmem>>
      %dma_wait3A_241 = arith.constant 0 : i32
      %dma_wait3A_242 = tpu.memref_slice %arg7[%dma_wait3A_234, %dma_wait3A_235, %dma_wait3A_241] : memref<2x8x128xi32, #tpu.memory_space<vmem>> -> memref<1x1x128xi32, #tpu.memory_space<vmem>>
      %dma_wait3A_243 = tpu.memref_squeeze %dma_wait3A_242 : memref<1x1x128xi32, #tpu.memory_space<vmem>> -> memref<128xi32, #tpu.memory_space<vmem>>
      %dma_wait3A_244 = arith.constant 0 : i32
      %dma_wait3A_245 = arith.constant 0 : i32
      %dma_wait3A_246 = tpu.memref_slice %arg4[%dma_wait3A_244, %dma_wait3A_245] : memref<10240x128xf32, #tpu.memory_space<hbm>> -> memref<10240x128xf32, #tpu.memory_space<hbm>>
      tpu.wait_indirect_dma semaphore(%arg10 : memref<!tpu.dma_semaphore, #tpu.memory_space<semaphore_mem>>) src(%dma_wait3A_246 : memref<10240x128xf32, #tpu.memory_space<hbm>>) dst(%dma_wait3A_240 : memref<128x128xf32, #tpu.memory_space<vmem>>)
      %run_scoped3A_247 = arith.constant 0 : i32
      %run_scoped3A_248 = arith.constant 0 : i32
      %run_scoped3A_249 = arith.constant 6 : i32
      "tpu.region"() ({
        %run_scoped3A_517 = tpu.sem_alloc : memref<!tpu.dma_semaphore, #tpu.memory_space<semaphore_mem>>
        %dma_start3A_518 = arith.constant 0 : i32
        %dma_start3A_519 = arith.constant 0 : i32
        %dma_start3A_520 = tpu.memref_slice %arg9[%run_scoped3A_247, %dma_start3A_518, %dma_start3A_519] : memref<2x128x128xf32, #tpu.memory_space<vmem>> -> memref<1x128x128xf32, #tpu.memory_space<vmem>>
        %dma_start3A_521 = tpu.memref_squeeze %dma_start3A_520 : memref<1x128x128xf32, #tpu.memory_space<vmem>> -> memref<128x128xf32, #tpu.memory_space<vmem>>
        %dma_start3A_522 = arith.constant 0 : i32
        %dma_start3A_523 = tpu.memref_slice %arg8[%run_scoped3A_248, %run_scoped3A_249, %dma_start3A_522] : memref<2x8x128xi32, #tpu.memory_space<vmem>> -> memref<1x1x128xi32, #tpu.memory_space<vmem>>
        %dma_start3A_524 = tpu.memref_squeeze %dma_start3A_523 : memref<1x1x128xi32, #tpu.memory_space<vmem>> -> memref<128xi32, #tpu.memory_space<vmem>>
        %dma_start3A_525 = arith.constant 0 : i32
        %dma_start3A_526 = arith.constant 0 : i32
        %dma_start3A_527 = tpu.memref_slice %arg12[%dma_start3A_525, %dma_start3A_526] : memref<10240x128xf32, #tpu.memory_space<vmem_shared>> -> memref<10240x128xf32, #tpu.memory_space<vmem_shared>>
        tpu.enqueue_indirect_dma source(%dma_start3A_521 : memref<128x128xf32, #tpu.memory_space<vmem>>) target(%dma_start3A_527 : memref<10240x128xf32, #tpu.memory_space<vmem_shared>>) offsets(%dma_start3A_524 : memref<128xi32, #tpu.memory_space<vmem>>) semaphore(%run_scoped3A_517 : memref<!tpu.dma_semaphore, #tpu.memory_space<semaphore_mem>>) {add = true}
        %dma_wait3A_528 = arith.constant 0 : i32
        %dma_wait3A_529 = arith.constant 0 : i32
        %dma_wait3A_530 = tpu.memref_slice %arg9[%run_scoped3A_247, %dma_wait3A_528, %dma_wait3A_529] : memref<2x128x128xf32, #tpu.memory_space<vmem>> -> memref<1x128x128xf32, #tpu.memory_space<vmem>>
        %dma_wait3A_531 = tpu.memref_squeeze %dma_wait3A_530 : memref<1x128x128xf32, #tpu.memory_space<vmem>> -> memref<128x128xf32, #tpu.memory_space<vmem>>
        %dma_wait3A_532 = arith.constant 0 : i32
        %dma_wait3A_533 = tpu.memref_slice %arg8[%run_scoped3A_248, %run_scoped3A_249, %dma_wait3A_532] : memref<2x8x128xi32, #tpu.memory_space<vmem>> -> memref<1x1x128xi32, #tpu.memory_space<vmem>>
        %dma_wait3A_534 = tpu.memref_squeeze %dma_wait3A_533 : memref<1x1x128xi32, #tpu.memory_space<vmem>> -> memref<128xi32, #tpu.memory_space<vmem>>
        %dma_wait3A_535 = arith.constant 0 : i32
        %dma_wait3A_536 = arith.constant 0 : i32
        %dma_wait3A_537 = tpu.memref_slice %arg12[%dma_wait3A_535, %dma_wait3A_536] : memref<10240x128xf32, #tpu.memory_space<vmem_shared>> -> memref<10240x128xf32, #tpu.memory_space<vmem_shared>>
        tpu.wait_indirect_dma semaphore(%run_scoped3A_517 : memref<!tpu.dma_semaphore, #tpu.memory_space<semaphore_mem>>) src(%dma_wait3A_531 : memref<128x128xf32, #tpu.memory_space<vmem>>) dst(%dma_wait3A_537 : memref<10240x128xf32, #tpu.memory_space<vmem_shared>>)
        tpu.yield
      }) : () -> ()
      %add3A_250 = arith.constant 1 : i32
      %add3A_251 = arith.addi %add3A_60, %add3A_250 : i32
      %lt3A = arith.constant 10 : i32
      %lt3A_252 = arith.cmpi slt, %add3A_251, %lt3A : i32
      %convert_element_type3A_253 = arith.extui %lt3A_252 : i1 to i32
      %cond3A_254 = arith.constant 0 : i32
      %cond3A_255 = arith.cmpi ne, %convert_element_type3A_253, %cond3A_254 : i32
      scf.if %cond3A_255 {
        %dma_start3A_517 = arith.constant 1 : i32
        %dma_start3A_518 = arith.constant 0 : i32
        %dma_start3A_519 = arith.constant 0 : i32
        %dma_start3A_520 = arith.constant 0 : i32
        %dma_start3A_521 = arith.constant 0 : i32
        %dma_start3A_522 = tpu.memref_slice %arg9[%dma_start3A_519, %dma_start3A_520, %dma_start3A_521] : memref<2x128x128xf32, #tpu.memory_space<vmem>> -> memref<1x128x128xf32, #tpu.memory_space<vmem>>
        %dma_start3A_523 = tpu.memref_squeeze %dma_start3A_522 : memref<1x128x128xf32, #tpu.memory_space<vmem>> -> memref<128x128xf32, #tpu.memory_space<vmem>>
        %dma_start3A_524 = arith.constant 0 : i32
        %dma_start3A_525 = tpu.memref_slice %arg7[%dma_start3A_517, %dma_start3A_518, %dma_start3A_524] : memref<2x8x128xi32, #tpu.memory_space<vmem>> -> memref<1x1x128xi32, #tpu.memory_space<vmem>>
        %dma_start3A_526 = tpu.memref_squeeze %dma_start3A_525 : memref<1x1x128xi32, #tpu.memory_space<vmem>> -> memref<128xi32, #tpu.memory_space<vmem>>
        %dma_start3A_527 = arith.constant 0 : i32
        %dma_start3A_528 = arith.constant 0 : i32
        %dma_start3A_529 = tpu.memref_slice %arg4[%dma_start3A_527, %dma_start3A_528] : memref<10240x128xf32, #tpu.memory_space<hbm>> -> memref<10240x128xf32, #tpu.memory_space<hbm>>
        tpu.enqueue_indirect_dma source(%dma_start3A_529 : memref<10240x128xf32, #tpu.memory_space<hbm>>) target(%dma_start3A_523 : memref<128x128xf32, #tpu.memory_space<vmem>>) offsets(%dma_start3A_526 : memref<128xi32, #tpu.memory_space<vmem>>) semaphore(%arg10 : memref<!tpu.dma_semaphore, #tpu.memory_space<semaphore_mem>>)
      } else {
      }
      %dma_wait3A_256 = arith.constant 0 : i32
      %dma_wait3A_257 = arith.constant 7 : i32
      %dma_wait3A_258 = arith.constant 1 : i32
      %dma_wait3A_259 = arith.constant 0 : i32
      %dma_wait3A_260 = arith.constant 0 : i32
      %dma_wait3A_261 = tpu.memref_slice %arg9[%dma_wait3A_258, %dma_wait3A_259, %dma_wait3A_260] : memref<2x128x128xf32, #tpu.memory_space<vmem>> -> memref<1x128x128xf32, #tpu.memory_space<vmem>>
      %dma_wait3A_262 = tpu.memref_squeeze %dma_wait3A_261 : memref<1x128x128xf32, #tpu.memory_space<vmem>> -> memref<128x128xf32, #tpu.memory_space<vmem>>
      %dma_wait3A_263 = arith.constant 0 : i32
      %dma_wait3A_264 = tpu.memref_slice %arg7[%dma_wait3A_256, %dma_wait3A_257, %dma_wait3A_263] : memref<2x8x128xi32, #tpu.memory_space<vmem>> -> memref<1x1x128xi32, #tpu.memory_space<vmem>>
      %dma_wait3A_265 = tpu.memref_squeeze %dma_wait3A_264 : memref<1x1x128xi32, #tpu.memory_space<vmem>> -> memref<128xi32, #tpu.memory_space<vmem>>
      %dma_wait3A_266 = arith.constant 0 : i32
      %dma_wait3A_267 = arith.constant 0 : i32
      %dma_wait3A_268 = tpu.memref_slice %arg4[%dma_wait3A_266, %dma_wait3A_267] : memref<10240x128xf32, #tpu.memory_space<hbm>> -> memref<10240x128xf32, #tpu.memory_space<hbm>>
      tpu.wait_indirect_dma semaphore(%arg11 : memref<!tpu.dma_semaphore, #tpu.memory_space<semaphore_mem>>) src(%dma_wait3A_268 : memref<10240x128xf32, #tpu.memory_space<hbm>>) dst(%dma_wait3A_262 : memref<128x128xf32, #tpu.memory_space<vmem>>)
      %run_scoped3A_269 = arith.constant 1 : i32
      %run_scoped3A_270 = arith.constant 0 : i32
      %run_scoped3A_271 = arith.constant 7 : i32
      "tpu.region"() ({
        %run_scoped3A_517 = tpu.sem_alloc : memref<!tpu.dma_semaphore, #tpu.memory_space<semaphore_mem>>
        %dma_start3A_518 = arith.constant 0 : i32
        %dma_start3A_519 = arith.constant 0 : i32
        %dma_start3A_520 = tpu.memref_slice %arg9[%run_scoped3A_269, %dma_start3A_518, %dma_start3A_519] : memref<2x128x128xf32, #tpu.memory_space<vmem>> -> memref<1x128x128xf32, #tpu.memory_space<vmem>>
        %dma_start3A_521 = tpu.memref_squeeze %dma_start3A_520 : memref<1x128x128xf32, #tpu.memory_space<vmem>> -> memref<128x128xf32, #tpu.memory_space<vmem>>
        %dma_start3A_522 = arith.constant 0 : i32
        %dma_start3A_523 = tpu.memref_slice %arg8[%run_scoped3A_270, %run_scoped3A_271, %dma_start3A_522] : memref<2x8x128xi32, #tpu.memory_space<vmem>> -> memref<1x1x128xi32, #tpu.memory_space<vmem>>
        %dma_start3A_524 = tpu.memref_squeeze %dma_start3A_523 : memref<1x1x128xi32, #tpu.memory_space<vmem>> -> memref<128xi32, #tpu.memory_space<vmem>>
        %dma_start3A_525 = arith.constant 0 : i32
        %dma_start3A_526 = arith.constant 0 : i32
        %dma_start3A_527 = tpu.memref_slice %arg12[%dma_start3A_525, %dma_start3A_526] : memref<10240x128xf32, #tpu.memory_space<vmem_shared>> -> memref<10240x128xf32, #tpu.memory_space<vmem_shared>>
        tpu.enqueue_indirect_dma source(%dma_start3A_521 : memref<128x128xf32, #tpu.memory_space<vmem>>) target(%dma_start3A_527 : memref<10240x128xf32, #tpu.memory_space<vmem_shared>>) offsets(%dma_start3A_524 : memref<128xi32, #tpu.memory_space<vmem>>) semaphore(%run_scoped3A_517 : memref<!tpu.dma_semaphore, #tpu.memory_space<semaphore_mem>>) {add = true}
        %dma_wait3A_528 = arith.constant 0 : i32
        %dma_wait3A_529 = arith.constant 0 : i32
        %dma_wait3A_530 = tpu.memref_slice %arg9[%run_scoped3A_269, %dma_wait3A_528, %dma_wait3A_529] : memref<2x128x128xf32, #tpu.memory_space<vmem>> -> memref<1x128x128xf32, #tpu.memory_space<vmem>>
        %dma_wait3A_531 = tpu.memref_squeeze %dma_wait3A_530 : memref<1x128x128xf32, #tpu.memory_space<vmem>> -> memref<128x128xf32, #tpu.memory_space<vmem>>
        %dma_wait3A_532 = arith.constant 0 : i32
        %dma_wait3A_533 = tpu.memref_slice %arg8[%run_scoped3A_270, %run_scoped3A_271, %dma_wait3A_532] : memref<2x8x128xi32, #tpu.memory_space<vmem>> -> memref<1x1x128xi32, #tpu.memory_space<vmem>>
        %dma_wait3A_534 = tpu.memref_squeeze %dma_wait3A_533 : memref<1x1x128xi32, #tpu.memory_space<vmem>> -> memref<128xi32, #tpu.memory_space<vmem>>
        %dma_wait3A_535 = arith.constant 0 : i32
        %dma_wait3A_536 = arith.constant 0 : i32
        %dma_wait3A_537 = tpu.memref_slice %arg12[%dma_wait3A_535, %dma_wait3A_536] : memref<10240x128xf32, #tpu.memory_space<vmem_shared>> -> memref<10240x128xf32, #tpu.memory_space<vmem_shared>>
        tpu.wait_indirect_dma semaphore(%run_scoped3A_517 : memref<!tpu.dma_semaphore, #tpu.memory_space<semaphore_mem>>) src(%dma_wait3A_531 : memref<128x128xf32, #tpu.memory_space<vmem>>) dst(%dma_wait3A_537 : memref<10240x128xf32, #tpu.memory_space<vmem_shared>>)
        tpu.yield
      }) : () -> ()
      %add3A_272 = arith.constant 1 : i32
      %add3A_273 = arith.addi %add3A_60, %add3A_272 : i32
      %lt3A_274 = arith.constant 10 : i32
      %lt3A_275 = arith.cmpi slt, %add3A_273, %lt3A_274 : i32
      %convert_element_type3A_276 = arith.extui %lt3A_275 : i1 to i32
      %cond3A_277 = arith.constant 0 : i32
      %cond3A_278 = arith.cmpi ne, %convert_element_type3A_276, %cond3A_277 : i32
      scf.if %cond3A_278 {
        %dma_start3A_517 = arith.constant 1 : i32
        %dma_start3A_518 = arith.constant 1 : i32
        %dma_start3A_519 = arith.constant 1 : i32
        %dma_start3A_520 = arith.constant 0 : i32
        %dma_start3A_521 = arith.constant 0 : i32
        %dma_start3A_522 = tpu.memref_slice %arg9[%dma_start3A_519, %dma_start3A_520, %dma_start3A_521] : memref<2x128x128xf32, #tpu.memory_space<vmem>> -> memref<1x128x128xf32, #tpu.memory_space<vmem>>
        %dma_start3A_523 = tpu.memref_squeeze %dma_start3A_522 : memref<1x128x128xf32, #tpu.memory_space<vmem>> -> memref<128x128xf32, #tpu.memory_space<vmem>>
        %dma_start3A_524 = arith.constant 0 : i32
        %dma_start3A_525 = tpu.memref_slice %arg7[%dma_start3A_517, %dma_start3A_518, %dma_start3A_524] : memref<2x8x128xi32, #tpu.memory_space<vmem>> -> memref<1x1x128xi32, #tpu.memory_space<vmem>>
        %dma_start3A_526 = tpu.memref_squeeze %dma_start3A_525 : memref<1x1x128xi32, #tpu.memory_space<vmem>> -> memref<128xi32, #tpu.memory_space<vmem>>
        %dma_start3A_527 = arith.constant 0 : i32
        %dma_start3A_528 = arith.constant 0 : i32
        %dma_start3A_529 = tpu.memref_slice %arg4[%dma_start3A_527, %dma_start3A_528] : memref<10240x128xf32, #tpu.memory_space<hbm>> -> memref<10240x128xf32, #tpu.memory_space<hbm>>
        tpu.enqueue_indirect_dma source(%dma_start3A_529 : memref<10240x128xf32, #tpu.memory_space<hbm>>) target(%dma_start3A_523 : memref<128x128xf32, #tpu.memory_space<vmem>>) offsets(%dma_start3A_526 : memref<128xi32, #tpu.memory_space<vmem>>) semaphore(%arg11 : memref<!tpu.dma_semaphore, #tpu.memory_space<semaphore_mem>>)
      } else {
      }
      %add3A_279 = arith.constant 2 : i32
      %add3A_280 = arith.addi %add3A_60, %add3A_279 : i32
      %lt3A_281 = arith.constant 10 : i32
      %lt3A_282 = arith.cmpi slt, %add3A_280, %lt3A_281 : i32
      %convert_element_type3A_283 = arith.extui %lt3A_282 : i1 to i32
      %cond3A_284 = arith.constant 0 : i32
      %cond3A_285 = arith.cmpi ne, %convert_element_type3A_283, %cond3A_284 : i32
      scf.if %cond3A_285 {
        %add3A_517 = arith.constant 2 : i32
        %add3A_518 = arith.addi %add3A_60, %add3A_517 : i32
        %mul3A_519 = arith.constant 8 : i32
        %mul3A_520 = arith.muli %add3A_518, %mul3A_519 : i32
        %add3A_521 = arith.addi %mul3A_9, %mul3A_520 : i32
        %run_scoped3A_522 = arith.constant 0 : i32
        "tpu.region"() ({
          %run_scoped3A_524 = tpu.sem_alloc : memref<!tpu.dma_semaphore, #tpu.memory_space<semaphore_mem>>
          %dma_start3A_525 = arith.constant 0 : i32
          %dma_start3A_526 = arith.constant 0 : i32
          %dma_start3A_527 = tpu.memref_slice %arg7[%run_scoped3A_522, %dma_start3A_525, %dma_start3A_526] : memref<2x8x128xi32, #tpu.memory_space<vmem>> -> memref<1x8x128xi32, #tpu.memory_space<vmem>>
          %dma_start3A_528 = tpu.memref_squeeze %dma_start3A_527 : memref<1x8x128xi32, #tpu.memory_space<vmem>> -> memref<8x128xi32, #tpu.memory_space<vmem>>
          %dma_start3A_529 = arith.constant 0 : i32
          %dma_start3A_530 = tpu.memref_slice %arg2[%add3A_521, %dma_start3A_529] : memref<2560x128xi32, #tpu.memory_space<hbm>> -> memref<8x128xi32, #tpu.memory_space<hbm>>
          %dma_start3A_531 = arith.constant 0 : i32
          %dma_start3A_532 = arith.constant 0 : i32
          %dma_start3A_533 = tpu.memref_slice %arg7[%run_scoped3A_522, %dma_start3A_531, %dma_start3A_532] : memref<2x8x128xi32, #tpu.memory_space<vmem>> -> memref<1x8x128xi32, #tpu.memory_space<vmem>>
          %dma_start3A_534 = tpu.memref_squeeze %dma_start3A_533 : memref<1x8x128xi32, #tpu.memory_space<vmem>> -> memref<8x128xi32, #tpu.memory_space<vmem>>
          %dma_start3A_535 = arith.constant 0 : i32
          %dma_start3A_536 = tpu.memref_slice %arg2[%add3A_521, %dma_start3A_535] : memref<2560x128xi32, #tpu.memory_space<hbm>> -> memref<8x128xi32, #tpu.memory_space<hbm>>
          tpu.enqueue_dma source(%dma_start3A_536 : memref<8x128xi32, #tpu.memory_space<hbm>>) target(%dma_start3A_534 : memref<8x128xi32, #tpu.memory_space<vmem>>) target_semaphore(%run_scoped3A_524 : memref<!tpu.dma_semaphore, #tpu.memory_space<semaphore_mem>>)
          %dma_wait3A_537 = arith.constant 0 : i32
          %dma_wait3A_538 = arith.constant 0 : i32
          %dma_wait3A_539 = tpu.memref_slice %arg7[%run_scoped3A_522, %dma_wait3A_537, %dma_wait3A_538] : memref<2x8x128xi32, #tpu.memory_space<vmem>> -> memref<1x8x128xi32, #tpu.memory_space<vmem>>
          %dma_wait3A_540 = tpu.memref_squeeze %dma_wait3A_539 : memref<1x8x128xi32, #tpu.memory_space<vmem>> -> memref<8x128xi32, #tpu.memory_space<vmem>>
          %dma_wait3A_541 = arith.constant 0 : i32
          %dma_wait3A_542 = tpu.memref_slice %arg2[%add3A_521, %dma_wait3A_541] : memref<2560x128xi32, #tpu.memory_space<hbm>> -> memref<8x128xi32, #tpu.memory_space<hbm>>
          %dma_wait3A_543 = arith.constant 0 : i32
          %dma_wait3A_544 = arith.constant 0 : i32
          %dma_wait3A_545 = tpu.memref_slice %arg7[%run_scoped3A_522, %dma_wait3A_543, %dma_wait3A_544] : memref<2x8x128xi32, #tpu.memory_space<vmem>> -> memref<1x8x128xi32, #tpu.memory_space<vmem>>
          %dma_wait3A_546 = tpu.memref_squeeze %dma_wait3A_545 : memref<1x8x128xi32, #tpu.memory_space<vmem>> -> memref<8x128xi32, #tpu.memory_space<vmem>>
          %dma_wait3A_547 = arith.constant 0 : i32
          %dma_wait3A_548 = tpu.memref_slice %arg2[%add3A_521, %dma_wait3A_547] : memref<2560x128xi32, #tpu.memory_space<hbm>> -> memref<8x128xi32, #tpu.memory_space<hbm>>
          tpu.wait_dma2 semaphore(%run_scoped3A_524 : memref<!tpu.dma_semaphore, #tpu.memory_space<semaphore_mem>>) src(%dma_wait3A_548 : memref<8x128xi32, #tpu.memory_space<hbm>>) dst(%dma_wait3A_546 : memref<8x128xi32, #tpu.memory_space<vmem>>)
          tpu.yield
        }) : () -> ()
        %run_scoped3A_523 = arith.constant 0 : i32
        "tpu.region"() ({
          %run_scoped3A_524 = tpu.sem_alloc : memref<!tpu.dma_semaphore, #tpu.memory_space<semaphore_mem>>
          %dma_start3A_525 = arith.constant 0 : i32
          %dma_start3A_526 = arith.constant 0 : i32
          %dma_start3A_527 = tpu.memref_slice %arg8[%run_scoped3A_523, %dma_start3A_525, %dma_start3A_526] : memref<2x8x128xi32, #tpu.memory_space<vmem>> -> memref<1x8x128xi32, #tpu.memory_space<vmem>>
          %dma_start3A_528 = tpu.memref_squeeze %dma_start3A_527 : memref<1x8x128xi32, #tpu.memory_space<vmem>> -> memref<8x128xi32, #tpu.memory_space<vmem>>
          %dma_start3A_529 = arith.constant 0 : i32
          %dma_start3A_530 = tpu.memref_slice %arg3[%add3A_521, %dma_start3A_529] : memref<2560x128xi32, #tpu.memory_space<hbm>> -> memref<8x128xi32, #tpu.memory_space<hbm>>
          %dma_start3A_531 = arith.constant 0 : i32
          %dma_start3A_532 = arith.constant 0 : i32
          %dma_start3A_533 = tpu.memref_slice %arg8[%run_scoped3A_523, %dma_start3A_531, %dma_start3A_532] : memref<2x8x128xi32, #tpu.memory_space<vmem>> -> memref<1x8x128xi32, #tpu.memory_space<vmem>>
          %dma_start3A_534 = tpu.memref_squeeze %dma_start3A_533 : memref<1x8x128xi32, #tpu.memory_space<vmem>> -> memref<8x128xi32, #tpu.memory_space<vmem>>
          %dma_start3A_535 = arith.constant 0 : i32
          %dma_start3A_536 = tpu.memref_slice %arg3[%add3A_521, %dma_start3A_535] : memref<2560x128xi32, #tpu.memory_space<hbm>> -> memref<8x128xi32, #tpu.memory_space<hbm>>
          tpu.enqueue_dma source(%dma_start3A_536 : memref<8x128xi32, #tpu.memory_space<hbm>>) target(%dma_start3A_534 : memref<8x128xi32, #tpu.memory_space<vmem>>) target_semaphore(%run_scoped3A_524 : memref<!tpu.dma_semaphore, #tpu.memory_space<semaphore_mem>>)
          %dma_wait3A_537 = arith.constant 0 : i32
          %dma_wait3A_538 = arith.constant 0 : i32
          %dma_wait3A_539 = tpu.memref_slice %arg8[%run_scoped3A_523, %dma_wait3A_537, %dma_wait3A_538] : memref<2x8x128xi32, #tpu.memory_space<vmem>> -> memref<1x8x128xi32, #tpu.memory_space<vmem>>
          %dma_wait3A_540 = tpu.memref_squeeze %dma_wait3A_539 : memref<1x8x128xi32, #tpu.memory_space<vmem>> -> memref<8x128xi32, #tpu.memory_space<vmem>>
          %dma_wait3A_541 = arith.constant 0 : i32
          %dma_wait3A_542 = tpu.memref_slice %arg3[%add3A_521, %dma_wait3A_541] : memref<2560x128xi32, #tpu.memory_space<hbm>> -> memref<8x128xi32, #tpu.memory_space<hbm>>
          %dma_wait3A_543 = arith.constant 0 : i32
          %dma_wait3A_544 = arith.constant 0 : i32
          %dma_wait3A_545 = tpu.memref_slice %arg8[%run_scoped3A_523, %dma_wait3A_543, %dma_wait3A_544] : memref<2x8x128xi32, #tpu.memory_space<vmem>> -> memref<1x8x128xi32, #tpu.memory_space<vmem>>
          %dma_wait3A_546 = tpu.memref_squeeze %dma_wait3A_545 : memref<1x8x128xi32, #tpu.memory_space<vmem>> -> memref<8x128xi32, #tpu.memory_space<vmem>>
          %dma_wait3A_547 = arith.constant 0 : i32
          %dma_wait3A_548 = tpu.memref_slice %arg3[%add3A_521, %dma_wait3A_547] : memref<2560x128xi32, #tpu.memory_space<hbm>> -> memref<8x128xi32, #tpu.memory_space<hbm>>
          tpu.wait_dma2 semaphore(%run_scoped3A_524 : memref<!tpu.dma_semaphore, #tpu.memory_space<semaphore_mem>>) src(%dma_wait3A_548 : memref<8x128xi32, #tpu.memory_space<hbm>>) dst(%dma_wait3A_546 : memref<8x128xi32, #tpu.memory_space<vmem>>)
          tpu.yield
        }) : () -> ()
      } else {
      }
      %mul3A_286 = arith.constant 2 : i32
      %mul3A_287 = arith.muli %mul3A_286, %scan3A_56 : i32
      %add3A_288 = arith.constant 1 : i32
      %add3A_289 = arith.addi %mul3A_287, %add3A_288 : i32
      %dma_wait3A_290 = arith.constant 1 : i32
      %dma_wait3A_291 = arith.constant 0 : i32
      %dma_wait3A_292 = arith.constant 0 : i32
      %dma_wait3A_293 = arith.constant 0 : i32
      %dma_wait3A_294 = arith.constant 0 : i32
      %dma_wait3A_295 = tpu.memref_slice %arg9[%dma_wait3A_292, %dma_wait3A_293, %dma_wait3A_294] : memref<2x128x128xf32, #tpu.memory_space<vmem>> -> memref<1x128x128xf32, #tpu.memory_space<vmem>>
      %dma_wait3A_296 = tpu.memref_squeeze %dma_wait3A_295 : memref<1x128x128xf32, #tpu.memory_space<vmem>> -> memref<128x128xf32, #tpu.memory_space<vmem>>
      %dma_wait3A_297 = arith.constant 0 : i32
      %dma_wait3A_298 = tpu.memref_slice %arg7[%dma_wait3A_290, %dma_wait3A_291, %dma_wait3A_297] : memref<2x8x128xi32, #tpu.memory_space<vmem>> -> memref<1x1x128xi32, #tpu.memory_space<vmem>>
      %dma_wait3A_299 = tpu.memref_squeeze %dma_wait3A_298 : memref<1x1x128xi32, #tpu.memory_space<vmem>> -> memref<128xi32, #tpu.memory_space<vmem>>
      %dma_wait3A_300 = arith.constant 0 : i32
      %dma_wait3A_301 = arith.constant 0 : i32
      %dma_wait3A_302 = tpu.memref_slice %arg4[%dma_wait3A_300, %dma_wait3A_301] : memref<10240x128xf32, #tpu.memory_space<hbm>> -> memref<10240x128xf32, #tpu.memory_space<hbm>>
      tpu.wait_indirect_dma semaphore(%arg10 : memref<!tpu.dma_semaphore, #tpu.memory_space<semaphore_mem>>) src(%dma_wait3A_302 : memref<10240x128xf32, #tpu.memory_space<hbm>>) dst(%dma_wait3A_296 : memref<128x128xf32, #tpu.memory_space<vmem>>)
      %run_scoped3A_303 = arith.constant 0 : i32
      %run_scoped3A_304 = arith.constant 1 : i32
      %run_scoped3A_305 = arith.constant 0 : i32
      "tpu.region"() ({
        %run_scoped3A_517 = tpu.sem_alloc : memref<!tpu.dma_semaphore, #tpu.memory_space<semaphore_mem>>
        %dma_start3A_518 = arith.constant 0 : i32
        %dma_start3A_519 = arith.constant 0 : i32
        %dma_start3A_520 = tpu.memref_slice %arg9[%run_scoped3A_303, %dma_start3A_518, %dma_start3A_519] : memref<2x128x128xf32, #tpu.memory_space<vmem>> -> memref<1x128x128xf32, #tpu.memory_space<vmem>>
        %dma_start3A_521 = tpu.memref_squeeze %dma_start3A_520 : memref<1x128x128xf32, #tpu.memory_space<vmem>> -> memref<128x128xf32, #tpu.memory_space<vmem>>
        %dma_start3A_522 = arith.constant 0 : i32
        %dma_start3A_523 = tpu.memref_slice %arg8[%run_scoped3A_304, %run_scoped3A_305, %dma_start3A_522] : memref<2x8x128xi32, #tpu.memory_space<vmem>> -> memref<1x1x128xi32, #tpu.memory_space<vmem>>
        %dma_start3A_524 = tpu.memref_squeeze %dma_start3A_523 : memref<1x1x128xi32, #tpu.memory_space<vmem>> -> memref<128xi32, #tpu.memory_space<vmem>>
        %dma_start3A_525 = arith.constant 0 : i32
        %dma_start3A_526 = arith.constant 0 : i32
        %dma_start3A_527 = tpu.memref_slice %arg12[%dma_start3A_525, %dma_start3A_526] : memref<10240x128xf32, #tpu.memory_space<vmem_shared>> -> memref<10240x128xf32, #tpu.memory_space<vmem_shared>>
        tpu.enqueue_indirect_dma source(%dma_start3A_521 : memref<128x128xf32, #tpu.memory_space<vmem>>) target(%dma_start3A_527 : memref<10240x128xf32, #tpu.memory_space<vmem_shared>>) offsets(%dma_start3A_524 : memref<128xi32, #tpu.memory_space<vmem>>) semaphore(%run_scoped3A_517 : memref<!tpu.dma_semaphore, #tpu.memory_space<semaphore_mem>>) {add = true}
        %dma_wait3A_528 = arith.constant 0 : i32
        %dma_wait3A_529 = arith.constant 0 : i32
        %dma_wait3A_530 = tpu.memref_slice %arg9[%run_scoped3A_303, %dma_wait3A_528, %dma_wait3A_529] : memref<2x128x128xf32, #tpu.memory_space<vmem>> -> memref<1x128x128xf32, #tpu.memory_space<vmem>>
        %dma_wait3A_531 = tpu.memref_squeeze %dma_wait3A_530 : memref<1x128x128xf32, #tpu.memory_space<vmem>> -> memref<128x128xf32, #tpu.memory_space<vmem>>
        %dma_wait3A_532 = arith.constant 0 : i32
        %dma_wait3A_533 = tpu.memref_slice %arg8[%run_scoped3A_304, %run_scoped3A_305, %dma_wait3A_532] : memref<2x8x128xi32, #tpu.memory_space<vmem>> -> memref<1x1x128xi32, #tpu.memory_space<vmem>>
        %dma_wait3A_534 = tpu.memref_squeeze %dma_wait3A_533 : memref<1x1x128xi32, #tpu.memory_space<vmem>> -> memref<128xi32, #tpu.memory_space<vmem>>
        %dma_wait3A_535 = arith.constant 0 : i32
        %dma_wait3A_536 = arith.constant 0 : i32
        %dma_wait3A_537 = tpu.memref_slice %arg12[%dma_wait3A_535, %dma_wait3A_536] : memref<10240x128xf32, #tpu.memory_space<vmem_shared>> -> memref<10240x128xf32, #tpu.memory_space<vmem_shared>>
        tpu.wait_indirect_dma semaphore(%run_scoped3A_517 : memref<!tpu.dma_semaphore, #tpu.memory_space<semaphore_mem>>) src(%dma_wait3A_531 : memref<128x128xf32, #tpu.memory_space<vmem>>) dst(%dma_wait3A_537 : memref<10240x128xf32, #tpu.memory_space<vmem_shared>>)
        tpu.yield
      }) : () -> ()
      %dma_start3A_306 = arith.constant 1 : i32
      %dma_start3A_307 = arith.constant 2 : i32
      %dma_start3A_308 = arith.constant 0 : i32
      %dma_start3A_309 = arith.constant 0 : i32
      %dma_start3A_310 = arith.constant 0 : i32
      %dma_start3A_311 = tpu.memref_slice %arg9[%dma_start3A_308, %dma_start3A_309, %dma_start3A_310] : memref<2x128x128xf32, #tpu.memory_space<vmem>> -> memref<1x128x128xf32, #tpu.memory_space<vmem>>
      %dma_start3A_312 = tpu.memref_squeeze %dma_start3A_311 : memref<1x128x128xf32, #tpu.memory_space<vmem>> -> memref<128x128xf32, #tpu.memory_space<vmem>>
      %dma_start3A_313 = arith.constant 0 : i32
      %dma_start3A_314 = tpu.memref_slice %arg7[%dma_start3A_306, %dma_start3A_307, %dma_start3A_313] : memref<2x8x128xi32, #tpu.memory_space<vmem>> -> memref<1x1x128xi32, #tpu.memory_space<vmem>>
      %dma_start3A_315 = tpu.memref_squeeze %dma_start3A_314 : memref<1x1x128xi32, #tpu.memory_space<vmem>> -> memref<128xi32, #tpu.memory_space<vmem>>
      %dma_start3A_316 = arith.constant 0 : i32
      %dma_start3A_317 = arith.constant 0 : i32
      %dma_start3A_318 = tpu.memref_slice %arg4[%dma_start3A_316, %dma_start3A_317] : memref<10240x128xf32, #tpu.memory_space<hbm>> -> memref<10240x128xf32, #tpu.memory_space<hbm>>
      tpu.enqueue_indirect_dma source(%dma_start3A_318 : memref<10240x128xf32, #tpu.memory_space<hbm>>) target(%dma_start3A_312 : memref<128x128xf32, #tpu.memory_space<vmem>>) offsets(%dma_start3A_315 : memref<128xi32, #tpu.memory_space<vmem>>) semaphore(%arg10 : memref<!tpu.dma_semaphore, #tpu.memory_space<semaphore_mem>>)
      %dma_wait3A_319 = arith.constant 1 : i32
      %dma_wait3A_320 = arith.constant 1 : i32
      %dma_wait3A_321 = arith.constant 1 : i32
      %dma_wait3A_322 = arith.constant 0 : i32
      %dma_wait3A_323 = arith.constant 0 : i32
      %dma_wait3A_324 = tpu.memref_slice %arg9[%dma_wait3A_321, %dma_wait3A_322, %dma_wait3A_323] : memref<2x128x128xf32, #tpu.memory_space<vmem>> -> memref<1x128x128xf32, #tpu.memory_space<vmem>>
      %dma_wait3A_325 = tpu.memref_squeeze %dma_wait3A_324 : memref<1x128x128xf32, #tpu.memory_space<vmem>> -> memref<128x128xf32, #tpu.memory_space<vmem>>
      %dma_wait3A_326 = arith.constant 0 : i32
      %dma_wait3A_327 = tpu.memref_slice %arg7[%dma_wait3A_319, %dma_wait3A_320, %dma_wait3A_326] : memref<2x8x128xi32, #tpu.memory_space<vmem>> -> memref<1x1x128xi32, #tpu.memory_space<vmem>>
      %dma_wait3A_328 = tpu.memref_squeeze %dma_wait3A_327 : memref<1x1x128xi32, #tpu.memory_space<vmem>> -> memref<128xi32, #tpu.memory_space<vmem>>
      %dma_wait3A_329 = arith.constant 0 : i32
      %dma_wait3A_330 = arith.constant 0 : i32
      %dma_wait3A_331 = tpu.memref_slice %arg4[%dma_wait3A_329, %dma_wait3A_330] : memref<10240x128xf32, #tpu.memory_space<hbm>> -> memref<10240x128xf32, #tpu.memory_space<hbm>>
      tpu.wait_indirect_dma semaphore(%arg11 : memref<!tpu.dma_semaphore, #tpu.memory_space<semaphore_mem>>) src(%dma_wait3A_331 : memref<10240x128xf32, #tpu.memory_space<hbm>>) dst(%dma_wait3A_325 : memref<128x128xf32, #tpu.memory_space<vmem>>)
      %run_scoped3A_332 = arith.constant 1 : i32
      %run_scoped3A_333 = arith.constant 1 : i32
      %run_scoped3A_334 = arith.constant 1 : i32
      "tpu.region"() ({
        %run_scoped3A_517 = tpu.sem_alloc : memref<!tpu.dma_semaphore, #tpu.memory_space<semaphore_mem>>
        %dma_start3A_518 = arith.constant 0 : i32
        %dma_start3A_519 = arith.constant 0 : i32
        %dma_start3A_520 = tpu.memref_slice %arg9[%run_scoped3A_332, %dma_start3A_518, %dma_start3A_519] : memref<2x128x128xf32, #tpu.memory_space<vmem>> -> memref<1x128x128xf32, #tpu.memory_space<vmem>>
        %dma_start3A_521 = tpu.memref_squeeze %dma_start3A_520 : memref<1x128x128xf32, #tpu.memory_space<vmem>> -> memref<128x128xf32, #tpu.memory_space<vmem>>
        %dma_start3A_522 = arith.constant 0 : i32
        %dma_start3A_523 = tpu.memref_slice %arg8[%run_scoped3A_333, %run_scoped3A_334, %dma_start3A_522] : memref<2x8x128xi32, #tpu.memory_space<vmem>> -> memref<1x1x128xi32, #tpu.memory_space<vmem>>
        %dma_start3A_524 = tpu.memref_squeeze %dma_start3A_523 : memref<1x1x128xi32, #tpu.memory_space<vmem>> -> memref<128xi32, #tpu.memory_space<vmem>>
        %dma_start3A_525 = arith.constant 0 : i32
        %dma_start3A_526 = arith.constant 0 : i32
        %dma_start3A_527 = tpu.memref_slice %arg12[%dma_start3A_525, %dma_start3A_526] : memref<10240x128xf32, #tpu.memory_space<vmem_shared>> -> memref<10240x128xf32, #tpu.memory_space<vmem_shared>>
        tpu.enqueue_indirect_dma source(%dma_start3A_521 : memref<128x128xf32, #tpu.memory_space<vmem>>) target(%dma_start3A_527 : memref<10240x128xf32, #tpu.memory_space<vmem_shared>>) offsets(%dma_start3A_524 : memref<128xi32, #tpu.memory_space<vmem>>) semaphore(%run_scoped3A_517 : memref<!tpu.dma_semaphore, #tpu.memory_space<semaphore_mem>>) {add = true}
        %dma_wait3A_528 = arith.constant 0 : i32
        %dma_wait3A_529 = arith.constant 0 : i32
        %dma_wait3A_530 = tpu.memref_slice %arg9[%run_scoped3A_332, %dma_wait3A_528, %dma_wait3A_529] : memref<2x128x128xf32, #tpu.memory_space<vmem>> -> memref<1x128x128xf32, #tpu.memory_space<vmem>>
        %dma_wait3A_531 = tpu.memref_squeeze %dma_wait3A_530 : memref<1x128x128xf32, #tpu.memory_space<vmem>> -> memref<128x128xf32, #tpu.memory_space<vmem>>
        %dma_wait3A_532 = arith.constant 0 : i32
        %dma_wait3A_533 = tpu.memref_slice %arg8[%run_scoped3A_333, %run_scoped3A_334, %dma_wait3A_532] : memref<2x8x128xi32, #tpu.memory_space<vmem>> -> memref<1x1x128xi32, #tpu.memory_space<vmem>>
        %dma_wait3A_534 = tpu.memref_squeeze %dma_wait3A_533 : memref<1x1x128xi32, #tpu.memory_space<vmem>> -> memref<128xi32, #tpu.memory_space<vmem>>
        %dma_wait3A_535 = arith.constant 0 : i32
        %dma_wait3A_536 = arith.constant 0 : i32
        %dma_wait3A_537 = tpu.memref_slice %arg12[%dma_wait3A_535, %dma_wait3A_536] : memref<10240x128xf32, #tpu.memory_space<vmem_shared>> -> memref<10240x128xf32, #tpu.memory_space<vmem_shared>>
        tpu.wait_indirect_dma semaphore(%run_scoped3A_517 : memref<!tpu.dma_semaphore, #tpu.memory_space<semaphore_mem>>) src(%dma_wait3A_531 : memref<128x128xf32, #tpu.memory_space<vmem>>) dst(%dma_wait3A_537 : memref<10240x128xf32, #tpu.memory_space<vmem_shared>>)
        tpu.yield
      }) : () -> ()
      %dma_start3A_335 = arith.constant 1 : i32
      %dma_start3A_336 = arith.constant 3 : i32
      %dma_start3A_337 = arith.constant 1 : i32
      %dma_start3A_338 = arith.constant 0 : i32
      %dma_start3A_339 = arith.constant 0 : i32
      %dma_start3A_340 = tpu.memref_slice %arg9[%dma_start3A_337, %dma_start3A_338, %dma_start3A_339] : memref<2x128x128xf32, #tpu.memory_space<vmem>> -> memref<1x128x128xf32, #tpu.memory_space<vmem>>
      %dma_start3A_341 = tpu.memref_squeeze %dma_start3A_340 : memref<1x128x128xf32, #tpu.memory_space<vmem>> -> memref<128x128xf32, #tpu.memory_space<vmem>>
      %dma_start3A_342 = arith.constant 0 : i32
      %dma_start3A_343 = tpu.memref_slice %arg7[%dma_start3A_335, %dma_start3A_336, %dma_start3A_342] : memref<2x8x128xi32, #tpu.memory_space<vmem>> -> memref<1x1x128xi32, #tpu.memory_space<vmem>>
      %dma_start3A_344 = tpu.memref_squeeze %dma_start3A_343 : memref<1x1x128xi32, #tpu.memory_space<vmem>> -> memref<128xi32, #tpu.memory_space<vmem>>
      %dma_start3A_345 = arith.constant 0 : i32
      %dma_start3A_346 = arith.constant 0 : i32
      %dma_start3A_347 = tpu.memref_slice %arg4[%dma_start3A_345, %dma_start3A_346] : memref<10240x128xf32, #tpu.memory_space<hbm>> -> memref<10240x128xf32, #tpu.memory_space<hbm>>
      tpu.enqueue_indirect_dma source(%dma_start3A_347 : memref<10240x128xf32, #tpu.memory_space<hbm>>) target(%dma_start3A_341 : memref<128x128xf32, #tpu.memory_space<vmem>>) offsets(%dma_start3A_344 : memref<128xi32, #tpu.memory_space<vmem>>) semaphore(%arg11 : memref<!tpu.dma_semaphore, #tpu.memory_space<semaphore_mem>>)
      %dma_wait3A_348 = arith.constant 1 : i32
      %dma_wait3A_349 = arith.constant 2 : i32
      %dma_wait3A_350 = arith.constant 0 : i32
      %dma_wait3A_351 = arith.constant 0 : i32
      %dma_wait3A_352 = arith.constant 0 : i32
      %dma_wait3A_353 = tpu.memref_slice %arg9[%dma_wait3A_350, %dma_wait3A_351, %dma_wait3A_352] : memref<2x128x128xf32, #tpu.memory_space<vmem>> -> memref<1x128x128xf32, #tpu.memory_space<vmem>>
      %dma_wait3A_354 = tpu.memref_squeeze %dma_wait3A_353 : memref<1x128x128xf32, #tpu.memory_space<vmem>> -> memref<128x128xf32, #tpu.memory_space<vmem>>
      %dma_wait3A_355 = arith.constant 0 : i32
      %dma_wait3A_356 = tpu.memref_slice %arg7[%dma_wait3A_348, %dma_wait3A_349, %dma_wait3A_355] : memref<2x8x128xi32, #tpu.memory_space<vmem>> -> memref<1x1x128xi32, #tpu.memory_space<vmem>>
      %dma_wait3A_357 = tpu.memref_squeeze %dma_wait3A_356 : memref<1x1x128xi32, #tpu.memory_space<vmem>> -> memref<128xi32, #tpu.memory_space<vmem>>
      %dma_wait3A_358 = arith.constant 0 : i32
      %dma_wait3A_359 = arith.constant 0 : i32
      %dma_wait3A_360 = tpu.memref_slice %arg4[%dma_wait3A_358, %dma_wait3A_359] : memref<10240x128xf32, #tpu.memory_space<hbm>> -> memref<10240x128xf32, #tpu.memory_space<hbm>>
      tpu.wait_indirect_dma semaphore(%arg10 : memref<!tpu.dma_semaphore, #tpu.memory_space<semaphore_mem>>) src(%dma_wait3A_360 : memref<10240x128xf32, #tpu.memory_space<hbm>>) dst(%dma_wait3A_354 : memref<128x128xf32, #tpu.memory_space<vmem>>)
      %run_scoped3A_361 = arith.constant 0 : i32
      %run_scoped3A_362 = arith.constant 1 : i32
      %run_scoped3A_363 = arith.constant 2 : i32
      "tpu.region"() ({
        %run_scoped3A_517 = tpu.sem_alloc : memref<!tpu.dma_semaphore, #tpu.memory_space<semaphore_mem>>
        %dma_start3A_518 = arith.constant 0 : i32
        %dma_start3A_519 = arith.constant 0 : i32
        %dma_start3A_520 = tpu.memref_slice %arg9[%run_scoped3A_361, %dma_start3A_518, %dma_start3A_519] : memref<2x128x128xf32, #tpu.memory_space<vmem>> -> memref<1x128x128xf32, #tpu.memory_space<vmem>>
        %dma_start3A_521 = tpu.memref_squeeze %dma_start3A_520 : memref<1x128x128xf32, #tpu.memory_space<vmem>> -> memref<128x128xf32, #tpu.memory_space<vmem>>
        %dma_start3A_522 = arith.constant 0 : i32
        %dma_start3A_523 = tpu.memref_slice %arg8[%run_scoped3A_362, %run_scoped3A_363, %dma_start3A_522] : memref<2x8x128xi32, #tpu.memory_space<vmem>> -> memref<1x1x128xi32, #tpu.memory_space<vmem>>
        %dma_start3A_524 = tpu.memref_squeeze %dma_start3A_523 : memref<1x1x128xi32, #tpu.memory_space<vmem>> -> memref<128xi32, #tpu.memory_space<vmem>>
        %dma_start3A_525 = arith.constant 0 : i32
        %dma_start3A_526 = arith.constant 0 : i32
        %dma_start3A_527 = tpu.memref_slice %arg12[%dma_start3A_525, %dma_start3A_526] : memref<10240x128xf32, #tpu.memory_space<vmem_shared>> -> memref<10240x128xf32, #tpu.memory_space<vmem_shared>>
        tpu.enqueue_indirect_dma source(%dma_start3A_521 : memref<128x128xf32, #tpu.memory_space<vmem>>) target(%dma_start3A_527 : memref<10240x128xf32, #tpu.memory_space<vmem_shared>>) offsets(%dma_start3A_524 : memref<128xi32, #tpu.memory_space<vmem>>) semaphore(%run_scoped3A_517 : memref<!tpu.dma_semaphore, #tpu.memory_space<semaphore_mem>>) {add = true}
        %dma_wait3A_528 = arith.constant 0 : i32
        %dma_wait3A_529 = arith.constant 0 : i32
        %dma_wait3A_530 = tpu.memref_slice %arg9[%run_scoped3A_361, %dma_wait3A_528, %dma_wait3A_529] : memref<2x128x128xf32, #tpu.memory_space<vmem>> -> memref<1x128x128xf32, #tpu.memory_space<vmem>>
        %dma_wait3A_531 = tpu.memref_squeeze %dma_wait3A_530 : memref<1x128x128xf32, #tpu.memory_space<vmem>> -> memref<128x128xf32, #tpu.memory_space<vmem>>
        %dma_wait3A_532 = arith.constant 0 : i32
        %dma_wait3A_533 = tpu.memref_slice %arg8[%run_scoped3A_362, %run_scoped3A_363, %dma_wait3A_532] : memref<2x8x128xi32, #tpu.memory_space<vmem>> -> memref<1x1x128xi32, #tpu.memory_space<vmem>>
        %dma_wait3A_534 = tpu.memref_squeeze %dma_wait3A_533 : memref<1x1x128xi32, #tpu.memory_space<vmem>> -> memref<128xi32, #tpu.memory_space<vmem>>
        %dma_wait3A_535 = arith.constant 0 : i32
        %dma_wait3A_536 = arith.constant 0 : i32
        %dma_wait3A_537 = tpu.memref_slice %arg12[%dma_wait3A_535, %dma_wait3A_536] : memref<10240x128xf32, #tpu.memory_space<vmem_shared>> -> memref<10240x128xf32, #tpu.memory_space<vmem_shared>>
        tpu.wait_indirect_dma semaphore(%run_scoped3A_517 : memref<!tpu.dma_semaphore, #tpu.memory_space<semaphore_mem>>) src(%dma_wait3A_531 : memref<128x128xf32, #tpu.memory_space<vmem>>) dst(%dma_wait3A_537 : memref<10240x128xf32, #tpu.memory_space<vmem_shared>>)
        tpu.yield
      }) : () -> ()
      %dma_start3A_364 = arith.constant 1 : i32
      %dma_start3A_365 = arith.constant 4 : i32
      %dma_start3A_366 = arith.constant 0 : i32
      %dma_start3A_367 = arith.constant 0 : i32
      %dma_start3A_368 = arith.constant 0 : i32
      %dma_start3A_369 = tpu.memref_slice %arg9[%dma_start3A_366, %dma_start3A_367, %dma_start3A_368] : memref<2x128x128xf32, #tpu.memory_space<vmem>> -> memref<1x128x128xf32, #tpu.memory_space<vmem>>
      %dma_start3A_370 = tpu.memref_squeeze %dma_start3A_369 : memref<1x128x128xf32, #tpu.memory_space<vmem>> -> memref<128x128xf32, #tpu.memory_space<vmem>>
      %dma_start3A_371 = arith.constant 0 : i32
      %dma_start3A_372 = tpu.memref_slice %arg7[%dma_start3A_364, %dma_start3A_365, %dma_start3A_371] : memref<2x8x128xi32, #tpu.memory_space<vmem>> -> memref<1x1x128xi32, #tpu.memory_space<vmem>>
      %dma_start3A_373 = tpu.memref_squeeze %dma_start3A_372 : memref<1x1x128xi32, #tpu.memory_space<vmem>> -> memref<128xi32, #tpu.memory_space<vmem>>
      %dma_start3A_374 = arith.constant 0 : i32
      %dma_start3A_375 = arith.constant 0 : i32
      %dma_start3A_376 = tpu.memref_slice %arg4[%dma_start3A_374, %dma_start3A_375] : memref<10240x128xf32, #tpu.memory_space<hbm>> -> memref<10240x128xf32, #tpu.memory_space<hbm>>
      tpu.enqueue_indirect_dma source(%dma_start3A_376 : memref<10240x128xf32, #tpu.memory_space<hbm>>) target(%dma_start3A_370 : memref<128x128xf32, #tpu.memory_space<vmem>>) offsets(%dma_start3A_373 : memref<128xi32, #tpu.memory_space<vmem>>) semaphore(%arg10 : memref<!tpu.dma_semaphore, #tpu.memory_space<semaphore_mem>>)
      %dma_wait3A_377 = arith.constant 1 : i32
      %dma_wait3A_378 = arith.constant 3 : i32
      %dma_wait3A_379 = arith.constant 1 : i32
      %dma_wait3A_380 = arith.constant 0 : i32
      %dma_wait3A_381 = arith.constant 0 : i32
      %dma_wait3A_382 = tpu.memref_slice %arg9[%dma_wait3A_379, %dma_wait3A_380, %dma_wait3A_381] : memref<2x128x128xf32, #tpu.memory_space<vmem>> -> memref<1x128x128xf32, #tpu.memory_space<vmem>>
      %dma_wait3A_383 = tpu.memref_squeeze %dma_wait3A_382 : memref<1x128x128xf32, #tpu.memory_space<vmem>> -> memref<128x128xf32, #tpu.memory_space<vmem>>
      %dma_wait3A_384 = arith.constant 0 : i32
      %dma_wait3A_385 = tpu.memref_slice %arg7[%dma_wait3A_377, %dma_wait3A_378, %dma_wait3A_384] : memref<2x8x128xi32, #tpu.memory_space<vmem>> -> memref<1x1x128xi32, #tpu.memory_space<vmem>>
      %dma_wait3A_386 = tpu.memref_squeeze %dma_wait3A_385 : memref<1x1x128xi32, #tpu.memory_space<vmem>> -> memref<128xi32, #tpu.memory_space<vmem>>
      %dma_wait3A_387 = arith.constant 0 : i32
      %dma_wait3A_388 = arith.constant 0 : i32
      %dma_wait3A_389 = tpu.memref_slice %arg4[%dma_wait3A_387, %dma_wait3A_388] : memref<10240x128xf32, #tpu.memory_space<hbm>> -> memref<10240x128xf32, #tpu.memory_space<hbm>>
      tpu.wait_indirect_dma semaphore(%arg11 : memref<!tpu.dma_semaphore, #tpu.memory_space<semaphore_mem>>) src(%dma_wait3A_389 : memref<10240x128xf32, #tpu.memory_space<hbm>>) dst(%dma_wait3A_383 : memref<128x128xf32, #tpu.memory_space<vmem>>)
      %run_scoped3A_390 = arith.constant 1 : i32
      %run_scoped3A_391 = arith.constant 1 : i32
      %run_scoped3A_392 = arith.constant 3 : i32
      "tpu.region"() ({
        %run_scoped3A_517 = tpu.sem_alloc : memref<!tpu.dma_semaphore, #tpu.memory_space<semaphore_mem>>
        %dma_start3A_518 = arith.constant 0 : i32
        %dma_start3A_519 = arith.constant 0 : i32
        %dma_start3A_520 = tpu.memref_slice %arg9[%run_scoped3A_390, %dma_start3A_518, %dma_start3A_519] : memref<2x128x128xf32, #tpu.memory_space<vmem>> -> memref<1x128x128xf32, #tpu.memory_space<vmem>>
        %dma_start3A_521 = tpu.memref_squeeze %dma_start3A_520 : memref<1x128x128xf32, #tpu.memory_space<vmem>> -> memref<128x128xf32, #tpu.memory_space<vmem>>
        %dma_start3A_522 = arith.constant 0 : i32
        %dma_start3A_523 = tpu.memref_slice %arg8[%run_scoped3A_391, %run_scoped3A_392, %dma_start3A_522] : memref<2x8x128xi32, #tpu.memory_space<vmem>> -> memref<1x1x128xi32, #tpu.memory_space<vmem>>
        %dma_start3A_524 = tpu.memref_squeeze %dma_start3A_523 : memref<1x1x128xi32, #tpu.memory_space<vmem>> -> memref<128xi32, #tpu.memory_space<vmem>>
        %dma_start3A_525 = arith.constant 0 : i32
        %dma_start3A_526 = arith.constant 0 : i32
        %dma_start3A_527 = tpu.memref_slice %arg12[%dma_start3A_525, %dma_start3A_526] : memref<10240x128xf32, #tpu.memory_space<vmem_shared>> -> memref<10240x128xf32, #tpu.memory_space<vmem_shared>>
        tpu.enqueue_indirect_dma source(%dma_start3A_521 : memref<128x128xf32, #tpu.memory_space<vmem>>) target(%dma_start3A_527 : memref<10240x128xf32, #tpu.memory_space<vmem_shared>>) offsets(%dma_start3A_524 : memref<128xi32, #tpu.memory_space<vmem>>) semaphore(%run_scoped3A_517 : memref<!tpu.dma_semaphore, #tpu.memory_space<semaphore_mem>>) {add = true}
        %dma_wait3A_528 = arith.constant 0 : i32
        %dma_wait3A_529 = arith.constant 0 : i32
        %dma_wait3A_530 = tpu.memref_slice %arg9[%run_scoped3A_390, %dma_wait3A_528, %dma_wait3A_529] : memref<2x128x128xf32, #tpu.memory_space<vmem>> -> memref<1x128x128xf32, #tpu.memory_space<vmem>>
        %dma_wait3A_531 = tpu.memref_squeeze %dma_wait3A_530 : memref<1x128x128xf32, #tpu.memory_space<vmem>> -> memref<128x128xf32, #tpu.memory_space<vmem>>
        %dma_wait3A_532 = arith.constant 0 : i32
        %dma_wait3A_533 = tpu.memref_slice %arg8[%run_scoped3A_391, %run_scoped3A_392, %dma_wait3A_532] : memref<2x8x128xi32, #tpu.memory_space<vmem>> -> memref<1x1x128xi32, #tpu.memory_space<vmem>>
        %dma_wait3A_534 = tpu.memref_squeeze %dma_wait3A_533 : memref<1x1x128xi32, #tpu.memory_space<vmem>> -> memref<128xi32, #tpu.memory_space<vmem>>
        %dma_wait3A_535 = arith.constant 0 : i32
        %dma_wait3A_536 = arith.constant 0 : i32
        %dma_wait3A_537 = tpu.memref_slice %arg12[%dma_wait3A_535, %dma_wait3A_536] : memref<10240x128xf32, #tpu.memory_space<vmem_shared>> -> memref<10240x128xf32, #tpu.memory_space<vmem_shared>>
        tpu.wait_indirect_dma semaphore(%run_scoped3A_517 : memref<!tpu.dma_semaphore, #tpu.memory_space<semaphore_mem>>) src(%dma_wait3A_531 : memref<128x128xf32, #tpu.memory_space<vmem>>) dst(%dma_wait3A_537 : memref<10240x128xf32, #tpu.memory_space<vmem_shared>>)
        tpu.yield
      }) : () -> ()
      %dma_start3A_393 = arith.constant 1 : i32
      %dma_start3A_394 = arith.constant 5 : i32
      %dma_start3A_395 = arith.constant 1 : i32
      %dma_start3A_396 = arith.constant 0 : i32
      %dma_start3A_397 = arith.constant 0 : i32
      %dma_start3A_398 = tpu.memref_slice %arg9[%dma_start3A_395, %dma_start3A_396, %dma_start3A_397] : memref<2x128x128xf32, #tpu.memory_space<vmem>> -> memref<1x128x128xf32, #tpu.memory_space<vmem>>
      %dma_start3A_399 = tpu.memref_squeeze %dma_start3A_398 : memref<1x128x128xf32, #tpu.memory_space<vmem>> -> memref<128x128xf32, #tpu.memory_space<vmem>>
      %dma_start3A_400 = arith.constant 0 : i32
      %dma_start3A_401 = tpu.memref_slice %arg7[%dma_start3A_393, %dma_start3A_394, %dma_start3A_400] : memref<2x8x128xi32, #tpu.memory_space<vmem>> -> memref<1x1x128xi32, #tpu.memory_space<vmem>>
      %dma_start3A_402 = tpu.memref_squeeze %dma_start3A_401 : memref<1x1x128xi32, #tpu.memory_space<vmem>> -> memref<128xi32, #tpu.memory_space<vmem>>
      %dma_start3A_403 = arith.constant 0 : i32
      %dma_start3A_404 = arith.constant 0 : i32
      %dma_start3A_405 = tpu.memref_slice %arg4[%dma_start3A_403, %dma_start3A_404] : memref<10240x128xf32, #tpu.memory_space<hbm>> -> memref<10240x128xf32, #tpu.memory_space<hbm>>
      tpu.enqueue_indirect_dma source(%dma_start3A_405 : memref<10240x128xf32, #tpu.memory_space<hbm>>) target(%dma_start3A_399 : memref<128x128xf32, #tpu.memory_space<vmem>>) offsets(%dma_start3A_402 : memref<128xi32, #tpu.memory_space<vmem>>) semaphore(%arg11 : memref<!tpu.dma_semaphore, #tpu.memory_space<semaphore_mem>>)
      %dma_wait3A_406 = arith.constant 1 : i32
      %dma_wait3A_407 = arith.constant 4 : i32
      %dma_wait3A_408 = arith.constant 0 : i32
      %dma_wait3A_409 = arith.constant 0 : i32
      %dma_wait3A_410 = arith.constant 0 : i32
      %dma_wait3A_411 = tpu.memref_slice %arg9[%dma_wait3A_408, %dma_wait3A_409, %dma_wait3A_410] : memref<2x128x128xf32, #tpu.memory_space<vmem>> -> memref<1x128x128xf32, #tpu.memory_space<vmem>>
      %dma_wait3A_412 = tpu.memref_squeeze %dma_wait3A_411 : memref<1x128x128xf32, #tpu.memory_space<vmem>> -> memref<128x128xf32, #tpu.memory_space<vmem>>
      %dma_wait3A_413 = arith.constant 0 : i32
      %dma_wait3A_414 = tpu.memref_slice %arg7[%dma_wait3A_406, %dma_wait3A_407, %dma_wait3A_413] : memref<2x8x128xi32, #tpu.memory_space<vmem>> -> memref<1x1x128xi32, #tpu.memory_space<vmem>>
      %dma_wait3A_415 = tpu.memref_squeeze %dma_wait3A_414 : memref<1x1x128xi32, #tpu.memory_space<vmem>> -> memref<128xi32, #tpu.memory_space<vmem>>
      %dma_wait3A_416 = arith.constant 0 : i32
      %dma_wait3A_417 = arith.constant 0 : i32
      %dma_wait3A_418 = tpu.memref_slice %arg4[%dma_wait3A_416, %dma_wait3A_417] : memref<10240x128xf32, #tpu.memory_space<hbm>> -> memref<10240x128xf32, #tpu.memory_space<hbm>>
      tpu.wait_indirect_dma semaphore(%arg10 : memref<!tpu.dma_semaphore, #tpu.memory_space<semaphore_mem>>) src(%dma_wait3A_418 : memref<10240x128xf32, #tpu.memory_space<hbm>>) dst(%dma_wait3A_412 : memref<128x128xf32, #tpu.memory_space<vmem>>)
      %run_scoped3A_419 = arith.constant 0 : i32
      %run_scoped3A_420 = arith.constant 1 : i32
      %run_scoped3A_421 = arith.constant 4 : i32
      "tpu.region"() ({
        %run_scoped3A_517 = tpu.sem_alloc : memref<!tpu.dma_semaphore, #tpu.memory_space<semaphore_mem>>
        %dma_start3A_518 = arith.constant 0 : i32
        %dma_start3A_519 = arith.constant 0 : i32
        %dma_start3A_520 = tpu.memref_slice %arg9[%run_scoped3A_419, %dma_start3A_518, %dma_start3A_519] : memref<2x128x128xf32, #tpu.memory_space<vmem>> -> memref<1x128x128xf32, #tpu.memory_space<vmem>>
        %dma_start3A_521 = tpu.memref_squeeze %dma_start3A_520 : memref<1x128x128xf32, #tpu.memory_space<vmem>> -> memref<128x128xf32, #tpu.memory_space<vmem>>
        %dma_start3A_522 = arith.constant 0 : i32
        %dma_start3A_523 = tpu.memref_slice %arg8[%run_scoped3A_420, %run_scoped3A_421, %dma_start3A_522] : memref<2x8x128xi32, #tpu.memory_space<vmem>> -> memref<1x1x128xi32, #tpu.memory_space<vmem>>
        %dma_start3A_524 = tpu.memref_squeeze %dma_start3A_523 : memref<1x1x128xi32, #tpu.memory_space<vmem>> -> memref<128xi32, #tpu.memory_space<vmem>>
        %dma_start3A_525 = arith.constant 0 : i32
        %dma_start3A_526 = arith.constant 0 : i32
        %dma_start3A_527 = tpu.memref_slice %arg12[%dma_start3A_525, %dma_start3A_526] : memref<10240x128xf32, #tpu.memory_space<vmem_shared>> -> memref<10240x128xf32, #tpu.memory_space<vmem_shared>>
        tpu.enqueue_indirect_dma source(%dma_start3A_521 : memref<128x128xf32, #tpu.memory_space<vmem>>) target(%dma_start3A_527 : memref<10240x128xf32, #tpu.memory_space<vmem_shared>>) offsets(%dma_start3A_524 : memref<128xi32, #tpu.memory_space<vmem>>) semaphore(%run_scoped3A_517 : memref<!tpu.dma_semaphore, #tpu.memory_space<semaphore_mem>>) {add = true}
        %dma_wait3A_528 = arith.constant 0 : i32
        %dma_wait3A_529 = arith.constant 0 : i32
        %dma_wait3A_530 = tpu.memref_slice %arg9[%run_scoped3A_419, %dma_wait3A_528, %dma_wait3A_529] : memref<2x128x128xf32, #tpu.memory_space<vmem>> -> memref<1x128x128xf32, #tpu.memory_space<vmem>>
        %dma_wait3A_531 = tpu.memref_squeeze %dma_wait3A_530 : memref<1x128x128xf32, #tpu.memory_space<vmem>> -> memref<128x128xf32, #tpu.memory_space<vmem>>
        %dma_wait3A_532 = arith.constant 0 : i32
        %dma_wait3A_533 = tpu.memref_slice %arg8[%run_scoped3A_420, %run_scoped3A_421, %dma_wait3A_532] : memref<2x8x128xi32, #tpu.memory_space<vmem>> -> memref<1x1x128xi32, #tpu.memory_space<vmem>>
        %dma_wait3A_534 = tpu.memref_squeeze %dma_wait3A_533 : memref<1x1x128xi32, #tpu.memory_space<vmem>> -> memref<128xi32, #tpu.memory_space<vmem>>
        %dma_wait3A_535 = arith.constant 0 : i32
        %dma_wait3A_536 = arith.constant 0 : i32
        %dma_wait3A_537 = tpu.memref_slice %arg12[%dma_wait3A_535, %dma_wait3A_536] : memref<10240x128xf32, #tpu.memory_space<vmem_shared>> -> memref<10240x128xf32, #tpu.memory_space<vmem_shared>>
        tpu.wait_indirect_dma semaphore(%run_scoped3A_517 : memref<!tpu.dma_semaphore, #tpu.memory_space<semaphore_mem>>) src(%dma_wait3A_531 : memref<128x128xf32, #tpu.memory_space<vmem>>) dst(%dma_wait3A_537 : memref<10240x128xf32, #tpu.memory_space<vmem_shared>>)
        tpu.yield
      }) : () -> ()
      %dma_start3A_422 = arith.constant 1 : i32
      %dma_start3A_423 = arith.constant 6 : i32
      %dma_start3A_424 = arith.constant 0 : i32
      %dma_start3A_425 = arith.constant 0 : i32
      %dma_start3A_426 = arith.constant 0 : i32
      %dma_start3A_427 = tpu.memref_slice %arg9[%dma_start3A_424, %dma_start3A_425, %dma_start3A_426] : memref<2x128x128xf32, #tpu.memory_space<vmem>> -> memref<1x128x128xf32, #tpu.memory_space<vmem>>
      %dma_start3A_428 = tpu.memref_squeeze %dma_start3A_427 : memref<1x128x128xf32, #tpu.memory_space<vmem>> -> memref<128x128xf32, #tpu.memory_space<vmem>>
      %dma_start3A_429 = arith.constant 0 : i32
      %dma_start3A_430 = tpu.memref_slice %arg7[%dma_start3A_422, %dma_start3A_423, %dma_start3A_429] : memref<2x8x128xi32, #tpu.memory_space<vmem>> -> memref<1x1x128xi32, #tpu.memory_space<vmem>>
      %dma_start3A_431 = tpu.memref_squeeze %dma_start3A_430 : memref<1x1x128xi32, #tpu.memory_space<vmem>> -> memref<128xi32, #tpu.memory_space<vmem>>
      %dma_start3A_432 = arith.constant 0 : i32
      %dma_start3A_433 = arith.constant 0 : i32
      %dma_start3A_434 = tpu.memref_slice %arg4[%dma_start3A_432, %dma_start3A_433] : memref<10240x128xf32, #tpu.memory_space<hbm>> -> memref<10240x128xf32, #tpu.memory_space<hbm>>
      tpu.enqueue_indirect_dma source(%dma_start3A_434 : memref<10240x128xf32, #tpu.memory_space<hbm>>) target(%dma_start3A_428 : memref<128x128xf32, #tpu.memory_space<vmem>>) offsets(%dma_start3A_431 : memref<128xi32, #tpu.memory_space<vmem>>) semaphore(%arg10 : memref<!tpu.dma_semaphore, #tpu.memory_space<semaphore_mem>>)
      %dma_wait3A_435 = arith.constant 1 : i32
      %dma_wait3A_436 = arith.constant 5 : i32
      %dma_wait3A_437 = arith.constant 1 : i32
      %dma_wait3A_438 = arith.constant 0 : i32
      %dma_wait3A_439 = arith.constant 0 : i32
      %dma_wait3A_440 = tpu.memref_slice %arg9[%dma_wait3A_437, %dma_wait3A_438, %dma_wait3A_439] : memref<2x128x128xf32, #tpu.memory_space<vmem>> -> memref<1x128x128xf32, #tpu.memory_space<vmem>>
      %dma_wait3A_441 = tpu.memref_squeeze %dma_wait3A_440 : memref<1x128x128xf32, #tpu.memory_space<vmem>> -> memref<128x128xf32, #tpu.memory_space<vmem>>
      %dma_wait3A_442 = arith.constant 0 : i32
      %dma_wait3A_443 = tpu.memref_slice %arg7[%dma_wait3A_435, %dma_wait3A_436, %dma_wait3A_442] : memref<2x8x128xi32, #tpu.memory_space<vmem>> -> memref<1x1x128xi32, #tpu.memory_space<vmem>>
      %dma_wait3A_444 = tpu.memref_squeeze %dma_wait3A_443 : memref<1x1x128xi32, #tpu.memory_space<vmem>> -> memref<128xi32, #tpu.memory_space<vmem>>
      %dma_wait3A_445 = arith.constant 0 : i32
      %dma_wait3A_446 = arith.constant 0 : i32
      %dma_wait3A_447 = tpu.memref_slice %arg4[%dma_wait3A_445, %dma_wait3A_446] : memref<10240x128xf32, #tpu.memory_space<hbm>> -> memref<10240x128xf32, #tpu.memory_space<hbm>>
      tpu.wait_indirect_dma semaphore(%arg11 : memref<!tpu.dma_semaphore, #tpu.memory_space<semaphore_mem>>) src(%dma_wait3A_447 : memref<10240x128xf32, #tpu.memory_space<hbm>>) dst(%dma_wait3A_441 : memref<128x128xf32, #tpu.memory_space<vmem>>)
      %run_scoped3A_448 = arith.constant 1 : i32
      %run_scoped3A_449 = arith.constant 1 : i32
      %run_scoped3A_450 = arith.constant 5 : i32
      "tpu.region"() ({
        %run_scoped3A_517 = tpu.sem_alloc : memref<!tpu.dma_semaphore, #tpu.memory_space<semaphore_mem>>
        %dma_start3A_518 = arith.constant 0 : i32
        %dma_start3A_519 = arith.constant 0 : i32
        %dma_start3A_520 = tpu.memref_slice %arg9[%run_scoped3A_448, %dma_start3A_518, %dma_start3A_519] : memref<2x128x128xf32, #tpu.memory_space<vmem>> -> memref<1x128x128xf32, #tpu.memory_space<vmem>>
        %dma_start3A_521 = tpu.memref_squeeze %dma_start3A_520 : memref<1x128x128xf32, #tpu.memory_space<vmem>> -> memref<128x128xf32, #tpu.memory_space<vmem>>
        %dma_start3A_522 = arith.constant 0 : i32
        %dma_start3A_523 = tpu.memref_slice %arg8[%run_scoped3A_449, %run_scoped3A_450, %dma_start3A_522] : memref<2x8x128xi32, #tpu.memory_space<vmem>> -> memref<1x1x128xi32, #tpu.memory_space<vmem>>
        %dma_start3A_524 = tpu.memref_squeeze %dma_start3A_523 : memref<1x1x128xi32, #tpu.memory_space<vmem>> -> memref<128xi32, #tpu.memory_space<vmem>>
        %dma_start3A_525 = arith.constant 0 : i32
        %dma_start3A_526 = arith.constant 0 : i32
        %dma_start3A_527 = tpu.memref_slice %arg12[%dma_start3A_525, %dma_start3A_526] : memref<10240x128xf32, #tpu.memory_space<vmem_shared>> -> memref<10240x128xf32, #tpu.memory_space<vmem_shared>>
        tpu.enqueue_indirect_dma source(%dma_start3A_521 : memref<128x128xf32, #tpu.memory_space<vmem>>) target(%dma_start3A_527 : memref<10240x128xf32, #tpu.memory_space<vmem_shared>>) offsets(%dma_start3A_524 : memref<128xi32, #tpu.memory_space<vmem>>) semaphore(%run_scoped3A_517 : memref<!tpu.dma_semaphore, #tpu.memory_space<semaphore_mem>>) {add = true}
        %dma_wait3A_528 = arith.constant 0 : i32
        %dma_wait3A_529 = arith.constant 0 : i32
        %dma_wait3A_530 = tpu.memref_slice %arg9[%run_scoped3A_448, %dma_wait3A_528, %dma_wait3A_529] : memref<2x128x128xf32, #tpu.memory_space<vmem>> -> memref<1x128x128xf32, #tpu.memory_space<vmem>>
        %dma_wait3A_531 = tpu.memref_squeeze %dma_wait3A_530 : memref<1x128x128xf32, #tpu.memory_space<vmem>> -> memref<128x128xf32, #tpu.memory_space<vmem>>
        %dma_wait3A_532 = arith.constant 0 : i32
        %dma_wait3A_533 = tpu.memref_slice %arg8[%run_scoped3A_449, %run_scoped3A_450, %dma_wait3A_532] : memref<2x8x128xi32, #tpu.memory_space<vmem>> -> memref<1x1x128xi32, #tpu.memory_space<vmem>>
        %dma_wait3A_534 = tpu.memref_squeeze %dma_wait3A_533 : memref<1x1x128xi32, #tpu.memory_space<vmem>> -> memref<128xi32, #tpu.memory_space<vmem>>
        %dma_wait3A_535 = arith.constant 0 : i32
        %dma_wait3A_536 = arith.constant 0 : i32
        %dma_wait3A_537 = tpu.memref_slice %arg12[%dma_wait3A_535, %dma_wait3A_536] : memref<10240x128xf32, #tpu.memory_space<vmem_shared>> -> memref<10240x128xf32, #tpu.memory_space<vmem_shared>>
        tpu.wait_indirect_dma semaphore(%run_scoped3A_517 : memref<!tpu.dma_semaphore, #tpu.memory_space<semaphore_mem>>) src(%dma_wait3A_531 : memref<128x128xf32, #tpu.memory_space<vmem>>) dst(%dma_wait3A_537 : memref<10240x128xf32, #tpu.memory_space<vmem_shared>>)
        tpu.yield
      }) : () -> ()
      %dma_start3A_451 = arith.constant 1 : i32
      %dma_start3A_452 = arith.constant 7 : i32
      %dma_start3A_453 = arith.constant 1 : i32
      %dma_start3A_454 = arith.constant 0 : i32
      %dma_start3A_455 = arith.constant 0 : i32
      %dma_start3A_456 = tpu.memref_slice %arg9[%dma_start3A_453, %dma_start3A_454, %dma_start3A_455] : memref<2x128x128xf32, #tpu.memory_space<vmem>> -> memref<1x128x128xf32, #tpu.memory_space<vmem>>
      %dma_start3A_457 = tpu.memref_squeeze %dma_start3A_456 : memref<1x128x128xf32, #tpu.memory_space<vmem>> -> memref<128x128xf32, #tpu.memory_space<vmem>>
      %dma_start3A_458 = arith.constant 0 : i32
      %dma_start3A_459 = tpu.memref_slice %arg7[%dma_start3A_451, %dma_start3A_452, %dma_start3A_458] : memref<2x8x128xi32, #tpu.memory_space<vmem>> -> memref<1x1x128xi32, #tpu.memory_space<vmem>>
      %dma_start3A_460 = tpu.memref_squeeze %dma_start3A_459 : memref<1x1x128xi32, #tpu.memory_space<vmem>> -> memref<128xi32, #tpu.memory_space<vmem>>
      %dma_start3A_461 = arith.constant 0 : i32
      %dma_start3A_462 = arith.constant 0 : i32
      %dma_start3A_463 = tpu.memref_slice %arg4[%dma_start3A_461, %dma_start3A_462] : memref<10240x128xf32, #tpu.memory_space<hbm>> -> memref<10240x128xf32, #tpu.memory_space<hbm>>
      tpu.enqueue_indirect_dma source(%dma_start3A_463 : memref<10240x128xf32, #tpu.memory_space<hbm>>) target(%dma_start3A_457 : memref<128x128xf32, #tpu.memory_space<vmem>>) offsets(%dma_start3A_460 : memref<128xi32, #tpu.memory_space<vmem>>) semaphore(%arg11 : memref<!tpu.dma_semaphore, #tpu.memory_space<semaphore_mem>>)
      %dma_wait3A_464 = arith.constant 1 : i32
      %dma_wait3A_465 = arith.constant 6 : i32
      %dma_wait3A_466 = arith.constant 0 : i32
      %dma_wait3A_467 = arith.constant 0 : i32
      %dma_wait3A_468 = arith.constant 0 : i32
      %dma_wait3A_469 = tpu.memref_slice %arg9[%dma_wait3A_466, %dma_wait3A_467, %dma_wait3A_468] : memref<2x128x128xf32, #tpu.memory_space<vmem>> -> memref<1x128x128xf32, #tpu.memory_space<vmem>>
      %dma_wait3A_470 = tpu.memref_squeeze %dma_wait3A_469 : memref<1x128x128xf32, #tpu.memory_space<vmem>> -> memref<128x128xf32, #tpu.memory_space<vmem>>
      %dma_wait3A_471 = arith.constant 0 : i32
      %dma_wait3A_472 = tpu.memref_slice %arg7[%dma_wait3A_464, %dma_wait3A_465, %dma_wait3A_471] : memref<2x8x128xi32, #tpu.memory_space<vmem>> -> memref<1x1x128xi32, #tpu.memory_space<vmem>>
      %dma_wait3A_473 = tpu.memref_squeeze %dma_wait3A_472 : memref<1x1x128xi32, #tpu.memory_space<vmem>> -> memref<128xi32, #tpu.memory_space<vmem>>
      %dma_wait3A_474 = arith.constant 0 : i32
      %dma_wait3A_475 = arith.constant 0 : i32
      %dma_wait3A_476 = tpu.memref_slice %arg4[%dma_wait3A_474, %dma_wait3A_475] : memref<10240x128xf32, #tpu.memory_space<hbm>> -> memref<10240x128xf32, #tpu.memory_space<hbm>>
      tpu.wait_indirect_dma semaphore(%arg10 : memref<!tpu.dma_semaphore, #tpu.memory_space<semaphore_mem>>) src(%dma_wait3A_476 : memref<10240x128xf32, #tpu.memory_space<hbm>>) dst(%dma_wait3A_470 : memref<128x128xf32, #tpu.memory_space<vmem>>)
      %run_scoped3A_477 = arith.constant 0 : i32
      %run_scoped3A_478 = arith.constant 1 : i32
      %run_scoped3A_479 = arith.constant 6 : i32
      "tpu.region"() ({
        %run_scoped3A_517 = tpu.sem_alloc : memref<!tpu.dma_semaphore, #tpu.memory_space<semaphore_mem>>
        %dma_start3A_518 = arith.constant 0 : i32
        %dma_start3A_519 = arith.constant 0 : i32
        %dma_start3A_520 = tpu.memref_slice %arg9[%run_scoped3A_477, %dma_start3A_518, %dma_start3A_519] : memref<2x128x128xf32, #tpu.memory_space<vmem>> -> memref<1x128x128xf32, #tpu.memory_space<vmem>>
        %dma_start3A_521 = tpu.memref_squeeze %dma_start3A_520 : memref<1x128x128xf32, #tpu.memory_space<vmem>> -> memref<128x128xf32, #tpu.memory_space<vmem>>
        %dma_start3A_522 = arith.constant 0 : i32
        %dma_start3A_523 = tpu.memref_slice %arg8[%run_scoped3A_478, %run_scoped3A_479, %dma_start3A_522] : memref<2x8x128xi32, #tpu.memory_space<vmem>> -> memref<1x1x128xi32, #tpu.memory_space<vmem>>
        %dma_start3A_524 = tpu.memref_squeeze %dma_start3A_523 : memref<1x1x128xi32, #tpu.memory_space<vmem>> -> memref<128xi32, #tpu.memory_space<vmem>>
        %dma_start3A_525 = arith.constant 0 : i32
        %dma_start3A_526 = arith.constant 0 : i32
        %dma_start3A_527 = tpu.memref_slice %arg12[%dma_start3A_525, %dma_start3A_526] : memref<10240x128xf32, #tpu.memory_space<vmem_shared>> -> memref<10240x128xf32, #tpu.memory_space<vmem_shared>>
        tpu.enqueue_indirect_dma source(%dma_start3A_521 : memref<128x128xf32, #tpu.memory_space<vmem>>) target(%dma_start3A_527 : memref<10240x128xf32, #tpu.memory_space<vmem_shared>>) offsets(%dma_start3A_524 : memref<128xi32, #tpu.memory_space<vmem>>) semaphore(%run_scoped3A_517 : memref<!tpu.dma_semaphore, #tpu.memory_space<semaphore_mem>>) {add = true}
        %dma_wait3A_528 = arith.constant 0 : i32
        %dma_wait3A_529 = arith.constant 0 : i32
        %dma_wait3A_530 = tpu.memref_slice %arg9[%run_scoped3A_477, %dma_wait3A_528, %dma_wait3A_529] : memref<2x128x128xf32, #tpu.memory_space<vmem>> -> memref<1x128x128xf32, #tpu.memory_space<vmem>>
        %dma_wait3A_531 = tpu.memref_squeeze %dma_wait3A_530 : memref<1x128x128xf32, #tpu.memory_space<vmem>> -> memref<128x128xf32, #tpu.memory_space<vmem>>
        %dma_wait3A_532 = arith.constant 0 : i32
        %dma_wait3A_533 = tpu.memref_slice %arg8[%run_scoped3A_478, %run_scoped3A_479, %dma_wait3A_532] : memref<2x8x128xi32, #tpu.memory_space<vmem>> -> memref<1x1x128xi32, #tpu.memory_space<vmem>>
        %dma_wait3A_534 = tpu.memref_squeeze %dma_wait3A_533 : memref<1x1x128xi32, #tpu.memory_space<vmem>> -> memref<128xi32, #tpu.memory_space<vmem>>
        %dma_wait3A_535 = arith.constant 0 : i32
        %dma_wait3A_536 = arith.constant 0 : i32
        %dma_wait3A_537 = tpu.memref_slice %arg12[%dma_wait3A_535, %dma_wait3A_536] : memref<10240x128xf32, #tpu.memory_space<vmem_shared>> -> memref<10240x128xf32, #tpu.memory_space<vmem_shared>>
        tpu.wait_indirect_dma semaphore(%run_scoped3A_517 : memref<!tpu.dma_semaphore, #tpu.memory_space<semaphore_mem>>) src(%dma_wait3A_531 : memref<128x128xf32, #tpu.memory_space<vmem>>) dst(%dma_wait3A_537 : memref<10240x128xf32, #tpu.memory_space<vmem_shared>>)
        tpu.yield
      }) : () -> ()
      %add3A_480 = arith.constant 1 : i32
      %add3A_481 = arith.addi %add3A_289, %add3A_480 : i32
      %lt3A_482 = arith.constant 10 : i32
      %lt3A_483 = arith.cmpi slt, %add3A_481, %lt3A_482 : i32
      %convert_element_type3A_484 = arith.extui %lt3A_483 : i1 to i32
      %cond3A_485 = arith.constant 0 : i32
      %cond3A_486 = arith.cmpi ne, %convert_element_type3A_484, %cond3A_485 : i32
      scf.if %cond3A_486 {
        %dma_start3A_517 = arith.constant 0 : i32
        %dma_start3A_518 = arith.constant 0 : i32
        %dma_start3A_519 = arith.constant 0 : i32
        %dma_start3A_520 = arith.constant 0 : i32
        %dma_start3A_521 = arith.constant 0 : i32
        %dma_start3A_522 = tpu.memref_slice %arg9[%dma_start3A_519, %dma_start3A_520, %dma_start3A_521] : memref<2x128x128xf32, #tpu.memory_space<vmem>> -> memref<1x128x128xf32, #tpu.memory_space<vmem>>
        %dma_start3A_523 = tpu.memref_squeeze %dma_start3A_522 : memref<1x128x128xf32, #tpu.memory_space<vmem>> -> memref<128x128xf32, #tpu.memory_space<vmem>>
        %dma_start3A_524 = arith.constant 0 : i32
        %dma_start3A_525 = tpu.memref_slice %arg7[%dma_start3A_517, %dma_start3A_518, %dma_start3A_524] : memref<2x8x128xi32, #tpu.memory_space<vmem>> -> memref<1x1x128xi32, #tpu.memory_space<vmem>>
        %dma_start3A_526 = tpu.memref_squeeze %dma_start3A_525 : memref<1x1x128xi32, #tpu.memory_space<vmem>> -> memref<128xi32, #tpu.memory_space<vmem>>
        %dma_start3A_527 = arith.constant 0 : i32
        %dma_start3A_528 = arith.constant 0 : i32
        %dma_start3A_529 = tpu.memref_slice %arg4[%dma_start3A_527, %dma_start3A_528] : memref<10240x128xf32, #tpu.memory_space<hbm>> -> memref<10240x128xf32, #tpu.memory_space<hbm>>
        tpu.enqueue_indirect_dma source(%dma_start3A_529 : memref<10240x128xf32, #tpu.memory_space<hbm>>) target(%dma_start3A_523 : memref<128x128xf32, #tpu.memory_space<vmem>>) offsets(%dma_start3A_526 : memref<128xi32, #tpu.memory_space<vmem>>) semaphore(%arg10 : memref<!tpu.dma_semaphore, #tpu.memory_space<semaphore_mem>>)
      } else {
      }
      %dma_wait3A_487 = arith.constant 1 : i32
      %dma_wait3A_488 = arith.constant 7 : i32
      %dma_wait3A_489 = arith.constant 1 : i32
      %dma_wait3A_490 = arith.constant 0 : i32
      %dma_wait3A_491 = arith.constant 0 : i32
      %dma_wait3A_492 = tpu.memref_slice %arg9[%dma_wait3A_489, %dma_wait3A_490, %dma_wait3A_491] : memref<2x128x128xf32, #tpu.memory_space<vmem>> -> memref<1x128x128xf32, #tpu.memory_space<vmem>>
      %dma_wait3A_493 = tpu.memref_squeeze %dma_wait3A_492 : memref<1x128x128xf32, #tpu.memory_space<vmem>> -> memref<128x128xf32, #tpu.memory_space<vmem>>
      %dma_wait3A_494 = arith.constant 0 : i32
      %dma_wait3A_495 = tpu.memref_slice %arg7[%dma_wait3A_487, %dma_wait3A_488, %dma_wait3A_494] : memref<2x8x128xi32, #tpu.memory_space<vmem>> -> memref<1x1x128xi32, #tpu.memory_space<vmem>>
      %dma_wait3A_496 = tpu.memref_squeeze %dma_wait3A_495 : memref<1x1x128xi32, #tpu.memory_space<vmem>> -> memref<128xi32, #tpu.memory_space<vmem>>
      %dma_wait3A_497 = arith.constant 0 : i32
      %dma_wait3A_498 = arith.constant 0 : i32
      %dma_wait3A_499 = tpu.memref_slice %arg4[%dma_wait3A_497, %dma_wait3A_498] : memref<10240x128xf32, #tpu.memory_space<hbm>> -> memref<10240x128xf32, #tpu.memory_space<hbm>>
      tpu.wait_indirect_dma semaphore(%arg11 : memref<!tpu.dma_semaphore, #tpu.memory_space<semaphore_mem>>) src(%dma_wait3A_499 : memref<10240x128xf32, #tpu.memory_space<hbm>>) dst(%dma_wait3A_493 : memref<128x128xf32, #tpu.memory_space<vmem>>)
      %run_scoped3A_500 = arith.constant 1 : i32
      %run_scoped3A_501 = arith.constant 1 : i32
      %run_scoped3A_502 = arith.constant 7 : i32
      "tpu.region"() ({
        %run_scoped3A_517 = tpu.sem_alloc : memref<!tpu.dma_semaphore, #tpu.memory_space<semaphore_mem>>
        %dma_start3A_518 = arith.constant 0 : i32
        %dma_start3A_519 = arith.constant 0 : i32
        %dma_start3A_520 = tpu.memref_slice %arg9[%run_scoped3A_500, %dma_start3A_518, %dma_start3A_519] : memref<2x128x128xf32, #tpu.memory_space<vmem>> -> memref<1x128x128xf32, #tpu.memory_space<vmem>>
        %dma_start3A_521 = tpu.memref_squeeze %dma_start3A_520 : memref<1x128x128xf32, #tpu.memory_space<vmem>> -> memref<128x128xf32, #tpu.memory_space<vmem>>
        %dma_start3A_522 = arith.constant 0 : i32
        %dma_start3A_523 = tpu.memref_slice %arg8[%run_scoped3A_501, %run_scoped3A_502, %dma_start3A_522] : memref<2x8x128xi32, #tpu.memory_space<vmem>> -> memref<1x1x128xi32, #tpu.memory_space<vmem>>
        %dma_start3A_524 = tpu.memref_squeeze %dma_start3A_523 : memref<1x1x128xi32, #tpu.memory_space<vmem>> -> memref<128xi32, #tpu.memory_space<vmem>>
        %dma_start3A_525 = arith.constant 0 : i32
        %dma_start3A_526 = arith.constant 0 : i32
        %dma_start3A_527 = tpu.memref_slice %arg12[%dma_start3A_525, %dma_start3A_526] : memref<10240x128xf32, #tpu.memory_space<vmem_shared>> -> memref<10240x128xf32, #tpu.memory_space<vmem_shared>>
        tpu.enqueue_indirect_dma source(%dma_start3A_521 : memref<128x128xf32, #tpu.memory_space<vmem>>) target(%dma_start3A_527 : memref<10240x128xf32, #tpu.memory_space<vmem_shared>>) offsets(%dma_start3A_524 : memref<128xi32, #tpu.memory_space<vmem>>) semaphore(%run_scoped3A_517 : memref<!tpu.dma_semaphore, #tpu.memory_space<semaphore_mem>>) {add = true}
        %dma_wait3A_528 = arith.constant 0 : i32
        %dma_wait3A_529 = arith.constant 0 : i32
        %dma_wait3A_530 = tpu.memref_slice %arg9[%run_scoped3A_500, %dma_wait3A_528, %dma_wait3A_529] : memref<2x128x128xf32, #tpu.memory_space<vmem>> -> memref<1x128x128xf32, #tpu.memory_space<vmem>>
        %dma_wait3A_531 = tpu.memref_squeeze %dma_wait3A_530 : memref<1x128x128xf32, #tpu.memory_space<vmem>> -> memref<128x128xf32, #tpu.memory_space<vmem>>
        %dma_wait3A_532 = arith.constant 0 : i32
        %dma_wait3A_533 = tpu.memref_slice %arg8[%run_scoped3A_501, %run_scoped3A_502, %dma_wait3A_532] : memref<2x8x128xi32, #tpu.memory_space<vmem>> -> memref<1x1x128xi32, #tpu.memory_space<vmem>>
        %dma_wait3A_534 = tpu.memref_squeeze %dma_wait3A_533 : memref<1x1x128xi32, #tpu.memory_space<vmem>> -> memref<128xi32, #tpu.memory_space<vmem>>
        %dma_wait3A_535 = arith.constant 0 : i32
        %dma_wait3A_536 = arith.constant 0 : i32
        %dma_wait3A_537 = tpu.memref_slice %arg12[%dma_wait3A_535, %dma_wait3A_536] : memref<10240x128xf32, #tpu.memory_space<vmem_shared>> -> memref<10240x128xf32, #tpu.memory_space<vmem_shared>>
        tpu.wait_indirect_dma semaphore(%run_scoped3A_517 : memref<!tpu.dma_semaphore, #tpu.memory_space<semaphore_mem>>) src(%dma_wait3A_531 : memref<128x128xf32, #tpu.memory_space<vmem>>) dst(%dma_wait3A_537 : memref<10240x128xf32, #tpu.memory_space<vmem_shared>>)
        tpu.yield
      }) : () -> ()
      %add3A_503 = arith.constant 1 : i32
      %add3A_504 = arith.addi %add3A_289, %add3A_503 : i32
      %lt3A_505 = arith.constant 10 : i32
      %lt3A_506 = arith.cmpi slt, %add3A_504, %lt3A_505 : i32
      %convert_element_type3A_507 = arith.extui %lt3A_506 : i1 to i32
      %cond3A_508 = arith.constant 0 : i32
      %cond3A_509 = arith.cmpi ne, %convert_element_type3A_507, %cond3A_508 : i32
      scf.if %cond3A_509 {
        %dma_start3A_517 = arith.constant 0 : i32
        %dma_start3A_518 = arith.constant 1 : i32
        %dma_start3A_519 = arith.constant 1 : i32
        %dma_start3A_520 = arith.constant 0 : i32
        %dma_start3A_521 = arith.constant 0 : i32
        %dma_start3A_522 = tpu.memref_slice %arg9[%dma_start3A_519, %dma_start3A_520, %dma_start3A_521] : memref<2x128x128xf32, #tpu.memory_space<vmem>> -> memref<1x128x128xf32, #tpu.memory_space<vmem>>
        %dma_start3A_523 = tpu.memref_squeeze %dma_start3A_522 : memref<1x128x128xf32, #tpu.memory_space<vmem>> -> memref<128x128xf32, #tpu.memory_space<vmem>>
        %dma_start3A_524 = arith.constant 0 : i32
        %dma_start3A_525 = tpu.memref_slice %arg7[%dma_start3A_517, %dma_start3A_518, %dma_start3A_524] : memref<2x8x128xi32, #tpu.memory_space<vmem>> -> memref<1x1x128xi32, #tpu.memory_space<vmem>>
        %dma_start3A_526 = tpu.memref_squeeze %dma_start3A_525 : memref<1x1x128xi32, #tpu.memory_space<vmem>> -> memref<128xi32, #tpu.memory_space<vmem>>
        %dma_start3A_527 = arith.constant 0 : i32
        %dma_start3A_528 = arith.constant 0 : i32
        %dma_start3A_529 = tpu.memref_slice %arg4[%dma_start3A_527, %dma_start3A_528] : memref<10240x128xf32, #tpu.memory_space<hbm>> -> memref<10240x128xf32, #tpu.memory_space<hbm>>
        tpu.enqueue_indirect_dma source(%dma_start3A_529 : memref<10240x128xf32, #tpu.memory_space<hbm>>) target(%dma_start3A_523 : memref<128x128xf32, #tpu.memory_space<vmem>>) offsets(%dma_start3A_526 : memref<128xi32, #tpu.memory_space<vmem>>) semaphore(%arg11 : memref<!tpu.dma_semaphore, #tpu.memory_space<semaphore_mem>>)
      } else {
      }
      %add3A_510 = arith.constant 2 : i32
      %add3A_511 = arith.addi %add3A_289, %add3A_510 : i32
      %lt3A_512 = arith.constant 10 : i32
      %lt3A_513 = arith.cmpi slt, %add3A_511, %lt3A_512 : i32
      %convert_element_type3A_514 = arith.extui %lt3A_513 : i1 to i32
      %cond3A_515 = arith.constant 0 : i32
      %cond3A_516 = arith.cmpi ne, %convert_element_type3A_514, %cond3A_515 : i32
      scf.if %cond3A_516 {
        %add3A_517 = arith.constant 2 : i32
        %add3A_518 = arith.addi %add3A_289, %add3A_517 : i32
        %mul3A_519 = arith.constant 8 : i32
        %mul3A_520 = arith.muli %add3A_518, %mul3A_519 : i32
        %add3A_521 = arith.addi %mul3A_9, %mul3A_520 : i32
        %run_scoped3A_522 = arith.constant 1 : i32
        "tpu.region"() ({
          %run_scoped3A_524 = tpu.sem_alloc : memref<!tpu.dma_semaphore, #tpu.memory_space<semaphore_mem>>
          %dma_start3A_525 = arith.constant 0 : i32
          %dma_start3A_526 = arith.constant 0 : i32
          %dma_start3A_527 = tpu.memref_slice %arg7[%run_scoped3A_522, %dma_start3A_525, %dma_start3A_526] : memref<2x8x128xi32, #tpu.memory_space<vmem>> -> memref<1x8x128xi32, #tpu.memory_space<vmem>>
          %dma_start3A_528 = tpu.memref_squeeze %dma_start3A_527 : memref<1x8x128xi32, #tpu.memory_space<vmem>> -> memref<8x128xi32, #tpu.memory_space<vmem>>
          %dma_start3A_529 = arith.constant 0 : i32
          %dma_start3A_530 = tpu.memref_slice %arg2[%add3A_521, %dma_start3A_529] : memref<2560x128xi32, #tpu.memory_space<hbm>> -> memref<8x128xi32, #tpu.memory_space<hbm>>
          %dma_start3A_531 = arith.constant 0 : i32
          %dma_start3A_532 = arith.constant 0 : i32
          %dma_start3A_533 = tpu.memref_slice %arg7[%run_scoped3A_522, %dma_start3A_531, %dma_start3A_532] : memref<2x8x128xi32, #tpu.memory_space<vmem>> -> memref<1x8x128xi32, #tpu.memory_space<vmem>>
          %dma_start3A_534 = tpu.memref_squeeze %dma_start3A_533 : memref<1x8x128xi32, #tpu.memory_space<vmem>> -> memref<8x128xi32, #tpu.memory_space<vmem>>
          %dma_start3A_535 = arith.constant 0 : i32
          %dma_start3A_536 = tpu.memref_slice %arg2[%add3A_521, %dma_start3A_535] : memref<2560x128xi32, #tpu.memory_space<hbm>> -> memref<8x128xi32, #tpu.memory_space<hbm>>
          tpu.enqueue_dma source(%dma_start3A_536 : memref<8x128xi32, #tpu.memory_space<hbm>>) target(%dma_start3A_534 : memref<8x128xi32, #tpu.memory_space<vmem>>) target_semaphore(%run_scoped3A_524 : memref<!tpu.dma_semaphore, #tpu.memory_space<semaphore_mem>>)
          %dma_wait3A_537 = arith.constant 0 : i32
          %dma_wait3A_538 = arith.constant 0 : i32
          %dma_wait3A_539 = tpu.memref_slice %arg7[%run_scoped3A_522, %dma_wait3A_537, %dma_wait3A_538] : memref<2x8x128xi32, #tpu.memory_space<vmem>> -> memref<1x8x128xi32, #tpu.memory_space<vmem>>
          %dma_wait3A_540 = tpu.memref_squeeze %dma_wait3A_539 : memref<1x8x128xi32, #tpu.memory_space<vmem>> -> memref<8x128xi32, #tpu.memory_space<vmem>>
          %dma_wait3A_541 = arith.constant 0 : i32
          %dma_wait3A_542 = tpu.memref_slice %arg2[%add3A_521, %dma_wait3A_541] : memref<2560x128xi32, #tpu.memory_space<hbm>> -> memref<8x128xi32, #tpu.memory_space<hbm>>
          %dma_wait3A_543 = arith.constant 0 : i32
          %dma_wait3A_544 = arith.constant 0 : i32
          %dma_wait3A_545 = tpu.memref_slice %arg7[%run_scoped3A_522, %dma_wait3A_543, %dma_wait3A_544] : memref<2x8x128xi32, #tpu.memory_space<vmem>> -> memref<1x8x128xi32, #tpu.memory_space<vmem>>
          %dma_wait3A_546 = tpu.memref_squeeze %dma_wait3A_545 : memref<1x8x128xi32, #tpu.memory_space<vmem>> -> memref<8x128xi32, #tpu.memory_space<vmem>>
          %dma_wait3A_547 = arith.constant 0 : i32
          %dma_wait3A_548 = tpu.memref_slice %arg2[%add3A_521, %dma_wait3A_547] : memref<2560x128xi32, #tpu.memory_space<hbm>> -> memref<8x128xi32, #tpu.memory_space<hbm>>
          tpu.wait_dma2 semaphore(%run_scoped3A_524 : memref<!tpu.dma_semaphore, #tpu.memory_space<semaphore_mem>>) src(%dma_wait3A_548 : memref<8x128xi32, #tpu.memory_space<hbm>>) dst(%dma_wait3A_546 : memref<8x128xi32, #tpu.memory_space<vmem>>)
          tpu.yield
        }) : () -> ()
        %run_scoped3A_523 = arith.constant 1 : i32
        "tpu.region"() ({
          %run_scoped3A_524 = tpu.sem_alloc : memref<!tpu.dma_semaphore, #tpu.memory_space<semaphore_mem>>
          %dma_start3A_525 = arith.constant 0 : i32
          %dma_start3A_526 = arith.constant 0 : i32
          %dma_start3A_527 = tpu.memref_slice %arg8[%run_scoped3A_523, %dma_start3A_525, %dma_start3A_526] : memref<2x8x128xi32, #tpu.memory_space<vmem>> -> memref<1x8x128xi32, #tpu.memory_space<vmem>>
          %dma_start3A_528 = tpu.memref_squeeze %dma_start3A_527 : memref<1x8x128xi32, #tpu.memory_space<vmem>> -> memref<8x128xi32, #tpu.memory_space<vmem>>
          %dma_start3A_529 = arith.constant 0 : i32
          %dma_start3A_530 = tpu.memref_slice %arg3[%add3A_521, %dma_start3A_529] : memref<2560x128xi32, #tpu.memory_space<hbm>> -> memref<8x128xi32, #tpu.memory_space<hbm>>
          %dma_start3A_531 = arith.constant 0 : i32
          %dma_start3A_532 = arith.constant 0 : i32
          %dma_start3A_533 = tpu.memref_slice %arg8[%run_scoped3A_523, %dma_start3A_531, %dma_start3A_532] : memref<2x8x128xi32, #tpu.memory_space<vmem>> -> memref<1x8x128xi32, #tpu.memory_space<vmem>>
          %dma_start3A_534 = tpu.memref_squeeze %dma_start3A_533 : memref<1x8x128xi32, #tpu.memory_space<vmem>> -> memref<8x128xi32, #tpu.memory_space<vmem>>
          %dma_start3A_535 = arith.constant 0 : i32
          %dma_start3A_536 = tpu.memref_slice %arg3[%add3A_521, %dma_start3A_535] : memref<2560x128xi32, #tpu.memory_space<hbm>> -> memref<8x128xi32, #tpu.memory_space<hbm>>
          tpu.enqueue_dma source(%dma_start3A_536 : memref<8x128xi32, #tpu.memory_space<hbm>>) target(%dma_start3A_534 : memref<8x128xi32, #tpu.memory_space<vmem>>) target_semaphore(%run_scoped3A_524 : memref<!tpu.dma_semaphore, #tpu.memory_space<semaphore_mem>>)
          %dma_wait3A_537 = arith.constant 0 : i32
          %dma_wait3A_538 = arith.constant 0 : i32
          %dma_wait3A_539 = tpu.memref_slice %arg8[%run_scoped3A_523, %dma_wait3A_537, %dma_wait3A_538] : memref<2x8x128xi32, #tpu.memory_space<vmem>> -> memref<1x8x128xi32, #tpu.memory_space<vmem>>
          %dma_wait3A_540 = tpu.memref_squeeze %dma_wait3A_539 : memref<1x8x128xi32, #tpu.memory_space<vmem>> -> memref<8x128xi32, #tpu.memory_space<vmem>>
          %dma_wait3A_541 = arith.constant 0 : i32
          %dma_wait3A_542 = tpu.memref_slice %arg3[%add3A_521, %dma_wait3A_541] : memref<2560x128xi32, #tpu.memory_space<hbm>> -> memref<8x128xi32, #tpu.memory_space<hbm>>
          %dma_wait3A_543 = arith.constant 0 : i32
          %dma_wait3A_544 = arith.constant 0 : i32
          %dma_wait3A_545 = tpu.memref_slice %arg8[%run_scoped3A_523, %dma_wait3A_543, %dma_wait3A_544] : memref<2x8x128xi32, #tpu.memory_space<vmem>> -> memref<1x8x128xi32, #tpu.memory_space<vmem>>
          %dma_wait3A_546 = tpu.memref_squeeze %dma_wait3A_545 : memref<1x8x128xi32, #tpu.memory_space<vmem>> -> memref<8x128xi32, #tpu.memory_space<vmem>>
          %dma_wait3A_547 = arith.constant 0 : i32
          %dma_wait3A_548 = tpu.memref_slice %arg3[%add3A_521, %dma_wait3A_547] : memref<2560x128xi32, #tpu.memory_space<hbm>> -> memref<8x128xi32, #tpu.memory_space<hbm>>
          tpu.wait_dma2 semaphore(%run_scoped3A_524 : memref<!tpu.dma_semaphore, #tpu.memory_space<semaphore_mem>>) src(%dma_wait3A_548 : memref<8x128xi32, #tpu.memory_space<hbm>>) dst(%dma_wait3A_546 : memref<8x128xi32, #tpu.memory_space<vmem>>)
          tpu.yield
        }) : () -> ()
      } else {
      }
    }
    %scan3A_50 = arith.constant 5 : i32
    %barrier3A_51 = arith.constant 0 : index
    tpu.barrier barrier_id(%barrier3A_51)
    %mul3A_52 = arith.constant 640 : i32
    %mul3A_53 = arith.muli %arg1, %mul3A_52 : i32
    %mul3A_54 = arith.constant 640 : i32
    %mul3A_55 = arith.muli %arg1, %mul3A_54 : i32
    "tpu.region"() ({
      %run_scoped3A_56 = tpu.sem_alloc : memref<!tpu.dma_semaphore, #tpu.memory_space<semaphore_mem>>
      %dma_start3A_57 = arith.constant 0 : i32
      %dma_start3A_58 = tpu.memref_slice %arg6[%arg0, %mul3A_55, %dma_start3A_57] : memref<2x10240x128xf32, #tpu.memory_space<hbm>> -> memref<1x640x128xf32, #tpu.memory_space<hbm>>
      %dma_start3A_59 = tpu.memref_squeeze %dma_start3A_58 : memref<1x640x128xf32, #tpu.memory_space<hbm>> -> memref<640x128xf32, #tpu.memory_space<hbm>>
      %dma_start3A_60 = arith.constant 0 : i32
      %dma_start3A_61 = tpu.memref_slice %arg12[%mul3A_53, %dma_start3A_60] : memref<10240x128xf32, #tpu.memory_space<vmem_shared>> -> memref<640x128xf32, #tpu.memory_space<vmem_shared>>
      tpu.enqueue_dma source(%dma_start3A_61 : memref<640x128xf32, #tpu.memory_space<vmem_shared>>) target(%dma_start3A_59 : memref<640x128xf32, #tpu.memory_space<hbm>>) target_semaphore(%run_scoped3A_56 : memref<!tpu.dma_semaphore, #tpu.memory_space<semaphore_mem>>)
      %dma_wait3A = arith.constant 0 : i32
      %dma_wait3A_62 = tpu.memref_slice %arg6[%arg0, %mul3A_55, %dma_wait3A] : memref<2x10240x128xf32, #tpu.memory_space<hbm>> -> memref<1x640x128xf32, #tpu.memory_space<hbm>>
      %dma_wait3A_63 = tpu.memref_squeeze %dma_wait3A_62 : memref<1x640x128xf32, #tpu.memory_space<hbm>> -> memref<640x128xf32, #tpu.memory_space<hbm>>
      %dma_wait3A_64 = arith.constant 0 : i32
      %dma_wait3A_65 = tpu.memref_slice %arg12[%mul3A_53, %dma_wait3A_64] : memref<10240x128xf32, #tpu.memory_space<vmem_shared>> -> memref<640x128xf32, #tpu.memory_space<vmem_shared>>
      tpu.wait_dma2 semaphore(%run_scoped3A_56 : memref<!tpu.dma_semaphore, #tpu.memory_space<semaphore_mem>>) src(%dma_wait3A_65 : memref<640x128xf32, #tpu.memory_space<vmem_shared>>) dst(%dma_wait3A_63 : memref<640x128xf32, #tpu.memory_space<hbm>>)
      tpu.yield
    }) : () -> ()
    return
  }
}

#map = affine_map<(d0, d1) -> (0, 0)>
#map1 = affine_map<(d0, d1) -> (0)>
#map2 = affine_map<(d0, d1) -> (0, 0, 0)>
module attributes {stable_mosaic.version = 14 : i64} {
  func.func @_sc_pass0_body(%arg0: i32, %arg1: i32, %arg2: memref<2560x128xi32, #tpu.memory_space<hbm>>, %arg3: memref<10240xi32, #tpu.memory_space<hbm>>, %arg4: memref<10240x128xf32, #tpu.memory_space<hbm>>, %arg5: memref<10240x128xf32, #tpu.memory_space<hbm>>, %arg6: memref<128x128xf32, #tpu.memory_space<hbm>>, %arg7: memref<2x10240x128xf32, #tpu.memory_space<hbm>>, %arg8: memref<10240x128xf32, #tpu.memory_space<hbm>>, %arg9: memref<2x8x128xi32, #tpu.memory_space<vmem>>, %arg10: memref<128xi32, #tpu.memory_space<vmem>>, %arg11: memref<128x128xf32, #tpu.memory_space<vmem>>, %arg12: memref<128x128xf32, #tpu.memory_space<vmem>>, %arg13: memref<!tpu.dma_semaphore, #tpu.memory_space<semaphore_mem>>, %arg14: memref<!tpu.dma_semaphore, #tpu.memory_space<semaphore_mem>>, %arg15: memref<!tpu.dma_semaphore, #tpu.memory_space<semaphore_mem>>, %arg16: memref<10240x128xf32, #tpu.memory_space<vmem_shared>>) attributes {dimension_semantics = [#tpu.dimension_semantics<core_parallel>, #tpu.dimension_semantics<subcore_parallel>], iteration_bounds = array<i64: 2, 16>, scalar_prefetch = 0 : i64, scratch_operands = 8 : i64, tpu.core_type = #tpu.core_type<sc_vector_subcore>, window_params = [{transform_indices = #map}, {transform_indices = #map1}, {transform_indices = #map}, {transform_indices = #map}, {transform_indices = #map}, {transform_indices = #map2}, {transform_indices = #map}]} {
    %mul3A = arith.constant 16 : i32
    %mul3A_0 = arith.muli %arg0, %mul3A : i32
    %add3A = arith.addi %mul3A_0, %arg1 : i32
    %mul3A_1 = arith.constant 640 : i32
    %mul3A_2 = arith.muli %arg1, %mul3A_1 : i32
    %mul3A_3 = arith.constant 640 : i32
    %mul3A_4 = arith.muli %arg1, %mul3A_3 : i32
    "tpu.region"() ({
      %run_scoped3A_41 = tpu.sem_alloc : memref<!tpu.dma_semaphore, #tpu.memory_space<semaphore_mem>>
      %dma_start3A_42 = arith.constant 0 : i32
      %dma_start3A_43 = tpu.memref_slice %arg16[%mul3A_4, %dma_start3A_42] : memref<10240x128xf32, #tpu.memory_space<vmem_shared>> -> memref<640x128xf32, #tpu.memory_space<vmem_shared>>
      %dma_start3A_44 = arith.constant 0 : i32
      %dma_start3A_45 = tpu.memref_slice %arg5[%mul3A_2, %dma_start3A_44] : memref<10240x128xf32, #tpu.memory_space<hbm>> -> memref<640x128xf32, #tpu.memory_space<hbm>>
      tpu.enqueue_dma source(%dma_start3A_45 : memref<640x128xf32, #tpu.memory_space<hbm>>) target(%dma_start3A_43 : memref<640x128xf32, #tpu.memory_space<vmem_shared>>) target_semaphore(%run_scoped3A_41 : memref<!tpu.dma_semaphore, #tpu.memory_space<semaphore_mem>>)
      %dma_wait3A = arith.constant 0 : i32
      %dma_wait3A_46 = tpu.memref_slice %arg16[%mul3A_4, %dma_wait3A] : memref<10240x128xf32, #tpu.memory_space<vmem_shared>> -> memref<640x128xf32, #tpu.memory_space<vmem_shared>>
      %dma_wait3A_47 = arith.constant 0 : i32
      %dma_wait3A_48 = tpu.memref_slice %arg5[%mul3A_2, %dma_wait3A_47] : memref<10240x128xf32, #tpu.memory_space<hbm>> -> memref<640x128xf32, #tpu.memory_space<hbm>>
      tpu.wait_dma2 semaphore(%run_scoped3A_41 : memref<!tpu.dma_semaphore, #tpu.memory_space<semaphore_mem>>) src(%dma_wait3A_48 : memref<640x128xf32, #tpu.memory_space<hbm>>) dst(%dma_wait3A_46 : memref<640x128xf32, #tpu.memory_space<vmem_shared>>)
      tpu.yield
    }) : () -> ()
    %mul3A_5 = arith.constant 80 : i32
    %mul3A_6 = arith.muli %add3A, %mul3A_5 : i32
    %add3A_7 = arith.constant 0 : i32
    %add3A_8 = arith.addi %mul3A_6, %add3A_7 : i32
    %run_scoped3A = arith.constant 0 : i32
    "tpu.region"() ({
      %run_scoped3A_41 = tpu.sem_alloc : memref<!tpu.dma_semaphore, #tpu.memory_space<semaphore_mem>>
      %dma_start3A_42 = arith.constant 0 : i32
      %dma_start3A_43 = arith.constant 0 : i32
      %dma_start3A_44 = tpu.memref_slice %arg9[%run_scoped3A, %dma_start3A_42, %dma_start3A_43] : memref<2x8x128xi32, #tpu.memory_space<vmem>> -> memref<1x8x128xi32, #tpu.memory_space<vmem>>
      %dma_start3A_45 = tpu.memref_squeeze %dma_start3A_44 : memref<1x8x128xi32, #tpu.memory_space<vmem>> -> memref<8x128xi32, #tpu.memory_space<vmem>>
      %dma_start3A_46 = arith.constant 0 : i32
      %dma_start3A_47 = tpu.memref_slice %arg2[%add3A_8, %dma_start3A_46] : memref<2560x128xi32, #tpu.memory_space<hbm>> -> memref<8x128xi32, #tpu.memory_space<hbm>>
      %dma_start3A_48 = arith.constant 0 : i32
      %dma_start3A_49 = arith.constant 0 : i32
      %dma_start3A_50 = tpu.memref_slice %arg9[%run_scoped3A, %dma_start3A_48, %dma_start3A_49] : memref<2x8x128xi32, #tpu.memory_space<vmem>> -> memref<1x8x128xi32, #tpu.memory_space<vmem>>
      %dma_start3A_51 = tpu.memref_squeeze %dma_start3A_50 : memref<1x8x128xi32, #tpu.memory_space<vmem>> -> memref<8x128xi32, #tpu.memory_space<vmem>>
      %dma_start3A_52 = arith.constant 0 : i32
      %dma_start3A_53 = tpu.memref_slice %arg2[%add3A_8, %dma_start3A_52] : memref<2560x128xi32, #tpu.memory_space<hbm>> -> memref<8x128xi32, #tpu.memory_space<hbm>>
      tpu.enqueue_dma source(%dma_start3A_53 : memref<8x128xi32, #tpu.memory_space<hbm>>) target(%dma_start3A_51 : memref<8x128xi32, #tpu.memory_space<vmem>>) target_semaphore(%run_scoped3A_41 : memref<!tpu.dma_semaphore, #tpu.memory_space<semaphore_mem>>)
      %dma_wait3A = arith.constant 0 : i32
      %dma_wait3A_54 = arith.constant 0 : i32
      %dma_wait3A_55 = tpu.memref_slice %arg9[%run_scoped3A, %dma_wait3A, %dma_wait3A_54] : memref<2x8x128xi32, #tpu.memory_space<vmem>> -> memref<1x8x128xi32, #tpu.memory_space<vmem>>
      %dma_wait3A_56 = tpu.memref_squeeze %dma_wait3A_55 : memref<1x8x128xi32, #tpu.memory_space<vmem>> -> memref<8x128xi32, #tpu.memory_space<vmem>>
      %dma_wait3A_57 = arith.constant 0 : i32
      %dma_wait3A_58 = tpu.memref_slice %arg2[%add3A_8, %dma_wait3A_57] : memref<2560x128xi32, #tpu.memory_space<hbm>> -> memref<8x128xi32, #tpu.memory_space<hbm>>
      %dma_wait3A_59 = arith.constant 0 : i32
      %dma_wait3A_60 = arith.constant 0 : i32
      %dma_wait3A_61 = tpu.memref_slice %arg9[%run_scoped3A, %dma_wait3A_59, %dma_wait3A_60] : memref<2x8x128xi32, #tpu.memory_space<vmem>> -> memref<1x8x128xi32, #tpu.memory_space<vmem>>
      %dma_wait3A_62 = tpu.memref_squeeze %dma_wait3A_61 : memref<1x8x128xi32, #tpu.memory_space<vmem>> -> memref<8x128xi32, #tpu.memory_space<vmem>>
      %dma_wait3A_63 = arith.constant 0 : i32
      %dma_wait3A_64 = tpu.memref_slice %arg2[%add3A_8, %dma_wait3A_63] : memref<2560x128xi32, #tpu.memory_space<hbm>> -> memref<8x128xi32, #tpu.memory_space<hbm>>
      tpu.wait_dma2 semaphore(%run_scoped3A_41 : memref<!tpu.dma_semaphore, #tpu.memory_space<semaphore_mem>>) src(%dma_wait3A_64 : memref<8x128xi32, #tpu.memory_space<hbm>>) dst(%dma_wait3A_62 : memref<8x128xi32, #tpu.memory_space<vmem>>)
      tpu.yield
    }) : () -> ()
    %mul3A_9 = arith.constant 80 : i32
    %mul3A_10 = arith.muli %add3A, %mul3A_9 : i32
    %add3A_11 = arith.constant 8 : i32
    %add3A_12 = arith.addi %mul3A_10, %add3A_11 : i32
    %run_scoped3A_13 = arith.constant 1 : i32
    "tpu.region"() ({
      %run_scoped3A_41 = tpu.sem_alloc : memref<!tpu.dma_semaphore, #tpu.memory_space<semaphore_mem>>
      %dma_start3A_42 = arith.constant 0 : i32
      %dma_start3A_43 = arith.constant 0 : i32
      %dma_start3A_44 = tpu.memref_slice %arg9[%run_scoped3A_13, %dma_start3A_42, %dma_start3A_43] : memref<2x8x128xi32, #tpu.memory_space<vmem>> -> memref<1x8x128xi32, #tpu.memory_space<vmem>>
      %dma_start3A_45 = tpu.memref_squeeze %dma_start3A_44 : memref<1x8x128xi32, #tpu.memory_space<vmem>> -> memref<8x128xi32, #tpu.memory_space<vmem>>
      %dma_start3A_46 = arith.constant 0 : i32
      %dma_start3A_47 = tpu.memref_slice %arg2[%add3A_12, %dma_start3A_46] : memref<2560x128xi32, #tpu.memory_space<hbm>> -> memref<8x128xi32, #tpu.memory_space<hbm>>
      %dma_start3A_48 = arith.constant 0 : i32
      %dma_start3A_49 = arith.constant 0 : i32
      %dma_start3A_50 = tpu.memref_slice %arg9[%run_scoped3A_13, %dma_start3A_48, %dma_start3A_49] : memref<2x8x128xi32, #tpu.memory_space<vmem>> -> memref<1x8x128xi32, #tpu.memory_space<vmem>>
      %dma_start3A_51 = tpu.memref_squeeze %dma_start3A_50 : memref<1x8x128xi32, #tpu.memory_space<vmem>> -> memref<8x128xi32, #tpu.memory_space<vmem>>
      %dma_start3A_52 = arith.constant 0 : i32
      %dma_start3A_53 = tpu.memref_slice %arg2[%add3A_12, %dma_start3A_52] : memref<2560x128xi32, #tpu.memory_space<hbm>> -> memref<8x128xi32, #tpu.memory_space<hbm>>
      tpu.enqueue_dma source(%dma_start3A_53 : memref<8x128xi32, #tpu.memory_space<hbm>>) target(%dma_start3A_51 : memref<8x128xi32, #tpu.memory_space<vmem>>) target_semaphore(%run_scoped3A_41 : memref<!tpu.dma_semaphore, #tpu.memory_space<semaphore_mem>>)
      %dma_wait3A = arith.constant 0 : i32
      %dma_wait3A_54 = arith.constant 0 : i32
      %dma_wait3A_55 = tpu.memref_slice %arg9[%run_scoped3A_13, %dma_wait3A, %dma_wait3A_54] : memref<2x8x128xi32, #tpu.memory_space<vmem>> -> memref<1x8x128xi32, #tpu.memory_space<vmem>>
      %dma_wait3A_56 = tpu.memref_squeeze %dma_wait3A_55 : memref<1x8x128xi32, #tpu.memory_space<vmem>> -> memref<8x128xi32, #tpu.memory_space<vmem>>
      %dma_wait3A_57 = arith.constant 0 : i32
      %dma_wait3A_58 = tpu.memref_slice %arg2[%add3A_12, %dma_wait3A_57] : memref<2560x128xi32, #tpu.memory_space<hbm>> -> memref<8x128xi32, #tpu.memory_space<hbm>>
      %dma_wait3A_59 = arith.constant 0 : i32
      %dma_wait3A_60 = arith.constant 0 : i32
      %dma_wait3A_61 = tpu.memref_slice %arg9[%run_scoped3A_13, %dma_wait3A_59, %dma_wait3A_60] : memref<2x8x128xi32, #tpu.memory_space<vmem>> -> memref<1x8x128xi32, #tpu.memory_space<vmem>>
      %dma_wait3A_62 = tpu.memref_squeeze %dma_wait3A_61 : memref<1x8x128xi32, #tpu.memory_space<vmem>> -> memref<8x128xi32, #tpu.memory_space<vmem>>
      %dma_wait3A_63 = arith.constant 0 : i32
      %dma_wait3A_64 = tpu.memref_slice %arg2[%add3A_12, %dma_wait3A_63] : memref<2560x128xi32, #tpu.memory_space<hbm>> -> memref<8x128xi32, #tpu.memory_space<hbm>>
      tpu.wait_dma2 semaphore(%run_scoped3A_41 : memref<!tpu.dma_semaphore, #tpu.memory_space<semaphore_mem>>) src(%dma_wait3A_64 : memref<8x128xi32, #tpu.memory_space<hbm>>) dst(%dma_wait3A_62 : memref<8x128xi32, #tpu.memory_space<vmem>>)
      tpu.yield
    }) : () -> ()
    "tpu.region"() ({
      %run_scoped3A_41 = tpu.sem_alloc : memref<!tpu.dma_semaphore, #tpu.memory_space<semaphore_mem>>
      tpu.enqueue_dma source(%arg6 : memref<128x128xf32, #tpu.memory_space<hbm>>) target(%arg11 : memref<128x128xf32, #tpu.memory_space<vmem>>) target_semaphore(%run_scoped3A_41 : memref<!tpu.dma_semaphore, #tpu.memory_space<semaphore_mem>>)
      tpu.wait_dma2 semaphore(%run_scoped3A_41 : memref<!tpu.dma_semaphore, #tpu.memory_space<semaphore_mem>>) src(%arg6 : memref<128x128xf32, #tpu.memory_space<hbm>>) dst(%arg11 : memref<128x128xf32, #tpu.memory_space<vmem>>)
      tpu.yield
    }) : () -> ()
    %eq3A = arith.constant 1 : i32
    %eq3A_14 = arith.cmpi eq, %arg0, %eq3A : i32
    %convert_element_type3A = arith.extui %eq3A_14 : i1 to i32
    %cond3A = arith.constant 0 : i32
    %cond3A_15 = arith.cmpi ne, %convert_element_type3A, %cond3A : i32
    scf.if %cond3A_15 {
      %scan3A_41 = arith.constant 0 : i32
      %scan3A_42 = arith.constant 0 : i32
      %scan3A_43 = arith.constant 5 : i32
      %scan3A_44 = arith.addi %scan3A_42, %scan3A_43 : i32
      %scan3A_45 = arith.constant 1 : i32
      scf.for %scan3A_47 = %scan3A_42 to %scan3A_44 step %scan3A_45  : i32 {
        %mul3A_48 = arith.constant 640 : i32
        %mul3A_49 = arith.muli %arg1, %mul3A_48 : i32
        %mul3A_50 = arith.constant 128 : i32
        %mul3A_51 = arith.muli %scan3A_47, %mul3A_50 : i32
        %add3A_52 = arith.addi %mul3A_49, %mul3A_51 : i32
        "tpu.region"() ({
          %run_scoped3A_58 = tpu.sem_alloc : memref<!tpu.dma_semaphore, #tpu.memory_space<semaphore_mem>>
          %dma_start3A_59 = tpu.memref_slice %arg3[%add3A_52] : memref<10240xi32, #tpu.memory_space<hbm>> -> memref<128xi32, #tpu.memory_space<hbm>>
          %dma_start3A_60 = tpu.memref_slice %arg3[%add3A_52] : memref<10240xi32, #tpu.memory_space<hbm>> -> memref<128xi32, #tpu.memory_space<hbm>>
          tpu.enqueue_dma source(%dma_start3A_60 : memref<128xi32, #tpu.memory_space<hbm>>) target(%arg10 : memref<128xi32, #tpu.memory_space<vmem>>) target_semaphore(%run_scoped3A_58 : memref<!tpu.dma_semaphore, #tpu.memory_space<semaphore_mem>>)
          %dma_wait3A_61 = tpu.memref_slice %arg3[%add3A_52] : memref<10240xi32, #tpu.memory_space<hbm>> -> memref<128xi32, #tpu.memory_space<hbm>>
          %dma_wait3A_62 = tpu.memref_slice %arg3[%add3A_52] : memref<10240xi32, #tpu.memory_space<hbm>> -> memref<128xi32, #tpu.memory_space<hbm>>
          tpu.wait_dma2 semaphore(%run_scoped3A_58 : memref<!tpu.dma_semaphore, #tpu.memory_space<semaphore_mem>>) src(%dma_wait3A_62 : memref<128xi32, #tpu.memory_space<hbm>>) dst(%arg10 : memref<128xi32, #tpu.memory_space<vmem>>)
          tpu.yield
        }) : () -> ()
        %dma_start3A_53 = arith.constant 0 : i32
        %dma_start3A_54 = arith.constant 0 : i32
        %dma_start3A_55 = tpu.memref_slice %arg4[%dma_start3A_53, %dma_start3A_54] : memref<10240x128xf32, #tpu.memory_space<hbm>> -> memref<10240x128xf32, #tpu.memory_space<hbm>>
        tpu.enqueue_indirect_dma source(%dma_start3A_55 : memref<10240x128xf32, #tpu.memory_space<hbm>>) target(%arg12 : memref<128x128xf32, #tpu.memory_space<vmem>>) offsets(%arg10 : memref<128xi32, #tpu.memory_space<vmem>>) semaphore(%arg13 : memref<!tpu.dma_semaphore, #tpu.memory_space<semaphore_mem>>)
        %dma_wait3A = arith.constant 0 : i32
        %dma_wait3A_56 = arith.constant 0 : i32
        %dma_wait3A_57 = tpu.memref_slice %arg4[%dma_wait3A, %dma_wait3A_56] : memref<10240x128xf32, #tpu.memory_space<hbm>> -> memref<10240x128xf32, #tpu.memory_space<hbm>>
        tpu.wait_indirect_dma semaphore(%arg13 : memref<!tpu.dma_semaphore, #tpu.memory_space<semaphore_mem>>) src(%dma_wait3A_57 : memref<10240x128xf32, #tpu.memory_space<hbm>>) dst(%arg12 : memref<128x128xf32, #tpu.memory_space<vmem>>)
        "tpu.region"() ({
          %run_scoped3A_58 = tpu.sem_alloc : memref<!tpu.dma_semaphore, #tpu.memory_space<semaphore_mem>>
          %dma_start3A_59 = arith.constant 0 : i32
          %dma_start3A_60 = tpu.memref_slice %arg8[%add3A_52, %dma_start3A_59] : memref<10240x128xf32, #tpu.memory_space<hbm>> -> memref<128x128xf32, #tpu.memory_space<hbm>>
          %dma_start3A_61 = arith.constant 0 : i32
          %dma_start3A_62 = tpu.memref_slice %arg8[%add3A_52, %dma_start3A_61] : memref<10240x128xf32, #tpu.memory_space<hbm>> -> memref<128x128xf32, #tpu.memory_space<hbm>>
          tpu.enqueue_dma source(%arg12 : memref<128x128xf32, #tpu.memory_space<vmem>>) target(%dma_start3A_62 : memref<128x128xf32, #tpu.memory_space<hbm>>) target_semaphore(%run_scoped3A_58 : memref<!tpu.dma_semaphore, #tpu.memory_space<semaphore_mem>>)
          %dma_wait3A_63 = arith.constant 0 : i32
          %dma_wait3A_64 = tpu.memref_slice %arg8[%add3A_52, %dma_wait3A_63] : memref<10240x128xf32, #tpu.memory_space<hbm>> -> memref<128x128xf32, #tpu.memory_space<hbm>>
          %dma_wait3A_65 = arith.constant 0 : i32
          %dma_wait3A_66 = tpu.memref_slice %arg8[%add3A_52, %dma_wait3A_65] : memref<10240x128xf32, #tpu.memory_space<hbm>> -> memref<128x128xf32, #tpu.memory_space<hbm>>
          tpu.wait_dma2 semaphore(%run_scoped3A_58 : memref<!tpu.dma_semaphore, #tpu.memory_space<semaphore_mem>>) src(%arg12 : memref<128x128xf32, #tpu.memory_space<vmem>>) dst(%dma_wait3A_66 : memref<128x128xf32, #tpu.memory_space<hbm>>)
          tpu.yield
        }) : () -> ()
      }
      %scan3A_46 = arith.constant 5 : i32
    } else {
    }
    %barrier3A = arith.constant 0 : index
    tpu.barrier barrier_id(%barrier3A)
    %dma_start3A = arith.constant 0 : i32
    %dma_start3A_16 = arith.constant 0 : i32
    %dma_start3A_17 = arith.constant 0 : i32
    %dma_start3A_18 = tpu.memref_slice %arg9[%dma_start3A, %dma_start3A_16, %dma_start3A_17] : memref<2x8x128xi32, #tpu.memory_space<vmem>> -> memref<1x1x128xi32, #tpu.memory_space<vmem>>
    %dma_start3A_19 = tpu.memref_squeeze %dma_start3A_18 : memref<1x1x128xi32, #tpu.memory_space<vmem>> -> memref<128xi32, #tpu.memory_space<vmem>>
    %dma_start3A_20 = arith.constant 0 : i32
    %dma_start3A_21 = arith.constant 0 : i32
    %dma_start3A_22 = tpu.memref_slice %arg16[%dma_start3A_20, %dma_start3A_21] : memref<10240x128xf32, #tpu.memory_space<vmem_shared>> -> memref<10240x128xf32, #tpu.memory_space<vmem_shared>>
    tpu.enqueue_indirect_dma source(%arg11 : memref<128x128xf32, #tpu.memory_space<vmem>>) target(%dma_start3A_22 : memref<10240x128xf32, #tpu.memory_space<vmem_shared>>) offsets(%dma_start3A_19 : memref<128xi32, #tpu.memory_space<vmem>>) semaphore(%arg14 : memref<!tpu.dma_semaphore, #tpu.memory_space<semaphore_mem>>) {add = true}
    %dma_start3A_23 = arith.constant 0 : i32
    %dma_start3A_24 = arith.constant 1 : i32
    %dma_start3A_25 = arith.constant 0 : i32
    %dma_start3A_26 = tpu.memref_slice %arg9[%dma_start3A_23, %dma_start3A_24, %dma_start3A_25] : memref<2x8x128xi32, #tpu.memory_space<vmem>> -> memref<1x1x128xi32, #tpu.memory_space<vmem>>
    %dma_start3A_27 = tpu.memref_squeeze %dma_start3A_26 : memref<1x1x128xi32, #tpu.memory_space<vmem>> -> memref<128xi32, #tpu.memory_space<vmem>>
    %dma_start3A_28 = arith.constant 0 : i32
    %dma_start3A_29 = arith.constant 0 : i32
    %dma_start3A_30 = tpu.memref_slice %arg16[%dma_start3A_28, %dma_start3A_29] : memref<10240x128xf32, #tpu.memory_space<vmem_shared>> -> memref<10240x128xf32, #tpu.memory_space<vmem_shared>>
    tpu.enqueue_indirect_dma source(%arg11 : memref<128x128xf32, #tpu.memory_space<vmem>>) target(%dma_start3A_30 : memref<10240x128xf32, #tpu.memory_space<vmem_shared>>) offsets(%dma_start3A_27 : memref<128xi32, #tpu.memory_space<vmem>>) semaphore(%arg15 : memref<!tpu.dma_semaphore, #tpu.memory_space<semaphore_mem>>) {add = true}
    %scan3A = arith.constant 0 : i32
    %scan3A_31 = arith.constant 0 : i32
    %scan3A_32 = arith.constant 5 : i32
    %scan3A_33 = arith.addi %scan3A_31, %scan3A_32 : i32
    %scan3A_34 = arith.constant 1 : i32
    scf.for %scan3A_41 = %scan3A_31 to %scan3A_33 step %scan3A_34  : i32 {
      %mul3A_42 = arith.constant 2 : i32
      %mul3A_43 = arith.muli %mul3A_42, %scan3A_41 : i32
      %add3A_44 = arith.constant 0 : i32
      %add3A_45 = arith.addi %mul3A_43, %add3A_44 : i32
      %dma_wait3A = arith.constant 0 : i32
      %dma_wait3A_46 = arith.constant 0 : i32
      %dma_wait3A_47 = arith.constant 0 : i32
      %dma_wait3A_48 = tpu.memref_slice %arg9[%dma_wait3A, %dma_wait3A_46, %dma_wait3A_47] : memref<2x8x128xi32, #tpu.memory_space<vmem>> -> memref<1x1x128xi32, #tpu.memory_space<vmem>>
      %dma_wait3A_49 = tpu.memref_squeeze %dma_wait3A_48 : memref<1x1x128xi32, #tpu.memory_space<vmem>> -> memref<128xi32, #tpu.memory_space<vmem>>
      %dma_wait3A_50 = arith.constant 0 : i32
      %dma_wait3A_51 = arith.constant 0 : i32
      %dma_wait3A_52 = tpu.memref_slice %arg16[%dma_wait3A_50, %dma_wait3A_51] : memref<10240x128xf32, #tpu.memory_space<vmem_shared>> -> memref<10240x128xf32, #tpu.memory_space<vmem_shared>>
      tpu.wait_indirect_dma semaphore(%arg14 : memref<!tpu.dma_semaphore, #tpu.memory_space<semaphore_mem>>) src(%arg11 : memref<128x128xf32, #tpu.memory_space<vmem>>) dst(%dma_wait3A_52 : memref<10240x128xf32, #tpu.memory_space<vmem_shared>>)
      %dma_start3A_53 = arith.constant 0 : i32
      %dma_start3A_54 = arith.constant 2 : i32
      %dma_start3A_55 = arith.constant 0 : i32
      %dma_start3A_56 = tpu.memref_slice %arg9[%dma_start3A_53, %dma_start3A_54, %dma_start3A_55] : memref<2x8x128xi32, #tpu.memory_space<vmem>> -> memref<1x1x128xi32, #tpu.memory_space<vmem>>
      %dma_start3A_57 = tpu.memref_squeeze %dma_start3A_56 : memref<1x1x128xi32, #tpu.memory_space<vmem>> -> memref<128xi32, #tpu.memory_space<vmem>>
      %dma_start3A_58 = arith.constant 0 : i32
      %dma_start3A_59 = arith.constant 0 : i32
      %dma_start3A_60 = tpu.memref_slice %arg16[%dma_start3A_58, %dma_start3A_59] : memref<10240x128xf32, #tpu.memory_space<vmem_shared>> -> memref<10240x128xf32, #tpu.memory_space<vmem_shared>>
      tpu.enqueue_indirect_dma source(%arg11 : memref<128x128xf32, #tpu.memory_space<vmem>>) target(%dma_start3A_60 : memref<10240x128xf32, #tpu.memory_space<vmem_shared>>) offsets(%dma_start3A_57 : memref<128xi32, #tpu.memory_space<vmem>>) semaphore(%arg14 : memref<!tpu.dma_semaphore, #tpu.memory_space<semaphore_mem>>) {add = true}
      %dma_wait3A_61 = arith.constant 0 : i32
      %dma_wait3A_62 = arith.constant 1 : i32
      %dma_wait3A_63 = arith.constant 0 : i32
      %dma_wait3A_64 = tpu.memref_slice %arg9[%dma_wait3A_61, %dma_wait3A_62, %dma_wait3A_63] : memref<2x8x128xi32, #tpu.memory_space<vmem>> -> memref<1x1x128xi32, #tpu.memory_space<vmem>>
      %dma_wait3A_65 = tpu.memref_squeeze %dma_wait3A_64 : memref<1x1x128xi32, #tpu.memory_space<vmem>> -> memref<128xi32, #tpu.memory_space<vmem>>
      %dma_wait3A_66 = arith.constant 0 : i32
      %dma_wait3A_67 = arith.constant 0 : i32
      %dma_wait3A_68 = tpu.memref_slice %arg16[%dma_wait3A_66, %dma_wait3A_67] : memref<10240x128xf32, #tpu.memory_space<vmem_shared>> -> memref<10240x128xf32, #tpu.memory_space<vmem_shared>>
      tpu.wait_indirect_dma semaphore(%arg15 : memref<!tpu.dma_semaphore, #tpu.memory_space<semaphore_mem>>) src(%arg11 : memref<128x128xf32, #tpu.memory_space<vmem>>) dst(%dma_wait3A_68 : memref<10240x128xf32, #tpu.memory_space<vmem_shared>>)
      %dma_start3A_69 = arith.constant 0 : i32
      %dma_start3A_70 = arith.constant 3 : i32
      %dma_start3A_71 = arith.constant 0 : i32
      %dma_start3A_72 = tpu.memref_slice %arg9[%dma_start3A_69, %dma_start3A_70, %dma_start3A_71] : memref<2x8x128xi32, #tpu.memory_space<vmem>> -> memref<1x1x128xi32, #tpu.memory_space<vmem>>
      %dma_start3A_73 = tpu.memref_squeeze %dma_start3A_72 : memref<1x1x128xi32, #tpu.memory_space<vmem>> -> memref<128xi32, #tpu.memory_space<vmem>>
      %dma_start3A_74 = arith.constant 0 : i32
      %dma_start3A_75 = arith.constant 0 : i32
      %dma_start3A_76 = tpu.memref_slice %arg16[%dma_start3A_74, %dma_start3A_75] : memref<10240x128xf32, #tpu.memory_space<vmem_shared>> -> memref<10240x128xf32, #tpu.memory_space<vmem_shared>>
      tpu.enqueue_indirect_dma source(%arg11 : memref<128x128xf32, #tpu.memory_space<vmem>>) target(%dma_start3A_76 : memref<10240x128xf32, #tpu.memory_space<vmem_shared>>) offsets(%dma_start3A_73 : memref<128xi32, #tpu.memory_space<vmem>>) semaphore(%arg15 : memref<!tpu.dma_semaphore, #tpu.memory_space<semaphore_mem>>) {add = true}
      %dma_wait3A_77 = arith.constant 0 : i32
      %dma_wait3A_78 = arith.constant 2 : i32
      %dma_wait3A_79 = arith.constant 0 : i32
      %dma_wait3A_80 = tpu.memref_slice %arg9[%dma_wait3A_77, %dma_wait3A_78, %dma_wait3A_79] : memref<2x8x128xi32, #tpu.memory_space<vmem>> -> memref<1x1x128xi32, #tpu.memory_space<vmem>>
      %dma_wait3A_81 = tpu.memref_squeeze %dma_wait3A_80 : memref<1x1x128xi32, #tpu.memory_space<vmem>> -> memref<128xi32, #tpu.memory_space<vmem>>
      %dma_wait3A_82 = arith.constant 0 : i32
      %dma_wait3A_83 = arith.constant 0 : i32
      %dma_wait3A_84 = tpu.memref_slice %arg16[%dma_wait3A_82, %dma_wait3A_83] : memref<10240x128xf32, #tpu.memory_space<vmem_shared>> -> memref<10240x128xf32, #tpu.memory_space<vmem_shared>>
      tpu.wait_indirect_dma semaphore(%arg14 : memref<!tpu.dma_semaphore, #tpu.memory_space<semaphore_mem>>) src(%arg11 : memref<128x128xf32, #tpu.memory_space<vmem>>) dst(%dma_wait3A_84 : memref<10240x128xf32, #tpu.memory_space<vmem_shared>>)
      %dma_start3A_85 = arith.constant 0 : i32
      %dma_start3A_86 = arith.constant 4 : i32
      %dma_start3A_87 = arith.constant 0 : i32
      %dma_start3A_88 = tpu.memref_slice %arg9[%dma_start3A_85, %dma_start3A_86, %dma_start3A_87] : memref<2x8x128xi32, #tpu.memory_space<vmem>> -> memref<1x1x128xi32, #tpu.memory_space<vmem>>
      %dma_start3A_89 = tpu.memref_squeeze %dma_start3A_88 : memref<1x1x128xi32, #tpu.memory_space<vmem>> -> memref<128xi32, #tpu.memory_space<vmem>>
      %dma_start3A_90 = arith.constant 0 : i32
      %dma_start3A_91 = arith.constant 0 : i32
      %dma_start3A_92 = tpu.memref_slice %arg16[%dma_start3A_90, %dma_start3A_91] : memref<10240x128xf32, #tpu.memory_space<vmem_shared>> -> memref<10240x128xf32, #tpu.memory_space<vmem_shared>>
      tpu.enqueue_indirect_dma source(%arg11 : memref<128x128xf32, #tpu.memory_space<vmem>>) target(%dma_start3A_92 : memref<10240x128xf32, #tpu.memory_space<vmem_shared>>) offsets(%dma_start3A_89 : memref<128xi32, #tpu.memory_space<vmem>>) semaphore(%arg14 : memref<!tpu.dma_semaphore, #tpu.memory_space<semaphore_mem>>) {add = true}
      %dma_wait3A_93 = arith.constant 0 : i32
      %dma_wait3A_94 = arith.constant 3 : i32
      %dma_wait3A_95 = arith.constant 0 : i32
      %dma_wait3A_96 = tpu.memref_slice %arg9[%dma_wait3A_93, %dma_wait3A_94, %dma_wait3A_95] : memref<2x8x128xi32, #tpu.memory_space<vmem>> -> memref<1x1x128xi32, #tpu.memory_space<vmem>>
      %dma_wait3A_97 = tpu.memref_squeeze %dma_wait3A_96 : memref<1x1x128xi32, #tpu.memory_space<vmem>> -> memref<128xi32, #tpu.memory_space<vmem>>
      %dma_wait3A_98 = arith.constant 0 : i32
      %dma_wait3A_99 = arith.constant 0 : i32
      %dma_wait3A_100 = tpu.memref_slice %arg16[%dma_wait3A_98, %dma_wait3A_99] : memref<10240x128xf32, #tpu.memory_space<vmem_shared>> -> memref<10240x128xf32, #tpu.memory_space<vmem_shared>>
      tpu.wait_indirect_dma semaphore(%arg15 : memref<!tpu.dma_semaphore, #tpu.memory_space<semaphore_mem>>) src(%arg11 : memref<128x128xf32, #tpu.memory_space<vmem>>) dst(%dma_wait3A_100 : memref<10240x128xf32, #tpu.memory_space<vmem_shared>>)
      %dma_start3A_101 = arith.constant 0 : i32
      %dma_start3A_102 = arith.constant 5 : i32
      %dma_start3A_103 = arith.constant 0 : i32
      %dma_start3A_104 = tpu.memref_slice %arg9[%dma_start3A_101, %dma_start3A_102, %dma_start3A_103] : memref<2x8x128xi32, #tpu.memory_space<vmem>> -> memref<1x1x128xi32, #tpu.memory_space<vmem>>
      %dma_start3A_105 = tpu.memref_squeeze %dma_start3A_104 : memref<1x1x128xi32, #tpu.memory_space<vmem>> -> memref<128xi32, #tpu.memory_space<vmem>>
      %dma_start3A_106 = arith.constant 0 : i32
      %dma_start3A_107 = arith.constant 0 : i32
      %dma_start3A_108 = tpu.memref_slice %arg16[%dma_start3A_106, %dma_start3A_107] : memref<10240x128xf32, #tpu.memory_space<vmem_shared>> -> memref<10240x128xf32, #tpu.memory_space<vmem_shared>>
      tpu.enqueue_indirect_dma source(%arg11 : memref<128x128xf32, #tpu.memory_space<vmem>>) target(%dma_start3A_108 : memref<10240x128xf32, #tpu.memory_space<vmem_shared>>) offsets(%dma_start3A_105 : memref<128xi32, #tpu.memory_space<vmem>>) semaphore(%arg15 : memref<!tpu.dma_semaphore, #tpu.memory_space<semaphore_mem>>) {add = true}
      %dma_wait3A_109 = arith.constant 0 : i32
      %dma_wait3A_110 = arith.constant 4 : i32
      %dma_wait3A_111 = arith.constant 0 : i32
      %dma_wait3A_112 = tpu.memref_slice %arg9[%dma_wait3A_109, %dma_wait3A_110, %dma_wait3A_111] : memref<2x8x128xi32, #tpu.memory_space<vmem>> -> memref<1x1x128xi32, #tpu.memory_space<vmem>>
      %dma_wait3A_113 = tpu.memref_squeeze %dma_wait3A_112 : memref<1x1x128xi32, #tpu.memory_space<vmem>> -> memref<128xi32, #tpu.memory_space<vmem>>
      %dma_wait3A_114 = arith.constant 0 : i32
      %dma_wait3A_115 = arith.constant 0 : i32
      %dma_wait3A_116 = tpu.memref_slice %arg16[%dma_wait3A_114, %dma_wait3A_115] : memref<10240x128xf32, #tpu.memory_space<vmem_shared>> -> memref<10240x128xf32, #tpu.memory_space<vmem_shared>>
      tpu.wait_indirect_dma semaphore(%arg14 : memref<!tpu.dma_semaphore, #tpu.memory_space<semaphore_mem>>) src(%arg11 : memref<128x128xf32, #tpu.memory_space<vmem>>) dst(%dma_wait3A_116 : memref<10240x128xf32, #tpu.memory_space<vmem_shared>>)
      %dma_start3A_117 = arith.constant 0 : i32
      %dma_start3A_118 = arith.constant 6 : i32
      %dma_start3A_119 = arith.constant 0 : i32
      %dma_start3A_120 = tpu.memref_slice %arg9[%dma_start3A_117, %dma_start3A_118, %dma_start3A_119] : memref<2x8x128xi32, #tpu.memory_space<vmem>> -> memref<1x1x128xi32, #tpu.memory_space<vmem>>
      %dma_start3A_121 = tpu.memref_squeeze %dma_start3A_120 : memref<1x1x128xi32, #tpu.memory_space<vmem>> -> memref<128xi32, #tpu.memory_space<vmem>>
      %dma_start3A_122 = arith.constant 0 : i32
      %dma_start3A_123 = arith.constant 0 : i32
      %dma_start3A_124 = tpu.memref_slice %arg16[%dma_start3A_122, %dma_start3A_123] : memref<10240x128xf32, #tpu.memory_space<vmem_shared>> -> memref<10240x128xf32, #tpu.memory_space<vmem_shared>>
      tpu.enqueue_indirect_dma source(%arg11 : memref<128x128xf32, #tpu.memory_space<vmem>>) target(%dma_start3A_124 : memref<10240x128xf32, #tpu.memory_space<vmem_shared>>) offsets(%dma_start3A_121 : memref<128xi32, #tpu.memory_space<vmem>>) semaphore(%arg14 : memref<!tpu.dma_semaphore, #tpu.memory_space<semaphore_mem>>) {add = true}
      %dma_wait3A_125 = arith.constant 0 : i32
      %dma_wait3A_126 = arith.constant 5 : i32
      %dma_wait3A_127 = arith.constant 0 : i32
      %dma_wait3A_128 = tpu.memref_slice %arg9[%dma_wait3A_125, %dma_wait3A_126, %dma_wait3A_127] : memref<2x8x128xi32, #tpu.memory_space<vmem>> -> memref<1x1x128xi32, #tpu.memory_space<vmem>>
      %dma_wait3A_129 = tpu.memref_squeeze %dma_wait3A_128 : memref<1x1x128xi32, #tpu.memory_space<vmem>> -> memref<128xi32, #tpu.memory_space<vmem>>
      %dma_wait3A_130 = arith.constant 0 : i32
      %dma_wait3A_131 = arith.constant 0 : i32
      %dma_wait3A_132 = tpu.memref_slice %arg16[%dma_wait3A_130, %dma_wait3A_131] : memref<10240x128xf32, #tpu.memory_space<vmem_shared>> -> memref<10240x128xf32, #tpu.memory_space<vmem_shared>>
      tpu.wait_indirect_dma semaphore(%arg15 : memref<!tpu.dma_semaphore, #tpu.memory_space<semaphore_mem>>) src(%arg11 : memref<128x128xf32, #tpu.memory_space<vmem>>) dst(%dma_wait3A_132 : memref<10240x128xf32, #tpu.memory_space<vmem_shared>>)
      %dma_start3A_133 = arith.constant 0 : i32
      %dma_start3A_134 = arith.constant 7 : i32
      %dma_start3A_135 = arith.constant 0 : i32
      %dma_start3A_136 = tpu.memref_slice %arg9[%dma_start3A_133, %dma_start3A_134, %dma_start3A_135] : memref<2x8x128xi32, #tpu.memory_space<vmem>> -> memref<1x1x128xi32, #tpu.memory_space<vmem>>
      %dma_start3A_137 = tpu.memref_squeeze %dma_start3A_136 : memref<1x1x128xi32, #tpu.memory_space<vmem>> -> memref<128xi32, #tpu.memory_space<vmem>>
      %dma_start3A_138 = arith.constant 0 : i32
      %dma_start3A_139 = arith.constant 0 : i32
      %dma_start3A_140 = tpu.memref_slice %arg16[%dma_start3A_138, %dma_start3A_139] : memref<10240x128xf32, #tpu.memory_space<vmem_shared>> -> memref<10240x128xf32, #tpu.memory_space<vmem_shared>>
      tpu.enqueue_indirect_dma source(%arg11 : memref<128x128xf32, #tpu.memory_space<vmem>>) target(%dma_start3A_140 : memref<10240x128xf32, #tpu.memory_space<vmem_shared>>) offsets(%dma_start3A_137 : memref<128xi32, #tpu.memory_space<vmem>>) semaphore(%arg15 : memref<!tpu.dma_semaphore, #tpu.memory_space<semaphore_mem>>) {add = true}
      %dma_wait3A_141 = arith.constant 0 : i32
      %dma_wait3A_142 = arith.constant 6 : i32
      %dma_wait3A_143 = arith.constant 0 : i32
      %dma_wait3A_144 = tpu.memref_slice %arg9[%dma_wait3A_141, %dma_wait3A_142, %dma_wait3A_143] : memref<2x8x128xi32, #tpu.memory_space<vmem>> -> memref<1x1x128xi32, #tpu.memory_space<vmem>>
      %dma_wait3A_145 = tpu.memref_squeeze %dma_wait3A_144 : memref<1x1x128xi32, #tpu.memory_space<vmem>> -> memref<128xi32, #tpu.memory_space<vmem>>
      %dma_wait3A_146 = arith.constant 0 : i32
      %dma_wait3A_147 = arith.constant 0 : i32
      %dma_wait3A_148 = tpu.memref_slice %arg16[%dma_wait3A_146, %dma_wait3A_147] : memref<10240x128xf32, #tpu.memory_space<vmem_shared>> -> memref<10240x128xf32, #tpu.memory_space<vmem_shared>>
      tpu.wait_indirect_dma semaphore(%arg14 : memref<!tpu.dma_semaphore, #tpu.memory_space<semaphore_mem>>) src(%arg11 : memref<128x128xf32, #tpu.memory_space<vmem>>) dst(%dma_wait3A_148 : memref<10240x128xf32, #tpu.memory_space<vmem_shared>>)
      %add3A_149 = arith.constant 1 : i32
      %add3A_150 = arith.addi %add3A_45, %add3A_149 : i32
      %lt3A = arith.constant 10 : i32
      %lt3A_151 = arith.cmpi slt, %add3A_150, %lt3A : i32
      %convert_element_type3A_152 = arith.extui %lt3A_151 : i1 to i32
      %cond3A_153 = arith.constant 0 : i32
      %cond3A_154 = arith.cmpi ne, %convert_element_type3A_152, %cond3A_153 : i32
      scf.if %cond3A_154 {
        %dma_start3A_314 = arith.constant 1 : i32
        %dma_start3A_315 = arith.constant 0 : i32
        %dma_start3A_316 = arith.constant 0 : i32
        %dma_start3A_317 = tpu.memref_slice %arg9[%dma_start3A_314, %dma_start3A_315, %dma_start3A_316] : memref<2x8x128xi32, #tpu.memory_space<vmem>> -> memref<1x1x128xi32, #tpu.memory_space<vmem>>
        %dma_start3A_318 = tpu.memref_squeeze %dma_start3A_317 : memref<1x1x128xi32, #tpu.memory_space<vmem>> -> memref<128xi32, #tpu.memory_space<vmem>>
        %dma_start3A_319 = arith.constant 0 : i32
        %dma_start3A_320 = arith.constant 0 : i32
        %dma_start3A_321 = tpu.memref_slice %arg16[%dma_start3A_319, %dma_start3A_320] : memref<10240x128xf32, #tpu.memory_space<vmem_shared>> -> memref<10240x128xf32, #tpu.memory_space<vmem_shared>>
        tpu.enqueue_indirect_dma source(%arg11 : memref<128x128xf32, #tpu.memory_space<vmem>>) target(%dma_start3A_321 : memref<10240x128xf32, #tpu.memory_space<vmem_shared>>) offsets(%dma_start3A_318 : memref<128xi32, #tpu.memory_space<vmem>>) semaphore(%arg14 : memref<!tpu.dma_semaphore, #tpu.memory_space<semaphore_mem>>) {add = true}
      } else {
      }
      %dma_wait3A_155 = arith.constant 0 : i32
      %dma_wait3A_156 = arith.constant 7 : i32
      %dma_wait3A_157 = arith.constant 0 : i32
      %dma_wait3A_158 = tpu.memref_slice %arg9[%dma_wait3A_155, %dma_wait3A_156, %dma_wait3A_157] : memref<2x8x128xi32, #tpu.memory_space<vmem>> -> memref<1x1x128xi32, #tpu.memory_space<vmem>>
      %dma_wait3A_159 = tpu.memref_squeeze %dma_wait3A_158 : memref<1x1x128xi32, #tpu.memory_space<vmem>> -> memref<128xi32, #tpu.memory_space<vmem>>
      %dma_wait3A_160 = arith.constant 0 : i32
      %dma_wait3A_161 = arith.constant 0 : i32
      %dma_wait3A_162 = tpu.memref_slice %arg16[%dma_wait3A_160, %dma_wait3A_161] : memref<10240x128xf32, #tpu.memory_space<vmem_shared>> -> memref<10240x128xf32, #tpu.memory_space<vmem_shared>>
      tpu.wait_indirect_dma semaphore(%arg15 : memref<!tpu.dma_semaphore, #tpu.memory_space<semaphore_mem>>) src(%arg11 : memref<128x128xf32, #tpu.memory_space<vmem>>) dst(%dma_wait3A_162 : memref<10240x128xf32, #tpu.memory_space<vmem_shared>>)
      %add3A_163 = arith.constant 1 : i32
      %add3A_164 = arith.addi %add3A_45, %add3A_163 : i32
      %lt3A_165 = arith.constant 10 : i32
      %lt3A_166 = arith.cmpi slt, %add3A_164, %lt3A_165 : i32
      %convert_element_type3A_167 = arith.extui %lt3A_166 : i1 to i32
      %cond3A_168 = arith.constant 0 : i32
      %cond3A_169 = arith.cmpi ne, %convert_element_type3A_167, %cond3A_168 : i32
      scf.if %cond3A_169 {
        %dma_start3A_314 = arith.constant 1 : i32
        %dma_start3A_315 = arith.constant 1 : i32
        %dma_start3A_316 = arith.constant 0 : i32
        %dma_start3A_317 = tpu.memref_slice %arg9[%dma_start3A_314, %dma_start3A_315, %dma_start3A_316] : memref<2x8x128xi32, #tpu.memory_space<vmem>> -> memref<1x1x128xi32, #tpu.memory_space<vmem>>
        %dma_start3A_318 = tpu.memref_squeeze %dma_start3A_317 : memref<1x1x128xi32, #tpu.memory_space<vmem>> -> memref<128xi32, #tpu.memory_space<vmem>>
        %dma_start3A_319 = arith.constant 0 : i32
        %dma_start3A_320 = arith.constant 0 : i32
        %dma_start3A_321 = tpu.memref_slice %arg16[%dma_start3A_319, %dma_start3A_320] : memref<10240x128xf32, #tpu.memory_space<vmem_shared>> -> memref<10240x128xf32, #tpu.memory_space<vmem_shared>>
        tpu.enqueue_indirect_dma source(%arg11 : memref<128x128xf32, #tpu.memory_space<vmem>>) target(%dma_start3A_321 : memref<10240x128xf32, #tpu.memory_space<vmem_shared>>) offsets(%dma_start3A_318 : memref<128xi32, #tpu.memory_space<vmem>>) semaphore(%arg15 : memref<!tpu.dma_semaphore, #tpu.memory_space<semaphore_mem>>) {add = true}
      } else {
      }
      %add3A_170 = arith.constant 2 : i32
      %add3A_171 = arith.addi %add3A_45, %add3A_170 : i32
      %lt3A_172 = arith.constant 10 : i32
      %lt3A_173 = arith.cmpi slt, %add3A_171, %lt3A_172 : i32
      %convert_element_type3A_174 = arith.extui %lt3A_173 : i1 to i32
      %cond3A_175 = arith.constant 0 : i32
      %cond3A_176 = arith.cmpi ne, %convert_element_type3A_174, %cond3A_175 : i32
      scf.if %cond3A_176 {
        %mul3A_314 = arith.constant 80 : i32
        %mul3A_315 = arith.muli %add3A, %mul3A_314 : i32
        %add3A_316 = arith.constant 2 : i32
        %add3A_317 = arith.addi %add3A_45, %add3A_316 : i32
        %mul3A_318 = arith.constant 8 : i32
        %mul3A_319 = arith.muli %add3A_317, %mul3A_318 : i32
        %add3A_320 = arith.addi %mul3A_315, %mul3A_319 : i32
        %run_scoped3A_321 = arith.constant 0 : i32
        "tpu.region"() ({
          %run_scoped3A_322 = tpu.sem_alloc : memref<!tpu.dma_semaphore, #tpu.memory_space<semaphore_mem>>
          %dma_start3A_323 = arith.constant 0 : i32
          %dma_start3A_324 = arith.constant 0 : i32
          %dma_start3A_325 = tpu.memref_slice %arg9[%run_scoped3A_321, %dma_start3A_323, %dma_start3A_324] : memref<2x8x128xi32, #tpu.memory_space<vmem>> -> memref<1x8x128xi32, #tpu.memory_space<vmem>>
          %dma_start3A_326 = tpu.memref_squeeze %dma_start3A_325 : memref<1x8x128xi32, #tpu.memory_space<vmem>> -> memref<8x128xi32, #tpu.memory_space<vmem>>
          %dma_start3A_327 = arith.constant 0 : i32
          %dma_start3A_328 = tpu.memref_slice %arg2[%add3A_320, %dma_start3A_327] : memref<2560x128xi32, #tpu.memory_space<hbm>> -> memref<8x128xi32, #tpu.memory_space<hbm>>
          %dma_start3A_329 = arith.constant 0 : i32
          %dma_start3A_330 = arith.constant 0 : i32
          %dma_start3A_331 = tpu.memref_slice %arg9[%run_scoped3A_321, %dma_start3A_329, %dma_start3A_330] : memref<2x8x128xi32, #tpu.memory_space<vmem>> -> memref<1x8x128xi32, #tpu.memory_space<vmem>>
          %dma_start3A_332 = tpu.memref_squeeze %dma_start3A_331 : memref<1x8x128xi32, #tpu.memory_space<vmem>> -> memref<8x128xi32, #tpu.memory_space<vmem>>
          %dma_start3A_333 = arith.constant 0 : i32
          %dma_start3A_334 = tpu.memref_slice %arg2[%add3A_320, %dma_start3A_333] : memref<2560x128xi32, #tpu.memory_space<hbm>> -> memref<8x128xi32, #tpu.memory_space<hbm>>
          tpu.enqueue_dma source(%dma_start3A_334 : memref<8x128xi32, #tpu.memory_space<hbm>>) target(%dma_start3A_332 : memref<8x128xi32, #tpu.memory_space<vmem>>) target_semaphore(%run_scoped3A_322 : memref<!tpu.dma_semaphore, #tpu.memory_space<semaphore_mem>>)
          %dma_wait3A_335 = arith.constant 0 : i32
          %dma_wait3A_336 = arith.constant 0 : i32
          %dma_wait3A_337 = tpu.memref_slice %arg9[%run_scoped3A_321, %dma_wait3A_335, %dma_wait3A_336] : memref<2x8x128xi32, #tpu.memory_space<vmem>> -> memref<1x8x128xi32, #tpu.memory_space<vmem>>
          %dma_wait3A_338 = tpu.memref_squeeze %dma_wait3A_337 : memref<1x8x128xi32, #tpu.memory_space<vmem>> -> memref<8x128xi32, #tpu.memory_space<vmem>>
          %dma_wait3A_339 = arith.constant 0 : i32
          %dma_wait3A_340 = tpu.memref_slice %arg2[%add3A_320, %dma_wait3A_339] : memref<2560x128xi32, #tpu.memory_space<hbm>> -> memref<8x128xi32, #tpu.memory_space<hbm>>
          %dma_wait3A_341 = arith.constant 0 : i32
          %dma_wait3A_342 = arith.constant 0 : i32
          %dma_wait3A_343 = tpu.memref_slice %arg9[%run_scoped3A_321, %dma_wait3A_341, %dma_wait3A_342] : memref<2x8x128xi32, #tpu.memory_space<vmem>> -> memref<1x8x128xi32, #tpu.memory_space<vmem>>
          %dma_wait3A_344 = tpu.memref_squeeze %dma_wait3A_343 : memref<1x8x128xi32, #tpu.memory_space<vmem>> -> memref<8x128xi32, #tpu.memory_space<vmem>>
          %dma_wait3A_345 = arith.constant 0 : i32
          %dma_wait3A_346 = tpu.memref_slice %arg2[%add3A_320, %dma_wait3A_345] : memref<2560x128xi32, #tpu.memory_space<hbm>> -> memref<8x128xi32, #tpu.memory_space<hbm>>
          tpu.wait_dma2 semaphore(%run_scoped3A_322 : memref<!tpu.dma_semaphore, #tpu.memory_space<semaphore_mem>>) src(%dma_wait3A_346 : memref<8x128xi32, #tpu.memory_space<hbm>>) dst(%dma_wait3A_344 : memref<8x128xi32, #tpu.memory_space<vmem>>)
          tpu.yield
        }) : () -> ()
      } else {
      }
      %mul3A_177 = arith.constant 2 : i32
      %mul3A_178 = arith.muli %mul3A_177, %scan3A_41 : i32
      %add3A_179 = arith.constant 1 : i32
      %add3A_180 = arith.addi %mul3A_178, %add3A_179 : i32
      %dma_wait3A_181 = arith.constant 1 : i32
      %dma_wait3A_182 = arith.constant 0 : i32
      %dma_wait3A_183 = arith.constant 0 : i32
      %dma_wait3A_184 = tpu.memref_slice %arg9[%dma_wait3A_181, %dma_wait3A_182, %dma_wait3A_183] : memref<2x8x128xi32, #tpu.memory_space<vmem>> -> memref<1x1x128xi32, #tpu.memory_space<vmem>>
      %dma_wait3A_185 = tpu.memref_squeeze %dma_wait3A_184 : memref<1x1x128xi32, #tpu.memory_space<vmem>> -> memref<128xi32, #tpu.memory_space<vmem>>
      %dma_wait3A_186 = arith.constant 0 : i32
      %dma_wait3A_187 = arith.constant 0 : i32
      %dma_wait3A_188 = tpu.memref_slice %arg16[%dma_wait3A_186, %dma_wait3A_187] : memref<10240x128xf32, #tpu.memory_space<vmem_shared>> -> memref<10240x128xf32, #tpu.memory_space<vmem_shared>>
      tpu.wait_indirect_dma semaphore(%arg14 : memref<!tpu.dma_semaphore, #tpu.memory_space<semaphore_mem>>) src(%arg11 : memref<128x128xf32, #tpu.memory_space<vmem>>) dst(%dma_wait3A_188 : memref<10240x128xf32, #tpu.memory_space<vmem_shared>>)
      %dma_start3A_189 = arith.constant 1 : i32
      %dma_start3A_190 = arith.constant 2 : i32
      %dma_start3A_191 = arith.constant 0 : i32
      %dma_start3A_192 = tpu.memref_slice %arg9[%dma_start3A_189, %dma_start3A_190, %dma_start3A_191] : memref<2x8x128xi32, #tpu.memory_space<vmem>> -> memref<1x1x128xi32, #tpu.memory_space<vmem>>
      %dma_start3A_193 = tpu.memref_squeeze %dma_start3A_192 : memref<1x1x128xi32, #tpu.memory_space<vmem>> -> memref<128xi32, #tpu.memory_space<vmem>>
      %dma_start3A_194 = arith.constant 0 : i32
      %dma_start3A_195 = arith.constant 0 : i32
      %dma_start3A_196 = tpu.memref_slice %arg16[%dma_start3A_194, %dma_start3A_195] : memref<10240x128xf32, #tpu.memory_space<vmem_shared>> -> memref<10240x128xf32, #tpu.memory_space<vmem_shared>>
      tpu.enqueue_indirect_dma source(%arg11 : memref<128x128xf32, #tpu.memory_space<vmem>>) target(%dma_start3A_196 : memref<10240x128xf32, #tpu.memory_space<vmem_shared>>) offsets(%dma_start3A_193 : memref<128xi32, #tpu.memory_space<vmem>>) semaphore(%arg14 : memref<!tpu.dma_semaphore, #tpu.memory_space<semaphore_mem>>) {add = true}
      %dma_wait3A_197 = arith.constant 1 : i32
      %dma_wait3A_198 = arith.constant 1 : i32
      %dma_wait3A_199 = arith.constant 0 : i32
      %dma_wait3A_200 = tpu.memref_slice %arg9[%dma_wait3A_197, %dma_wait3A_198, %dma_wait3A_199] : memref<2x8x128xi32, #tpu.memory_space<vmem>> -> memref<1x1x128xi32, #tpu.memory_space<vmem>>
      %dma_wait3A_201 = tpu.memref_squeeze %dma_wait3A_200 : memref<1x1x128xi32, #tpu.memory_space<vmem>> -> memref<128xi32, #tpu.memory_space<vmem>>
      %dma_wait3A_202 = arith.constant 0 : i32
      %dma_wait3A_203 = arith.constant 0 : i32
      %dma_wait3A_204 = tpu.memref_slice %arg16[%dma_wait3A_202, %dma_wait3A_203] : memref<10240x128xf32, #tpu.memory_space<vmem_shared>> -> memref<10240x128xf32, #tpu.memory_space<vmem_shared>>
      tpu.wait_indirect_dma semaphore(%arg15 : memref<!tpu.dma_semaphore, #tpu.memory_space<semaphore_mem>>) src(%arg11 : memref<128x128xf32, #tpu.memory_space<vmem>>) dst(%dma_wait3A_204 : memref<10240x128xf32, #tpu.memory_space<vmem_shared>>)
      %dma_start3A_205 = arith.constant 1 : i32
      %dma_start3A_206 = arith.constant 3 : i32
      %dma_start3A_207 = arith.constant 0 : i32
      %dma_start3A_208 = tpu.memref_slice %arg9[%dma_start3A_205, %dma_start3A_206, %dma_start3A_207] : memref<2x8x128xi32, #tpu.memory_space<vmem>> -> memref<1x1x128xi32, #tpu.memory_space<vmem>>
      %dma_start3A_209 = tpu.memref_squeeze %dma_start3A_208 : memref<1x1x128xi32, #tpu.memory_space<vmem>> -> memref<128xi32, #tpu.memory_space<vmem>>
      %dma_start3A_210 = arith.constant 0 : i32
      %dma_start3A_211 = arith.constant 0 : i32
      %dma_start3A_212 = tpu.memref_slice %arg16[%dma_start3A_210, %dma_start3A_211] : memref<10240x128xf32, #tpu.memory_space<vmem_shared>> -> memref<10240x128xf32, #tpu.memory_space<vmem_shared>>
      tpu.enqueue_indirect_dma source(%arg11 : memref<128x128xf32, #tpu.memory_space<vmem>>) target(%dma_start3A_212 : memref<10240x128xf32, #tpu.memory_space<vmem_shared>>) offsets(%dma_start3A_209 : memref<128xi32, #tpu.memory_space<vmem>>) semaphore(%arg15 : memref<!tpu.dma_semaphore, #tpu.memory_space<semaphore_mem>>) {add = true}
      %dma_wait3A_213 = arith.constant 1 : i32
      %dma_wait3A_214 = arith.constant 2 : i32
      %dma_wait3A_215 = arith.constant 0 : i32
      %dma_wait3A_216 = tpu.memref_slice %arg9[%dma_wait3A_213, %dma_wait3A_214, %dma_wait3A_215] : memref<2x8x128xi32, #tpu.memory_space<vmem>> -> memref<1x1x128xi32, #tpu.memory_space<vmem>>
      %dma_wait3A_217 = tpu.memref_squeeze %dma_wait3A_216 : memref<1x1x128xi32, #tpu.memory_space<vmem>> -> memref<128xi32, #tpu.memory_space<vmem>>
      %dma_wait3A_218 = arith.constant 0 : i32
      %dma_wait3A_219 = arith.constant 0 : i32
      %dma_wait3A_220 = tpu.memref_slice %arg16[%dma_wait3A_218, %dma_wait3A_219] : memref<10240x128xf32, #tpu.memory_space<vmem_shared>> -> memref<10240x128xf32, #tpu.memory_space<vmem_shared>>
      tpu.wait_indirect_dma semaphore(%arg14 : memref<!tpu.dma_semaphore, #tpu.memory_space<semaphore_mem>>) src(%arg11 : memref<128x128xf32, #tpu.memory_space<vmem>>) dst(%dma_wait3A_220 : memref<10240x128xf32, #tpu.memory_space<vmem_shared>>)
      %dma_start3A_221 = arith.constant 1 : i32
      %dma_start3A_222 = arith.constant 4 : i32
      %dma_start3A_223 = arith.constant 0 : i32
      %dma_start3A_224 = tpu.memref_slice %arg9[%dma_start3A_221, %dma_start3A_222, %dma_start3A_223] : memref<2x8x128xi32, #tpu.memory_space<vmem>> -> memref<1x1x128xi32, #tpu.memory_space<vmem>>
      %dma_start3A_225 = tpu.memref_squeeze %dma_start3A_224 : memref<1x1x128xi32, #tpu.memory_space<vmem>> -> memref<128xi32, #tpu.memory_space<vmem>>
      %dma_start3A_226 = arith.constant 0 : i32
      %dma_start3A_227 = arith.constant 0 : i32
      %dma_start3A_228 = tpu.memref_slice %arg16[%dma_start3A_226, %dma_start3A_227] : memref<10240x128xf32, #tpu.memory_space<vmem_shared>> -> memref<10240x128xf32, #tpu.memory_space<vmem_shared>>
      tpu.enqueue_indirect_dma source(%arg11 : memref<128x128xf32, #tpu.memory_space<vmem>>) target(%dma_start3A_228 : memref<10240x128xf32, #tpu.memory_space<vmem_shared>>) offsets(%dma_start3A_225 : memref<128xi32, #tpu.memory_space<vmem>>) semaphore(%arg14 : memref<!tpu.dma_semaphore, #tpu.memory_space<semaphore_mem>>) {add = true}
      %dma_wait3A_229 = arith.constant 1 : i32
      %dma_wait3A_230 = arith.constant 3 : i32
      %dma_wait3A_231 = arith.constant 0 : i32
      %dma_wait3A_232 = tpu.memref_slice %arg9[%dma_wait3A_229, %dma_wait3A_230, %dma_wait3A_231] : memref<2x8x128xi32, #tpu.memory_space<vmem>> -> memref<1x1x128xi32, #tpu.memory_space<vmem>>
      %dma_wait3A_233 = tpu.memref_squeeze %dma_wait3A_232 : memref<1x1x128xi32, #tpu.memory_space<vmem>> -> memref<128xi32, #tpu.memory_space<vmem>>
      %dma_wait3A_234 = arith.constant 0 : i32
      %dma_wait3A_235 = arith.constant 0 : i32
      %dma_wait3A_236 = tpu.memref_slice %arg16[%dma_wait3A_234, %dma_wait3A_235] : memref<10240x128xf32, #tpu.memory_space<vmem_shared>> -> memref<10240x128xf32, #tpu.memory_space<vmem_shared>>
      tpu.wait_indirect_dma semaphore(%arg15 : memref<!tpu.dma_semaphore, #tpu.memory_space<semaphore_mem>>) src(%arg11 : memref<128x128xf32, #tpu.memory_space<vmem>>) dst(%dma_wait3A_236 : memref<10240x128xf32, #tpu.memory_space<vmem_shared>>)
      %dma_start3A_237 = arith.constant 1 : i32
      %dma_start3A_238 = arith.constant 5 : i32
      %dma_start3A_239 = arith.constant 0 : i32
      %dma_start3A_240 = tpu.memref_slice %arg9[%dma_start3A_237, %dma_start3A_238, %dma_start3A_239] : memref<2x8x128xi32, #tpu.memory_space<vmem>> -> memref<1x1x128xi32, #tpu.memory_space<vmem>>
      %dma_start3A_241 = tpu.memref_squeeze %dma_start3A_240 : memref<1x1x128xi32, #tpu.memory_space<vmem>> -> memref<128xi32, #tpu.memory_space<vmem>>
      %dma_start3A_242 = arith.constant 0 : i32
      %dma_start3A_243 = arith.constant 0 : i32
      %dma_start3A_244 = tpu.memref_slice %arg16[%dma_start3A_242, %dma_start3A_243] : memref<10240x128xf32, #tpu.memory_space<vmem_shared>> -> memref<10240x128xf32, #tpu.memory_space<vmem_shared>>
      tpu.enqueue_indirect_dma source(%arg11 : memref<128x128xf32, #tpu.memory_space<vmem>>) target(%dma_start3A_244 : memref<10240x128xf32, #tpu.memory_space<vmem_shared>>) offsets(%dma_start3A_241 : memref<128xi32, #tpu.memory_space<vmem>>) semaphore(%arg15 : memref<!tpu.dma_semaphore, #tpu.memory_space<semaphore_mem>>) {add = true}
      %dma_wait3A_245 = arith.constant 1 : i32
      %dma_wait3A_246 = arith.constant 4 : i32
      %dma_wait3A_247 = arith.constant 0 : i32
      %dma_wait3A_248 = tpu.memref_slice %arg9[%dma_wait3A_245, %dma_wait3A_246, %dma_wait3A_247] : memref<2x8x128xi32, #tpu.memory_space<vmem>> -> memref<1x1x128xi32, #tpu.memory_space<vmem>>
      %dma_wait3A_249 = tpu.memref_squeeze %dma_wait3A_248 : memref<1x1x128xi32, #tpu.memory_space<vmem>> -> memref<128xi32, #tpu.memory_space<vmem>>
      %dma_wait3A_250 = arith.constant 0 : i32
      %dma_wait3A_251 = arith.constant 0 : i32
      %dma_wait3A_252 = tpu.memref_slice %arg16[%dma_wait3A_250, %dma_wait3A_251] : memref<10240x128xf32, #tpu.memory_space<vmem_shared>> -> memref<10240x128xf32, #tpu.memory_space<vmem_shared>>
      tpu.wait_indirect_dma semaphore(%arg14 : memref<!tpu.dma_semaphore, #tpu.memory_space<semaphore_mem>>) src(%arg11 : memref<128x128xf32, #tpu.memory_space<vmem>>) dst(%dma_wait3A_252 : memref<10240x128xf32, #tpu.memory_space<vmem_shared>>)
      %dma_start3A_253 = arith.constant 1 : i32
      %dma_start3A_254 = arith.constant 6 : i32
      %dma_start3A_255 = arith.constant 0 : i32
      %dma_start3A_256 = tpu.memref_slice %arg9[%dma_start3A_253, %dma_start3A_254, %dma_start3A_255] : memref<2x8x128xi32, #tpu.memory_space<vmem>> -> memref<1x1x128xi32, #tpu.memory_space<vmem>>
      %dma_start3A_257 = tpu.memref_squeeze %dma_start3A_256 : memref<1x1x128xi32, #tpu.memory_space<vmem>> -> memref<128xi32, #tpu.memory_space<vmem>>
      %dma_start3A_258 = arith.constant 0 : i32
      %dma_start3A_259 = arith.constant 0 : i32
      %dma_start3A_260 = tpu.memref_slice %arg16[%dma_start3A_258, %dma_start3A_259] : memref<10240x128xf32, #tpu.memory_space<vmem_shared>> -> memref<10240x128xf32, #tpu.memory_space<vmem_shared>>
      tpu.enqueue_indirect_dma source(%arg11 : memref<128x128xf32, #tpu.memory_space<vmem>>) target(%dma_start3A_260 : memref<10240x128xf32, #tpu.memory_space<vmem_shared>>) offsets(%dma_start3A_257 : memref<128xi32, #tpu.memory_space<vmem>>) semaphore(%arg14 : memref<!tpu.dma_semaphore, #tpu.memory_space<semaphore_mem>>) {add = true}
      %dma_wait3A_261 = arith.constant 1 : i32
      %dma_wait3A_262 = arith.constant 5 : i32
      %dma_wait3A_263 = arith.constant 0 : i32
      %dma_wait3A_264 = tpu.memref_slice %arg9[%dma_wait3A_261, %dma_wait3A_262, %dma_wait3A_263] : memref<2x8x128xi32, #tpu.memory_space<vmem>> -> memref<1x1x128xi32, #tpu.memory_space<vmem>>
      %dma_wait3A_265 = tpu.memref_squeeze %dma_wait3A_264 : memref<1x1x128xi32, #tpu.memory_space<vmem>> -> memref<128xi32, #tpu.memory_space<vmem>>
      %dma_wait3A_266 = arith.constant 0 : i32
      %dma_wait3A_267 = arith.constant 0 : i32
      %dma_wait3A_268 = tpu.memref_slice %arg16[%dma_wait3A_266, %dma_wait3A_267] : memref<10240x128xf32, #tpu.memory_space<vmem_shared>> -> memref<10240x128xf32, #tpu.memory_space<vmem_shared>>
      tpu.wait_indirect_dma semaphore(%arg15 : memref<!tpu.dma_semaphore, #tpu.memory_space<semaphore_mem>>) src(%arg11 : memref<128x128xf32, #tpu.memory_space<vmem>>) dst(%dma_wait3A_268 : memref<10240x128xf32, #tpu.memory_space<vmem_shared>>)
      %dma_start3A_269 = arith.constant 1 : i32
      %dma_start3A_270 = arith.constant 7 : i32
      %dma_start3A_271 = arith.constant 0 : i32
      %dma_start3A_272 = tpu.memref_slice %arg9[%dma_start3A_269, %dma_start3A_270, %dma_start3A_271] : memref<2x8x128xi32, #tpu.memory_space<vmem>> -> memref<1x1x128xi32, #tpu.memory_space<vmem>>
      %dma_start3A_273 = tpu.memref_squeeze %dma_start3A_272 : memref<1x1x128xi32, #tpu.memory_space<vmem>> -> memref<128xi32, #tpu.memory_space<vmem>>
      %dma_start3A_274 = arith.constant 0 : i32
      %dma_start3A_275 = arith.constant 0 : i32
      %dma_start3A_276 = tpu.memref_slice %arg16[%dma_start3A_274, %dma_start3A_275] : memref<10240x128xf32, #tpu.memory_space<vmem_shared>> -> memref<10240x128xf32, #tpu.memory_space<vmem_shared>>
      tpu.enqueue_indirect_dma source(%arg11 : memref<128x128xf32, #tpu.memory_space<vmem>>) target(%dma_start3A_276 : memref<10240x128xf32, #tpu.memory_space<vmem_shared>>) offsets(%dma_start3A_273 : memref<128xi32, #tpu.memory_space<vmem>>) semaphore(%arg15 : memref<!tpu.dma_semaphore, #tpu.memory_space<semaphore_mem>>) {add = true}
      %dma_wait3A_277 = arith.constant 1 : i32
      %dma_wait3A_278 = arith.constant 6 : i32
      %dma_wait3A_279 = arith.constant 0 : i32
      %dma_wait3A_280 = tpu.memref_slice %arg9[%dma_wait3A_277, %dma_wait3A_278, %dma_wait3A_279] : memref<2x8x128xi32, #tpu.memory_space<vmem>> -> memref<1x1x128xi32, #tpu.memory_space<vmem>>
      %dma_wait3A_281 = tpu.memref_squeeze %dma_wait3A_280 : memref<1x1x128xi32, #tpu.memory_space<vmem>> -> memref<128xi32, #tpu.memory_space<vmem>>
      %dma_wait3A_282 = arith.constant 0 : i32
      %dma_wait3A_283 = arith.constant 0 : i32
      %dma_wait3A_284 = tpu.memref_slice %arg16[%dma_wait3A_282, %dma_wait3A_283] : memref<10240x128xf32, #tpu.memory_space<vmem_shared>> -> memref<10240x128xf32, #tpu.memory_space<vmem_shared>>
      tpu.wait_indirect_dma semaphore(%arg14 : memref<!tpu.dma_semaphore, #tpu.memory_space<semaphore_mem>>) src(%arg11 : memref<128x128xf32, #tpu.memory_space<vmem>>) dst(%dma_wait3A_284 : memref<10240x128xf32, #tpu.memory_space<vmem_shared>>)
      %add3A_285 = arith.constant 1 : i32
      %add3A_286 = arith.addi %add3A_180, %add3A_285 : i32
      %lt3A_287 = arith.constant 10 : i32
      %lt3A_288 = arith.cmpi slt, %add3A_286, %lt3A_287 : i32
      %convert_element_type3A_289 = arith.extui %lt3A_288 : i1 to i32
      %cond3A_290 = arith.constant 0 : i32
      %cond3A_291 = arith.cmpi ne, %convert_element_type3A_289, %cond3A_290 : i32
      scf.if %cond3A_291 {
        %dma_start3A_314 = arith.constant 0 : i32
        %dma_start3A_315 = arith.constant 0 : i32
        %dma_start3A_316 = arith.constant 0 : i32
        %dma_start3A_317 = tpu.memref_slice %arg9[%dma_start3A_314, %dma_start3A_315, %dma_start3A_316] : memref<2x8x128xi32, #tpu.memory_space<vmem>> -> memref<1x1x128xi32, #tpu.memory_space<vmem>>
        %dma_start3A_318 = tpu.memref_squeeze %dma_start3A_317 : memref<1x1x128xi32, #tpu.memory_space<vmem>> -> memref<128xi32, #tpu.memory_space<vmem>>
        %dma_start3A_319 = arith.constant 0 : i32
        %dma_start3A_320 = arith.constant 0 : i32
        %dma_start3A_321 = tpu.memref_slice %arg16[%dma_start3A_319, %dma_start3A_320] : memref<10240x128xf32, #tpu.memory_space<vmem_shared>> -> memref<10240x128xf32, #tpu.memory_space<vmem_shared>>
        tpu.enqueue_indirect_dma source(%arg11 : memref<128x128xf32, #tpu.memory_space<vmem>>) target(%dma_start3A_321 : memref<10240x128xf32, #tpu.memory_space<vmem_shared>>) offsets(%dma_start3A_318 : memref<128xi32, #tpu.memory_space<vmem>>) semaphore(%arg14 : memref<!tpu.dma_semaphore, #tpu.memory_space<semaphore_mem>>) {add = true}
      } else {
      }
      %dma_wait3A_292 = arith.constant 1 : i32
      %dma_wait3A_293 = arith.constant 7 : i32
      %dma_wait3A_294 = arith.constant 0 : i32
      %dma_wait3A_295 = tpu.memref_slice %arg9[%dma_wait3A_292, %dma_wait3A_293, %dma_wait3A_294] : memref<2x8x128xi32, #tpu.memory_space<vmem>> -> memref<1x1x128xi32, #tpu.memory_space<vmem>>
      %dma_wait3A_296 = tpu.memref_squeeze %dma_wait3A_295 : memref<1x1x128xi32, #tpu.memory_space<vmem>> -> memref<128xi32, #tpu.memory_space<vmem>>
      %dma_wait3A_297 = arith.constant 0 : i32
      %dma_wait3A_298 = arith.constant 0 : i32
      %dma_wait3A_299 = tpu.memref_slice %arg16[%dma_wait3A_297, %dma_wait3A_298] : memref<10240x128xf32, #tpu.memory_space<vmem_shared>> -> memref<10240x128xf32, #tpu.memory_space<vmem_shared>>
      tpu.wait_indirect_dma semaphore(%arg15 : memref<!tpu.dma_semaphore, #tpu.memory_space<semaphore_mem>>) src(%arg11 : memref<128x128xf32, #tpu.memory_space<vmem>>) dst(%dma_wait3A_299 : memref<10240x128xf32, #tpu.memory_space<vmem_shared>>)
      %add3A_300 = arith.constant 1 : i32
      %add3A_301 = arith.addi %add3A_180, %add3A_300 : i32
      %lt3A_302 = arith.constant 10 : i32
      %lt3A_303 = arith.cmpi slt, %add3A_301, %lt3A_302 : i32
      %convert_element_type3A_304 = arith.extui %lt3A_303 : i1 to i32
      %cond3A_305 = arith.constant 0 : i32
      %cond3A_306 = arith.cmpi ne, %convert_element_type3A_304, %cond3A_305 : i32
      scf.if %cond3A_306 {
        %dma_start3A_314 = arith.constant 0 : i32
        %dma_start3A_315 = arith.constant 1 : i32
        %dma_start3A_316 = arith.constant 0 : i32
        %dma_start3A_317 = tpu.memref_slice %arg9[%dma_start3A_314, %dma_start3A_315, %dma_start3A_316] : memref<2x8x128xi32, #tpu.memory_space<vmem>> -> memref<1x1x128xi32, #tpu.memory_space<vmem>>
        %dma_start3A_318 = tpu.memref_squeeze %dma_start3A_317 : memref<1x1x128xi32, #tpu.memory_space<vmem>> -> memref<128xi32, #tpu.memory_space<vmem>>
        %dma_start3A_319 = arith.constant 0 : i32
        %dma_start3A_320 = arith.constant 0 : i32
        %dma_start3A_321 = tpu.memref_slice %arg16[%dma_start3A_319, %dma_start3A_320] : memref<10240x128xf32, #tpu.memory_space<vmem_shared>> -> memref<10240x128xf32, #tpu.memory_space<vmem_shared>>
        tpu.enqueue_indirect_dma source(%arg11 : memref<128x128xf32, #tpu.memory_space<vmem>>) target(%dma_start3A_321 : memref<10240x128xf32, #tpu.memory_space<vmem_shared>>) offsets(%dma_start3A_318 : memref<128xi32, #tpu.memory_space<vmem>>) semaphore(%arg15 : memref<!tpu.dma_semaphore, #tpu.memory_space<semaphore_mem>>) {add = true}
      } else {
      }
      %add3A_307 = arith.constant 2 : i32
      %add3A_308 = arith.addi %add3A_180, %add3A_307 : i32
      %lt3A_309 = arith.constant 10 : i32
      %lt3A_310 = arith.cmpi slt, %add3A_308, %lt3A_309 : i32
      %convert_element_type3A_311 = arith.extui %lt3A_310 : i1 to i32
      %cond3A_312 = arith.constant 0 : i32
      %cond3A_313 = arith.cmpi ne, %convert_element_type3A_311, %cond3A_312 : i32
      scf.if %cond3A_313 {
        %mul3A_314 = arith.constant 80 : i32
        %mul3A_315 = arith.muli %add3A, %mul3A_314 : i32
        %add3A_316 = arith.constant 2 : i32
        %add3A_317 = arith.addi %add3A_180, %add3A_316 : i32
        %mul3A_318 = arith.constant 8 : i32
        %mul3A_319 = arith.muli %add3A_317, %mul3A_318 : i32
        %add3A_320 = arith.addi %mul3A_315, %mul3A_319 : i32
        %run_scoped3A_321 = arith.constant 1 : i32
        "tpu.region"() ({
          %run_scoped3A_322 = tpu.sem_alloc : memref<!tpu.dma_semaphore, #tpu.memory_space<semaphore_mem>>
          %dma_start3A_323 = arith.constant 0 : i32
          %dma_start3A_324 = arith.constant 0 : i32
          %dma_start3A_325 = tpu.memref_slice %arg9[%run_scoped3A_321, %dma_start3A_323, %dma_start3A_324] : memref<2x8x128xi32, #tpu.memory_space<vmem>> -> memref<1x8x128xi32, #tpu.memory_space<vmem>>
          %dma_start3A_326 = tpu.memref_squeeze %dma_start3A_325 : memref<1x8x128xi32, #tpu.memory_space<vmem>> -> memref<8x128xi32, #tpu.memory_space<vmem>>
          %dma_start3A_327 = arith.constant 0 : i32
          %dma_start3A_328 = tpu.memref_slice %arg2[%add3A_320, %dma_start3A_327] : memref<2560x128xi32, #tpu.memory_space<hbm>> -> memref<8x128xi32, #tpu.memory_space<hbm>>
          %dma_start3A_329 = arith.constant 0 : i32
          %dma_start3A_330 = arith.constant 0 : i32
          %dma_start3A_331 = tpu.memref_slice %arg9[%run_scoped3A_321, %dma_start3A_329, %dma_start3A_330] : memref<2x8x128xi32, #tpu.memory_space<vmem>> -> memref<1x8x128xi32, #tpu.memory_space<vmem>>
          %dma_start3A_332 = tpu.memref_squeeze %dma_start3A_331 : memref<1x8x128xi32, #tpu.memory_space<vmem>> -> memref<8x128xi32, #tpu.memory_space<vmem>>
          %dma_start3A_333 = arith.constant 0 : i32
          %dma_start3A_334 = tpu.memref_slice %arg2[%add3A_320, %dma_start3A_333] : memref<2560x128xi32, #tpu.memory_space<hbm>> -> memref<8x128xi32, #tpu.memory_space<hbm>>
          tpu.enqueue_dma source(%dma_start3A_334 : memref<8x128xi32, #tpu.memory_space<hbm>>) target(%dma_start3A_332 : memref<8x128xi32, #tpu.memory_space<vmem>>) target_semaphore(%run_scoped3A_322 : memref<!tpu.dma_semaphore, #tpu.memory_space<semaphore_mem>>)
          %dma_wait3A_335 = arith.constant 0 : i32
          %dma_wait3A_336 = arith.constant 0 : i32
          %dma_wait3A_337 = tpu.memref_slice %arg9[%run_scoped3A_321, %dma_wait3A_335, %dma_wait3A_336] : memref<2x8x128xi32, #tpu.memory_space<vmem>> -> memref<1x8x128xi32, #tpu.memory_space<vmem>>
          %dma_wait3A_338 = tpu.memref_squeeze %dma_wait3A_337 : memref<1x8x128xi32, #tpu.memory_space<vmem>> -> memref<8x128xi32, #tpu.memory_space<vmem>>
          %dma_wait3A_339 = arith.constant 0 : i32
          %dma_wait3A_340 = tpu.memref_slice %arg2[%add3A_320, %dma_wait3A_339] : memref<2560x128xi32, #tpu.memory_space<hbm>> -> memref<8x128xi32, #tpu.memory_space<hbm>>
          %dma_wait3A_341 = arith.constant 0 : i32
          %dma_wait3A_342 = arith.constant 0 : i32
          %dma_wait3A_343 = tpu.memref_slice %arg9[%run_scoped3A_321, %dma_wait3A_341, %dma_wait3A_342] : memref<2x8x128xi32, #tpu.memory_space<vmem>> -> memref<1x8x128xi32, #tpu.memory_space<vmem>>
          %dma_wait3A_344 = tpu.memref_squeeze %dma_wait3A_343 : memref<1x8x128xi32, #tpu.memory_space<vmem>> -> memref<8x128xi32, #tpu.memory_space<vmem>>
          %dma_wait3A_345 = arith.constant 0 : i32
          %dma_wait3A_346 = tpu.memref_slice %arg2[%add3A_320, %dma_wait3A_345] : memref<2560x128xi32, #tpu.memory_space<hbm>> -> memref<8x128xi32, #tpu.memory_space<hbm>>
          tpu.wait_dma2 semaphore(%run_scoped3A_322 : memref<!tpu.dma_semaphore, #tpu.memory_space<semaphore_mem>>) src(%dma_wait3A_346 : memref<8x128xi32, #tpu.memory_space<hbm>>) dst(%dma_wait3A_344 : memref<8x128xi32, #tpu.memory_space<vmem>>)
          tpu.yield
        }) : () -> ()
      } else {
      }
    }
    %scan3A_35 = arith.constant 5 : i32
    %barrier3A_36 = arith.constant 0 : index
    tpu.barrier barrier_id(%barrier3A_36)
    %mul3A_37 = arith.constant 640 : i32
    %mul3A_38 = arith.muli %arg1, %mul3A_37 : i32
    %mul3A_39 = arith.constant 640 : i32
    %mul3A_40 = arith.muli %arg1, %mul3A_39 : i32
    "tpu.region"() ({
      %run_scoped3A_41 = tpu.sem_alloc : memref<!tpu.dma_semaphore, #tpu.memory_space<semaphore_mem>>
      %dma_start3A_42 = arith.constant 0 : i32
      %dma_start3A_43 = tpu.memref_slice %arg7[%arg0, %mul3A_40, %dma_start3A_42] : memref<2x10240x128xf32, #tpu.memory_space<hbm>> -> memref<1x640x128xf32, #tpu.memory_space<hbm>>
      %dma_start3A_44 = tpu.memref_squeeze %dma_start3A_43 : memref<1x640x128xf32, #tpu.memory_space<hbm>> -> memref<640x128xf32, #tpu.memory_space<hbm>>
      %dma_start3A_45 = arith.constant 0 : i32
      %dma_start3A_46 = tpu.memref_slice %arg16[%mul3A_38, %dma_start3A_45] : memref<10240x128xf32, #tpu.memory_space<vmem_shared>> -> memref<640x128xf32, #tpu.memory_space<vmem_shared>>
      tpu.enqueue_dma source(%dma_start3A_46 : memref<640x128xf32, #tpu.memory_space<vmem_shared>>) target(%dma_start3A_44 : memref<640x128xf32, #tpu.memory_space<hbm>>) target_semaphore(%run_scoped3A_41 : memref<!tpu.dma_semaphore, #tpu.memory_space<semaphore_mem>>)
      %dma_wait3A = arith.constant 0 : i32
      %dma_wait3A_47 = tpu.memref_slice %arg7[%arg0, %mul3A_40, %dma_wait3A] : memref<2x10240x128xf32, #tpu.memory_space<hbm>> -> memref<1x640x128xf32, #tpu.memory_space<hbm>>
      %dma_wait3A_48 = tpu.memref_squeeze %dma_wait3A_47 : memref<1x640x128xf32, #tpu.memory_space<hbm>> -> memref<640x128xf32, #tpu.memory_space<hbm>>
      %dma_wait3A_49 = arith.constant 0 : i32
      %dma_wait3A_50 = tpu.memref_slice %arg16[%mul3A_38, %dma_wait3A_49] : memref<10240x128xf32, #tpu.memory_space<vmem_shared>> -> memref<640x128xf32, #tpu.memory_space<vmem_shared>>
      tpu.wait_dma2 semaphore(%run_scoped3A_41 : memref<!tpu.dma_semaphore, #tpu.memory_space<semaphore_mem>>) src(%dma_wait3A_50 : memref<640x128xf32, #tpu.memory_space<vmem_shared>>) dst(%dma_wait3A_48 : memref<640x128xf32, #tpu.memory_space<hbm>>)
      tpu.yield
    }) : () -> ()
    return
  }
}

module attributes {stable_mosaic.version = 14 : i64} {
  func.func @_tca_body(%arg0: i32, %arg1: memref<1280x128xf32, #tpu.memory_space<vmem>>, %arg2: memref<1280x128xf32, #tpu.memory_space<vmem>>, %arg3: memref<2x1280x128xf32, #tpu.memory_space<vmem>>, %arg4: memref<128x128xf32, #tpu.memory_space<vmem>>, %arg5: memref<2x1280x128xf32, #tpu.memory_space<vmem>>, %arg6: memref<1280x1xf32, #tpu.memory_space<vmem>>) attributes {dimension_semantics = [#tpu.dimension_semantics<arbitrary>], iteration_bounds = array<i64: 8>, scalar_prefetch = 0 : i64, scratch_operands = 0 : i64, tpu.core_type = #tpu.core_type<tc>, window_params = [{transform_indices = @transform_0, window_bounds = array<i64: 1280, 128>}, {transform_indices = @transform_1, window_bounds = array<i64: 1280, 128>}, {transform_indices = @transform_2, window_bounds = array<i64: 2, 1280, 128>}, {pipeline_mode = #tpu.pipeline_mode<synchronous>, transform_indices = @transform_3, window_bounds = array<i64: 128, 128>}, {transform_indices = @transform_4, window_bounds = array<i64: 2, 1280, 128>}, {transform_indices = @transform_5, window_bounds = array<i64: 1280, 1>}]} {
    %get3A = arith.constant 0 : index
    %get3A_0 = arith.constant 0 : index
    %get3A_1 = arith.constant 0 : index
    %get3A_2 = vector.load %arg3[%get3A, %get3A_0, %get3A_1] : memref<2x1280x128xf32, #tpu.memory_space<vmem>>, vector<1x1280x128xf32>
    %get3A_3 = vector.shape_cast %get3A_2 : vector<1x1280x128xf32> to vector<1280x128xf32>
    %slice3A = vector.extract_strided_slice %get3A_3 {offsets = [0, 0], sizes = [1280, 1], strides = [1, 1]} : vector<1280x128xf32> to vector<1280x1xf32>
    %add3A = arith.constant 1.000000e+00 : f32
    %add3A_4 = vector.broadcast %add3A : f32 to vector<1280x1xf32>
    %add3A_5 = arith.addf %add3A_4, %slice3A : vector<1280x1xf32>
    %get3A_6 = arith.constant 1 : index
    %get3A_7 = arith.constant 0 : index
    %get3A_8 = arith.constant 0 : index
    %get3A_9 = vector.load %arg3[%get3A_6, %get3A_7, %get3A_8] : memref<2x1280x128xf32, #tpu.memory_space<vmem>>, vector<1x1280x128xf32>
    %get3A_10 = vector.shape_cast %get3A_9 : vector<1x1280x128xf32> to vector<1280x128xf32>
    %slice3A_11 = vector.extract_strided_slice %get3A_10 {offsets = [0, 0], sizes = [1280, 1], strides = [1, 1]} : vector<1280x128xf32> to vector<1280x1xf32>
    %add3A_12 = arith.addf %add3A_5, %slice3A_11 : vector<1280x1xf32>
    %rsqrt3A = math.rsqrt %add3A_12 : vector<1280x1xf32>
    %get3A_13 = arith.constant 0 : index
    %get3A_14 = arith.constant 0 : index
    %get3A_15 = vector.load %arg4[%get3A_13, %get3A_14] : memref<128x128xf32, #tpu.memory_space<vmem>>, vector<128x128xf32>
    %get3A_16 = arith.constant 0 : index
    %get3A_17 = arith.constant 0 : index
    %get3A_18 = vector.load %arg1[%get3A_16, %get3A_17] : memref<1280x128xf32, #tpu.memory_space<vmem>>, vector<1280x128xf32>
    %dot_general3A = arith.constant dense<0.000000e+00> : vector<1280x128xf32>
    %dot_general3A_19 = tpu.matmul %get3A_18, %get3A_15, %dot_general3A {dimension_numbers = #tpu.dot_dimension_numbers<[1], [0], [0], [1], [0, 0, 1, 1], [], []>, transpose_lhs_hint = false} : vector<1280x128xf32>, vector<128x128xf32>, vector<1280x128xf32> -> vector<1280x128xf32>
    %mul3A = vector.broadcast %rsqrt3A : vector<1280x1xf32> to vector<1280x128xf32>
    %mul3A_20 = arith.mulf %mul3A, %dot_general3A_19 : vector<1280x128xf32>
    %swap3A = arith.constant 0 : index
    %swap3A_21 = arith.constant 0 : index
    %swap3A_22 = arith.constant 0 : index
    %swap3A_23 = vector.load %arg5[%swap3A, %swap3A_21, %swap3A_22] : memref<2x1280x128xf32, #tpu.memory_space<vmem>>, vector<1x1280x128xf32>
    %swap3A_24 = vector.shape_cast %swap3A_23 : vector<1x1280x128xf32> to vector<1280x128xf32>
    %swap3A_25 = vector.shape_cast %mul3A_20 : vector<1280x128xf32> to vector<1x1280x128xf32>
    tpu.vector_store %arg5[%swap3A, %swap3A_21, %swap3A_22], %swap3A_25 {strides = array<i32>} : memref<2x1280x128xf32, #tpu.memory_space<vmem>>, vector<1x1280x128xf32>,
    %get3A_26 = arith.constant 0 : index
    %get3A_27 = arith.constant 0 : index
    %get3A_28 = vector.load %arg2[%get3A_26, %get3A_27] : memref<1280x128xf32, #tpu.memory_space<vmem>>, vector<1280x128xf32>
    %dot_general3A_29 = arith.constant dense<0.000000e+00> : vector<1280x128xf32>
    %dot_general3A_30 = tpu.matmul %get3A_28, %get3A_15, %dot_general3A_29 {dimension_numbers = #tpu.dot_dimension_numbers<[1], [0], [0], [1], [0, 0, 1, 1], [], []>, transpose_lhs_hint = false} : vector<1280x128xf32>, vector<128x128xf32>, vector<1280x128xf32> -> vector<1280x128xf32>
    %mul3A_31 = vector.broadcast %rsqrt3A : vector<1280x1xf32> to vector<1280x128xf32>
    %mul3A_32 = arith.mulf %mul3A_31, %dot_general3A_30 : vector<1280x128xf32>
    %swap3A_33 = arith.constant 1 : index
    %swap3A_34 = arith.constant 0 : index
    %swap3A_35 = arith.constant 0 : index
    %swap3A_36 = vector.load %arg5[%swap3A_33, %swap3A_34, %swap3A_35] : memref<2x1280x128xf32, #tpu.memory_space<vmem>>, vector<1x1280x128xf32>
    %swap3A_37 = vector.shape_cast %swap3A_36 : vector<1x1280x128xf32> to vector<1280x128xf32>
    %swap3A_38 = vector.shape_cast %mul3A_32 : vector<1280x128xf32> to vector<1x1280x128xf32>
    tpu.vector_store %arg5[%swap3A_33, %swap3A_34, %swap3A_35], %swap3A_38 {strides = array<i32>} : memref<2x1280x128xf32, #tpu.memory_space<vmem>>, vector<1x1280x128xf32>,
    %swap3A_39 = arith.constant 0 : index
    %swap3A_40 = arith.constant 0 : index
    %swap3A_41 = vector.load %arg6[%swap3A_39, %swap3A_40] : memref<1280x1xf32, #tpu.memory_space<vmem>>, vector<1280x1xf32>
    tpu.vector_store %arg6[%swap3A_39, %swap3A_40], %rsqrt3A {strides = array<i32>} : memref<1280x1xf32, #tpu.memory_space<vmem>>, vector<1280x1xf32>,
    return
  }
  func.func @transform_0(%arg0: i32) -> (i32, i32) {
    %c0_i32 = arith.constant 0 : i32
    %c0_i32_0 = arith.constant 0 : i32
    return %arg0, %c0_i32 : i32, i32
  }
  func.func @transform_1(%arg0: i32) -> (i32, i32) {
    %c0_i32 = arith.constant 0 : i32
    %c0_i32_0 = arith.constant 0 : i32
    return %arg0, %c0_i32 : i32, i32
  }
  func.func @transform_2(%arg0: i32) -> (i32, i32, i32) {
    %c0_i32 = arith.constant 0 : i32
    %c0_i32_0 = arith.constant 0 : i32
    %c0_i32_1 = arith.constant 0 : i32
    return %c0_i32, %arg0, %c0_i32_0 : i32, i32, i32
  }
  func.func @transform_3(%arg0: i32) -> (i32, i32) {
    %c0_i32 = arith.constant 0 : i32
    %c0_i32_0 = arith.constant 0 : i32
    %c0_i32_1 = arith.constant 0 : i32
    return %c0_i32, %c0_i32_0 : i32, i32
  }
  func.func @transform_4(%arg0: i32) -> (i32, i32, i32) {
    %c0_i32 = arith.constant 0 : i32
    %c0_i32_0 = arith.constant 0 : i32
    %c0_i32_1 = arith.constant 0 : i32
    return %c0_i32, %arg0, %c0_i32_0 : i32, i32, i32
  }
  func.func @transform_5(%arg0: i32) -> (i32, i32) {
    %c0_i32 = arith.constant 0 : i32
    %c0_i32_0 = arith.constant 0 : i32
    return %arg0, %c0_i32 : i32, i32
  }
}

module attributes {stable_mosaic.version = 14 : i64} {
  func.func @_tcb_body(%arg0: i32, %arg1: memref<2x1280x128xf32, #tpu.memory_space<vmem>>, %arg2: memref<1280x1xf32, #tpu.memory_space<vmem>>, %arg3: memref<1x128xf32, #tpu.memory_space<vmem>>, %arg4: memref<128x64xf32, #tpu.memory_space<vmem>>, %arg5: memref<1280x128xf32, #tpu.memory_space<vmem>>) attributes {dimension_semantics = [#tpu.dimension_semantics<arbitrary>], iteration_bounds = array<i64: 8>, scalar_prefetch = 0 : i64, scratch_operands = 0 : i64, tpu.core_type = #tpu.core_type<tc>, window_params = [{transform_indices = @transform_0, window_bounds = array<i64: 2, 1280, 128>}, {transform_indices = @transform_1, window_bounds = array<i64: 1280, 1>}, {pipeline_mode = #tpu.pipeline_mode<synchronous>, transform_indices = @transform_2, window_bounds = array<i64: 1, 128>}, {pipeline_mode = #tpu.pipeline_mode<synchronous>, transform_indices = @transform_3, window_bounds = array<i64: 128, 64>}, {transform_indices = @transform_4, window_bounds = array<i64: 1280, 128>}]} {
    %get3A = arith.constant 0 : index
    %get3A_0 = arith.constant 0 : index
    %get3A_1 = vector.load %arg2[%get3A, %get3A_0] : memref<1280x1xf32, #tpu.memory_space<vmem>>, vector<1280x1xf32>
    %get3A_2 = arith.constant 0 : index
    %get3A_3 = arith.constant 0 : index
    %get3A_4 = vector.load %arg3[%get3A_2, %get3A_3] : memref<1x128xf32, #tpu.memory_space<vmem>>, vector<1x128xf32>
    %get3A_5 = arith.constant 0 : index
    %get3A_6 = arith.constant 0 : index
    %get3A_7 = vector.load %arg4[%get3A_5, %get3A_6] : memref<128x64xf32, #tpu.memory_space<vmem>>, vector<128x64xf32>
    %get3A_8 = arith.constant 0 : index
    %get3A_9 = arith.constant 0 : index
    %get3A_10 = arith.constant 0 : index
    %get3A_11 = vector.load %arg1[%get3A_8, %get3A_9, %get3A_10] : memref<2x1280x128xf32, #tpu.memory_space<vmem>>, vector<1x1280x128xf32>
    %get3A_12 = vector.shape_cast %get3A_11 : vector<1x1280x128xf32> to vector<1280x128xf32>
    %mul3A = vector.broadcast %get3A_1 : vector<1280x1xf32> to vector<1280x128xf32>
    %mul3A_13 = arith.mulf %mul3A, %get3A_12 : vector<1280x128xf32>
    %add3A = vector.broadcast %get3A_4 : vector<1x128xf32> to vector<1280x128xf32>
    %add3A_14 = arith.addf %mul3A_13, %add3A : vector<1280x128xf32>
    %max3A = arith.constant 0.000000e+00 : f32
    %max3A_15 = vector.broadcast %max3A : f32 to vector<1280x128xf32>
    %max3A_16 = arith.maximumf %add3A_14, %max3A_15 : vector<1280x128xf32>
    %get3A_17 = arith.constant 1 : index
    %get3A_18 = arith.constant 0 : index
    %get3A_19 = arith.constant 0 : index
    %get3A_20 = vector.load %arg1[%get3A_17, %get3A_18, %get3A_19] : memref<2x1280x128xf32, #tpu.memory_space<vmem>>, vector<1x1280x128xf32>
    %get3A_21 = vector.shape_cast %get3A_20 : vector<1x1280x128xf32> to vector<1280x128xf32>
    %mul3A_22 = vector.broadcast %get3A_1 : vector<1280x1xf32> to vector<1280x128xf32>
    %mul3A_23 = arith.mulf %mul3A_22, %get3A_21 : vector<1280x128xf32>
    %add3A_24 = vector.broadcast %get3A_4 : vector<1x128xf32> to vector<1280x128xf32>
    %add3A_25 = arith.addf %mul3A_23, %add3A_24 : vector<1280x128xf32>
    %max3A_26 = arith.constant 0.000000e+00 : f32
    %max3A_27 = vector.broadcast %max3A_26 : f32 to vector<1280x128xf32>
    %max3A_28 = arith.maximumf %add3A_25, %max3A_27 : vector<1280x128xf32>
    %dot_general3A = arith.constant dense<0.000000e+00> : vector<1280x64xf32>
    %dot_general3A_29 = tpu.matmul %max3A_16, %get3A_7, %dot_general3A {dimension_numbers = #tpu.dot_dimension_numbers<[1], [0], [0], [1], [0, 0, 1, 1], [], []>, transpose_lhs_hint = false} : vector<1280x128xf32>, vector<128x64xf32>, vector<1280x64xf32> -> vector<1280x64xf32>
    %mul3A_30 = vector.broadcast %get3A_1 : vector<1280x1xf32> to vector<1280x64xf32>
    %mul3A_31 = arith.mulf %mul3A_30, %dot_general3A_29 : vector<1280x64xf32>
    %swap3A = arith.constant 0 : index
    %swap3A_32 = arith.constant 0 : index
    %swap3A_33 = vector.load %arg5[%swap3A, %swap3A_32] : memref<1280x128xf32, #tpu.memory_space<vmem>>, vector<1280x64xf32>
    tpu.vector_store %arg5[%swap3A, %swap3A_32], %mul3A_31 {strides = array<i32>} : memref<1280x128xf32, #tpu.memory_space<vmem>>, vector<1280x64xf32>,
    %dot_general3A_34 = arith.constant dense<0.000000e+00> : vector<1280x64xf32>
    %dot_general3A_35 = tpu.matmul %max3A_28, %get3A_7, %dot_general3A_34 {dimension_numbers = #tpu.dot_dimension_numbers<[1], [0], [0], [1], [0, 0, 1, 1], [], []>, transpose_lhs_hint = false} : vector<1280x128xf32>, vector<128x64xf32>, vector<1280x64xf32> -> vector<1280x64xf32>
    %mul3A_36 = vector.broadcast %get3A_1 : vector<1280x1xf32> to vector<1280x64xf32>
    %mul3A_37 = arith.mulf %mul3A_36, %dot_general3A_35 : vector<1280x64xf32>
    %swap3A_38 = arith.constant 0 : index
    %swap3A_39 = arith.constant 64 : index
    %swap3A_40 = vector.load %arg5[%swap3A_38, %swap3A_39] : memref<1280x128xf32, #tpu.memory_space<vmem>>, vector<1280x64xf32>
    tpu.vector_store %arg5[%swap3A_38, %swap3A_39], %mul3A_37 {strides = array<i32>} : memref<1280x128xf32, #tpu.memory_space<vmem>>, vector<1280x64xf32>,
    return
  }
  func.func @transform_0(%arg0: i32) -> (i32, i32, i32) {
    %c0_i32 = arith.constant 0 : i32
    %c0_i32_0 = arith.constant 0 : i32
    %c0_i32_1 = arith.constant 0 : i32
    return %c0_i32, %arg0, %c0_i32_0 : i32, i32, i32
  }
  func.func @transform_1(%arg0: i32) -> (i32, i32) {
    %c0_i32 = arith.constant 0 : i32
    %c0_i32_0 = arith.constant 0 : i32
    return %arg0, %c0_i32 : i32, i32
  }
  func.func @transform_2(%arg0: i32) -> (i32, i32) {
    %c0_i32 = arith.constant 0 : i32
    %c0_i32_0 = arith.constant 0 : i32
    %c0_i32_1 = arith.constant 0 : i32
    return %c0_i32, %c0_i32_0 : i32, i32
  }
  func.func @transform_3(%arg0: i32) -> (i32, i32) {
    %c0_i32 = arith.constant 0 : i32
    %c0_i32_0 = arith.constant 0 : i32
    %c0_i32_1 = arith.constant 0 : i32
    return %c0_i32, %c0_i32_0 : i32, i32
  }
  func.func @transform_4(%arg0: i32) -> (i32, i32) {
    %c0_i32 = arith.constant 0 : i32
    %c0_i32_0 = arith.constant 0 : i32
    return %arg0, %c0_i32 : i32, i32
  }
}

module attributes {stable_mosaic.version = 14 : i64} {
  func.func @_tcc_body(%arg0: i32, %arg1: memref<2x1280x128xf32, #tpu.memory_space<vmem>>, %arg2: memref<1280x1xf32, #tpu.memory_space<vmem>>, %arg3: memref<1x128xf32, #tpu.memory_space<vmem>>, %arg4: memref<1280x128xf32, #tpu.memory_space<vmem>>) attributes {dimension_semantics = [#tpu.dimension_semantics<arbitrary>], iteration_bounds = array<i64: 8>, scalar_prefetch = 0 : i64, scratch_operands = 0 : i64, tpu.core_type = #tpu.core_type<tc>, window_params = [{transform_indices = @transform_0, window_bounds = array<i64: 2, 1280, 128>}, {transform_indices = @transform_1, window_bounds = array<i64: 1280, 1>}, {pipeline_mode = #tpu.pipeline_mode<synchronous>, transform_indices = @transform_2, window_bounds = array<i64: 1, 128>}, {transform_indices = @transform_3, window_bounds = array<i64: 1280, 128>}]} {
    %get3A = arith.constant 0 : index
    %get3A_0 = arith.constant 0 : index
    %get3A_1 = vector.load %arg2[%get3A, %get3A_0] : memref<1280x1xf32, #tpu.memory_space<vmem>>, vector<1280x1xf32>
    %get3A_2 = arith.constant 0 : index
    %get3A_3 = arith.constant 0 : index
    %get3A_4 = vector.load %arg3[%get3A_2, %get3A_3] : memref<1x128xf32, #tpu.memory_space<vmem>>, vector<1x128xf32>
    %get3A_5 = arith.constant 0 : index
    %get3A_6 = arith.constant 0 : index
    %get3A_7 = arith.constant 0 : index
    %get3A_8 = vector.load %arg1[%get3A_5, %get3A_6, %get3A_7] : memref<2x1280x128xf32, #tpu.memory_space<vmem>>, vector<1x1280x128xf32>
    %get3A_9 = vector.shape_cast %get3A_8 : vector<1x1280x128xf32> to vector<1280x128xf32>
    %get3A_10 = arith.constant 1 : index
    %get3A_11 = arith.constant 0 : index
    %get3A_12 = arith.constant 0 : index
    %get3A_13 = vector.load %arg1[%get3A_10, %get3A_11, %get3A_12] : memref<2x1280x128xf32, #tpu.memory_space<vmem>>, vector<1x1280x128xf32>
    %get3A_14 = vector.shape_cast %get3A_13 : vector<1x1280x128xf32> to vector<1280x128xf32>
    %add3A = arith.addf %get3A_9, %get3A_14 : vector<1280x128xf32>
    %mul3A = vector.broadcast %get3A_1 : vector<1280x1xf32> to vector<1280x128xf32>
    %mul3A_15 = arith.mulf %mul3A, %add3A : vector<1280x128xf32>
    %add3A_16 = vector.broadcast %get3A_4 : vector<1x128xf32> to vector<1280x128xf32>
    %add3A_17 = arith.addf %mul3A_15, %add3A_16 : vector<1280x128xf32>
    %max3A = arith.constant 0.000000e+00 : f32
    %max3A_18 = vector.broadcast %max3A : f32 to vector<1280x128xf32>
    %max3A_19 = arith.maximumf %add3A_17, %max3A_18 : vector<1280x128xf32>
    %swap3A = arith.constant 0 : index
    %swap3A_20 = arith.constant 0 : index
    %swap3A_21 = vector.load %arg4[%swap3A, %swap3A_20] : memref<1280x128xf32, #tpu.memory_space<vmem>>, vector<1280x128xf32>
    tpu.vector_store %arg4[%swap3A, %swap3A_20], %max3A_19 {strides = array<i32>} : memref<1280x128xf32, #tpu.memory_space<vmem>>, vector<1280x128xf32>,
    return
  }
  func.func @transform_0(%arg0: i32) -> (i32, i32, i32) {
    %c0_i32 = arith.constant 0 : i32
    %c0_i32_0 = arith.constant 0 : i32
    %c0_i32_1 = arith.constant 0 : i32
    return %c0_i32, %arg0, %c0_i32_0 : i32, i32, i32
  }
  func.func @transform_1(%arg0: i32) -> (i32, i32) {
    %c0_i32 = arith.constant 0 : i32
    %c0_i32_0 = arith.constant 0 : i32
    return %arg0, %c0_i32 : i32, i32
  }
  func.func @transform_2(%arg0: i32) -> (i32, i32) {
    %c0_i32 = arith.constant 0 : i32
    %c0_i32_0 = arith.constant 0 : i32
    %c0_i32_1 = arith.constant 0 : i32
    return %c0_i32, %c0_i32_0 : i32, i32
  }
  func.func @transform_3(%arg0: i32) -> (i32, i32) {
    %c0_i32 = arith.constant 0 : i32
    %c0_i32_0 = arith.constant 0 : i32
    return %arg0, %c0_i32 : i32, i32
  }
}

module attributes {stable_mosaic.version = 14 : i64} {
  func.func @_tcd_body(%arg0: i32, %arg1: memref<200x10000xf32, #tpu.memory_space<vmem>>, %arg2: memref<10000x128xf32, #tpu.memory_space<vmem>>, %arg3: memref<200x128xf32, #tpu.memory_space<vmem>>, %arg4: memref<64x64xf32, #tpu.memory_space<vmem>>, %arg5: memref<1x1xf32, #tpu.memory_space<vmem>>, %arg6: memref<200x2xf32, #tpu.memory_space<vmem>>, %arg7: memref<200x2xf32, #tpu.memory_space<vmem>>) attributes {dimension_semantics = [#tpu.dimension_semantics<arbitrary>], iteration_bounds = array<i64: 50>, scalar_prefetch = 0 : i64, scratch_operands = 0 : i64, tpu.core_type = #tpu.core_type<tc>, window_params = [{transform_indices = @transform_0, window_bounds = array<i64: 200, 10000>}, {pipeline_mode = #tpu.pipeline_mode<synchronous>, transform_indices = @transform_1, window_bounds = array<i64: 10000, 128>}, {transform_indices = @transform_2, window_bounds = array<i64: 200, 128>}, {pipeline_mode = #tpu.pipeline_mode<synchronous>, transform_indices = @transform_3, window_bounds = array<i64: 64, 64>}, {pipeline_mode = #tpu.pipeline_mode<synchronous>, transform_indices = @transform_4, window_bounds = array<i64: 1, 1>}, {transform_indices = @transform_5, window_bounds = array<i64: 200, 2>}, {transform_indices = @transform_6, window_bounds = array<i64: 200, 2>}]} {
    %get3A = arith.constant 0 : index
    %get3A_0 = arith.constant 0 : index
    %get3A_1 = vector.load %arg1[%get3A, %get3A_0] : memref<200x10000xf32, #tpu.memory_space<vmem>>, vector<200x10000xf32>
    %get3A_2 = arith.constant 0 : index
    %get3A_3 = arith.constant 0 : index
    %get3A_4 = vector.load %arg2[%get3A_2, %get3A_3] : memref<10000x128xf32, #tpu.memory_space<vmem>>, vector<10000x128xf32>
    %dot_general3A = arith.constant dense<0.000000e+00> : vector<200x128xf32>
    %dot_general3A_5 = tpu.matmul %get3A_1, %get3A_4, %dot_general3A {dimension_numbers = #tpu.dot_dimension_numbers<[1], [0], [0], [1], [0, 0, 1, 1], [], []>, transpose_lhs_hint = false} : vector<200x10000xf32>, vector<10000x128xf32>, vector<200x128xf32> -> vector<200x128xf32>
    %reduce_sum3A = arith.constant dense<0.000000e+00> : vector<200xf32>
    %reduce_sum3A_6 = vector.multi_reduction <add>, %get3A_1, %reduce_sum3A [1] : vector<200x10000xf32> to vector<200xf32>
    %broadcast_in_dim3A = vector.shape_cast %reduce_sum3A_6 : vector<200xf32> to vector<200x1xf32>
    %div3A = vector.broadcast %broadcast_in_dim3A : vector<200x1xf32> to vector<200x128xf32>
    %div3A_7 = arith.divf %dot_general3A_5, %div3A : vector<200x128xf32>
    %slice3A = vector.extract_strided_slice %div3A_7 {offsets = [0, 0], sizes = [200, 64], strides = [1, 1]} : vector<200x128xf32> to vector<200x64xf32>
    %slice3A_8 = vector.extract_strided_slice %div3A_7 {offsets = [0, 64], sizes = [200, 64], strides = [1, 1]} : vector<200x128xf32> to vector<200x64xf32>
    %mul3A = arith.mulf %slice3A, %slice3A : vector<200x64xf32>
    %reduce_sum3A_9 = arith.constant dense<0.000000e+00> : vector<200xf32>
    %reduce_sum3A_10 = vector.multi_reduction <add>, %mul3A, %reduce_sum3A_9 [1] : vector<200x64xf32> to vector<200xf32>
    %broadcast_in_dim3A_11 = vector.shape_cast %reduce_sum3A_10 : vector<200xf32> to vector<200x1xf32>
    %sqrt3A = math.sqrt %broadcast_in_dim3A_11 : vector<200x1xf32>
    %max3A = arith.constant 9.99999996E-13 : f32
    %max3A_12 = vector.broadcast %max3A : f32 to vector<200x1xf32>
    %max3A_13 = arith.maximumf %sqrt3A, %max3A_12 : vector<200x1xf32>
    %mul3A_14 = arith.mulf %slice3A_8, %slice3A_8 : vector<200x64xf32>
    %reduce_sum3A_15 = arith.constant dense<0.000000e+00> : vector<200xf32>
    %reduce_sum3A_16 = vector.multi_reduction <add>, %mul3A_14, %reduce_sum3A_15 [1] : vector<200x64xf32> to vector<200xf32>
    %broadcast_in_dim3A_17 = vector.shape_cast %reduce_sum3A_16 : vector<200xf32> to vector<200x1xf32>
    %sqrt3A_18 = math.sqrt %broadcast_in_dim3A_17 : vector<200x1xf32>
    %max3A_19 = arith.constant 9.99999996E-13 : f32
    %max3A_20 = vector.broadcast %max3A_19 : f32 to vector<200x1xf32>
    %max3A_21 = arith.maximumf %sqrt3A_18, %max3A_20 : vector<200x1xf32>
    %div3A_22 = vector.broadcast %max3A_13 : vector<200x1xf32> to vector<200x64xf32>
    %div3A_23 = arith.divf %slice3A, %div3A_22 : vector<200x64xf32>
    %logistic3A = arith.negf %div3A_23 : vector<200x64xf32>
    %logistic3A_24 = math.exp %logistic3A : vector<200x64xf32>
    %logistic3A_25 = arith.constant 1.000000e+00 : f32
    %logistic3A_26 = vector.broadcast %logistic3A_25 : f32 to vector<200x64xf32>
    %logistic3A_27 = arith.addf %logistic3A_26, %logistic3A_24 : vector<200x64xf32>
    %logistic3A_28 = arith.divf %logistic3A_26, %logistic3A_27 : vector<200x64xf32>
    %div3A_29 = vector.broadcast %max3A_21 : vector<200x1xf32> to vector<200x64xf32>
    %div3A_30 = arith.divf %slice3A_8, %div3A_29 : vector<200x64xf32>
    %logistic3A_31 = arith.negf %div3A_30 : vector<200x64xf32>
    %logistic3A_32 = math.exp %logistic3A_31 : vector<200x64xf32>
    %logistic3A_33 = arith.constant 1.000000e+00 : f32
    %logistic3A_34 = vector.broadcast %logistic3A_33 : f32 to vector<200x64xf32>
    %logistic3A_35 = arith.addf %logistic3A_34, %logistic3A_32 : vector<200x64xf32>
    %logistic3A_36 = arith.divf %logistic3A_34, %logistic3A_35 : vector<200x64xf32>
    %get3A_37 = arith.constant 0 : index
    %get3A_38 = arith.constant 0 : index
    %get3A_39 = vector.load %arg3[%get3A_37, %get3A_38] : memref<200x128xf32, #tpu.memory_space<vmem>>, vector<200x128xf32>
    %get3A_40 = arith.constant 0 : index
    %get3A_41 = arith.constant 0 : index
    %get3A_42 = vector.load %arg4[%get3A_40, %get3A_41] : memref<64x64xf32, #tpu.memory_space<vmem>>, vector<64x64xf32>
    %slice3A_43 = vector.extract_strided_slice %get3A_39 {offsets = [0, 0], sizes = [200, 64], strides = [1, 1]} : vector<200x128xf32> to vector<200x64xf32>
    %dot_general3A_44 = arith.constant dense<0.000000e+00> : vector<200x64xf32>
    %dot_general3A_45 = tpu.matmul %slice3A_43, %get3A_42, %dot_general3A_44 {dimension_numbers = #tpu.dot_dimension_numbers<[1], [0], [0], [1], [0, 0, 1, 1], [], []>, transpose_lhs_hint = false} : vector<200x64xf32>, vector<64x64xf32>, vector<200x64xf32> -> vector<200x64xf32>
    %slice3A_46 = vector.extract_strided_slice %get3A_39 {offsets = [0, 64], sizes = [200, 64], strides = [1, 1]} : vector<200x128xf32> to vector<200x64xf32>
    %dot_general3A_47 = arith.constant dense<0.000000e+00> : vector<200x64xf32>
    %dot_general3A_48 = tpu.matmul %slice3A_46, %get3A_42, %dot_general3A_47 {dimension_numbers = #tpu.dot_dimension_numbers<[1], [0], [0], [1], [0, 0, 1, 1], [], []>, transpose_lhs_hint = false} : vector<200x64xf32>, vector<64x64xf32>, vector<200x64xf32> -> vector<200x64xf32>
    %get3A_49 = arith.constant 0 : index
    %get3A_50 = arith.constant 0 : index
    %get3A_51 = vector.load %arg5[%get3A_49, %get3A_50] : memref<1x1xf32, #tpu.memory_space<vmem>>, vector<1x1xf32>
    %get3A_52 = vector.extract %get3A_51[0, 0] : f32 from vector<1x1xf32>
    %mul3A_53 = arith.mulf %dot_general3A_45, %logistic3A_28 : vector<200x64xf32>
    %reduce_sum3A_54 = arith.constant dense<0.000000e+00> : vector<200xf32>
    %reduce_sum3A_55 = vector.multi_reduction <add>, %mul3A_53, %reduce_sum3A_54 [1] : vector<200x64xf32> to vector<200xf32>
    %broadcast_in_dim3A_56 = vector.shape_cast %reduce_sum3A_55 : vector<200xf32> to vector<200x1xf32>
    %add3A = vector.broadcast %get3A_52 : f32 to vector<200x1xf32>
    %add3A_57 = arith.addf %broadcast_in_dim3A_56, %add3A : vector<200x1xf32>
    %swap3A = arith.constant 0 : index
    %swap3A_58 = arith.constant 0 : index
    %swap3A_59 = vector.load %arg6[%swap3A, %swap3A_58] : memref<200x2xf32, #tpu.memory_space<vmem>>, vector<200x1xf32>
    tpu.vector_store %arg6[%swap3A, %swap3A_58], %add3A_57 {strides = array<i32>} : memref<200x2xf32, #tpu.memory_space<vmem>>, vector<200x1xf32>,
    %mul3A_60 = arith.mulf %dot_general3A_48, %logistic3A_28 : vector<200x64xf32>
    %reduce_sum3A_61 = arith.constant dense<0.000000e+00> : vector<200xf32>
    %reduce_sum3A_62 = vector.multi_reduction <add>, %mul3A_60, %reduce_sum3A_61 [1] : vector<200x64xf32> to vector<200xf32>
    %broadcast_in_dim3A_63 = vector.shape_cast %reduce_sum3A_62 : vector<200xf32> to vector<200x1xf32>
    %add3A_64 = vector.broadcast %get3A_52 : f32 to vector<200x1xf32>
    %add3A_65 = arith.addf %broadcast_in_dim3A_63, %add3A_64 : vector<200x1xf32>
    %swap3A_66 = arith.constant 0 : index
    %swap3A_67 = arith.constant 1 : index
    %swap3A_68 = vector.load %arg6[%swap3A_66, %swap3A_67] : memref<200x2xf32, #tpu.memory_space<vmem>>, vector<200x1xf32>
    tpu.vector_store %arg6[%swap3A_66, %swap3A_67], %add3A_65 {strides = array<i32>} : memref<200x2xf32, #tpu.memory_space<vmem>>, vector<200x1xf32>,
    %mul3A_69 = arith.mulf %dot_general3A_48, %logistic3A_36 : vector<200x64xf32>
    %reduce_sum3A_70 = arith.constant dense<0.000000e+00> : vector<200xf32>
    %reduce_sum3A_71 = vector.multi_reduction <add>, %mul3A_69, %reduce_sum3A_70 [1] : vector<200x64xf32> to vector<200xf32>
    %broadcast_in_dim3A_72 = vector.shape_cast %reduce_sum3A_71 : vector<200xf32> to vector<200x1xf32>
    %add3A_73 = vector.broadcast %get3A_52 : f32 to vector<200x1xf32>
    %add3A_74 = arith.addf %broadcast_in_dim3A_72, %add3A_73 : vector<200x1xf32>
    %swap3A_75 = arith.constant 0 : index
    %swap3A_76 = arith.constant 0 : index
    %swap3A_77 = vector.load %arg7[%swap3A_75, %swap3A_76] : memref<200x2xf32, #tpu.memory_space<vmem>>, vector<200x1xf32>
    tpu.vector_store %arg7[%swap3A_75, %swap3A_76], %add3A_74 {strides = array<i32>} : memref<200x2xf32, #tpu.memory_space<vmem>>, vector<200x1xf32>,
    %mul3A_78 = arith.mulf %dot_general3A_45, %logistic3A_36 : vector<200x64xf32>
    %reduce_sum3A_79 = arith.constant dense<0.000000e+00> : vector<200xf32>
    %reduce_sum3A_80 = vector.multi_reduction <add>, %mul3A_78, %reduce_sum3A_79 [1] : vector<200x64xf32> to vector<200xf32>
    %broadcast_in_dim3A_81 = vector.shape_cast %reduce_sum3A_80 : vector<200xf32> to vector<200x1xf32>
    %add3A_82 = vector.broadcast %get3A_52 : f32 to vector<200x1xf32>
    %add3A_83 = arith.addf %broadcast_in_dim3A_81, %add3A_82 : vector<200x1xf32>
    %swap3A_84 = arith.constant 0 : index
    %swap3A_85 = arith.constant 1 : index
    %swap3A_86 = vector.load %arg7[%swap3A_84, %swap3A_85] : memref<200x2xf32, #tpu.memory_space<vmem>>, vector<200x1xf32>
    tpu.vector_store %arg7[%swap3A_84, %swap3A_85], %add3A_83 {strides = array<i32>} : memref<200x2xf32, #tpu.memory_space<vmem>>, vector<200x1xf32>,
    return
  }
  func.func @transform_0(%arg0: i32) -> (i32, i32) {
    %c0_i32 = arith.constant 0 : i32
    %c0_i32_0 = arith.constant 0 : i32
    return %arg0, %c0_i32 : i32, i32
  }
  func.func @transform_1(%arg0: i32) -> (i32, i32) {
    %c0_i32 = arith.constant 0 : i32
    %c0_i32_0 = arith.constant 0 : i32
    %c0_i32_1 = arith.constant 0 : i32
    return %c0_i32, %c0_i32_0 : i32, i32
  }
  func.func @transform_2(%arg0: i32) -> (i32, i32) {
    %c0_i32 = arith.constant 0 : i32
    %c0_i32_0 = arith.constant 0 : i32
    return %arg0, %c0_i32 : i32, i32
  }
  func.func @transform_3(%arg0: i32) -> (i32, i32) {
    %c0_i32 = arith.constant 0 : i32
    %c0_i32_0 = arith.constant 0 : i32
    %c0_i32_1 = arith.constant 0 : i32
    return %c0_i32, %c0_i32_0 : i32, i32
  }
  func.func @transform_4(%arg0: i32) -> (i32, i32) {
    %c0_i32 = arith.constant 0 : i32
    %c0_i32_0 = arith.constant 0 : i32
    %c0_i32_1 = arith.constant 0 : i32
    return %c0_i32, %c0_i32_0 : i32, i32
  }
  func.func @transform_5(%arg0: i32) -> (i32, i32) {
    %c0_i32 = arith.constant 0 : i32
    %c0_i32_0 = arith.constant 0 : i32
    return %arg0, %c0_i32 : i32, i32
  }
  func.func @transform_6(%arg0: i32) -> (i32, i32) {
    %c0_i32 = arith.constant 0 : i32
    %c0_i32_0 = arith.constant 0 : i32
    return %arg0, %c0_i32 : i32, i32
  }
}

</mosaic_0001>

<sc_bundles>
// kernel: kernel.12.cloned.1.call-start
scs
__scs_entry_jumppad:
0x0: {  	(pc) =	sbr.rel $0x88, $3  }
0x1: {  	(tag) =	ssettag $0x0;
	lr =	simm.s32 $0x1  }
0x2: {  	[smem:$0x3F98] =	sst lr;
	_ =	strace $0xD0000000  }
0x3: {  	_ = 	snop  }
0x4: {  	_ = 	snop  }
0x5: {  	_ = 	snop  }
0x6: {  	_ = 	snop  }
0x7: {  	_ = 	snop  }
__scs_overlays_trampoline_lowered:
0x8: {  	[smem:$0x3FA7] =	sst s0  }
0x9: {  	[smem:$0x3FA8] =	sst s1  }
0xa: {  	[smem:$0x3FA9] =	sst s2  }
0xb: {  	[smem:$0x3FAA] =	sst s3  }
0xc: {  	[smem:$0x3FAB] =	sst s4  }
0xd: {  	[smem:$0x3FAC] =	sst s5  }
0xe: {  	[smem:$0x3FAD] =	sst s6  }
0xf: {  	[smem:$0x3FAE] =	sst s7  }
0x10: {  	[smem:$0x3FAF] =	sst s8  }
0x11: {  	[smem:$0x3FB0] =	sst s9;
	s0 =	simm.s32 @!p0 $0x0  }
0x12: {  	s1 =	sld [smem:$0x3F96];
	s0 =	simm.s32 @p0 $0x1  }
0x13: {  	[smem:$0x3FB1] =	sst s0;
	s0 =	simm.s32 @!p1 $0x0  }
0x14: {  	s2 =	sld [smem:$0x3F95];
	s0 =	simm.s32 @p1 $0x1  }
0x15: {  	[smem:$0x3FB2] =	sst s0;
	s0 =	simm.s32 @!p2 $0x0  }
0x16: {  	s3 =	sld [smem:$0x3FDB];
	s0 =	simm.s32 @p2 $0x1  }
0x17: {  	s4 =	simm.s32 $0x1BF5;
	[smem:$0x3FB4] =	sst s0  }
0x18: {  	s0 =	sld [smem:$0x3F97];
	_ =	swait.ge [sflag:s4], $0x0  }
0x19: {  	s7 =	sld [smem:$0x3F98]  }
0x1a: {  	s8 =	sadd.s32 $0xFFFFE003, lr  }
0x1b: {  	s9 =	sadd.s32 $0xFFFFFEF7, lr;
	s5 =	simm.s32 $0xFFFFFFFF;
	p2 =	slt.u32 s8, $0xFFFFF086  }
0x1c: {  	p1 =	slt.u32 s9, $0xF7A;
	s5 =	simm.s32 @!p2 $0x0  }
0x1d: {  	s5 =	simm.s32 @p1 $0x1;
	p0 =	seq.s32 s7, s2  }
0x1e: {  	s7 =	smul.u32 @!p0 $0xF7A, s2;
	p2 =	seq.s32 @!p0 s5, $0x0  }
0x1f: {  	s9 =	smul.u32 $0xF7A, s1;
	s8 =	simm.s32 @!p0 $0x1BF5;
	p2 =	por !p2, p0  }
0x20: {  	[sflag:s8] =	ssyncset.s32 @!p0 $0xFFFFF086;
	s6 =	sadd.s32 @!p0 s3, s7;
	s7 =	simm.s32 @!p0 $0x108  }
0x21: {  	s3 =	sadd.s32 s3, s9;
	s6 =	sadd.s32 @!p0 $0x88, s6;
	s7 =	simm.s32 @p2 $0x1082  }
0x22: {  	[simem:s7], [sflag:s8] =	dma.local @!p0 [hbm:s6], $0xF7A  }
0x23: {  	s9 =	sor.u32 $0xD0000000, s2;
	s6 =	simm.s32 $0x108;
	_ =	swait.ge @!p0 [sflag:s8], $0x0  }
0x24: {  	s3 =	sadd.s32 $0x88, s3;
	s6 =	simm.s32 @!p1 $0x1082;
	[sflag:s4] =	ssyncset.s32 $0xFFFFF086  }
0x25: {  	[simem:s6], [sflag:s4] =	dma.local [hbm:s3], $0xF7A  }
0x26: {  	[smem:$0x3F98] =	sst s1;
	(tag) =	ssettag s2;
	_ =	strace s9  }
0x27: {  	s1 =	sld [smem:$0x3FA8]  }
0x28: {  	s2 =	sld [smem:$0x3FA9]  }
0x29: {  	s4 =	sld [smem:$0x3FAB]  }
0x2a: {  	p0 =	seq.s32 s5, $0x0;
	s5 =	sld [smem:$0x3FAC]  }
0x2b: {  	s6 =	sld [smem:$0x3FAD]  }
0x2c: {  	s7 =	sld [smem:$0x3FAE]  }
0x2d: {  	s3 =	simm.s32 $0x108;
	s8 =	sld [smem:$0x3FAF]  }
0x2e: {  	s3 =	simm.s32 @!p0 $0x1082;
	s9 =	sld [smem:$0x3FB0]  }
0x2f: {  	lr =	sadd.s32 s0, s3;
	s0 =	sld [smem:$0x3FA7]  }
0x30: {  	s3 =	sld [smem:$0x3FAA]  }
0x31: {  	[smem:$0x3FB3] =	sst s10  }
0x32: {  	s10 =	sld [smem:$0x3FB1];
	_ =	sdelay $0x3  }
0x33: {  	p0 =	seq.s32 s10, $0x1;
	s10 =	sld [smem:$0x3FB3];
	_ =	sdelay $0x3  }
0x34: {  	[smem:$0x3FB3] =	sst s10  }
0x35: {  	s10 =	sld [smem:$0x3FB2];
	_ =	sdelay $0x3  }
0x36: {  	p1 =	seq.s32 s10, $0x1;
	s10 =	sld [smem:$0x3FB3];
	_ =	sdelay $0x3  }
0x37: {  	[smem:$0x3FB3] =	sst s10  }
0x38: {  	s10 =	sld [smem:$0x3FB4]  }
0x39: {  	_ = 	snop;
	(pc) =	sbr.ind lr, $3  }
0x3a: {  	_ = 	snop  }
0x3b: {  	_ = 	snop  }
0x3c: {  	p2 =	seq.s32 s10, $0x1;
	s10 =	sld [smem:$0x3FB3]  }
0x3d: {  	_ =	shalt  }
0x3e: {  	_ =	shalt  }
0x3f: {  	_ =	shalt  }
0x40: {  	_ =	shalt  }
0x41: {  	_ =	shalt  }
0x42: {  	_ =	shalt  }
0x43: {  	_ =	shalt  }
0x44: {  	_ =	shalt  }
0x45: {  	_ =	shalt  }
0x46: {  	_ =	shalt  }
0x47: {  	_ =	shalt  }
0x48: {  	_ =	shalt  }
0x49: {  	_ =	shalt  }
0x4a: {  	_ =	shalt  }
0x4b: {  	_ =	shalt  }
0x4c: {  	_ =	shalt  }
0x4d: {  	_ =	shalt  }
0x4e: {  	_ =	shalt  }
0x4f: {  	_ =	shalt  }
0x50: {  	_ =	shalt  }
0x51: {  	_ =	shalt  }
0x52: {  	_ =	shalt  }
0x53: {  	_ =	shalt  }
0x54: {  	_ =	shalt  }
0x55: {  	_ =	shalt  }
0x56: {  	_ =	shalt  }
0x57: {  	_ =	shalt  }
0x58: {  	_ =	shalt  }
0x59: {  	_ =	shalt  }
0x5a: {  	_ =	shalt  }
0x5b: {  	_ =	shalt  }
0x5c: {  	_ =	shalt  }
0x5d: {  	_ =	shalt  }
0x5e: {  	_ =	shalt  }
0x5f: {  	_ =	shalt  }
0x60: {  	_ =	shalt  }
0x61: {  	_ =	shalt  }
0x62: {  	_ =	shalt  }
0x63: {  	_ =	shalt  }
0x64: {  	_ =	shalt  }
0x65: {  	_ =	shalt  }
0x66: {  	_ =	shalt  }
0x67: {  	_ =	shalt  }
0x68: {  	_ =	shalt  }
0x69: {  	_ =	shalt  }
0x6a: {  	_ =	shalt  }
0x6b: {  	_ =	shalt  }
0x6c: {  	_ =	shalt  }
0x6d: {  	_ =	shalt  }
0x6e: {  	_ =	shalt  }
0x6f: {  	_ =	shalt  }
0x70: {  	_ =	shalt  }
0x71: {  	_ =	shalt  }
0x72: {  	_ =	shalt  }
0x73: {  	_ =	shalt  }
0x74: {  	_ =	shalt  }
0x75: {  	_ =	shalt  }
0x76: {  	_ =	shalt  }
0x77: {  	_ =	shalt  }
0x78: {  	_ =	shalt  }
0x79: {  	_ =	shalt  }
0x7a: {  	_ =	shalt  }
0x7b: {  	_ =	shalt  }
0x7c: {  	_ =	shalt  }
0x7d: {  	_ =	shalt  }
0x7e: {  	_ =	shalt  }
0x7f: {  	_ =	shalt  }
0x80: {  	_ =	shalt  }
0x81: {  	_ =	shalt  }
0x82: {  	_ =	shalt  }
0x83: {  	_ =	shalt  }
0x84: {  	_ =	shalt  }
0x85: {  	_ =	shalt  }
0x86: {  	_ =	shalt  }
0x87: {  	_ =	shalt  }
.Lfunc_end0:
.L_simem_size_0:
called_computation.1_lowered:
.L_overlay_start_0:
0x88: {  	s2 =	sld [smem:$0x3FD9]  }
0x89: {  	s3 =	sld [smem:$0x3FFE];
	_ =	sdelay $0x1  }
0x8a: {  	s1 =	srdreg.scid  }
0x8b: {  	s0 =	sand.u32 $0x1, s1  }
0x8c: {  	s14 =	sshll.u32 s0, $0xA;
	s2 =	sadd.s32 s3, s2  }
0x8d: {  	s2 =	sadd.s32 s2, s14  }
0x8e: {  	[smem:$0x3FBF] =	sst s2  }
0x8f: {  	_ = 	snop  }
0x90: {  	s2 =	sld [smem:$0x3FD0];
	_ =	sdelay $0x2  }
0x91: {  	s15 =	simm.s32 $0xA;
	s4 =	simm.s32 $0x10  }
0x92: {  	[smem:s4], [sflag:s15] =	dma.local [hbm:s2], $0x1  }
0x93: {  	_ =	swait.eq [sflag:s15], $0x1  }
0x94: {  	[sflag:s15] =	ssyncset.done $0x0  }
0x95: {  	[sflag:s15] =	ssyncadd.s32 $0xFFFFFFFF  }
0x96: {  	s16 =	sld [smem:$0x10];
	(tm) =	ssettm $0x1  }
0x97: {  	s17 =	sld [smem:$0x3FFB];
	_ =	sdelay $0x3  }
0x98: {  	_ =	strace s17  }
0x99: {  	s3 =	sld [smem:$0x3FFC];
	_ =	sdelay $0x3  }
0x9a: {  	_ =	strace s3  }
0x9b: {  	s3 =	sld [smem:$0x3FFD];
	_ =	sdelay $0x3  }
0x9c: {  	_ =	strace s3  }
0x9d: {  	_ =	strace $0x8FFFFFFF  }
0x9e: {  	s18 =	sld [smem:$0x3FDB];
	_ =	sdelay $0x1  }
0x9f: {  	s19 =	simm.s32 $_scs_section_size  }
0xa0: {  	s5 =	simm.s32 $_size__tile_overlayer_lowered;
	s6 =	simm.s32 $_tile_overlayer_lowered  }
0xa1: {  	s22 =	simm.s32 $0x1BFF;
	s21 =	sshll.u32 s6, $0x1;
	s3 =	sadd.s32 s19, s18  }
0xa2: {  	s7 =	simm.s32 $0x0;
	s20 =	sshll.u32 s5, $0x1;
	s5 =	sadd.s32 s21, s3  }
0xa3: {  	[timem:s7], [sflag:s22] =	dma.local [hbm:s5], s20  }
0xa4: {  	_ =	swait.ge [sflag:s22], s20  }
0xa5: {  	s4 =	ssub.s32 $0x0, s20;
	[sflag:s22] =	ssyncset.done $0x0  }
0xa6: {  	[sflag:s22] =	ssyncadd.s32 s4;
	_ =	sdelay $0x1  }
0xa7: {  	s23 =	simm.s32 $0x1B8B  }
0xa8: {  	_ =	swait.ge [sflag:s23], $0x1  }
0xa9: {  	[sflag:s23] =	ssyncset.done $0x0  }
0xaa: {  	s25 =	simm.s32 $0x1B8E;
	s24 =	sld [smem:$0x3FFE];
	[sflag:s23] =	ssyncadd.s32 $0xFFFFFFFF  }
0xab: {  	s26 =	simm.s32 $execute0_lowered;
	[smem:$0x3FD2] =	sst s25  }
0xac: {  	s5 =	sshll.u32 s26, $0x1;
	_ =	strace $0x80000049;
	[dreg:$0x1] =	wrdreg $0xFFFFFFFF  }
0xad: {  	s28 =	simm.s32 $_size_execute0_lowered;
	s3 =	sadd.s32 s3, s5;
	[dreg:$0x0] =	wrdreg $0x0  }
0xae: {  	s5 =	sshll.u32 s28, $0x1;
	[dreg:$0x2] =	wrdreg s3  }
0xaf: {  	[dreg:$0x3] =	wrdreg s5  }
0xb0: {  	[dreg:$0x4] =	wrdreg $0xC0  }
0xb1: {  	_ =	task [dreg:s7], $0x5FFFF  }
0xb2: {  	[dreg:$0x1] =	wrdreg $0xFFFFFFFF  }
0xb3: {  	[dreg:$0x0] =	wrdreg $0x60  }
0xb4: {  	[dreg:$0x2] =	wrdreg s24  }
0xb5: {  	[dreg:$0x3] =	wrdreg s16  }
0xb6: {  	[dreg:$0x4] =	wrdreg $0x90000  }
0xb7: {  	[dreg:$0x5] =	wrdreg $0x9  }
0xb8: {  	_ =	task.clear_ibuf [dreg:s7], $0x6FFFF;
	_ =	strace $0x90000049  }
0xb9: {  	s29 =	simm.s32 $0x9;
	_ =	strace $0x8000004B  }
0xba: {  	_ =	swait.ge [sflag:s29], $0x1  }
0xbb: {  	[sflag:s29] =	ssyncadd.s32 $0xFFFFFFFF  }
0xbc: {  	_ =	strace $0x9000004B  }
0xbd: {  	_ =	sfence  }
0xbe: {  	s30 =	sld [smem:$0x0];
	_ =	sdelay $0x2  }
0xbf: {  	s31 =	sshll.u32 s1, $0xD;
	s1 =	sshrl.u32 s1, $0x2  }
0xc0: {  	s3 =	sand.u32 $0x4000, s31;
	s1 =	sadd.s32 s1, s30  }
0xc1: {  	s0 =	sor.u32 s3, s0;
	s1 =	sshll.u32 s1, $0x11  }
0xc2: {  	s0 =	sor.u32 s1, s0  }
0xc3: {  	s0 =	sadd.s32 $0x8F2B, s0  }
0xc4: {  	[sflag:s0] =	ssyncadd.remote.s32 $0x1  }
0xc5: {  	_ =	sfence.sel $0xFFFF  }
0xc6: {  	[dreg:$0x0] =	wrdreg $0xFFFFFFFF;
	(pc) =	sbr.abs _section_cstart, $3  }
0xc7: {  	[dreg:$0x1] =	wrdreg $0xFFFFFFFF  }
0xc8: {  	_ =	task.clear_ibuf [dreg:s7], $0x2FFFF;
	_ =	strace $0x9FFFFFFF  }
0xc9: {  	(tm) =	ssettm $0x7FFFFFFF  }
tec
execute0_lowered:
.L_overlay_start_1:
0x0: {  	(tag) =	ssettag $0x1  }
0x1: {  	s0 =	rddreg [dreg:$0x0]  }
0x2: {  	s2 =	rddreg [dreg:$0x1]  }
0x3: {  	s1 =	rddreg [dreg:$0x2]  }
0x4: {  	s3 =	srdreg.scid;
	s12 =	stileid.u32  }
0x5: {  	s14 =	simm.s32 $0x3;
	s16 =	simm.s32 $0x400;
	s17 =	simm.s32 $0xC00  }
0x6: {  	s18 =	simm.s32 $0x80;
	s19 =	simm.s32 $0x1000;
	s20 =	simm.s32 $0x5000  }
0x7: {  	s21 =	simm.s32 $0x1;
	s15 =	simm.s32 $0xD00;
	s7 =	smul.u32 $0x14000, s12  }
0x8: {  	s28 =	simm.s32 $0x680;
	s29 =	simm.s32 $0xE00;
	s8 =	smul.u32 $0x50000, s12  }
0x9: {  	s30 =	simm.s32 $0x700;
	s31 =	simm.s32 $0xE80;
	s10 =	smul.u32 $0x2800, s12  }
0xa: {  	s5 =	sand.u32 $0x1, s3;
	s3 =	simm.s32 $0x0;
	s24 =	smul.u32 $0xA00, s12  }
0xb: {  	s4 =	sadd.s32 $0xDEC00, s0;
	s23 =	sshll.u32 s12, $0x6;
	s6 =	smul.u32 $0x140000, s5  }
0xc: {  	[smem:$0x7FF] =	sst s3;
	s22 =	smul.u32 $0x28000, s5;
	s9 =	ssub.s32 $0x2, s5  }
0xd: {  	s13 =	sor.u32 $0x1C03, s23;
	p0 =	seq.s32 s5, $0x0;
	s5 =	simm.s32 $0x2C00  }
0xe: {  	s23 =	simm.s32 $0x580;
	_ =	strace $0x8000004A;
	s11 =	sshrl.u32 s9, $0x1  }
0xf: {  	s8 =	sshrl.u32 s8, $0x2;
	s12 =	sor.u32 $0x80, s24;
	s5 =	simm.s32 @!p0 $0xD4C00  }
0x10: {  	s6 =	sadd.s32 s7, s6;
	s9 =	ssub.s32 s9, s11;
	s8 =	sadd.s32 s8, s1  }
0x11: {  	s7 =	sadd.s32 s10, s22;
	s22 =	simm.s32 $0x4;
	s10 =	simm.s32 $0x0  }
0x12: {  	s6 =	sshrl.u32 s6, $0x3;
	s7 =	sadd.s32 s4, s7;
	s26 =	smax.u32 s9, $0x1  }
0x13: {  	s9 =	sshrl.u32 s8, $0x3;
	s8 =	smov.u32 s13;
	[dreg:$0x4] =	wrdreg s7  }
0x14: {  	s13 =	simm.s32 $0xC80;
	s6 =	sadd.s32 s6, s0;
	[dreg:$0x8] =	wrdreg s26  }
0x15: {  	s7 =	sadd.s32 s2, s24;
	s2 =	sadd.s32 s2, s12;
	[dreg:$0x5] =	wrdreg s8  }
.Ltmp0:
0x16: {  	s0 =	sadd.s32 s5, s0;
	[dreg:$0xa] =	wrdreg s9;
	(pc) =	sbr.rel .LBB2_1-.Ltmp0, $4  }
0x17: {  	s26 =	simm.s32 $0xD80;
	s5 =	simm.s32 $0xF80;
	[dreg:$0x6] =	wrdreg s2  }
0x18: {  	s25 =	sadd.s32 $0x5CC00, s6;
	s11 =	sadd.s32 s0, s24;
	s0 =	sadd.s32 s0, s12  }
0x19: {  	s24 =	simm.s32 $0x2;
	s2 =	simm.s32 $0xF00;
	[dreg:$0x7] =	wrdreg s25  }
0x1a: {  	[dreg:$0x9] =	wrdreg s0;
	s25 =	simm.s32 $0x600;
	s0 =	simm.s32 $0x780  }
.LBB2_4:
0x1b: {  	_ =	swait.ge [sflag:s24], $0x4000  }
0x1c: {  	[sflag:s24] =	ssyncset.done $0x0  }
0x1d: {  	[sflag:s24] =	ssyncadd.s32 $0xFFFFC000  }
0x1e: {  	[spmem:s1] =	stream.indirect.scatter.add.f32 [tilespmem:s20], [sflag:$0x4], $0x80, s5, s18, $0xb8;
	[tilespmem:$0x1D000] =	vst v63  }
0x1f: {  	_ =	swait.ge [sflag:s22], $0x4000  }
0x20: {  	[sflag:s22] =	ssyncset.done $0x0  }
0x21: {  	[sflag:s22] =	ssyncadd.s32 $0xFFFFC000  }
0x22: {  	[bflag:$0x0] =	sbarrier.arrive $0xFFFF  }
0x23: {  	s8 =	rddreg [dreg:$0x5]  }
0x24: {  	s6 =	rddreg [dreg:$0x7]  }
0x25: {  	s9 =	rddreg [dreg:$0xa]  }
0x26: {  	[hbm:s6], [sflag:s8] =	dma.local [spmem:s9], $0x2800  }
0x27: {  	_ =	swait.ge [sflag:s14], $0x2800  }
0x28: {  	s10 =	rddreg [dreg:$0xb]  }
0x29: {  	s12 =	rddreg [dreg:$0x8];
	s10 =	sadd.s32 $0x1, s10  }
0x2a: {  	p0 =	sne.s32 s10, s12  }
.Ltmp1:
0x2b: {  	_ = 	snop;
	(pc) =	sbr.rel @!p0 .LBB2_5-.Ltmp1, $3  }
0x2c: {  	_ =	sdelay $0x1  }
0x2d: {  	[sflag:s14] =	ssyncset.done $0x0  }
0x2e: {  	[sflag:s14] =	ssyncadd.s32 $0xFFFFD800  }
.LBB2_1:
0x2f: {  	[dreg:$0xb] =	wrdreg s10  }
0x30: {  	s6 =	rddreg [dreg:$0x4]  }
0x31: {  	[spmem:s9], [sflag:s8] =	dma.local [hbm:s6], $0x2800  }
0x32: {  	_ =	swait.ge [sflag:s14], $0x2800  }
0x33: {  	[sflag:s14] =	ssyncset.done $0x0  }
0x34: {  	[sflag:s14] =	ssyncadd.s32 $0xFFFFD800  }
0x35: {  	[tilespmem:s3], [sflag:$0x3] =	stream.linear.gather [hbm4b:s11+s3], $0x400, $0x38;
	[tilespmem:$0x1D000] =	vst v63  }
0x36: {  	_ =	swait.ge [sflag:s14], $0x400  }
0x37: {  	[sflag:s14] =	ssyncset.done $0x0  }
0x38: {  	s9 =	simm.s32 $0x800;
	[sflag:s14] =	ssyncadd.s32 $0xFFFFFC00  }
0x39: {  	[tilespmem:s9], [sflag:$0x3] =	stream.linear.gather [hbm4b:s7+s3], $0x400, $0x38;
	[tilespmem:$0x1D000] =	vst v63  }
0x3a: {  	_ =	swait.ge [sflag:s14], $0x400  }
0x3b: {  	[sflag:s14] =	ssyncset.done $0x0  }
0x3c: {  	s10 =	rddreg [dreg:$0x9];
	[sflag:s14] =	ssyncadd.s32 $0xFFFFFC00  }
0x3d: {  	[tilespmem:s16], [sflag:$0x3] =	stream.linear.gather [hbm4b:s10+s3], $0x400, $0x38;
	[tilespmem:$0x1D000] =	vst v63  }
0x3e: {  	_ =	swait.ge [sflag:s14], $0x400  }
0x3f: {  	[sflag:s14] =	ssyncset.done $0x0  }
0x40: {  	s12 =	rddreg [dreg:$0x6];
	[sflag:s14] =	ssyncadd.s32 $0xFFFFFC00  }
0x41: {  	[tilespmem:s17], [sflag:$0x3] =	stream.linear.gather [hbm4b:s12+s3], $0x400, $0x38;
	[tilespmem:$0x1D000] =	vst v63  }
0x42: {  	_ =	swait.ge [sflag:s14], $0x400  }
0x43: {  	[sflag:s14] =	ssyncset.done $0x0  }
0x44: {  	[sflag:s14] =	ssyncadd.s32 $0xFFFFFC00  }
0x45: {  	[bflag:$0x0] =	sbarrier.arrive $0xFFFF  }
0x46: {  	[tilespmem:s19], [sflag:$0x1] =	stream.indirect.gather [hbm4b:s4+s18], $0x80, s3, s18, $0xb8;
	[tilespmem:$0x1D000] =	vst v63  }
0x47: {  	s8 =	simm.s32 $0xFFFFF700  }
0x48: {  	[tilespmem:s20], [sflag:$0x2] =	stream.indirect.gather [hbm4b:s4+s18], $0x80, s18, s18, $0xb8;
	[tilespmem:$0x1D000] =	vst v63  }
.LBB2_2:
0x49: {  	_ =	swait.ge [sflag:s21], $0x4000  }
0x4a: {  	[sflag:s21] =	ssyncset.done $0x0  }
0x4b: {  	s6 =	simm.s32 $0x800;
	[sflag:s21] =	ssyncadd.s32 $0xFFFFC000  }
0x4c: {  	[spmem:s1] =	stream.indirect.scatter.add.f32 [tilespmem:s19], [sflag:$0x4], $0x80, s6, s18, $0xb8;
	[tilespmem:$0x1D000] =	vst v63  }
0x4d: {  	_ =	swait.ge [sflag:s22], $0x4000  }
0x4e: {  	[sflag:s22] =	ssyncset.done $0x0  }
0x4f: {  	s9 =	simm.s32 $0x100;
	[sflag:s22] =	ssyncadd.s32 $0xFFFFC000  }
0x50: {  	[tilespmem:s19], [sflag:$0x1] =	stream.indirect.gather [hbm4b:s4+s18], $0x80, s9, s18, $0xb8;
	[tilespmem:$0x1D000] =	vst v63  }
0x51: {  	_ =	swait.ge [sflag:s24], $0x4000  }
0x52: {  	[sflag:s24] =	ssyncset.done $0x0  }
0x53: {  	s10 =	simm.s32 $0x880;
	[sflag:s24] =	ssyncadd.s32 $0xFFFFC000  }
0x54: {  	[spmem:s1] =	stream.indirect.scatter.add.f32 [tilespmem:s20], [sflag:$0x4], $0x80, s10, s18, $0xb8;
	[tilespmem:$0x1D000] =	vst v63  }
0x55: {  	_ =	swait.ge [sflag:s22], $0x4000  }
0x56: {  	[sflag:s22] =	ssyncset.done $0x0  }
0x57: {  	s12 =	simm.s32 $0x180;
	[sflag:s22] =	ssyncadd.s32 $0xFFFFC000  }
0x58: {  	[tilespmem:s20], [sflag:$0x2] =	stream.indirect.gather [hbm4b:s4+s18], $0x80, s12, s18, $0xb8;
	[tilespmem:$0x1D000] =	vst v63  }
0x59: {  	_ =	swait.ge [sflag:s21], $0x4000  }
0x5a: {  	[sflag:s21] =	ssyncset.done $0x0  }
0x5b: {  	s9 =	simm.s32 $0x900;
	[sflag:s21] =	ssyncadd.s32 $0xFFFFC000  }
0x5c: {  	[spmem:s1] =	stream.indirect.scatter.add.f32 [tilespmem:s19], [sflag:$0x4], $0x80, s9, s18, $0xb8;
	[tilespmem:$0x1D000] =	vst v63  }
0x5d: {  	_ =	swait.ge [sflag:s22], $0x4000  }
0x5e: {  	[sflag:s22] =	ssyncset.done $0x0  }
0x5f: {  	s10 =	simm.s32 $0x200;
	[sflag:s22] =	ssyncadd.s32 $0xFFFFC000  }
0x60: {  	[tilespmem:s19], [sflag:$0x1] =	stream.indirect.gather [hbm4b:s4+s18], $0x80, s10, s18, $0xb8;
	[tilespmem:$0x1D000] =	vst v63  }
0x61: {  	_ =	swait.ge [sflag:s24], $0x4000  }
0x62: {  	[sflag:s24] =	ssyncset.done $0x0  }
0x63: {  	s12 =	simm.s32 $0x980;
	[sflag:s24] =	ssyncadd.s32 $0xFFFFC000  }
0x64: {  	[spmem:s1] =	stream.indirect.scatter.add.f32 [tilespmem:s20], [sflag:$0x4], $0x80, s12, s18, $0xb8;
	[tilespmem:$0x1D000] =	vst v63  }
0x65: {  	_ =	swait.ge [sflag:s22], $0x4000  }
0x66: {  	[sflag:s22] =	ssyncset.done $0x0  }
0x67: {  	s9 =	simm.s32 $0x280;
	[sflag:s22] =	ssyncadd.s32 $0xFFFFC000  }
0x68: {  	[tilespmem:s20], [sflag:$0x2] =	stream.indirect.gather [hbm4b:s4+s18], $0x80, s9, s18, $0xb8;
	[tilespmem:$0x1D000] =	vst v63  }
0x69: {  	_ =	swait.ge [sflag:s21], $0x4000  }
0x6a: {  	[sflag:s21] =	ssyncset.done $0x0  }
0x6b: {  	s10 =	simm.s32 $0xA00;
	[sflag:s21] =	ssyncadd.s32 $0xFFFFC000  }
0x6c: {  	[spmem:s1] =	stream.indirect.scatter.add.f32 [tilespmem:s19], [sflag:$0x4], $0x80, s10, s18, $0xb8;
	[tilespmem:$0x1D000] =	vst v63  }
0x6d: {  	_ =	swait.ge [sflag:s22], $0x4000  }
0x6e: {  	[sflag:s22] =	ssyncset.done $0x0  }
0x6f: {  	s12 =	simm.s32 $0x300;
	[sflag:s22] =	ssyncadd.s32 $0xFFFFC000  }
0x70: {  	[tilespmem:s19], [sflag:$0x1] =	stream.indirect.gather [hbm4b:s4+s18], $0x80, s12, s18, $0xb8;
	[tilespmem:$0x1D000] =	vst v63  }
0x71: {  	_ =	swait.ge [sflag:s24], $0x4000  }
0x72: {  	[sflag:s24] =	ssyncset.done $0x0  }
0x73: {  	s9 =	simm.s32 $0xA80;
	[sflag:s24] =	ssyncadd.s32 $0xFFFFC000  }
0x74: {  	[spmem:s1] =	stream.indirect.scatter.add.f32 [tilespmem:s20], [sflag:$0x4], $0x80, s9, s18, $0xb8;
	[tilespmem:$0x1D000] =	vst v63  }
0x75: {  	_ =	swait.ge [sflag:s22], $0x4000  }
0x76: {  	[sflag:s22] =	ssyncset.done $0x0  }
0x77: {  	s10 =	simm.s32 $0x380;
	[sflag:s22] =	ssyncadd.s32 $0xFFFFC000  }
0x78: {  	[tilespmem:s20], [sflag:$0x2] =	stream.indirect.gather [hbm4b:s4+s18], $0x80, s10, s18, $0xb8;
	[tilespmem:$0x1D000] =	vst v63  }
0x79: {  	_ =	swait.ge [sflag:s21], $0x4000  }
0x7a: {  	[sflag:s21] =	ssyncset.done $0x0  }
0x7b: {  	s12 =	simm.s32 $0xB00;
	[sflag:s21] =	ssyncadd.s32 $0xFFFFC000  }
0x7c: {  	[spmem:s1] =	stream.indirect.scatter.add.f32 [tilespmem:s19], [sflag:$0x4], $0x80, s12, s18, $0xb8;
	[tilespmem:$0x1D000] =	vst v63  }
0x7d: {  	_ =	swait.ge [sflag:s22], $0x4000  }
0x7e: {  	[sflag:s22] =	ssyncset.done $0x0  }
0x7f: {  	[sflag:s22] =	ssyncadd.s32 $0xFFFFC000  }
0x80: {  	[tilespmem:s19], [sflag:$0x1] =	stream.indirect.gather [hbm4b:s4+s18], $0x80, s16, s18, $0xb8;
	[tilespmem:$0x1D000] =	vst v63  }
0x81: {  	_ =	swait.ge [sflag:s24], $0x4000  }
0x82: {  	[sflag:s24] =	ssyncset.done $0x0  }
0x83: {  	s9 =	simm.s32 $0xB80;
	[sflag:s24] =	ssyncadd.s32 $0xFFFFC000  }
0x84: {  	[spmem:s1] =	stream.indirect.scatter.add.f32 [tilespmem:s20], [sflag:$0x4], $0x80, s9, s18, $0xb8;
	[tilespmem:$0x1D000] =	vst v63  }
0x85: {  	_ =	swait.ge [sflag:s22], $0x4000  }
0x86: {  	p0 =	seq.s32 s8, $0x0;
	[sflag:s22] =	ssyncset.done $0x0  }
0x87: {  	s10 =	simm.s32 $0x480;
	s9 =	sadd.s32 @!p0 s8, s11;
	[sflag:s22] =	ssyncadd.s32 $0xFFFFC000  }
0x88: {  	[tilespmem:s20], [sflag:$0x2] =	stream.indirect.gather [hbm4b:s4+s18], $0x80, s10, s18, $0xb8;
	[tilespmem:$0x1D000] =	vst v63  }
0x89: {  	s9 =	sadd.s32 @!p0 $0xA00, s9;
	s10 =	simm.s32 @!p0 $0x0  }
0x8a: {  	[tilespmem:s10], [sflag:$0x4] =	stream.linear.gather @!p0 [hbm4b:s9+s10], $0x400, $0x38;
	[tilespmem:$0x1D000] =	vst v63  }
0x8b: {  	s9 =	simm.s32 @!p0 $0x4  }
0x8c: {  	_ =	swait.ge @!p0 [sflag:s9], $0x400  }
0x8d: {  	s12 =	sadd.s32 @!p0 s8, s7;
	[sflag:s9] =	ssyncset.done @!p0 $0x0  }
0x8e: {  	s6 =	simm.s32 @!p0 $0x800;
	s12 =	sadd.s32 @!p0 $0xA00, s12;
	[sflag:s9] =	ssyncadd.s32 @!p0 $0xFFFFFC00  }
0x8f: {  	[tilespmem:s6], [sflag:$0x4] =	stream.linear.gather @!p0 [hbm4b:s12+s10], $0x400, $0x38;
	[tilespmem:$0x1D000] =	vst v63  }
0x90: {  	_ =	swait.ge @!p0 [sflag:s9], $0x400  }
0x91: {  	[sflag:s9] =	ssyncset.done @!p0 $0x0  }
0x92: {  	[sflag:s9] =	ssyncadd.s32 @!p0 $0xFFFFFC00  }
0x93: {  	_ =	swait.ge [sflag:s21], $0x4000  }
0x94: {  	[sflag:s21] =	ssyncset.done $0x0  }
0x95: {  	[sflag:s21] =	ssyncadd.s32 $0xFFFFC000  }
0x96: {  	[spmem:s1] =	stream.indirect.scatter.add.f32 [tilespmem:s19], [sflag:$0x4], $0x80, s17, s18, $0xb8;
	[tilespmem:$0x1D000] =	vst v63  }
0x97: {  	_ =	swait.ge [sflag:s22], $0x4000  }
0x98: {  	[sflag:s22] =	ssyncset.done $0x0  }
0x99: {  	s12 =	simm.s32 $0x500;
	[sflag:s22] =	ssyncadd.s32 $0xFFFFC000  }
0x9a: {  	[tilespmem:s19], [sflag:$0x1] =	stream.indirect.gather [hbm4b:s4+s18], $0x80, s12, s18, $0xb8;
	[tilespmem:$0x1D000] =	vst v63  }
0x9b: {  	_ =	swait.ge [sflag:s24], $0x4000  }
0x9c: {  	[sflag:s24] =	ssyncset.done $0x0  }
0x9d: {  	[sflag:s24] =	ssyncadd.s32 $0xFFFFC000  }
0x9e: {  	[spmem:s1] =	stream.indirect.scatter.add.f32 [tilespmem:s20], [sflag:$0x4], $0x80, s13, s18, $0xb8;
	[tilespmem:$0x1D000] =	vst v63  }
0x9f: {  	_ =	swait.ge [sflag:s22], $0x4000  }
0xa0: {  	[sflag:s22] =	ssyncset.done $0x0  }
0xa1: {  	[sflag:s22] =	ssyncadd.s32 $0xFFFFC000  }
0xa2: {  	[tilespmem:s20], [sflag:$0x2] =	stream.indirect.gather [hbm4b:s4+s18], $0x80, s23, s18, $0xb8;
	[tilespmem:$0x1D000] =	vst v63  }
0xa3: {  	_ =	swait.ge [sflag:s21], $0x4000  }
0xa4: {  	[sflag:s21] =	ssyncset.done $0x0  }
0xa5: {  	[sflag:s21] =	ssyncadd.s32 $0xFFFFC000  }
0xa6: {  	[spmem:s1] =	stream.indirect.scatter.add.f32 [tilespmem:s19], [sflag:$0x4], $0x80, s15, s18, $0xb8;
	[tilespmem:$0x1D000] =	vst v63  }
0xa7: {  	_ =	swait.ge [sflag:s22], $0x4000  }
0xa8: {  	[sflag:s22] =	ssyncset.done $0x0  }
0xa9: {  	[sflag:s22] =	ssyncadd.s32 $0xFFFFC000  }
0xaa: {  	[tilespmem:s19], [sflag:$0x1] =	stream.indirect.gather [hbm4b:s4+s18], $0x80, s25, s18, $0xb8;
	[tilespmem:$0x1D000] =	vst v63  }
0xab: {  	_ =	swait.ge [sflag:s24], $0x4000  }
0xac: {  	[sflag:s24] =	ssyncset.done $0x0  }
0xad: {  	[sflag:s24] =	ssyncadd.s32 $0xFFFFC000  }
0xae: {  	[spmem:s1] =	stream.indirect.scatter.add.f32 [tilespmem:s20], [sflag:$0x4], $0x80, s26, s18, $0xb8;
	[tilespmem:$0x1D000] =	vst v63  }
0xaf: {  	_ =	swait.ge [sflag:s22], $0x4000  }
0xb0: {  	[sflag:s22] =	ssyncset.done $0x0  }
0xb1: {  	[sflag:s22] =	ssyncadd.s32 $0xFFFFC000  }
0xb2: {  	[tilespmem:s20], [sflag:$0x2] =	stream.indirect.gather [hbm4b:s4+s18], $0x80, s28, s18, $0xb8;
	[tilespmem:$0x1D000] =	vst v63  }
0xb3: {  	_ =	swait.ge [sflag:s21], $0x4000  }
0xb4: {  	[sflag:s21] =	ssyncset.done $0x0  }
0xb5: {  	[sflag:s21] =	ssyncadd.s32 $0xFFFFC000  }
0xb6: {  	[spmem:s1] =	stream.indirect.scatter.add.f32 [tilespmem:s19], [sflag:$0x4], $0x80, s29, s18, $0xb8;
	[tilespmem:$0x1D000] =	vst v63  }
0xb7: {  	_ =	swait.ge [sflag:s22], $0x4000  }
0xb8: {  	[sflag:s22] =	ssyncset.done $0x0  }
0xb9: {  	[sflag:s22] =	ssyncadd.s32 $0xFFFFC000  }
0xba: {  	[tilespmem:s19], [sflag:$0x1] =	stream.indirect.gather [hbm4b:s4+s18], $0x80, s30, s18, $0xb8;
	[tilespmem:$0x1D000] =	vst v63  }
0xbb: {  	_ =	swait.ge [sflag:s24], $0x4000  }
0xbc: {  	[sflag:s24] =	ssyncset.done $0x0  }
0xbd: {  	[sflag:s24] =	ssyncadd.s32 $0xFFFFC000  }
0xbe: {  	[spmem:s1] =	stream.indirect.scatter.add.f32 [tilespmem:s20], [sflag:$0x4], $0x80, s31, s18, $0xb8;
	[tilespmem:$0x1D000] =	vst v63  }
0xbf: {  	_ =	swait.ge [sflag:s22], $0x4000  }
0xc0: {  	[sflag:s22] =	ssyncset.done $0x0  }
0xc1: {  	[sflag:s22] =	ssyncadd.s32 $0xFFFFC000  }
0xc2: {  	[tilespmem:s20], [sflag:$0x2] =	stream.indirect.gather [hbm4b:s4+s18], $0x80, s0, s18, $0xb8;
	[tilespmem:$0x1D000] =	vst v63  }
0xc3: {  	_ =	swait.ge [sflag:s21], $0x4000  }
0xc4: {  	[sflag:s21] =	ssyncset.done $0x0  }
.Ltmp2:
0xc5: {  	[sflag:s21] =	ssyncadd.s32 $0xFFFFC000;
	(pc) =	sbr.rel @p0 .LBB2_4-.Ltmp2, $4  }
0xc6: {  	[spmem:s1] =	stream.indirect.scatter.add.f32 [tilespmem:s19], [sflag:$0x4], $0x80, s2, s18, $0xb8;
	[tilespmem:$0x1D000] =	vst v63  }
0xc7: {  	_ =	swait.ge [sflag:s22], $0x4000  }
0xc8: {  	[sflag:s22] =	ssyncset.done $0x0  }
0xc9: {  	[sflag:s22] =	ssyncadd.s32 $0xFFFFC000  }
0xca: {  	[tilespmem:s19], [sflag:$0x1] =	stream.indirect.gather [hbm4b:s4+s18], $0x80, s3, s18, $0xb8;
	[tilespmem:$0x1D000] =	vst v63  }
0xcb: {  	_ =	swait.ge [sflag:s24], $0x4000  }
0xcc: {  	[sflag:s24] =	ssyncset.done $0x0  }
0xcd: {  	[sflag:s24] =	ssyncadd.s32 $0xFFFFC000  }
0xce: {  	[spmem:s1] =	stream.indirect.scatter.add.f32 [tilespmem:s20], [sflag:$0x4], $0x80, s5, s18, $0xb8;
	[tilespmem:$0x1D000] =	vst v63  }
0xcf: {  	_ =	swait.ge [sflag:s22], $0x4000  }
0xd0: {  	[sflag:s22] =	ssyncset.done $0x0  }
0xd1: {  	s6 =	sadd.s32 s8, s11;
	[sflag:s22] =	ssyncadd.s32 $0xFFFFC000  }
0xd2: {  	[tilespmem:s20], [sflag:$0x2] =	stream.indirect.gather [hbm4b:s4+s18], $0x80, s18, s18, $0xb8;
	[tilespmem:$0x1D000] =	vst v63  }
0xd3: {  	s6 =	sadd.s32 $0xA80, s6  }
0xd4: {  	[tilespmem:s16], [sflag:$0x4] =	stream.linear.gather [hbm4b:s6+s3], $0x400, $0x38;
	[tilespmem:$0x1D000] =	vst v63  }
0xd5: {  	_ =	swait.ge [sflag:s22], $0x400  }
0xd6: {  	s12 =	sadd.s32 s8, s7;
	[sflag:s22] =	ssyncset.done $0x0  }
.Ltmp3:
0xd7: {  	s6 =	sadd.s32 $0xA80, s12;
	[sflag:s22] =	ssyncadd.s32 $0xFFFFFC00;
	(pc) =	sbr.rel .LBB2_2-.Ltmp3, $4  }
0xd8: {  	[tilespmem:s17], [sflag:$0x3] =	stream.linear.gather [hbm4b:s6+s3], $0x400, $0x38;
	[tilespmem:$0x1D000] =	vst v63  }
0xd9: {  	_ =	swait.ge [sflag:s14], $0x400  }
0xda: {  	[sflag:s14] =	ssyncset.done $0x0  }
0xdb: {  	s8 =	sadd.s32 $0x100, s8;
	[sflag:s14] =	ssyncadd.s32 $0xFFFFFC00  }
.LBB2_5:
0xdc: {  	_ =	sfence.sel $0x180000  }
0xdd: {  	[bflag:$0x0] =	sbarrier.arrive $0xFFFF  }
0xde: {  	_ =	strace $0x9000004A  }
0xdf: {  	s0 =	stileid.u32;
	[bflag:$0x2] =	sbarrier.arrive $0xFFFF  }
0xe0: {  	p0 =	sne.s32 s0, $0x0;
	s0 =	rddreg [dreg:$0x3]  }
0xe1: {  	s0 =	sadd.s32 @!p0 $0x100000, s0  }
0xe2: {  	[sflag:s0] =	ssyncadd.tile.s32 @!p0 $0x1;
	_ =	shalt  }
.Lfunc_end2:
_tile_overlayer_lowered:
.L_overlay_start_2:
0xe3: {  	(tag) =	ssettag $0x2  }
0xe4: {  	s0 =	rddreg [dreg:$0x0];
	s2 =	stileid.u32  }
0xe5: {  	s1 =	rddreg [dreg:$0x1];
	p0 =	sne.s32 s2, $0x0  }
0xe6: {  	s3 =	rddreg [dreg:$0x2];
	[bflag:$0x3] =	sbarrier.arrive $0xFFFF;
	s2 =	simm.s32 @!p0 $0x1C03  }
0xe7: {  	[timem:s3], [sflag:s2] =	dma.local @!p0 [hbm:s0], s1  }
0xe8: {  	s0 =	simm.s32 @!p0 $0x3  }
0xe9: {  	_ =	swait.ge @!p0 [sflag:s0], s1  }
0xea: {  	s1 =	ssub.s32 @!p0 $0x0, s1;
	[sflag:s0] =	ssyncset.done @!p0 $0x0  }
0xeb: {  	[sflag:s0] =	ssyncadd.s32 @!p0 s1  }
0xec: {  	[bflag:$0x3] =	sbarrier.arrive $0xFFFF  }
0xed: {  	_ =	shalt  }

// kernel: kernel.15.cloned.1.call-start
scs
__scs_entry_jumppad:
0x0: {  	(pc) =	sbr.rel $0x88, $3  }
0x1: {  	(tag) =	ssettag $0x0;
	lr =	simm.s32 $0x1  }
0x2: {  	[smem:$0x3F98] =	sst lr;
	_ =	strace $0xD0000000  }
0x3: {  	_ = 	snop  }
0x4: {  	_ = 	snop  }
0x5: {  	_ = 	snop  }
0x6: {  	_ = 	snop  }
0x7: {  	_ = 	snop  }
__scs_overlays_trampoline_lowered:
0x8: {  	[smem:$0x3FA7] =	sst s0  }
0x9: {  	[smem:$0x3FA8] =	sst s1  }
0xa: {  	[smem:$0x3FA9] =	sst s2  }
0xb: {  	[smem:$0x3FAA] =	sst s3  }
0xc: {  	[smem:$0x3FAB] =	sst s4  }
0xd: {  	[smem:$0x3FAC] =	sst s5  }
0xe: {  	[smem:$0x3FAD] =	sst s6  }
0xf: {  	[smem:$0x3FAE] =	sst s7  }
0x10: {  	[smem:$0x3FAF] =	sst s8  }
0x11: {  	[smem:$0x3FB0] =	sst s9;
	s0 =	simm.s32 @!p0 $0x0  }
0x12: {  	s1 =	sld [smem:$0x3F96];
	s0 =	simm.s32 @p0 $0x1  }
0x13: {  	[smem:$0x3FB1] =	sst s0;
	s0 =	simm.s32 @!p1 $0x0  }
0x14: {  	s2 =	sld [smem:$0x3F95];
	s0 =	simm.s32 @p1 $0x1  }
0x15: {  	[smem:$0x3FB2] =	sst s0;
	s0 =	simm.s32 @!p2 $0x0  }
0x16: {  	s3 =	sld [smem:$0x3FDB];
	s0 =	simm.s32 @p2 $0x1  }
0x17: {  	s4 =	simm.s32 $0x1BF5;
	[smem:$0x3FB4] =	sst s0  }
0x18: {  	s0 =	sld [smem:$0x3F97];
	_ =	swait.ge [sflag:s4], $0x0  }
0x19: {  	s7 =	sld [smem:$0x3F98]  }
0x1a: {  	s8 =	sadd.s32 $0xFFFFE003, lr  }
0x1b: {  	s9 =	sadd.s32 $0xFFFFFEF7, lr;
	s5 =	simm.s32 $0xFFFFFFFF;
	p2 =	slt.u32 s8, $0xFFFFF086  }
0x1c: {  	p1 =	slt.u32 s9, $0xF7A;
	s5 =	simm.s32 @!p2 $0x0  }
0x1d: {  	s5 =	simm.s32 @p1 $0x1;
	p0 =	seq.s32 s7, s2  }
0x1e: {  	s7 =	smul.u32 @!p0 $0xF7A, s2;
	p2 =	seq.s32 @!p0 s5, $0x0  }
0x1f: {  	s9 =	smul.u32 $0xF7A, s1;
	s8 =	simm.s32 @!p0 $0x1BF5;
	p2 =	por !p2, p0  }
0x20: {  	[sflag:s8] =	ssyncset.s32 @!p0 $0xFFFFF086;
	s6 =	sadd.s32 @!p0 s3, s7;
	s7 =	simm.s32 @!p0 $0x108  }
0x21: {  	s3 =	sadd.s32 s3, s9;
	s6 =	sadd.s32 @!p0 $0x88, s6;
	s7 =	simm.s32 @p2 $0x1082  }
0x22: {  	[simem:s7], [sflag:s8] =	dma.local @!p0 [hbm:s6], $0xF7A  }
0x23: {  	s9 =	sor.u32 $0xD0000000, s2;
	s6 =	simm.s32 $0x108;
	_ =	swait.ge @!p0 [sflag:s8], $0x0  }
0x24: {  	s3 =	sadd.s32 $0x88, s3;
	s6 =	simm.s32 @!p1 $0x1082;
	[sflag:s4] =	ssyncset.s32 $0xFFFFF086  }
0x25: {  	[simem:s6], [sflag:s4] =	dma.local [hbm:s3], $0xF7A  }
0x26: {  	[smem:$0x3F98] =	sst s1;
	(tag) =	ssettag s2;
	_ =	strace s9  }
0x27: {  	s1 =	sld [smem:$0x3FA8]  }
0x28: {  	s2 =	sld [smem:$0x3FA9]  }
0x29: {  	s4 =	sld [smem:$0x3FAB]  }
0x2a: {  	p0 =	seq.s32 s5, $0x0;
	s5 =	sld [smem:$0x3FAC]  }
0x2b: {  	s6 =	sld [smem:$0x3FAD]  }
0x2c: {  	s7 =	sld [smem:$0x3FAE]  }
0x2d: {  	s3 =	simm.s32 $0x108;
	s8 =	sld [smem:$0x3FAF]  }
0x2e: {  	s3 =	simm.s32 @!p0 $0x1082;
	s9 =	sld [smem:$0x3FB0]  }
0x2f: {  	lr =	sadd.s32 s0, s3;
	s0 =	sld [smem:$0x3FA7]  }
0x30: {  	s3 =	sld [smem:$0x3FAA]  }
0x31: {  	[smem:$0x3FB3] =	sst s10  }
0x32: {  	s10 =	sld [smem:$0x3FB1];
	_ =	sdelay $0x3  }
0x33: {  	p0 =	seq.s32 s10, $0x1;
	s10 =	sld [smem:$0x3FB3];
	_ =	sdelay $0x3  }
0x34: {  	[smem:$0x3FB3] =	sst s10  }
0x35: {  	s10 =	sld [smem:$0x3FB2];
	_ =	sdelay $0x3  }
0x36: {  	p1 =	seq.s32 s10, $0x1;
	s10 =	sld [smem:$0x3FB3];
	_ =	sdelay $0x3  }
0x37: {  	[smem:$0x3FB3] =	sst s10  }
0x38: {  	s10 =	sld [smem:$0x3FB4]  }
0x39: {  	_ = 	snop;
	(pc) =	sbr.ind lr, $3  }
0x3a: {  	_ = 	snop  }
0x3b: {  	_ = 	snop  }
0x3c: {  	p2 =	seq.s32 s10, $0x1;
	s10 =	sld [smem:$0x3FB3]  }
0x3d: {  	_ =	shalt  }
0x3e: {  	_ =	shalt  }
0x3f: {  	_ =	shalt  }
0x40: {  	_ =	shalt  }
0x41: {  	_ =	shalt  }
0x42: {  	_ =	shalt  }
0x43: {  	_ =	shalt  }
0x44: {  	_ =	shalt  }
0x45: {  	_ =	shalt  }
0x46: {  	_ =	shalt  }
0x47: {  	_ =	shalt  }
0x48: {  	_ =	shalt  }
0x49: {  	_ =	shalt  }
0x4a: {  	_ =	shalt  }
0x4b: {  	_ =	shalt  }
0x4c: {  	_ =	shalt  }
0x4d: {  	_ =	shalt  }
0x4e: {  	_ =	shalt  }
0x4f: {  	_ =	shalt  }
0x50: {  	_ =	shalt  }
0x51: {  	_ =	shalt  }
0x52: {  	_ =	shalt  }
0x53: {  	_ =	shalt  }
0x54: {  	_ =	shalt  }
0x55: {  	_ =	shalt  }
0x56: {  	_ =	shalt  }
0x57: {  	_ =	shalt  }
0x58: {  	_ =	shalt  }
0x59: {  	_ =	shalt  }
0x5a: {  	_ =	shalt  }
0x5b: {  	_ =	shalt  }
0x5c: {  	_ =	shalt  }
0x5d: {  	_ =	shalt  }
0x5e: {  	_ =	shalt  }
0x5f: {  	_ =	shalt  }
0x60: {  	_ =	shalt  }
0x61: {  	_ =	shalt  }
0x62: {  	_ =	shalt  }
0x63: {  	_ =	shalt  }
0x64: {  	_ =	shalt  }
0x65: {  	_ =	shalt  }
0x66: {  	_ =	shalt  }
0x67: {  	_ =	shalt  }
0x68: {  	_ =	shalt  }
0x69: {  	_ =	shalt  }
0x6a: {  	_ =	shalt  }
0x6b: {  	_ =	shalt  }
0x6c: {  	_ =	shalt  }
0x6d: {  	_ =	shalt  }
0x6e: {  	_ =	shalt  }
0x6f: {  	_ =	shalt  }
0x70: {  	_ =	shalt  }
0x71: {  	_ =	shalt  }
0x72: {  	_ =	shalt  }
0x73: {  	_ =	shalt  }
0x74: {  	_ =	shalt  }
0x75: {  	_ =	shalt  }
0x76: {  	_ =	shalt  }
0x77: {  	_ =	shalt  }
0x78: {  	_ =	shalt  }
0x79: {  	_ =	shalt  }
0x7a: {  	_ =	shalt  }
0x7b: {  	_ =	shalt  }
0x7c: {  	_ =	shalt  }
0x7d: {  	_ =	shalt  }
0x7e: {  	_ =	shalt  }
0x7f: {  	_ =	shalt  }
0x80: {  	_ =	shalt  }
0x81: {  	_ =	shalt  }
0x82: {  	_ =	shalt  }
0x83: {  	_ =	shalt  }
0x84: {  	_ =	shalt  }
0x85: {  	_ =	shalt  }
0x86: {  	_ =	shalt  }
0x87: {  	_ =	shalt  }
.Lfunc_end0:
.L_simem_size_0:
called_computation.2_lowered:
.L_overlay_start_0:
0x88: {  	s2 =	sld [smem:$0x3FD9]  }
0x89: {  	s3 =	sld [smem:$0x3FFE];
	_ =	sdelay $0x1  }
0x8a: {  	s1 =	srdreg.scid  }
0x8b: {  	s0 =	sand.u32 $0x1, s1  }
0x8c: {  	s14 =	sshll.u32 s0, $0xA;
	s2 =	sadd.s32 s3, s2  }
0x8d: {  	s2 =	sadd.s32 s2, s14  }
0x8e: {  	[smem:$0x3FBF] =	sst s2  }
0x8f: {  	_ = 	snop  }
0x90: {  	s2 =	sld [smem:$0x3FD0];
	_ =	sdelay $0x2  }
0x91: {  	s15 =	simm.s32 $0xA;
	s4 =	simm.s32 $0x10  }
0x92: {  	[smem:s4], [sflag:s15] =	dma.local [hbm:s2], $0x1  }
0x93: {  	_ =	swait.eq [sflag:s15], $0x1  }
0x94: {  	[sflag:s15] =	ssyncset.done $0x0  }
0x95: {  	[sflag:s15] =	ssyncadd.s32 $0xFFFFFFFF  }
0x96: {  	s16 =	sld [smem:$0x10];
	(tm) =	ssettm $0x1  }
0x97: {  	s17 =	sld [smem:$0x3FFB];
	_ =	sdelay $0x3  }
0x98: {  	_ =	strace s17  }
0x99: {  	s3 =	sld [smem:$0x3FFC];
	_ =	sdelay $0x3  }
0x9a: {  	_ =	strace s3  }
0x9b: {  	s3 =	sld [smem:$0x3FFD];
	_ =	sdelay $0x3  }
0x9c: {  	_ =	strace s3  }
0x9d: {  	_ =	strace $0x8FFFFFFF  }
0x9e: {  	s18 =	sld [smem:$0x3FDB];
	_ =	sdelay $0x1  }
0x9f: {  	s19 =	simm.s32 $_scs_section_size  }
0xa0: {  	s5 =	simm.s32 $_size__tile_overlayer_lowered;
	s6 =	simm.s32 $_tile_overlayer_lowered  }
0xa1: {  	s22 =	simm.s32 $0x1BFF;
	s21 =	sshll.u32 s6, $0x1;
	s3 =	sadd.s32 s19, s18  }
0xa2: {  	s7 =	simm.s32 $0x0;
	s20 =	sshll.u32 s5, $0x1;
	s5 =	sadd.s32 s21, s3  }
0xa3: {  	[timem:s7], [sflag:s22] =	dma.local [hbm:s5], s20  }
0xa4: {  	_ =	swait.ge [sflag:s22], s20  }
0xa5: {  	s4 =	ssub.s32 $0x0, s20;
	[sflag:s22] =	ssyncset.done $0x0  }
0xa6: {  	[sflag:s22] =	ssyncadd.s32 s4;
	_ =	sdelay $0x1  }
0xa7: {  	s23 =	simm.s32 $0x1B8B  }
0xa8: {  	_ =	swait.ge [sflag:s23], $0x1  }
0xa9: {  	[sflag:s23] =	ssyncset.done $0x0  }
0xaa: {  	s25 =	simm.s32 $0x1B8E;
	s24 =	sld [smem:$0x3FFE];
	[sflag:s23] =	ssyncadd.s32 $0xFFFFFFFF  }
0xab: {  	s26 =	simm.s32 $execute0_lowered;
	[smem:$0x3FD2] =	sst s25  }
0xac: {  	s5 =	sshll.u32 s26, $0x1;
	_ =	strace $0x8000004C;
	[dreg:$0x1] =	wrdreg $0xFFFFFFFF  }
0xad: {  	s28 =	simm.s32 $_size_execute0_lowered;
	s3 =	sadd.s32 s3, s5;
	[dreg:$0x0] =	wrdreg $0x0  }
0xae: {  	s5 =	sshll.u32 s28, $0x1;
	[dreg:$0x2] =	wrdreg s3  }
0xaf: {  	[dreg:$0x3] =	wrdreg s5  }
0xb0: {  	[dreg:$0x4] =	wrdreg $0xC0  }
0xb1: {  	_ =	task [dreg:s7], $0x5FFFF  }
0xb2: {  	[dreg:$0x1] =	wrdreg $0xFFFFFFFF  }
0xb3: {  	[dreg:$0x0] =	wrdreg $0x60  }
0xb4: {  	[dreg:$0x2] =	wrdreg s24  }
0xb5: {  	[dreg:$0x3] =	wrdreg s16  }
0xb6: {  	[dreg:$0x4] =	wrdreg $0x90000  }
0xb7: {  	[dreg:$0x5] =	wrdreg $0x9  }
0xb8: {  	_ =	task.clear_ibuf [dreg:s7], $0x6FFFF;
	_ =	strace $0x9000004C  }
0xb9: {  	s29 =	simm.s32 $0x9;
	_ =	strace $0x8000004E  }
0xba: {  	_ =	swait.ge [sflag:s29], $0x1  }
0xbb: {  	[sflag:s29] =	ssyncadd.s32 $0xFFFFFFFF  }
0xbc: {  	_ =	strace $0x9000004E  }
0xbd: {  	_ =	sfence  }
0xbe: {  	s30 =	sld [smem:$0x0];
	_ =	sdelay $0x2  }
0xbf: {  	s31 =	sshll.u32 s1, $0xD;
	s1 =	sshrl.u32 s1, $0x2  }
0xc0: {  	s3 =	sand.u32 $0x4000, s31;
	s1 =	sadd.s32 s1, s30  }
0xc1: {  	s0 =	sor.u32 s3, s0;
	s1 =	sshll.u32 s1, $0x11  }
0xc2: {  	s0 =	sor.u32 s1, s0  }
0xc3: {  	s0 =	sadd.s32 $0x8F2B, s0  }
0xc4: {  	[sflag:s0] =	ssyncadd.remote.s32 $0x1  }
0xc5: {  	_ =	sfence.sel $0xFFFF  }
0xc6: {  	[dreg:$0x0] =	wrdreg $0xFFFFFFFF;
	(pc) =	sbr.abs _section_cstart, $3  }
0xc7: {  	[dreg:$0x1] =	wrdreg $0xFFFFFFFF  }
0xc8: {  	_ =	task.clear_ibuf [dreg:s7], $0x2FFFF;
	_ =	strace $0x9FFFFFFF  }
0xc9: {  	(tm) =	ssettm $0x7FFFFFFF  }
tec
execute0_lowered:
.L_overlay_start_1:
0x0: {  	(tag) =	ssettag $0x1  }
0x1: {  	s0 =	rddreg [dreg:$0x0]  }
0x2: {  	s2 =	rddreg [dreg:$0x1];
	s13 =	stileid.u32  }
0x3: {  	s1 =	rddreg [dreg:$0x2];
	s7 =	smul.u32 $0x14000, s13  }
0x4: {  	s3 =	srdreg.scid;
	s29 =	simm.s32 $0x2;
	s10 =	smul.u32 $0x50000, s13  }
0x5: {  	s31 =	simm.s32 $0xD00;
	s28 =	simm.s32 $0x0;
	s18 =	smul.u32 $0x2800, s13  }
0x6: {  	s5 =	sand.u32 $0x1, s3;
	s3 =	simm.s32 $0x0;
	s22 =	smul.u32 $0xA, s13  }
0x7: {  	s8 =	sadd.s32 $0x2C00, s0;
	s4 =	sadd.s32 $0xCC00, s0;
	s24 =	smul.u32 $0x500, s13  }
0x8: {  	s9 =	sadd.s32 $0x34C00, s0;
	s23 =	sshll.u32 s13, $0x6;
	s6 =	smul.u32 $0x140000, s5  }
0x9: {  	[smem:$0x7FF] =	sst s3;
	s16 =	sshll.u32 s5, $0x4;
	s21 =	smul.u32 $0x5000, s5  }
0xa: {  	s17 =	ssub.s32 $0x2, s5;
	p0 =	seq.s32 s5, $0x1;
	s5 =	smul.u32 $0xA0, s5  }
0xb: {  	_ =	strace $0x8000004D;
	s11 =	sshrl.u32 s17, $0x1;
	s10 =	sshrl.u32 s10, $0x2  }
0xc: {  	s6 =	sadd.s32 s7, s6;
	s7 =	sor.u32 s13, s16;
	s10 =	sadd.s32 s10, s1  }
0xd: {  	s25 =	sadd.s32 s21, s2;
	s5 =	sadd.s32 s22, s5;
	s26 =	sadd.s32 s21, s8  }
0xe: {  	s21 =	simm.s32 $0xC00;
	s22 =	simm.s32 $0x80;
	s6 =	sshrl.u32 s6, $0x3  }
0xf: {  	s7 =	smul.u32 $0x500, s7;
	s5 =	sshll.u32 s5, $0x7;
	s30 =	sadd.s32 s24, s26  }
0x10: {  	s26 =	simm.s32 $0x4;
	s0 =	sadd.s32 s6, s0;
	s6 =	ssub.s32 s17, s11  }
0x11: {  	s17 =	sor.u32 $0x1C03, s23;
	s5 =	sadd.s32 $0x100, s5;
	s14 =	sadd.s32 $0x180, s30  }
0x12: {  	s23 =	simm.s32 $0x1000;
	s11 =	simm.s32 $0xF80;
	s12 =	sadd.s32 s8, s7  }
0x13: {  	s19 =	sor.u32 $0x80, s7;
	s7 =	sadd.s32 s2, s7;
	[dreg:$0xb] =	wrdreg s17  }
0x14: {  	s0 =	sadd.s32 $0x5CC00, s0;
	s6 =	smax.u32 s6, $0x1;
	[dreg:$0x4] =	wrdreg s12  }
0x15: {  	s15 =	sadd.s32 s5, s8;
	s16 =	sadd.s32 s5, s2;
	[dreg:$0x5] =	wrdreg s7  }
0x16: {  	s5 =	simm.s32 $0x680;
	s20 =	sadd.s32 s8, s19;
	[dreg:$0x8] =	wrdreg s0  }
0x17: {  	s12 =	sadd.s32 s2, s19;
	s0 =	smov.u32 s4;
	[dreg:$0x9] =	wrdreg s6  }
0x18: {  	s19 =	sshrl.u32 s10, $0x3;
	s2 =	simm.s32 $0xD80;
	s6 =	simm.s32 $0xE00  }
0x19: {  	s7 =	simm.s32 $0x700;
	s8 =	simm.s32 $0xE80;
	[dreg:$0x6] =	wrdreg s20  }
.Ltmp0:
0x1a: {  	s10 =	simm.s32 $0xF00;
	[dreg:$0x7] =	wrdreg s12;
	(pc) =	sbr.rel .LBB2_1-.Ltmp0, $4  }
0x1b: {  	s0 =	smov.u32 @p0 s9;
	s20 =	simm.s32 $0x400;
	s9 =	simm.s32 $0x780  }
0x1c: {  	[dreg:$0xc] =	wrdreg s19;
	s0 =	sadd.s32 s0, s18;
	s18 =	simm.s32 $0x3  }
0x1d: {  	[dreg:$0xa] =	wrdreg s0;
	s0 =	sadd.s32 s24, s25;
	s24 =	simm.s32 $0x5000  }
0x1e: {  	s25 =	simm.s32 $0x1;
	s13 =	sadd.s32 $0x180, s0;
	s0 =	simm.s32 $0x600  }
.LBB2_4:
0x1f: {  	_ =	swait.ge [sflag:s29], $0x4000  }
0x20: {  	[sflag:s29] =	ssyncset.done $0x0  }
0x21: {  	[sflag:s29] =	ssyncadd.s32 $0xFFFFC000  }
0x22: {  	[spmem:s1] =	stream.indirect.scatter.add.f32 [tilespmem:s24], [sflag:$0x4], $0x80, s11, s22, $0xb8;
	[tilespmem:$0x1D000] =	vst v63  }
0x23: {  	_ =	swait.ge [sflag:s26], $0x4000  }
0x24: {  	[sflag:s26] =	ssyncset.done $0x0  }
0x25: {  	[sflag:s26] =	ssyncadd.s32 $0xFFFFC000  }
0x26: {  	[bflag:$0x0] =	sbarrier.arrive $0xFFFF  }
0x27: {  	s12 =	rddreg [dreg:$0x8]  }
0x28: {  	s17 =	rddreg [dreg:$0xb]  }
0x29: {  	s19 =	rddreg [dreg:$0xc]  }
0x2a: {  	[hbm:s12], [sflag:s17] =	dma.local [spmem:s19], $0x2800  }
0x2b: {  	_ =	swait.ge [sflag:s18], $0x2800  }
0x2c: {  	s28 =	rddreg [dreg:$0xd]  }
0x2d: {  	s30 =	rddreg [dreg:$0x9];
	s28 =	sadd.s32 $0x1, s28  }
0x2e: {  	p0 =	sne.s32 s28, s30  }
.Ltmp1:
0x2f: {  	_ = 	snop;
	(pc) =	sbr.rel @!p0 .LBB2_5-.Ltmp1, $3  }
0x30: {  	_ =	sdelay $0x1  }
0x31: {  	[sflag:s18] =	ssyncset.done $0x0  }
0x32: {  	[sflag:s18] =	ssyncadd.s32 $0xFFFFD800  }
.LBB2_1:
0x33: {  	[dreg:$0xd] =	wrdreg s28  }
0x34: {  	s12 =	rddreg [dreg:$0xa]  }
0x35: {  	[spmem:s19], [sflag:s17] =	dma.local [hbm:s12], $0x2800  }
0x36: {  	_ =	swait.ge [sflag:s18], $0x2800  }
0x37: {  	[sflag:s18] =	ssyncset.done $0x0  }
0x38: {  	s30 =	rddreg [dreg:$0x4];
	[sflag:s18] =	ssyncadd.s32 $0xFFFFD800  }
0x39: {  	[tilespmem:s3], [sflag:$0x3] =	stream.linear.gather [hbm4b:s30+s3], $0x400, $0x38;
	[tilespmem:$0x1D000] =	vst v63  }
0x3a: {  	_ =	swait.ge [sflag:s18], $0x400  }
0x3b: {  	[sflag:s18] =	ssyncset.done $0x0  }
0x3c: {  	s19 =	simm.s32 $0x800;
	s17 =	rddreg [dreg:$0x5];
	[sflag:s18] =	ssyncadd.s32 $0xFFFFFC00  }
0x3d: {  	[tilespmem:s19], [sflag:$0x3] =	stream.linear.gather [hbm4b:s17+s3], $0x400, $0x38;
	[tilespmem:$0x1D000] =	vst v63  }
0x3e: {  	_ =	swait.ge [sflag:s18], $0x400  }
0x3f: {  	[sflag:s18] =	ssyncset.done $0x0  }
0x40: {  	s28 =	rddreg [dreg:$0x6];
	[sflag:s18] =	ssyncadd.s32 $0xFFFFFC00  }
0x41: {  	[tilespmem:s20], [sflag:$0x3] =	stream.linear.gather [hbm4b:s28+s3], $0x400, $0x38;
	[tilespmem:$0x1D000] =	vst v63  }
0x42: {  	_ =	swait.ge [sflag:s18], $0x400  }
0x43: {  	[sflag:s18] =	ssyncset.done $0x0  }
0x44: {  	s30 =	rddreg [dreg:$0x7];
	[sflag:s18] =	ssyncadd.s32 $0xFFFFFC00  }
0x45: {  	[tilespmem:s21], [sflag:$0x3] =	stream.linear.gather [hbm4b:s30+s3], $0x400, $0x38;
	[tilespmem:$0x1D000] =	vst v63  }
0x46: {  	_ =	swait.ge [sflag:s18], $0x400  }
0x47: {  	[sflag:s18] =	ssyncset.done $0x0  }
0x48: {  	[sflag:s18] =	ssyncadd.s32 $0xFFFFFC00  }
0x49: {  	[bflag:$0x0] =	sbarrier.arrive $0xFFFF  }
0x4a: {  	[tilespmem:s23], [sflag:$0x1] =	stream.indirect.gather [hbm4b:s4+s22], $0x80, s3, s22, $0xb8;
	[tilespmem:$0x1D000] =	vst v63  }
0x4b: {  	s12 =	simm.s32 $0x0  }
0x4c: {  	[tilespmem:s24], [sflag:$0x2] =	stream.indirect.gather [hbm4b:s4+s22], $0x80, s22, s22, $0xb8;
	[tilespmem:$0x1D000] =	vst v63  }
.LBB2_2:
0x4d: {  	_ =	swait.ge [sflag:s25], $0x4000  }
0x4e: {  	[sflag:s25] =	ssyncset.done $0x0  }
0x4f: {  	s17 =	simm.s32 $0x800;
	[sflag:s25] =	ssyncadd.s32 $0xFFFFC000  }
0x50: {  	[spmem:s1] =	stream.indirect.scatter.add.f32 [tilespmem:s23], [sflag:$0x4], $0x80, s17, s22, $0xb8;
	[tilespmem:$0x1D000] =	vst v63  }
0x51: {  	_ =	swait.ge [sflag:s26], $0x4000  }
0x52: {  	[sflag:s26] =	ssyncset.done $0x0  }
0x53: {  	s28 =	simm.s32 $0x100;
	[sflag:s26] =	ssyncadd.s32 $0xFFFFC000  }
0x54: {  	[tilespmem:s23], [sflag:$0x1] =	stream.indirect.gather [hbm4b:s4+s22], $0x80, s28, s22, $0xb8;
	[tilespmem:$0x1D000] =	vst v63  }
0x55: {  	_ =	swait.ge [sflag:s29], $0x4000  }
0x56: {  	[sflag:s29] =	ssyncset.done $0x0  }
0x57: {  	s30 =	simm.s32 $0x880;
	[sflag:s29] =	ssyncadd.s32 $0xFFFFC000  }
0x58: {  	[spmem:s1] =	stream.indirect.scatter.add.f32 [tilespmem:s24], [sflag:$0x4], $0x80, s30, s22, $0xb8;
	[tilespmem:$0x1D000] =	vst v63  }
0x59: {  	_ =	swait.ge [sflag:s26], $0x4000  }
0x5a: {  	[sflag:s26] =	ssyncset.done $0x0  }
0x5b: {  	s19 =	simm.s32 $0x180;
	[sflag:s26] =	ssyncadd.s32 $0xFFFFC000  }
0x5c: {  	[tilespmem:s24], [sflag:$0x2] =	stream.indirect.gather [hbm4b:s4+s22], $0x80, s19, s22, $0xb8;
	[tilespmem:$0x1D000] =	vst v63  }
0x5d: {  	_ =	swait.ge [sflag:s25], $0x4000  }
0x5e: {  	[sflag:s25] =	ssyncset.done $0x0  }
0x5f: {  	s28 =	simm.s32 $0x900;
	[sflag:s25] =	ssyncadd.s32 $0xFFFFC000  }
0x60: {  	[spmem:s1] =	stream.indirect.scatter.add.f32 [tilespmem:s23], [sflag:$0x4], $0x80, s28, s22, $0xb8;
	[tilespmem:$0x1D000] =	vst v63  }
0x61: {  	_ =	swait.ge [sflag:s26], $0x4000  }
0x62: {  	[sflag:s26] =	ssyncset.done $0x0  }
0x63: {  	s30 =	simm.s32 $0x200;
	[sflag:s26] =	ssyncadd.s32 $0xFFFFC000  }
0x64: {  	[tilespmem:s23], [sflag:$0x1] =	stream.indirect.gather [hbm4b:s4+s22], $0x80, s30, s22, $0xb8;
	[tilespmem:$0x1D000] =	vst v63  }
0x65: {  	_ =	swait.ge [sflag:s29], $0x4000  }
0x66: {  	[sflag:s29] =	ssyncset.done $0x0  }
0x67: {  	s19 =	simm.s32 $0x980;
	[sflag:s29] =	ssyncadd.s32 $0xFFFFC000  }
0x68: {  	[spmem:s1] =	stream.indirect.scatter.add.f32 [tilespmem:s24], [sflag:$0x4], $0x80, s19, s22, $0xb8;
	[tilespmem:$0x1D000] =	vst v63  }
0x69: {  	_ =	swait.ge [sflag:s26], $0x4000  }
0x6a: {  	[sflag:s26] =	ssyncset.done $0x0  }
0x6b: {  	s28 =	simm.s32 $0x280;
	[sflag:s26] =	ssyncadd.s32 $0xFFFFC000  }
0x6c: {  	[tilespmem:s24], [sflag:$0x2] =	stream.indirect.gather [hbm4b:s4+s22], $0x80, s28, s22, $0xb8;
	[tilespmem:$0x1D000] =	vst v63  }
0x6d: {  	_ =	swait.ge [sflag:s25], $0x4000  }
0x6e: {  	[sflag:s25] =	ssyncset.done $0x0  }
0x6f: {  	s30 =	simm.s32 $0xA00;
	[sflag:s25] =	ssyncadd.s32 $0xFFFFC000  }
0x70: {  	[spmem:s1] =	stream.indirect.scatter.add.f32 [tilespmem:s23], [sflag:$0x4], $0x80, s30, s22, $0xb8;
	[tilespmem:$0x1D000] =	vst v63  }
0x71: {  	_ =	swait.ge [sflag:s26], $0x4000  }
0x72: {  	[sflag:s26] =	ssyncset.done $0x0  }
0x73: {  	s19 =	simm.s32 $0x300;
	[sflag:s26] =	ssyncadd.s32 $0xFFFFC000  }
0x74: {  	[tilespmem:s23], [sflag:$0x1] =	stream.indirect.gather [hbm4b:s4+s22], $0x80, s19, s22, $0xb8;
	[tilespmem:$0x1D000] =	vst v63  }
0x75: {  	_ =	swait.ge [sflag:s29], $0x4000  }
0x76: {  	[sflag:s29] =	ssyncset.done $0x0  }
0x77: {  	s28 =	simm.s32 $0xA80;
	[sflag:s29] =	ssyncadd.s32 $0xFFFFC000  }
0x78: {  	[spmem:s1] =	stream.indirect.scatter.add.f32 [tilespmem:s24], [sflag:$0x4], $0x80, s28, s22, $0xb8;
	[tilespmem:$0x1D000] =	vst v63  }
0x79: {  	_ =	swait.ge [sflag:s26], $0x4000  }
0x7a: {  	[sflag:s26] =	ssyncset.done $0x0  }
0x7b: {  	s30 =	simm.s32 $0x380;
	[sflag:s26] =	ssyncadd.s32 $0xFFFFC000  }
0x7c: {  	[tilespmem:s24], [sflag:$0x2] =	stream.indirect.gather [hbm4b:s4+s22], $0x80, s30, s22, $0xb8;
	[tilespmem:$0x1D000] =	vst v63  }
0x7d: {  	_ =	swait.ge [sflag:s25], $0x4000  }
0x7e: {  	[sflag:s25] =	ssyncset.done $0x0  }
0x7f: {  	s19 =	simm.s32 $0xB00;
	[sflag:s25] =	ssyncadd.s32 $0xFFFFC000  }
0x80: {  	[spmem:s1] =	stream.indirect.scatter.add.f32 [tilespmem:s23], [sflag:$0x4], $0x80, s19, s22, $0xb8;
	[tilespmem:$0x1D000] =	vst v63  }
0x81: {  	_ =	swait.ge [sflag:s26], $0x4000  }
0x82: {  	[sflag:s26] =	ssyncset.done $0x0  }
0x83: {  	[sflag:s26] =	ssyncadd.s32 $0xFFFFC000  }
0x84: {  	[tilespmem:s23], [sflag:$0x1] =	stream.indirect.gather [hbm4b:s4+s22], $0x80, s20, s22, $0xb8;
	[tilespmem:$0x1D000] =	vst v63  }
0x85: {  	_ =	swait.ge [sflag:s29], $0x4000  }
0x86: {  	[sflag:s29] =	ssyncset.done $0x0  }
0x87: {  	s28 =	simm.s32 $0xB80;
	[sflag:s29] =	ssyncadd.s32 $0xFFFFC000  }
0x88: {  	[spmem:s1] =	stream.indirect.scatter.add.f32 [tilespmem:s24], [sflag:$0x4], $0x80, s28, s22, $0xb8;
	[tilespmem:$0x1D000] =	vst v63  }
0x89: {  	_ =	swait.ge [sflag:s26], $0x4000  }
0x8a: {  	[sflag:s26] =	ssyncset.done $0x0  }
0x8b: {  	p0 =	seq.s32 s12, $0x400;
	s30 =	simm.s32 $0x480;
	[sflag:s26] =	ssyncadd.s32 $0xFFFFC000  }
0x8c: {  	[tilespmem:s24], [sflag:$0x2] =	stream.indirect.gather [hbm4b:s4+s22], $0x80, s30, s22, $0xb8;
	[tilespmem:$0x1D000] =	vst v63  }
0x8d: {  	s17 =	sadd.s32 @!p0 s12, s15;
	s19 =	simm.s32 @!p0 $0x0  }
0x8e: {  	[tilespmem:s19], [sflag:$0x4] =	stream.linear.gather @!p0 [hbm4b:s17+s19], $0x400, $0x38;
	[tilespmem:$0x1D000] =	vst v63  }
0x8f: {  	s17 =	simm.s32 @!p0 $0x4  }
0x90: {  	_ =	swait.ge @!p0 [sflag:s17], $0x400  }
0x91: {  	[sflag:s17] =	ssyncset.done @!p0 $0x0  }
0x92: {  	s28 =	sadd.s32 @!p0 s12, s16;
	s30 =	simm.s32 @!p0 $0x800;
	[sflag:s17] =	ssyncadd.s32 @!p0 $0xFFFFFC00  }
0x93: {  	[tilespmem:s30], [sflag:$0x4] =	stream.linear.gather @!p0 [hbm4b:s28+s19], $0x400, $0x38;
	[tilespmem:$0x1D000] =	vst v63  }
0x94: {  	_ =	swait.ge @!p0 [sflag:s17], $0x400  }
0x95: {  	[sflag:s17] =	ssyncset.done @!p0 $0x0  }
0x96: {  	[sflag:s17] =	ssyncadd.s32 @!p0 $0xFFFFFC00  }
0x97: {  	_ =	swait.ge [sflag:s25], $0x4000  }
0x98: {  	[sflag:s25] =	ssyncset.done $0x0  }
0x99: {  	[sflag:s25] =	ssyncadd.s32 $0xFFFFC000  }
0x9a: {  	[spmem:s1] =	stream.indirect.scatter.add.f32 [tilespmem:s23], [sflag:$0x4], $0x80, s21, s22, $0xb8;
	[tilespmem:$0x1D000] =	vst v63  }
0x9b: {  	_ =	swait.ge [sflag:s26], $0x4000  }
0x9c: {  	[sflag:s26] =	ssyncset.done $0x0  }
0x9d: {  	s19 =	simm.s32 $0x500;
	[sflag:s26] =	ssyncadd.s32 $0xFFFFC000  }
0x9e: {  	[tilespmem:s23], [sflag:$0x1] =	stream.indirect.gather [hbm4b:s4+s22], $0x80, s19, s22, $0xb8;
	[tilespmem:$0x1D000] =	vst v63  }
0x9f: {  	_ =	swait.ge [sflag:s29], $0x4000  }
0xa0: {  	[sflag:s29] =	ssyncset.done $0x0  }
0xa1: {  	s28 =	simm.s32 $0xC80;
	[sflag:s29] =	ssyncadd.s32 $0xFFFFC000  }
0xa2: {  	[spmem:s1] =	stream.indirect.scatter.add.f32 [tilespmem:s24], [sflag:$0x4], $0x80, s28, s22, $0xb8;
	[tilespmem:$0x1D000] =	vst v63  }
0xa3: {  	_ =	swait.ge [sflag:s26], $0x4000  }
0xa4: {  	[sflag:s26] =	ssyncset.done $0x0  }
0xa5: {  	s30 =	simm.s32 $0x580;
	[sflag:s26] =	ssyncadd.s32 $0xFFFFC000  }
0xa6: {  	[tilespmem:s24], [sflag:$0x2] =	stream.indirect.gather [hbm4b:s4+s22], $0x80, s30, s22, $0xb8;
	[tilespmem:$0x1D000] =	vst v63  }
0xa7: {  	_ =	swait.ge [sflag:s25], $0x4000  }
0xa8: {  	[sflag:s25] =	ssyncset.done $0x0  }
0xa9: {  	[sflag:s25] =	ssyncadd.s32 $0xFFFFC000  }
0xaa: {  	[spmem:s1] =	stream.indirect.scatter.add.f32 [tilespmem:s23], [sflag:$0x4], $0x80, s31, s22, $0xb8;
	[tilespmem:$0x1D000] =	vst v63  }
0xab: {  	_ =	swait.ge [sflag:s26], $0x4000  }
0xac: {  	[sflag:s26] =	ssyncset.done $0x0  }
0xad: {  	[sflag:s26] =	ssyncadd.s32 $0xFFFFC000  }
0xae: {  	[tilespmem:s23], [sflag:$0x1] =	stream.indirect.gather [hbm4b:s4+s22], $0x80, s0, s22, $0xb8;
	[tilespmem:$0x1D000] =	vst v63  }
0xaf: {  	_ =	swait.ge [sflag:s29], $0x4000  }
0xb0: {  	[sflag:s29] =	ssyncset.done $0x0  }
0xb1: {  	[sflag:s29] =	ssyncadd.s32 $0xFFFFC000  }
0xb2: {  	[spmem:s1] =	stream.indirect.scatter.add.f32 [tilespmem:s24], [sflag:$0x4], $0x80, s2, s22, $0xb8;
	[tilespmem:$0x1D000] =	vst v63  }
0xb3: {  	_ =	swait.ge [sflag:s26], $0x4000  }
0xb4: {  	[sflag:s26] =	ssyncset.done $0x0  }
0xb5: {  	[sflag:s26] =	ssyncadd.s32 $0xFFFFC000  }
0xb6: {  	[tilespmem:s24], [sflag:$0x2] =	stream.indirect.gather [hbm4b:s4+s22], $0x80, s5, s22, $0xb8;
	[tilespmem:$0x1D000] =	vst v63  }
0xb7: {  	_ =	swait.ge [sflag:s25], $0x4000  }
0xb8: {  	[sflag:s25] =	ssyncset.done $0x0  }
0xb9: {  	[sflag:s25] =	ssyncadd.s32 $0xFFFFC000  }
0xba: {  	[spmem:s1] =	stream.indirect.scatter.add.f32 [tilespmem:s23], [sflag:$0x4], $0x80, s6, s22, $0xb8;
	[tilespmem:$0x1D000] =	vst v63  }
0xbb: {  	_ =	swait.ge [sflag:s26], $0x4000  }
0xbc: {  	[sflag:s26] =	ssyncset.done $0x0  }
0xbd: {  	[sflag:s26] =	ssyncadd.s32 $0xFFFFC000  }
0xbe: {  	[tilespmem:s23], [sflag:$0x1] =	stream.indirect.gather [hbm4b:s4+s22], $0x80, s7, s22, $0xb8;
	[tilespmem:$0x1D000] =	vst v63  }
0xbf: {  	_ =	swait.ge [sflag:s29], $0x4000  }
0xc0: {  	[sflag:s29] =	ssyncset.done $0x0  }
0xc1: {  	[sflag:s29] =	ssyncadd.s32 $0xFFFFC000  }
0xc2: {  	[spmem:s1] =	stream.indirect.scatter.add.f32 [tilespmem:s24], [sflag:$0x4], $0x80, s8, s22, $0xb8;
	[tilespmem:$0x1D000] =	vst v63  }
0xc3: {  	_ =	swait.ge [sflag:s26], $0x4000  }
0xc4: {  	[sflag:s26] =	ssyncset.done $0x0  }
0xc5: {  	[sflag:s26] =	ssyncadd.s32 $0xFFFFC000  }
0xc6: {  	[tilespmem:s24], [sflag:$0x2] =	stream.indirect.gather [hbm4b:s4+s22], $0x80, s9, s22, $0xb8;
	[tilespmem:$0x1D000] =	vst v63  }
0xc7: {  	_ =	swait.ge [sflag:s25], $0x4000  }
0xc8: {  	[sflag:s25] =	ssyncset.done $0x0  }
.Ltmp2:
0xc9: {  	[sflag:s25] =	ssyncadd.s32 $0xFFFFC000;
	(pc) =	sbr.rel @p0 .LBB2_4-.Ltmp2, $4  }
0xca: {  	[spmem:s1] =	stream.indirect.scatter.add.f32 [tilespmem:s23], [sflag:$0x4], $0x80, s10, s22, $0xb8;
	[tilespmem:$0x1D000] =	vst v63  }
0xcb: {  	_ =	swait.ge [sflag:s26], $0x4000  }
0xcc: {  	[sflag:s26] =	ssyncset.done $0x0  }
0xcd: {  	[sflag:s26] =	ssyncadd.s32 $0xFFFFC000  }
0xce: {  	[tilespmem:s23], [sflag:$0x1] =	stream.indirect.gather [hbm4b:s4+s22], $0x80, s3, s22, $0xb8;
	[tilespmem:$0x1D000] =	vst v63  }
0xcf: {  	_ =	swait.ge [sflag:s29], $0x4000  }
0xd0: {  	[sflag:s29] =	ssyncset.done $0x0  }
0xd1: {  	[sflag:s29] =	ssyncadd.s32 $0xFFFFC000  }
0xd2: {  	[spmem:s1] =	stream.indirect.scatter.add.f32 [tilespmem:s24], [sflag:$0x4], $0x80, s11, s22, $0xb8;
	[tilespmem:$0x1D000] =	vst v63  }
0xd3: {  	_ =	swait.ge [sflag:s26], $0x4000  }
0xd4: {  	[sflag:s26] =	ssyncset.done $0x0  }
0xd5: {  	[sflag:s26] =	ssyncadd.s32 $0xFFFFC000  }
0xd6: {  	[tilespmem:s24], [sflag:$0x2] =	stream.indirect.gather [hbm4b:s4+s22], $0x80, s22, s22, $0xb8;
	[tilespmem:$0x1D000] =	vst v63  }
0xd7: {  	s17 =	sadd.s32 s12, s14  }
0xd8: {  	[tilespmem:s20], [sflag:$0x4] =	stream.linear.gather [hbm4b:s17+s3], $0x400, $0x38;
	[tilespmem:$0x1D000] =	vst v63  }
0xd9: {  	_ =	swait.ge [sflag:s26], $0x400  }
0xda: {  	[sflag:s26] =	ssyncset.done $0x0  }
.Ltmp3:
0xdb: {  	s30 =	sadd.s32 s12, s13;
	[sflag:s26] =	ssyncadd.s32 $0xFFFFFC00;
	(pc) =	sbr.rel .LBB2_2-.Ltmp3, $4  }
0xdc: {  	[tilespmem:s21], [sflag:$0x3] =	stream.linear.gather [hbm4b:s30+s3], $0x400, $0x38;
	[tilespmem:$0x1D000] =	vst v63  }
0xdd: {  	_ =	swait.ge [sflag:s18], $0x400  }
0xde: {  	[sflag:s18] =	ssyncset.done $0x0  }
0xdf: {  	s12 =	sadd.s32 $0x100, s12;
	[sflag:s18] =	ssyncadd.s32 $0xFFFFFC00  }
.LBB2_5:
0xe0: {  	_ =	sfence.sel $0x180000  }
0xe1: {  	[bflag:$0x0] =	sbarrier.arrive $0xFFFF  }
0xe2: {  	_ =	strace $0x9000004D  }
0xe3: {  	s0 =	stileid.u32;
	[bflag:$0x2] =	sbarrier.arrive $0xFFFF  }
0xe4: {  	p0 =	sne.s32 s0, $0x0;
	s0 =	rddreg [dreg:$0x3]  }
0xe5: {  	s0 =	sadd.s32 @!p0 $0x100000, s0  }
0xe6: {  	[sflag:s0] =	ssyncadd.tile.s32 @!p0 $0x1;
	_ =	shalt  }
.Lfunc_end2:
_tile_overlayer_lowered:
.L_overlay_start_2:
0xe7: {  	(tag) =	ssettag $0x2  }
0xe8: {  	s0 =	rddreg [dreg:$0x0];
	s2 =	stileid.u32  }
0xe9: {  	s1 =	rddreg [dreg:$0x1];
	p0 =	sne.s32 s2, $0x0  }
0xea: {  	s3 =	rddreg [dreg:$0x2];
	[bflag:$0x3] =	sbarrier.arrive $0xFFFF;
	s2 =	simm.s32 @!p0 $0x1C03  }
0xeb: {  	[timem:s3], [sflag:s2] =	dma.local @!p0 [hbm:s0], s1  }
0xec: {  	s0 =	simm.s32 @!p0 $0x3  }
0xed: {  	_ =	swait.ge @!p0 [sflag:s0], s1  }
0xee: {  	s1 =	ssub.s32 @!p0 $0x0, s1;
	[sflag:s0] =	ssyncset.done @!p0 $0x0  }
0xef: {  	[sflag:s0] =	ssyncadd.s32 @!p0 s1  }
0xf0: {  	[bflag:$0x3] =	sbarrier.arrive $0xFFFF  }
0xf1: {  	_ =	shalt  }

// kernel: kernel.9.cloned.1.call-start
scs
__scs_entry_jumppad:
0x0: {  	(pc) =	sbr.rel $0x88, $3  }
0x1: {  	(tag) =	ssettag $0x0;
	lr =	simm.s32 $0x1  }
0x2: {  	[smem:$0x3F98] =	sst lr;
	_ =	strace $0xD0000000  }
0x3: {  	_ = 	snop  }
0x4: {  	_ = 	snop  }
0x5: {  	_ = 	snop  }
0x6: {  	_ = 	snop  }
0x7: {  	_ = 	snop  }
__scs_overlays_trampoline_lowered:
0x8: {  	[smem:$0x3FA7] =	sst s0  }
0x9: {  	[smem:$0x3FA8] =	sst s1  }
0xa: {  	[smem:$0x3FA9] =	sst s2  }
0xb: {  	[smem:$0x3FAA] =	sst s3  }
0xc: {  	[smem:$0x3FAB] =	sst s4  }
0xd: {  	[smem:$0x3FAC] =	sst s5  }
0xe: {  	[smem:$0x3FAD] =	sst s6  }
0xf: {  	[smem:$0x3FAE] =	sst s7  }
0x10: {  	[smem:$0x3FAF] =	sst s8  }
0x11: {  	[smem:$0x3FB0] =	sst s9;
	s0 =	simm.s32 @!p0 $0x0  }
0x12: {  	s1 =	sld [smem:$0x3F96];
	s0 =	simm.s32 @p0 $0x1  }
0x13: {  	[smem:$0x3FB1] =	sst s0;
	s0 =	simm.s32 @!p1 $0x0  }
0x14: {  	s2 =	sld [smem:$0x3F95];
	s0 =	simm.s32 @p1 $0x1  }
0x15: {  	[smem:$0x3FB2] =	sst s0;
	s0 =	simm.s32 @!p2 $0x0  }
0x16: {  	s3 =	sld [smem:$0x3FDB];
	s0 =	simm.s32 @p2 $0x1  }
0x17: {  	s4 =	simm.s32 $0x1BF5;
	[smem:$0x3FB4] =	sst s0  }
0x18: {  	s0 =	sld [smem:$0x3F97];
	_ =	swait.ge [sflag:s4], $0x0  }
0x19: {  	s7 =	sld [smem:$0x3F98]  }
0x1a: {  	s8 =	sadd.s32 $0xFFFFE003, lr  }
0x1b: {  	s9 =	sadd.s32 $0xFFFFFEF7, lr;
	s5 =	simm.s32 $0xFFFFFFFF;
	p2 =	slt.u32 s8, $0xFFFFF086  }
0x1c: {  	p1 =	slt.u32 s9, $0xF7A;
	s5 =	simm.s32 @!p2 $0x0  }
0x1d: {  	s5 =	simm.s32 @p1 $0x1;
	p0 =	seq.s32 s7, s2  }
0x1e: {  	s7 =	smul.u32 @!p0 $0xF7A, s2;
	p2 =	seq.s32 @!p0 s5, $0x0  }
0x1f: {  	s9 =	smul.u32 $0xF7A, s1;
	s8 =	simm.s32 @!p0 $0x1BF5;
	p2 =	por !p2, p0  }
0x20: {  	[sflag:s8] =	ssyncset.s32 @!p0 $0xFFFFF086;
	s6 =	sadd.s32 @!p0 s3, s7;
	s7 =	simm.s32 @!p0 $0x108  }
0x21: {  	s3 =	sadd.s32 s3, s9;
	s6 =	sadd.s32 @!p0 $0x88, s6;
	s7 =	simm.s32 @p2 $0x1082  }
0x22: {  	[simem:s7], [sflag:s8] =	dma.local @!p0 [hbm:s6], $0xF7A  }
0x23: {  	s9 =	sor.u32 $0xD0000000, s2;
	s6 =	simm.s32 $0x108;
	_ =	swait.ge @!p0 [sflag:s8], $0x0  }
0x24: {  	s3 =	sadd.s32 $0x88, s3;
	s6 =	simm.s32 @!p1 $0x1082;
	[sflag:s4] =	ssyncset.s32 $0xFFFFF086  }
0x25: {  	[simem:s6], [sflag:s4] =	dma.local [hbm:s3], $0xF7A  }
0x26: {  	[smem:$0x3F98] =	sst s1;
	(tag) =	ssettag s2;
	_ =	strace s9  }
0x27: {  	s1 =	sld [smem:$0x3FA8]  }
0x28: {  	s2 =	sld [smem:$0x3FA9]  }
0x29: {  	s4 =	sld [smem:$0x3FAB]  }
0x2a: {  	p0 =	seq.s32 s5, $0x0;
	s5 =	sld [smem:$0x3FAC]  }
0x2b: {  	s6 =	sld [smem:$0x3FAD]  }
0x2c: {  	s7 =	sld [smem:$0x3FAE]  }
0x2d: {  	s3 =	simm.s32 $0x108;
	s8 =	sld [smem:$0x3FAF]  }
0x2e: {  	s3 =	simm.s32 @!p0 $0x1082;
	s9 =	sld [smem:$0x3FB0]  }
0x2f: {  	lr =	sadd.s32 s0, s3;
	s0 =	sld [smem:$0x3FA7]  }
0x30: {  	s3 =	sld [smem:$0x3FAA]  }
0x31: {  	[smem:$0x3FB3] =	sst s10  }
0x32: {  	s10 =	sld [smem:$0x3FB1];
	_ =	sdelay $0x3  }
0x33: {  	p0 =	seq.s32 s10, $0x1;
	s10 =	sld [smem:$0x3FB3];
	_ =	sdelay $0x3  }
0x34: {  	[smem:$0x3FB3] =	sst s10  }
0x35: {  	s10 =	sld [smem:$0x3FB2];
	_ =	sdelay $0x3  }
0x36: {  	p1 =	seq.s32 s10, $0x1;
	s10 =	sld [smem:$0x3FB3];
	_ =	sdelay $0x3  }
0x37: {  	[smem:$0x3FB3] =	sst s10  }
0x38: {  	s10 =	sld [smem:$0x3FB4]  }
0x39: {  	_ = 	snop;
	(pc) =	sbr.ind lr, $3  }
0x3a: {  	_ = 	snop  }
0x3b: {  	_ = 	snop  }
0x3c: {  	p2 =	seq.s32 s10, $0x1;
	s10 =	sld [smem:$0x3FB3]  }
0x3d: {  	_ =	shalt  }
0x3e: {  	_ =	shalt  }
0x3f: {  	_ =	shalt  }
0x40: {  	_ =	shalt  }
0x41: {  	_ =	shalt  }
0x42: {  	_ =	shalt  }
0x43: {  	_ =	shalt  }
0x44: {  	_ =	shalt  }
0x45: {  	_ =	shalt  }
0x46: {  	_ =	shalt  }
0x47: {  	_ =	shalt  }
0x48: {  	_ =	shalt  }
0x49: {  	_ =	shalt  }
0x4a: {  	_ =	shalt  }
0x4b: {  	_ =	shalt  }
0x4c: {  	_ =	shalt  }
0x4d: {  	_ =	shalt  }
0x4e: {  	_ =	shalt  }
0x4f: {  	_ =	shalt  }
0x50: {  	_ =	shalt  }
0x51: {  	_ =	shalt  }
0x52: {  	_ =	shalt  }
0x53: {  	_ =	shalt  }
0x54: {  	_ =	shalt  }
0x55: {  	_ =	shalt  }
0x56: {  	_ =	shalt  }
0x57: {  	_ =	shalt  }
0x58: {  	_ =	shalt  }
0x59: {  	_ =	shalt  }
0x5a: {  	_ =	shalt  }
0x5b: {  	_ =	shalt  }
0x5c: {  	_ =	shalt  }
0x5d: {  	_ =	shalt  }
0x5e: {  	_ =	shalt  }
0x5f: {  	_ =	shalt  }
0x60: {  	_ =	shalt  }
0x61: {  	_ =	shalt  }
0x62: {  	_ =	shalt  }
0x63: {  	_ =	shalt  }
0x64: {  	_ =	shalt  }
0x65: {  	_ =	shalt  }
0x66: {  	_ =	shalt  }
0x67: {  	_ =	shalt  }
0x68: {  	_ =	shalt  }
0x69: {  	_ =	shalt  }
0x6a: {  	_ =	shalt  }
0x6b: {  	_ =	shalt  }
0x6c: {  	_ =	shalt  }
0x6d: {  	_ =	shalt  }
0x6e: {  	_ =	shalt  }
0x6f: {  	_ =	shalt  }
0x70: {  	_ =	shalt  }
0x71: {  	_ =	shalt  }
0x72: {  	_ =	shalt  }
0x73: {  	_ =	shalt  }
0x74: {  	_ =	shalt  }
0x75: {  	_ =	shalt  }
0x76: {  	_ =	shalt  }
0x77: {  	_ =	shalt  }
0x78: {  	_ =	shalt  }
0x79: {  	_ =	shalt  }
0x7a: {  	_ =	shalt  }
0x7b: {  	_ =	shalt  }
0x7c: {  	_ =	shalt  }
0x7d: {  	_ =	shalt  }
0x7e: {  	_ =	shalt  }
0x7f: {  	_ =	shalt  }
0x80: {  	_ =	shalt  }
0x81: {  	_ =	shalt  }
0x82: {  	_ =	shalt  }
0x83: {  	_ =	shalt  }
0x84: {  	_ =	shalt  }
0x85: {  	_ =	shalt  }
0x86: {  	_ =	shalt  }
0x87: {  	_ =	shalt  }
.Lfunc_end0:
.L_simem_size_0:
called_computation_lowered:
.L_overlay_start_0:
0x88: {  	s2 =	sld [smem:$0x3FD9]  }
0x89: {  	s3 =	sld [smem:$0x3FFE];
	_ =	sdelay $0x1  }
0x8a: {  	s1 =	srdreg.scid  }
0x8b: {  	s0 =	sand.u32 $0x1, s1  }
0x8c: {  	s14 =	sshll.u32 s0, $0xA;
	s2 =	sadd.s32 s3, s2  }
0x8d: {  	s2 =	sadd.s32 s2, s14  }
0x8e: {  	[smem:$0x3FBF] =	sst s2  }
0x8f: {  	_ = 	snop  }
0x90: {  	s2 =	sld [smem:$0x3FD0];
	_ =	sdelay $0x2  }
0x91: {  	s15 =	simm.s32 $0xA;
	s4 =	simm.s32 $0x10  }
0x92: {  	[smem:s4], [sflag:s15] =	dma.local [hbm:s2], $0x1  }
0x93: {  	_ =	swait.eq [sflag:s15], $0x1  }
0x94: {  	s16 =	sld [smem:$0x10];
	[sflag:s15] =	ssyncset.done $0x0  }
0x95: {  	s17 =	sld [smem:$0x11];
	[sflag:s15] =	ssyncadd.s32 $0xFFFFFFFF  }
0x96: {  	s18 =	sld [smem:$0x12];
	(tm) =	ssettm $0x1  }
0x97: {  	s5 =	sld [smem:$0x3FFB];
	_ =	sdelay $0x3  }
0x98: {  	_ =	strace s5  }
0x99: {  	s5 =	sld [smem:$0x3FFC];
	_ =	sdelay $0x3  }
0x9a: {  	_ =	strace s5  }
0x9b: {  	s5 =	sld [smem:$0x3FFD];
	_ =	sdelay $0x3  }
0x9c: {  	_ =	strace s5  }
0x9d: {  	_ =	strace $0x8FFFFFFF  }
0x9e: {  	s19 =	sld [smem:$0x3FDB];
	_ =	sdelay $0x1  }
0x9f: {  	s6 =	simm.s32 $_scs_section_size  }
0xa0: {  	s7 =	simm.s32 $_size__tile_overlayer_lowered;
	s8 =	simm.s32 $_tile_overlayer_lowered  }
0xa1: {  	s22 =	simm.s32 $0x1BFF;
	s21 =	sshll.u32 s8, $0x1;
	s5 =	sadd.s32 s6, s19  }
0xa2: {  	s9 =	simm.s32 $0x0;
	s20 =	sshll.u32 s7, $0x1;
	s7 =	sadd.s32 s21, s5  }
0xa3: {  	[timem:s9], [sflag:s22] =	dma.local [hbm:s7], s20  }
0xa4: {  	_ =	swait.ge [sflag:s22], s20  }
0xa5: {  	s6 =	ssub.s32 $0x0, s20;
	[sflag:s22] =	ssyncset.done $0x0  }
0xa6: {  	[sflag:s22] =	ssyncadd.s32 s6;
	_ =	sdelay $0x1  }
0xa7: {  	s23 =	simm.s32 $0x1B8B  }
0xa8: {  	_ =	swait.ge [sflag:s23], $0x1  }
0xa9: {  	[sflag:s23] =	ssyncset.done $0x0  }
0xaa: {  	s25 =	simm.s32 $0x1B8E;
	s24 =	sld [smem:$0x3FFE];
	[sflag:s23] =	ssyncadd.s32 $0xFFFFFFFF  }
0xab: {  	s26 =	simm.s32 $execute0_lowered;
	[smem:$0x3FD2] =	sst s25  }
0xac: {  	s7 =	sshll.u32 s26, $0x1;
	_ =	strace $0x80000046;
	[dreg:$0x1] =	wrdreg $0xFFFFFFFF  }
0xad: {  	s28 =	simm.s32 $_size_execute0_lowered;
	s5 =	sadd.s32 s5, s7;
	[dreg:$0x0] =	wrdreg $0x0  }
0xae: {  	s7 =	sshll.u32 s28, $0x1;
	[dreg:$0x2] =	wrdreg s5  }
0xaf: {  	[dreg:$0x3] =	wrdreg s7  }
0xb0: {  	[dreg:$0x4] =	wrdreg $0xC0  }
0xb1: {  	_ =	task [dreg:s9], $0x5FFFF  }
0xb2: {  	[dreg:$0x1] =	wrdreg $0xFFFFFFFF  }
0xb3: {  	[dreg:$0x0] =	wrdreg $0x60  }
0xb4: {  	[dreg:$0x2] =	wrdreg s16  }
0xb5: {  	[dreg:$0x3] =	wrdreg s17  }
0xb6: {  	[dreg:$0x4] =	wrdreg s24  }
0xb7: {  	[dreg:$0x5] =	wrdreg s18  }
0xb8: {  	[dreg:$0x6] =	wrdreg $0x88800  }
0xb9: {  	[dreg:$0x7] =	wrdreg $0x9  }
0xba: {  	_ =	task.clear_ibuf [dreg:s9], $0x8FFFF;
	_ =	strace $0x90000046  }
0xbb: {  	s29 =	simm.s32 $0x9;
	_ =	strace $0x80000048  }
0xbc: {  	_ =	swait.ge [sflag:s29], $0x1  }
0xbd: {  	[sflag:s29] =	ssyncadd.s32 $0xFFFFFFFF  }
0xbe: {  	_ =	strace $0x90000048  }
0xbf: {  	_ =	sfence  }
0xc0: {  	s30 =	sld [smem:$0x0];
	_ =	sdelay $0x2  }
0xc1: {  	s31 =	sshll.u32 s1, $0xD;
	s1 =	sshrl.u32 s1, $0x2  }
0xc2: {  	s3 =	sand.u32 $0x4000, s31;
	s1 =	sadd.s32 s1, s30  }
0xc3: {  	s0 =	sor.u32 s3, s0;
	s1 =	sshll.u32 s1, $0x11  }
0xc4: {  	s0 =	sor.u32 s1, s0  }
0xc5: {  	s0 =	sadd.s32 $0x8F2B, s0  }
0xc6: {  	[sflag:s0] =	ssyncadd.remote.s32 $0x1  }
0xc7: {  	_ =	sfence.sel $0xFFFF  }
0xc8: {  	[dreg:$0x0] =	wrdreg $0xFFFFFFFF;
	(pc) =	sbr.abs _section_cstart, $3  }
0xc9: {  	[dreg:$0x1] =	wrdreg $0xFFFFFFFF  }
0xca: {  	_ =	task.clear_ibuf [dreg:s9], $0x2FFFF;
	_ =	strace $0x9FFFFFFF  }
0xcb: {  	(tm) =	ssettm $0x7FFFFFFF  }
tec
execute0_lowered:
.L_overlay_start_1:
0x0: {  	(tag) =	ssettag $0x1  }
0x1: {  	s0 =	rddreg [dreg:$0x0]  }
0x2: {  	s2 =	rddreg [dreg:$0x1]  }
0x3: {  	s5 =	rddreg [dreg:$0x2];
	s16 =	stileid.u32  }
0x4: {  	s1 =	srdreg.scid;
	s3 =	rddreg [dreg:$0x4]  }
0x5: {  	s4 =	simm.s32 $0x0;
	s28 =	simm.s32 $0x880;
	s6 =	smul.u32 $0x14000, s16  }
0x6: {  	s29 =	simm.s32 $0x80;
	s30 =	simm.s32 $0x2;
	s10 =	smul.u32 $0x280, s16  }
0x7: {  	s31 =	simm.s32 $0x100;
	s1 =	sand.u32 $0x1, s1;
	s13 =	smul.u32 $0x2800, s16  }
0x8: {  	[smem:$0x7FF] =	sst s4;
	s11 =	sadd.s32 $0x5CC00, s5;
	s26 =	smul.u32 $0x500, s16  }
0x9: {  	s7 =	smul.u32 $0x140000, s1;
	_ =	strace $0x80000047;
	s14 =	ssub.s32 $0x2, s1  }
0xa: {  	s15 =	sshll.u32 s1, $0x4;
	s24 =	smul.u32 $0x5000, s1;
	p0 =	seq.s32 s1, $0x0  }
0xb: {  	s8 =	sshrl.u32 s6, $0x3;
	s9 =	sshrl.u32 s14, $0x1;
	s12 =	sshrl.u32 s10, $0x3  }
0xc: {  	s17 =	sadd.s32 $0x80, s10;
	s13 =	sadd.s32 s11, s13;
	s19 =	sadd.s32 $0x100, s10  }
0xd: {  	s6 =	sadd.s32 s6, s7;
	s7 =	sadd.s32 s8, s5;
	s8 =	ssub.s32 s14, s9  }
0xe: {  	s9 =	sor.u32 s16, s15;
	s14 =	smul.u32 $0x50000, s16;
	s12 =	sadd.s32 s2, s12  }
0xf: {  	[dreg:$0x7] =	wrdreg s13;
	s18 =	sshrl.u32 s17, $0x3;
	s20 =	sshrl.u32 s19, $0x3  }
0x10: {  	s15 =	sadd.s32 $0x180, s10;
	s10 =	sadd.s32 $0x200, s10;
	s6 =	sshrl.u32 s6, $0x3  }
0x11: {  	[dreg:$0x6] =	wrdreg s12;
	s12 =	sshll.u32 s17, $0x4;
	s13 =	sadd.s32 s2, s18  }
0x12: {  	s21 =	sshrl.u32 s15, $0x3;
	s22 =	sshll.u32 s15, $0x4;
	s23 =	sshrl.u32 s10, $0x3  }
0x13: {  	s25 =	sshll.u32 s10, $0x4;
	s17 =	smul.u32 $0xA, s16;
	s7 =	sadd.s32 $0x34C00, s7  }
0x14: {  	s10 =	simm.s32 $0x580;
	s6 =	sadd.s32 s6, s5;
	[dreg:$0x8] =	wrdreg s13  }
0x15: {  	s12 =	sadd.s32 s11, s12;
	s13 =	sadd.s32 s2, s20;
	[dreg:$0x12] =	wrdreg s7  }
0x16: {  	s15 =	sshrl.u32 s14, $0x2;
	s5 =	sadd.s32 $0xCC00, s5;
	[dreg:$0x9] =	wrdreg s12  }
0x17: {  	s7 =	simm.s32 $0x380;
	s14 =	simm.s32 $0x780;
	[dreg:$0xa] =	wrdreg s13  }
0x18: {  	s12 =	sshll.u32 s19, $0x4;
	s13 =	smul.u32 $0xA0, s1;
	[dreg:$0x10] =	wrdreg s5  }
0x19: {  	s18 =	sadd.s32 s15, s3;
	s19 =	smul.u32 $0x500, s9;
	s1 =	simm.s32 $0x3  }
0x1a: {  	s5 =	simm.s32 $0x280;
	s12 =	sadd.s32 s11, s12;
	[dreg:$0x11] =	wrdreg s18  }
0x1b: {  	s9 =	simm.s32 $0x500;
	[dreg:$0xb] =	wrdreg s12;
	s12 =	sadd.s32 s2, s21  }
0x1c: {  	s2 =	sadd.s32 s2, s23;
	s20 =	sadd.s32 s17, s13;
	s21 =	sshll.u32 s16, $0x6  }
0x1d: {  	s13 =	simm.s32 $0x700;
	s16 =	simm.s32 $0x800;
	[dreg:$0xc] =	wrdreg s12  }
0x1e: {  	s17 =	simm.s32 $0x4880;
	s12 =	sadd.s32 s11, s22;
	[dreg:$0xe] =	wrdreg s2  }
0x1f: {  	s2 =	sadd.s32 s11, s25;
	s18 =	sor.u32 $0x1C04, s21;
	s22 =	sadd.s32 s0, s19  }
0x20: {  	s23 =	sshll.u32 s20, $0x7;
	s25 =	sadd.s32 $0x84C00, s6;
	[dreg:$0xd] =	wrdreg s12  }
0x21: {  	s6 =	simm.s32 $0x300;
	s11 =	simm.s32 $0x600;
	[dreg:$0xf] =	wrdreg s2  }
0x22: {  	s20 =	simm.s32 $0x1;
	s21 =	simm.s32 $0x0;
	[dreg:$0x14] =	wrdreg s22  }
0x23: {  	s12 =	sadd.s32 s24, s0;
	s0 =	sadd.s32 s0, s23;
	[dreg:$0x16] =	wrdreg s25  }
.Ltmp0:
0x24: {  	s24 =	sadd.s32 $0x80, s22;
	[dreg:$0x13] =	wrdreg s18;
	(pc) =	sbr.rel .LBB2_1-.Ltmp0, $4  }
0x25: {  	s25 =	simm.s32 $0x4;
	s2 =	sadd.s32 s26, s12;
	[dreg:$0x15] =	wrdreg s24  }
0x26: {  	s26 =	smax.u32 s8, $0x1;
	s24 =	sadd.s32 $0x100, s0;
	s0 =	simm.s32 $0x180  }
0x27: {  	s8 =	simm.s32 $0x480;
	s12 =	simm.s32 $0x680;
	[dreg:$0x17] =	wrdreg s26  }
0x28: {  	s23 =	sadd.s32 $0x180, s2;
	s26 =	simm.s32 $0x400;
	s2 =	simm.s32 $0x200  }
.LBB2_6:
0x29: {  	_ =	swait.ge [sflag:s1], $0x4000  }
0x2a: {  	[sflag:s1] =	ssyncset.done $0x0  }
0x2b: {  	[sflag:s1] =	ssyncadd.s32 $0xFFFFC000  }
0x2c: {  	[bflag:$0x0] =	sbarrier.arrive $0xFFFF  }
0x2d: {  	s18 =	rddreg [dreg:$0x13]  }
0x2e: {  	s15 =	rddreg [dreg:$0x16]  }
0x2f: {  	[hbm:s15], [sflag:s18] =	dma.local [spmem:s22], $0x2800  }
0x30: {  	_ =	swait.ge [sflag:s25], $0x2800  }
0x31: {  	s21 =	sadd.s32 $0x1, s21;
	s22 =	rddreg [dreg:$0x17]  }
0x32: {  	p1 =	sne.s32 s21, s22  }
.Ltmp1:
0x33: {  	_ = 	snop;
	(pc) =	sbr.rel @!p1 .LBB2_7-.Ltmp1, $3  }
0x34: {  	_ =	sdelay $0x1  }
0x35: {  	[sflag:s25] =	ssyncset.done $0x0  }
0x36: {  	[sflag:s25] =	ssyncadd.s32 $0xFFFFD800  }
.LBB2_1:
0x37: {  	s15 =	rddreg [dreg:$0x11]  }
0x38: {  	s19 =	rddreg [dreg:$0x12];
	s22 =	sshrl.u32 s15, $0x3  }
0x39: {  	[spmem:s22], [sflag:s18] =	dma.local [hbm:s19], $0x2800  }
0x3a: {  	_ =	swait.ge [sflag:s25], $0x2800  }
0x3b: {  	[sflag:s25] =	ssyncset.done $0x0  }
0x3c: {  	s19 =	rddreg [dreg:$0x14];
	[sflag:s25] =	ssyncadd.s32 $0xFFFFD800  }
0x3d: {  	[tilespmem:s4], [sflag:$0x4] =	stream.linear.gather [hbm4b:s19+s4], $0x400, $0x38;
	[tilespmem:$0x1C880] =	vst v63  }
0x3e: {  	_ =	swait.ge [sflag:s25], $0x400  }
0x3f: {  	[sflag:s25] =	ssyncset.done $0x0  }
0x40: {  	s18 =	rddreg [dreg:$0x15];
	[sflag:s25] =	ssyncadd.s32 $0xFFFFFC00  }
0x41: {  	[tilespmem:s26], [sflag:$0x4] =	stream.linear.gather [hbm4b:s18+s4], $0x400, $0x38;
	[tilespmem:$0x1C880] =	vst v63  }
0x42: {  	_ =	swait.ge [sflag:s25], $0x400  }
0x43: {  	[sflag:s25] =	ssyncset.done $0x0  }
0x44: {  	[sflag:s25] =	ssyncadd.s32 $0xFFFFFC00  }
.Ltmp2:
0x45: {  	s19 =	rddreg [dreg:$0x3];
	(pc) =	sbr.rel @p0 .LBB2_3-.Ltmp2, $4  }
0x46: {  	[tilespmem:s28], [sflag:$0x4] =	stream.linear.gather [hbm4b:s19+s4], $0x4000, $0x38;
	[tilespmem:$0x1C880] =	vst v63  }
0x47: {  	_ =	swait.ge [sflag:s25], $0x4000  }
0x48: {  	[sflag:s25] =	ssyncset.done $0x0  }
0x49: {  	[sflag:s25] =	ssyncadd.s32 $0xFFFFC000  }
0x4a: {  	s15 =	rddreg [dreg:$0x6]  }
0x4b: {  	[tilespmem:s16], [sflag:$0x4] =	stream.linear.gather [hbm4b:s15+s4], $0x80, $0x38;
	[tilespmem:$0x1C880] =	vst v63  }
0x4c: {  	_ =	swait.ge [sflag:s25], $0x80  }
0x4d: {  	[sflag:s25] =	ssyncset.done $0x0  }
0x4e: {  	s18 =	rddreg [dreg:$0x10];
	[sflag:s25] =	ssyncadd.s32 $0xFFFFFF80  }
0x4f: {  	[tilespmem:s17], [sflag:$0x1] =	stream.indirect.gather [hbm4b:s18+s29], $0x80, s16, s29, $0xb8;
	[tilespmem:$0x1C880] =	vst v63  }
0x50: {  	_ =	swait.ge [sflag:s20], $0x4000  }
0x51: {  	[sflag:s20] =	ssyncset.done $0x0  }
0x52: {  	s19 =	rddreg [dreg:$0x7];
	[sflag:s20] =	ssyncadd.s32 $0xFFFFC000  }
0x53: {  	[hbm4b:s19+s4] =	stream.linear.scatter [tilespmem:s17], [sflag:$0x4], $0x4000, $0x38;
	[tilespmem:$0x1C880] =	vst v63  }
0x54: {  	_ =	swait.ge [sflag:s25], $0x4000  }
0x55: {  	[sflag:s25] =	ssyncset.done $0x0  }
0x56: {  	s19 =	rddreg [dreg:$0x8];
	[sflag:s25] =	ssyncadd.s32 $0xFFFFC000  }
0x57: {  	[tilespmem:s16], [sflag:$0x4] =	stream.linear.gather [hbm4b:s19+s4], $0x80, $0x38;
	[tilespmem:$0x1C880] =	vst v63  }
0x58: {  	_ =	swait.ge [sflag:s25], $0x80  }
0x59: {  	[sflag:s25] =	ssyncset.done $0x0  }
0x5a: {  	[sflag:s25] =	ssyncadd.s32 $0xFFFFFF80  }
0x5b: {  	[tilespmem:s17], [sflag:$0x1] =	stream.indirect.gather [hbm4b:s18+s29], $0x80, s16, s29, $0xb8;
	[tilespmem:$0x1C880] =	vst v63  }
0x5c: {  	_ =	swait.ge [sflag:s20], $0x4000  }
0x5d: {  	[sflag:s20] =	ssyncset.done $0x0  }
0x5e: {  	s19 =	rddreg [dreg:$0x9];
	[sflag:s20] =	ssyncadd.s32 $0xFFFFC000  }
0x5f: {  	[hbm4b:s19+s4] =	stream.linear.scatter [tilespmem:s17], [sflag:$0x4], $0x4000, $0x38;
	[tilespmem:$0x1C880] =	vst v63  }
0x60: {  	_ =	swait.ge [sflag:s25], $0x4000  }
0x61: {  	[sflag:s25] =	ssyncset.done $0x0  }
0x62: {  	s19 =	rddreg [dreg:$0xa];
	[sflag:s25] =	ssyncadd.s32 $0xFFFFC000  }
0x63: {  	[tilespmem:s16], [sflag:$0x4] =	stream.linear.gather [hbm4b:s19+s4], $0x80, $0x38;
	[tilespmem:$0x1C880] =	vst v63  }
0x64: {  	_ =	swait.ge [sflag:s25], $0x80  }
0x65: {  	[sflag:s25] =	ssyncset.done $0x0  }
0x66: {  	[sflag:s25] =	ssyncadd.s32 $0xFFFFFF80  }
0x67: {  	[tilespmem:s17], [sflag:$0x1] =	stream.indirect.gather [hbm4b:s18+s29], $0x80, s16, s29, $0xb8;
	[tilespmem:$0x1C880] =	vst v63  }
0x68: {  	_ =	swait.ge [sflag:s20], $0x4000  }
0x69: {  	[sflag:s20] =	ssyncset.done $0x0  }
0x6a: {  	s19 =	rddreg [dreg:$0xb];
	[sflag:s20] =	ssyncadd.s32 $0xFFFFC000  }
0x6b: {  	[hbm4b:s19+s4] =	stream.linear.scatter [tilespmem:s17], [sflag:$0x4], $0x4000, $0x38;
	[tilespmem:$0x1C880] =	vst v63  }
0x6c: {  	_ =	swait.ge [sflag:s25], $0x4000  }
0x6d: {  	[sflag:s25] =	ssyncset.done $0x0  }
0x6e: {  	s19 =	rddreg [dreg:$0xc];
	[sflag:s25] =	ssyncadd.s32 $0xFFFFC000  }
0x6f: {  	[tilespmem:s16], [sflag:$0x4] =	stream.linear.gather [hbm4b:s19+s4], $0x80, $0x38;
	[tilespmem:$0x1C880] =	vst v63  }
0x70: {  	_ =	swait.ge [sflag:s25], $0x80  }
0x71: {  	[sflag:s25] =	ssyncset.done $0x0  }
0x72: {  	[sflag:s25] =	ssyncadd.s32 $0xFFFFFF80  }
0x73: {  	[tilespmem:s17], [sflag:$0x1] =	stream.indirect.gather [hbm4b:s18+s29], $0x80, s16, s29, $0xb8;
	[tilespmem:$0x1C880] =	vst v63  }
0x74: {  	_ =	swait.ge [sflag:s20], $0x4000  }
0x75: {  	[sflag:s20] =	ssyncset.done $0x0  }
0x76: {  	s19 =	rddreg [dreg:$0xd];
	[sflag:s20] =	ssyncadd.s32 $0xFFFFC000  }
0x77: {  	[hbm4b:s19+s4] =	stream.linear.scatter [tilespmem:s17], [sflag:$0x4], $0x4000, $0x38;
	[tilespmem:$0x1C880] =	vst v63  }
0x78: {  	_ =	swait.ge [sflag:s25], $0x4000  }
0x79: {  	[sflag:s25] =	ssyncset.done $0x0  }
0x7a: {  	s19 =	rddreg [dreg:$0xe];
	[sflag:s25] =	ssyncadd.s32 $0xFFFFC000  }
0x7b: {  	[tilespmem:s16], [sflag:$0x4] =	stream.linear.gather [hbm4b:s19+s4], $0x80, $0x38;
	[tilespmem:$0x1C880] =	vst v63  }
0x7c: {  	_ =	swait.ge [sflag:s25], $0x80  }
0x7d: {  	[sflag:s25] =	ssyncset.done $0x0  }
0x7e: {  	[sflag:s25] =	ssyncadd.s32 $0xFFFFFF80  }
0x7f: {  	[tilespmem:s17], [sflag:$0x1] =	stream.indirect.gather [hbm4b:s18+s29], $0x80, s16, s29, $0xb8;
	[tilespmem:$0x1C880] =	vst v63  }
0x80: {  	_ =	swait.ge [sflag:s20], $0x4000  }
0x81: {  	[sflag:s20] =	ssyncset.done $0x0  }
0x82: {  	s19 =	rddreg [dreg:$0xf];
	[sflag:s20] =	ssyncadd.s32 $0xFFFFC000  }
0x83: {  	[hbm4b:s19+s4] =	stream.linear.scatter [tilespmem:s17], [sflag:$0x4], $0x4000, $0x38;
	[tilespmem:$0x1C880] =	vst v63  }
0x84: {  	_ =	swait.ge [sflag:s25], $0x4000  }
0x85: {  	[sflag:s25] =	ssyncset.done $0x0  }
0x86: {  	[sflag:s25] =	ssyncadd.s32 $0xFFFFC000  }
.LBB2_3:
0x87: {  	[bflag:$0x0] =	sbarrier.arrive $0xFFFF;
	s19 =	simm.s32 $0x0  }
0x88: {  	[spmem:s3] =	stream.indirect.scatter.add.f32 [tilespmem:s28], [sflag:$0x2], $0x80, s19, s29, $0xb8;
	[tilespmem:$0x1C880] =	vst v63  }
0x89: {  	_ = 	snop  }
0x8a: {  	[spmem:s3] =	stream.indirect.scatter.add.f32 [tilespmem:s28], [sflag:$0x3], $0x80, s29, s29, $0xb8;
	[tilespmem:$0x1C880] =	vst v63  }
.LBB2_4:
0x8b: {  	_ =	swait.ge [sflag:s30], $0x4000  }
0x8c: {  	[sflag:s30] =	ssyncset.done $0x0  }
0x8d: {  	[sflag:s30] =	ssyncadd.s32 $0xFFFFC000  }
0x8e: {  	[spmem:s3] =	stream.indirect.scatter.add.f32 [tilespmem:s28], [sflag:$0x2], $0x80, s31, s29, $0xb8;
	[tilespmem:$0x1C880] =	vst v63  }
0x8f: {  	_ =	swait.ge [sflag:s1], $0x4000  }
0x90: {  	[sflag:s1] =	ssyncset.done $0x0  }
0x91: {  	[sflag:s1] =	ssyncadd.s32 $0xFFFFC000  }
0x92: {  	[spmem:s3] =	stream.indirect.scatter.add.f32 [tilespmem:s28], [sflag:$0x3], $0x80, s0, s29, $0xb8;
	[tilespmem:$0x1C880] =	vst v63  }
0x93: {  	_ =	swait.ge [sflag:s30], $0x4000  }
0x94: {  	[sflag:s30] =	ssyncset.done $0x0  }
0x95: {  	[sflag:s30] =	ssyncadd.s32 $0xFFFFC000  }
0x96: {  	[spmem:s3] =	stream.indirect.scatter.add.f32 [tilespmem:s28], [sflag:$0x2], $0x80, s2, s29, $0xb8;
	[tilespmem:$0x1C880] =	vst v63  }
0x97: {  	_ =	swait.ge [sflag:s1], $0x4000  }
0x98: {  	[sflag:s1] =	ssyncset.done $0x0  }
0x99: {  	[sflag:s1] =	ssyncadd.s32 $0xFFFFC000  }
0x9a: {  	[spmem:s3] =	stream.indirect.scatter.add.f32 [tilespmem:s28], [sflag:$0x3], $0x80, s5, s29, $0xb8;
	[tilespmem:$0x1C880] =	vst v63  }
0x9b: {  	_ =	swait.ge [sflag:s30], $0x4000  }
0x9c: {  	[sflag:s30] =	ssyncset.done $0x0  }
0x9d: {  	[sflag:s30] =	ssyncadd.s32 $0xFFFFC000  }
0x9e: {  	[spmem:s3] =	stream.indirect.scatter.add.f32 [tilespmem:s28], [sflag:$0x2], $0x80, s6, s29, $0xb8;
	[tilespmem:$0x1C880] =	vst v63  }
0x9f: {  	_ =	swait.ge [sflag:s1], $0x4000  }
0xa0: {  	[sflag:s1] =	ssyncset.done $0x0  }
0xa1: {  	[sflag:s1] =	ssyncadd.s32 $0xFFFFC000  }
0xa2: {  	[spmem:s3] =	stream.indirect.scatter.add.f32 [tilespmem:s28], [sflag:$0x3], $0x80, s7, s29, $0xb8;
	[tilespmem:$0x1C880] =	vst v63  }
0xa3: {  	_ =	swait.ge [sflag:s30], $0x4000  }
0xa4: {  	[sflag:s30] =	ssyncset.done $0x0  }
0xa5: {  	[sflag:s30] =	ssyncadd.s32 $0xFFFFC000  }
0xa6: {  	[spmem:s3] =	stream.indirect.scatter.add.f32 [tilespmem:s28], [sflag:$0x2], $0x80, s26, s29, $0xb8;
	[tilespmem:$0x1C880] =	vst v63  }
0xa7: {  	_ =	swait.ge [sflag:s1], $0x4000  }
0xa8: {  	[sflag:s1] =	ssyncset.done $0x0  }
0xa9: {  	p1 =	seq.s32 s19, $0x400;
	[sflag:s1] =	ssyncadd.s32 $0xFFFFC000  }
0xaa: {  	[spmem:s3] =	stream.indirect.scatter.add.f32 [tilespmem:s28], [sflag:$0x3], $0x80, s8, s29, $0xb8;
	[tilespmem:$0x1C880] =	vst v63  }
0xab: {  	s18 =	sadd.s32 @!p1 s19, s24;
	s15 =	simm.s32 @!p1 $0x0  }
0xac: {  	[tilespmem:s15], [sflag:$0x5] =	stream.linear.gather @!p1 [hbm4b:s18+s15], $0x400, $0x38;
	[tilespmem:$0x1C880] =	vst v63  }
0xad: {  	s15 =	simm.s32 @!p1 $0x5  }
0xae: {  	_ =	swait.ge @!p1 [sflag:s15], $0x400  }
0xaf: {  	[sflag:s15] =	ssyncset.done @!p1 $0x0  }
0xb0: {  	[sflag:s15] =	ssyncadd.s32 @!p1 $0xFFFFFC00  }
0xb1: {  	_ =	swait.ge [sflag:s30], $0x4000  }
0xb2: {  	[sflag:s30] =	ssyncset.done $0x0  }
0xb3: {  	[sflag:s30] =	ssyncadd.s32 $0xFFFFC000  }
0xb4: {  	[spmem:s3] =	stream.indirect.scatter.add.f32 [tilespmem:s28], [sflag:$0x2], $0x80, s9, s29, $0xb8;
	[tilespmem:$0x1C880] =	vst v63  }
0xb5: {  	_ =	swait.ge [sflag:s1], $0x4000  }
0xb6: {  	[sflag:s1] =	ssyncset.done $0x0  }
0xb7: {  	[sflag:s1] =	ssyncadd.s32 $0xFFFFC000  }
0xb8: {  	[spmem:s3] =	stream.indirect.scatter.add.f32 [tilespmem:s28], [sflag:$0x3], $0x80, s10, s29, $0xb8;
	[tilespmem:$0x1C880] =	vst v63  }
0xb9: {  	_ =	swait.ge [sflag:s30], $0x4000  }
0xba: {  	[sflag:s30] =	ssyncset.done $0x0  }
0xbb: {  	[sflag:s30] =	ssyncadd.s32 $0xFFFFC000  }
0xbc: {  	[spmem:s3] =	stream.indirect.scatter.add.f32 [tilespmem:s28], [sflag:$0x2], $0x80, s11, s29, $0xb8;
	[tilespmem:$0x1C880] =	vst v63  }
0xbd: {  	_ =	swait.ge [sflag:s1], $0x4000  }
0xbe: {  	[sflag:s1] =	ssyncset.done $0x0  }
0xbf: {  	[sflag:s1] =	ssyncadd.s32 $0xFFFFC000  }
0xc0: {  	[spmem:s3] =	stream.indirect.scatter.add.f32 [tilespmem:s28], [sflag:$0x3], $0x80, s12, s29, $0xb8;
	[tilespmem:$0x1C880] =	vst v63  }
0xc1: {  	_ =	swait.ge [sflag:s30], $0x4000  }
0xc2: {  	[sflag:s30] =	ssyncset.done $0x0  }
0xc3: {  	[sflag:s30] =	ssyncadd.s32 $0xFFFFC000  }
0xc4: {  	[spmem:s3] =	stream.indirect.scatter.add.f32 [tilespmem:s28], [sflag:$0x2], $0x80, s13, s29, $0xb8;
	[tilespmem:$0x1C880] =	vst v63  }
0xc5: {  	_ =	swait.ge [sflag:s1], $0x4000  }
0xc6: {  	[sflag:s1] =	ssyncset.done $0x0  }
.Ltmp3:
0xc7: {  	[sflag:s1] =	ssyncadd.s32 $0xFFFFC000;
	(pc) =	sbr.rel @p1 .LBB2_6-.Ltmp3, $4  }
0xc8: {  	[spmem:s3] =	stream.indirect.scatter.add.f32 [tilespmem:s28], [sflag:$0x3], $0x80, s14, s29, $0xb8;
	[tilespmem:$0x1C880] =	vst v63  }
0xc9: {  	_ =	swait.ge [sflag:s30], $0x4000  }
0xca: {  	[sflag:s30] =	ssyncset.done $0x0  }
0xcb: {  	[sflag:s30] =	ssyncadd.s32 $0xFFFFC000  }
0xcc: {  	[spmem:s3] =	stream.indirect.scatter.add.f32 [tilespmem:s28], [sflag:$0x2], $0x80, s4, s29, $0xb8;
	[tilespmem:$0x1C880] =	vst v63  }
0xcd: {  	_ =	swait.ge [sflag:s1], $0x4000  }
0xce: {  	[sflag:s1] =	ssyncset.done $0x0  }
0xcf: {  	[sflag:s1] =	ssyncadd.s32 $0xFFFFC000  }
0xd0: {  	[spmem:s3] =	stream.indirect.scatter.add.f32 [tilespmem:s28], [sflag:$0x3], $0x80, s29, s29, $0xb8;
	[tilespmem:$0x1C880] =	vst v63  }
.Ltmp4:
0xd1: {  	s15 =	sadd.s32 s19, s23;
	(pc) =	sbr.rel .LBB2_4-.Ltmp4, $4  }
0xd2: {  	[tilespmem:s26], [sflag:$0x4] =	stream.linear.gather [hbm4b:s15+s4], $0x400, $0x38;
	[tilespmem:$0x1C880] =	vst v63  }
0xd3: {  	_ =	swait.ge [sflag:s25], $0x400  }
0xd4: {  	[sflag:s25] =	ssyncset.done $0x0  }
0xd5: {  	s19 =	sadd.s32 $0x100, s19;
	[sflag:s25] =	ssyncadd.s32 $0xFFFFFC00  }
.LBB2_7:
0xd6: {  	_ =	sfence.sel $0x180000  }
0xd7: {  	[bflag:$0x0] =	sbarrier.arrive $0xFFFF  }
0xd8: {  	_ =	strace $0x90000047  }
0xd9: {  	s0 =	stileid.u32;
	[bflag:$0x2] =	sbarrier.arrive $0xFFFF  }
0xda: {  	p0 =	sne.s32 s0, $0x0;
	s0 =	rddreg [dreg:$0x5]  }
0xdb: {  	s0 =	sadd.s32 @!p0 $0x100000, s0  }
0xdc: {  	[sflag:s0] =	ssyncadd.tile.s32 @!p0 $0x1;
	_ =	shalt  }
.Lfunc_end2:
_tile_overlayer_lowered:
.L_overlay_start_2:
0xdd: {  	(tag) =	ssettag $0x2  }
0xde: {  	s0 =	rddreg [dreg:$0x0];
	s2 =	stileid.u32  }
0xdf: {  	s1 =	rddreg [dreg:$0x1];
	p0 =	sne.s32 s2, $0x0  }
0xe0: {  	s3 =	rddreg [dreg:$0x2];
	[bflag:$0x3] =	sbarrier.arrive $0xFFFF;
	s2 =	simm.s32 @!p0 $0x1C04  }
0xe1: {  	[timem:s3], [sflag:s2] =	dma.local @!p0 [hbm:s0], s1  }
0xe2: {  	s0 =	simm.s32 @!p0 $0x4  }
0xe3: {  	_ =	swait.ge @!p0 [sflag:s0], s1  }
0xe4: {  	s1 =	ssub.s32 @!p0 $0x0, s1;
	[sflag:s0] =	ssyncset.done @!p0 $0x0  }
0xe5: {  	[sflag:s0] =	ssyncadd.s32 @!p0 s1  }
0xe6: {  	[bflag:$0x3] =	sbarrier.arrive $0xFFFF  }
0xe7: {  	_ =	shalt  }

</sc_bundles>
